<compile_context>
chip_gen: v7x
topology: tpu7x:2x2x1
jax: 0.10.2.dev20260603
libtpu: 0.0.44.dev20260713+nightly
codegen_flags: <defaults>
</compile_context>

<pallas_src>
import functools

import jax
import jax.numpy as jnp
from jax import lax
from jax.experimental import pallas as pl
from jax.experimental.pallas import tpu as pltpu
from jax.experimental.pallas import tpu_sc as plsc

_BN = 1000
_BE = 6400
_W = 125
_GB = 8
_NB = 16
_NW = 32

_HI = lax.Precision.HIGHEST



def _iota16():
    return lax.broadcasted_iota(jnp.int32, (1, _NB), 1)


def _onehot_from_ids(ids):
    return (ids[:, None] == _iota16()).astype(jnp.float32)


def _onehot_t_from_src(src_f, counts_row):
    row = lax.broadcasted_iota(jnp.int32, (_NB, _NB), 0)
    col = lax.broadcasted_iota(jnp.int32, (_NB, _NB), 1)
    lt = (row < col).astype(jnp.float32)
    cum_excl = jnp.dot(counts_row, lt, preferred_element_type=jnp.float32,
                       precision=_HI)
    upper = cum_excl + counts_row
    s = src_f[None, :]
    return ((s >= cum_excl.reshape(_NB, 1)) & (s < upper.reshape(_NB, 1))
            ).astype(jnp.float32)


def _prep1_body(x_ref, ws_ref, wd_ref, b1_ref, batch_ref, xs_ref, xd_ref, cnt_ref):
    x = x_ref[...]
    xs_ref[...] = jnp.dot(x, ws_ref[...], preferred_element_type=jnp.float32) + b1_ref[...]
    xd_ref[...] = jnp.dot(x, wd_ref[...], preferred_element_type=jnp.float32)
    oh = _onehot_from_ids(batch_ref[0, 0, :])
    cnt = jnp.sum(oh, axis=0)

    @pl.when(pl.program_id(0) == 0)
    def _():
        cnt_ref[...] = jnp.zeros_like(cnt_ref)

    cnt_ref[...] += jnp.concatenate(
        [cnt[None, :], jnp.zeros((7, _NB), jnp.float32)], axis=0)


def _prep1(x, ws, wd, b1, batch_r, interpret=False):
    n, d = x.shape
    g = n // _BN
    return pl.pallas_call(
        _prep1_body,
        grid=(g,),
        in_specs=[
            pl.BlockSpec((_BN, d), lambda i: (i, 0)),
            pl.BlockSpec((d, 64), lambda i: (0, 0)),
            pl.BlockSpec((d, 64), lambda i: (0, 0)),
            pl.BlockSpec((1, 64), lambda i: (0, 0)),
            pl.BlockSpec((1, 1, _BN), lambda i: (i, 0, 0)),
        ],
        out_specs=[
            pl.BlockSpec((_BN, 64), lambda i: (i, 0)),
            pl.BlockSpec((_BN, 64), lambda i: (i, 0)),
            pl.BlockSpec((8, _NB), lambda i: (0, 0)),
        ],
        out_shape=[
            jax.ShapeDtypeStruct((n, 64), jnp.float32),
            jax.ShapeDtypeStruct((n, 64), jnp.float32),
            jax.ShapeDtypeStruct((8, _NB), jnp.float32),
        ],
        interpret=interpret,
    )(x, ws, wd, b1, batch_r)


def _prep2_body(x_ref, ws_ref, wd_ref, b1_ref, batch_ref, uwe_ref, xs_ref, xd_ref):
    x = x_ref[...]
    oh = _onehot_from_ids(batch_ref[0, 0, :])
    xs_ref[...] = (jnp.dot(x, ws_ref[...], preferred_element_type=jnp.float32)
                   + jnp.dot(oh, uwe_ref[...], preferred_element_type=jnp.float32,
                             precision=_HI)
                   + b1_ref[...])
    xd_ref[...] = jnp.dot(x, wd_ref[...], preferred_element_type=jnp.float32)


def _prep2(x, ws, wd, b1, batch_r, uwe, interpret=False):
    n, d = x.shape
    g = n // _BN
    return pl.pallas_call(
        _prep2_body,
        grid=(g,),
        in_specs=[
            pl.BlockSpec((_BN, d), lambda i: (i, 0)),
            pl.BlockSpec((d, 64), lambda i: (0, 0)),
            pl.BlockSpec((d, 64), lambda i: (0, 0)),
            pl.BlockSpec((1, 64), lambda i: (0, 0)),
            pl.BlockSpec((1, 1, _BN), lambda i: (i, 0, 0)),
            pl.BlockSpec((_NB, 64), lambda i: (0, 0)),
        ],
        out_specs=[
            pl.BlockSpec((_BN, 64), lambda i: (i, 0)),
            pl.BlockSpec((_BN, 64), lambda i: (i, 0)),
        ],
        out_shape=[
            jax.ShapeDtypeStruct((n, 64), jnp.float32),
            jax.ShapeDtypeStruct((n, 64), jnp.float32),
        ],
        interpret=interpret,
    )(x, ws, wd, b1, batch_r, uwe)


def _edge1_body(xsg_ref, xdg_ref, eap_ref, srce_ref, srco_ref,
                cnt_ref, w1eb_ref, w2b_ref, b2b_ref, eo_ref, ge_ref):
    cnt = cnt_ref[0:1, :]
    oht_e = _onehot_t_from_src(srce_ref[0, 0, :].astype(jnp.float32), cnt)
    oht_o = _onehot_t_from_src(srco_ref[0, 0, :].astype(jnp.float32), cnt)
    h = xsg_ref[...] + xdg_ref[...] + jnp.dot(
        eap_ref[...], w1eb_ref[...], preferred_element_type=jnp.float32)
    h = jnp.maximum(h, 0.0)
    ea = jnp.dot(h, w2b_ref[...], preferred_element_type=jnp.float32) + b2b_ref[...]
    eo_ref[...] = ea
    gs = (jnp.dot(oht_e, ea[:, 0:16], preferred_element_type=jnp.float32,
                  precision=_HI)
          + jnp.dot(oht_o, ea[:, 16:32], preferred_element_type=jnp.float32,
                    precision=_HI))
    ecnt = jnp.sum(oht_e, axis=1) + jnp.sum(oht_o, axis=1)
    upd = jnp.concatenate(
        [gs, ecnt[None, :], jnp.zeros((7, _NB), jnp.float32)], axis=0)

    @pl.when(pl.program_id(0) == 0)
    def _():
        ge_ref[...] = jnp.zeros_like(ge_ref)

    ge_ref[...] += upd


def _edge1(xsg, xdg, eap, src_er, src_or, cnt, w1eb, w2b, b2b,
           interpret=False):
    eh = xsg.shape[0]
    beh = _BE // 2
    g = eh // beh
    return pl.pallas_call(
        _edge1_body,
        grid=(g,),
        in_specs=[
            pl.BlockSpec((beh, 128), lambda i: (i, 0)),
            pl.BlockSpec((beh, 128), lambda i: (i, 0)),
            pl.BlockSpec((beh, 32), lambda i: (i, 0)),
            pl.BlockSpec((1, 1, beh), lambda i: (i, 0, 0)),
            pl.BlockSpec((1, 1, beh), lambda i: (i, 0, 0)),
            pl.BlockSpec((8, _NB), lambda i: (0, 0)),
            pl.BlockSpec((32, 128), lambda i: (0, 0)),
            pl.BlockSpec((128, 32), lambda i: (0, 0)),
            pl.BlockSpec((1, 32), lambda i: (0, 0)),
        ],
        out_specs=[
            pl.BlockSpec((beh, 32), lambda i: (i, 0)),
            pl.BlockSpec((24, _NB), lambda i: (0, 0)),
        ],
        out_shape=[
            jax.ShapeDtypeStruct((eh, 32), jnp.float32),
            jax.ShapeDtypeStruct((24, _NB), jnp.float32),
        ],
        interpret=interpret,
    )(xsg, xdg, eap, src_er, src_or, cnt, w1eb, w2b, b2b)


def _edge2_body(xsg_ref, xdg_ref, ea_ref, w1eb_ref, w2b_ref, b2b_ref, eo_ref):
    h = xsg_ref[...] + xdg_ref[...] + jnp.dot(
        ea_ref[...], w1eb_ref[...], preferred_element_type=jnp.float32)
    h = jnp.maximum(h, 0.0)
    eo_ref[...] = jnp.dot(h, w2b_ref[...], preferred_element_type=jnp.float32) + b2b_ref[...]


def _edge2(xsg, xdg, ea_in2, w1eb, w2b, b2b, interpret=False):
    eh = xsg.shape[0]
    beh = _BE // 2
    g = eh // beh
    return pl.pallas_call(
        _edge2_body,
        grid=(g,),
        in_specs=[
            pl.BlockSpec((beh, 128), lambda i: (i, 0)),
            pl.BlockSpec((beh, 128), lambda i: (i, 0)),
            pl.BlockSpec((beh, 32), lambda i: (i, 0)),
            pl.BlockSpec((32, 128), lambda i: (0, 0)),
            pl.BlockSpec((128, 32), lambda i: (0, 0)),
            pl.BlockSpec((1, 32), lambda i: (0, 0)),
        ],
        out_specs=[pl.BlockSpec((beh, 32), lambda i: (i, 0))],
        out_shape=[jax.ShapeDtypeStruct((eh, 32), jnp.float32)],
        interpret=interpret,
    )(xsg, xdg, ea_in2, w1eb, w2b, b2b)


def _node1_body(x_ref, p0_ref, p1_ref, degp_ref, batch_ref, w1x_ref,
                w1a_ref, b1_ref, w2_ref, b2_ref, xo_ref, gx_ref):
    deg = jnp.sum(degp_ref[0], axis=0)[:, None]
    agg = (p0_ref[...] + p1_ref[...]) / jnp.maximum(deg, 1.0)
    oh = _onehot_from_ids(batch_ref[0, 0, :])
    h = (jnp.dot(x_ref[...], w1x_ref[...], preferred_element_type=jnp.float32)
         + jnp.dot(agg, w1a_ref[...], preferred_element_type=jnp.float32)
         + b1_ref[...])
    h = jnp.maximum(h, 0.0)
    xo = jnp.dot(h, w2_ref[...], preferred_element_type=jnp.float32) + b2_ref[...]
    xo_ref[...] = xo
    gs = lax.dot_general(oh, xo, (((0,), (0,)), ((), ())),
                         preferred_element_type=jnp.float32, precision=_HI)

    @pl.when(pl.program_id(0) == 0)
    def _():
        gx_ref[...] = jnp.zeros_like(gx_ref)

    gx_ref[...] += gs


def _node1(x, p0, p1, degp, batch_r, w1x, w1a, b1, w2, b2, interpret=False):
    n, d = x.shape
    g = n // _BN
    return pl.pallas_call(
        _node1_body,
        grid=(g,),
        in_specs=[
            pl.BlockSpec((_BN, d), lambda i: (i, 0)),
            pl.BlockSpec((_BN, 16), lambda i: (i, 0)),
            pl.BlockSpec((_BN, 16), lambda i: (i, 0)),
            pl.BlockSpec((1, _NW, _BN), lambda i: (i, 0, 0)),
            pl.BlockSpec((1, 1, _BN), lambda i: (i, 0, 0)),
            pl.BlockSpec((d, 64), lambda i: (0, 0)),
            pl.BlockSpec((16, 64), lambda i: (0, 0)),
            pl.BlockSpec((1, 64), lambda i: (0, 0)),
            pl.BlockSpec((64, d), lambda i: (0, 0)),
            pl.BlockSpec((1, d), lambda i: (0, 0)),
        ],
        out_specs=[
            pl.BlockSpec((_BN, d), lambda i: (i, 0)),
            pl.BlockSpec((_NB, d), lambda i: (0, 0)),
        ],
        out_shape=[
            jax.ShapeDtypeStruct((n, d), jnp.float32),
            jax.ShapeDtypeStruct((_NB, d), jnp.float32),
        ],
        interpret=interpret,
    )(x, p0, p1, degp, batch_r, w1x, w1a, b1, w2, b2)


def _node2_body(x_ref, p0_ref, p1_ref, degp_ref, batch_ref, w1x_ref,
                w1a_ref, uwn_ref, b1_ref, w2_ref, b2_ref, gx_ref):
    deg = jnp.sum(degp_ref[0], axis=0)[:, None]
    agg = (p0_ref[...] + p1_ref[...]) / jnp.maximum(deg, 1.0)
    oh = _onehot_from_ids(batch_ref[0, 0, :])
    h = (jnp.dot(x_ref[...], w1x_ref[...], preferred_element_type=jnp.float32)
         + jnp.dot(agg, w1a_ref[...], preferred_element_type=jnp.float32)
         + jnp.dot(oh, uwn_ref[...], preferred_element_type=jnp.float32,
                   precision=_HI)
         + b1_ref[...])
    h = jnp.maximum(h, 0.0)
    xo = jnp.dot(h, w2_ref[...], preferred_element_type=jnp.float32) + b2_ref[...]
    gs = lax.dot_general(oh, xo, (((0,), (0,)), ((), ())),
                         preferred_element_type=jnp.float32, precision=_HI)

    @pl.when(pl.program_id(0) == 0)
    def _():
        gx_ref[...] = jnp.zeros_like(gx_ref)

    gx_ref[...] += gs


def _node2(x, p0, p1, degp, batch_r, w1x, w1a, uwn, b1, w2, b2, interpret=False):
    n, d = x.shape
    g = n // _BN
    return pl.pallas_call(
        _node2_body,
        grid=(g,),
        in_specs=[
            pl.BlockSpec((_BN, d), lambda i: (i, 0)),
            pl.BlockSpec((_BN, 16), lambda i: (i, 0)),
            pl.BlockSpec((_BN, 16), lambda i: (i, 0)),
            pl.BlockSpec((1, _NW, _BN), lambda i: (i, 0, 0)),
            pl.BlockSpec((1, 1, _BN), lambda i: (i, 0, 0)),
            pl.BlockSpec((d, 64), lambda i: (0, 0)),
            pl.BlockSpec((16, 64), lambda i: (0, 0)),
            pl.BlockSpec((_NB, 64), lambda i: (0, 0)),
            pl.BlockSpec((1, 64), lambda i: (0, 0)),
            pl.BlockSpec((64, d), lambda i: (0, 0)),
            pl.BlockSpec((1, d), lambda i: (0, 0)),
        ],
        out_specs=[pl.BlockSpec((_NB, d), lambda i: (0, 0))],
        out_shape=[jax.ShapeDtypeStruct((_NB, d), jnp.float32)],
        interpret=interpret,
    )(x, p0, p1, degp, batch_r, w1x, w1a, uwn, b1, w2, b2)


def _glob1_body(cnt_ref, ge_ref, gx_ref, wg_gx_ref, wg_ge_ref, b1_ref, w2_ref,
                b2_ref, we_ref, wn_ref, uwe_ref, uwn_ref):
    ncnt = cnt_ref[0:1, :]
    gx = gx_ref[...] / jnp.maximum(ncnt, 1.0).reshape(_NB, 1)
    ecnt = ge_ref[16:17, :]
    ge = ge_ref[0:16, :] / jnp.maximum(ecnt, 1.0).reshape(_NB, 1)
    h = (jnp.dot(gx, wg_gx_ref[...], preferred_element_type=jnp.float32)
         + jnp.dot(ge, wg_ge_ref[...], preferred_element_type=jnp.float32)
         + b1_ref[...])
    h = jnp.maximum(h, 0.0)
    u1 = jnp.dot(h, w2_ref[...], preferred_element_type=jnp.float32) + b2_ref[...]
    uwe_ref[...] = jnp.dot(u1, we_ref[...], preferred_element_type=jnp.float32)
    uwn_ref[...] = jnp.dot(u1, wn_ref[...], preferred_element_type=jnp.float32)


def _glob1(cnt, ge, gx, wg_gx, wg_ge, b1, w2, b2, we, wn, interpret=False):
    return pl.pallas_call(
        _glob1_body,
        out_shape=[
            jax.ShapeDtypeStruct((_NB, 64), jnp.float32),
            jax.ShapeDtypeStruct((_NB, 64), jnp.float32),
        ],
        interpret=interpret,
    )(cnt, ge, gx, wg_gx, wg_ge, b1, w2, b2, we, wn)


def _bn16(h, g, b):
    m = jnp.mean(h, axis=0, keepdims=True)
    v = jnp.mean((h - m) ** 2, axis=0, keepdims=True)
    return g * (h - m) / jnp.sqrt(v + 1e-5) + b


def _head_body(gx_ref, cnt_ref, aw1_ref, ab1_ref, ag1_ref, abe1_ref, aw2_ref,
               ab2_ref, ow1_ref, ob1_ref, og1_ref, obe1_ref, ow2_ref, ob2_ref,
               og2_ref, obe2_ref, ow3_ref, ob3_ref, act_ref, obj_ref):
    maxn = jnp.max(cnt_ref[0:1, :])
    outputs = gx_ref[...] / maxn
    h = _bn16(jnp.dot(outputs, aw1_ref[...], preferred_element_type=jnp.float32)
              + ab1_ref[...], ag1_ref[...], abe1_ref[...])
    act_ref[...] = jnp.dot(jnp.maximum(h, 0.0), aw2_ref[...],
                           preferred_element_type=jnp.float32) + ab2_ref[...]
    h = jnp.maximum(_bn16(
        jnp.dot(outputs, ow1_ref[...], preferred_element_type=jnp.float32)
        + ob1_ref[...], og1_ref[...], obe1_ref[...]), 0.0)
    h = jnp.maximum(_bn16(
        jnp.dot(h, ow2_ref[...], preferred_element_type=jnp.float32)
        + ob2_ref[...], og2_ref[...], obe2_ref[...]), 0.0)
    obj_ref[...] = jnp.dot(h, ow3_ref[...],
                           preferred_element_type=jnp.float32) + ob3_ref[...]


def _head(gx2, cnt, pa, po, interpret=False):
    args = (gx2, cnt,
            pa["W1"], pa["b1"].reshape(1, -1), pa["g1"].reshape(1, -1),
            pa["be1"].reshape(1, -1), pa["W2"], pa["b2"].reshape(1, -1),
            po["W1"], po["b1"].reshape(1, -1), po["g1"].reshape(1, -1),
            po["be1"].reshape(1, -1), po["W2"], po["b2"].reshape(1, -1),
            po["g2"].reshape(1, -1), po["be2"].reshape(1, -1), po["W3"],
            po["b3"].reshape(1, -1))
    return pl.pallas_call(
        _head_body,
        out_shape=[
            jax.ShapeDtypeStruct((_NB, 32), jnp.float32),
            jax.ShapeDtypeStruct((_NB, 64), jnp.float32),
        ],
        interpret=interpret,
    )(*args)



@functools.lru_cache(maxsize=None)
def _build_sc_gather(n, e):
    mesh = plsc.VectorSubcoreMesh(core_axis_name="c", subcore_axis_name="s")
    epw = e // _NW
    nrow = epw // _W
    ng = nrow // _GB
    grp = _GB * _W

    @functools.partial(
        pl.kernel, mesh=mesh,
        compiler_params=pltpu.CompilerParams(use_tc_tiling_on_sc=False),
        out_type=(jax.ShapeDtypeStruct((e, 64), jnp.float32),
                  jax.ShapeDtypeStruct((e, 64), jnp.float32)),
        scratch_types=[
            pltpu.VMEM((nrow, _W), jnp.int32),
            pltpu.VMEM((nrow, _W), jnp.int32),
            pltpu.VMEM((grp, 64), jnp.float32),
            pltpu.SemaphoreType.DMA,
        ],
    )
    def gk(xs_hbm, xd_hbm, src_hbm, dst_hbm, xsg_hbm, xdg_hbm,
           idxs, idxd, rows, sem):
        wid = lax.axis_index("s") * 2 + lax.axis_index("c")
        tb = wid * nrow
        base = wid * epw
        pltpu.sync_copy(src_hbm.at[pl.ds(tb, nrow)], idxs)
        pltpu.sync_copy(dst_hbm.at[pl.ds(tb, nrow)], idxd)

        def group(g, carry):
            off = base + g * grp
            cps = [pltpu.async_copy(xs_hbm.at[idxs.at[g * _GB + b]],
                                    rows.at[pl.ds(b * _W, _W)], sem)
                   for b in range(_GB)]
            for cp in cps:
                cp.wait()
            pltpu.sync_copy(rows, xsg_hbm.at[pl.ds(off, grp)])
            cps = [pltpu.async_copy(xd_hbm.at[idxd.at[g * _GB + b]],
                                    rows.at[pl.ds(b * _W, _W)], sem)
                   for b in range(_GB)]
            for cp in cps:
                cp.wait()
            pltpu.sync_copy(rows, xdg_hbm.at[pl.ds(off, grp)])
            return carry

        lax.fori_loop(0, ng, group, 0)

    return gk


@functools.lru_cache(maxsize=None)
def _build_sc_scatter(n, e, with_deg):
    mesh = plsc.VectorSubcoreMesh(core_axis_name="c", subcore_axis_name="s")
    epw = e // _NW
    nrow = epw // _W
    ng = nrow // _GB
    grp = _GB * _W
    nzw = 10
    rps = n // nzw
    nv = n // 16
    ev = epw // 16

    outs = [jax.ShapeDtypeStruct((2, n, 16), jnp.float32)]
    scratch = [
        pltpu.VMEM((nrow, _W), jnp.int32),
        pltpu.VMEM((grp, 16), jnp.float32),
        pltpu.VMEM_SHARED((n, 16), jnp.float32),
    ]
    if with_deg:
        outs.append(jax.ShapeDtypeStruct((_NW * n,), jnp.float32))
        scratch += [
            pltpu.VMEM((epw,), jnp.int32),
            pltpu.VMEM((n,), jnp.float32),
        ]

    def body(ea_hbm, dst_hbm, dstf_hbm, zeros_hbm, agg_hbm, deg_hbm,
             idxd, rows, accum, dflat, dacc):
        cid = lax.axis_index("c")
        sid = lax.axis_index("s")
        wid = sid * 2 + cid

        @pl.when(sid < nzw)
        def _():
            pltpu.sync_copy(zeros_hbm, accum.at[pl.ds(sid * rps, rps)])

        plsc.subcore_barrier()
        tb = wid * nrow
        base = wid * epw
        pltpu.sync_copy(dst_hbm.at[pl.ds(tb, nrow)], idxd)

        if with_deg:
            pltpu.sync_copy(dstf_hbm.at[pl.ds(base, epw)], dflat)
            zv = jnp.zeros((16,), jnp.float32)

            def zloop(j, c):
                dacc[pl.ds(j * 16, 16)] = zv
                return c

            lax.fori_loop(0, nv, zloop, 0)
            ones = jnp.full((16,), 1.0, jnp.float32)

            def dloop(j, c):
                idx = dflat[pl.ds(j * 16, 16)]
                plsc.addupdate_scatter(dacc, [idx], ones)
                return c

            lax.fori_loop(0, ev, dloop, 0)
            for blk in range(n // _BN):
                pltpu.sync_copy(
                    dacc.at[pl.ds(blk * _BN, _BN)],
                    deg_hbm.at[pl.ds(blk * _NW * _BN + wid * _BN, _BN)])

        def group(g, carry):
            pltpu.sync_copy(ea_hbm.at[pl.ds(base + g * grp, grp)], rows)
            for b in range(_GB):
                pltpu.sync_copy(rows.at[pl.ds(b * _W, _W)],
                                accum.at[idxd.at[g * _GB + b]], add=True)
            return carry

        lax.fori_loop(0, ng, group, 0)
        plsc.subcore_barrier()

        @pl.when(sid < nzw)
        def _():
            pltpu.sync_copy(accum.at[pl.ds(sid * rps, rps)],
                            agg_hbm.at[cid, pl.ds(sid * rps, rps)])

    if with_deg:
        def sk(ea_hbm, dst_hbm, dstf_hbm, zeros_hbm, agg_hbm, deg_hbm,
               idxd, rows, accum, dflat, dacc):
            body(ea_hbm, dst_hbm, dstf_hbm, zeros_hbm, agg_hbm, deg_hbm,
                 idxd, rows, accum, dflat, dacc)
    else:
        def sk(ea_hbm, dst_hbm, zeros_hbm, agg_hbm, idxd, rows, accum):
            body(ea_hbm, dst_hbm, None, zeros_hbm, agg_hbm, None,
                 idxd, rows, accum, None, None)

    return functools.partial(
        pl.kernel, mesh=mesh, out_type=tuple(outs),
        compiler_params=pltpu.CompilerParams(use_tc_tiling_on_sc=False,
                                             needs_layout_passes=False),
        scratch_types=scratch)(sk)



def kernel(x, edge_index, edge_attr, batch, params):
    n, d = x.shape
    e = edge_index.shape[1]
    src = edge_index[0].astype(jnp.int32)
    dst = edge_index[1].astype(jnp.int32)
    src2d = src.reshape(e // _W, _W)
    dst2d = dst.reshape(e // _W, _W)
    beh = _BE // 2
    srcp = src.reshape(e // 2, 2)
    src_er = srcp[:, 0].reshape(e // _BE, 1, beh)
    src_or = srcp[:, 1].reshape(e // _BE, 1, beh)
    eap = edge_attr.reshape(e // 2, 2 * edge_attr.shape[1])
    batch_r = batch.astype(jnp.int32).reshape(n // _BN, 1, _BN)
    zeros_np = jnp.zeros((n // 10, 16), jnp.float32)

    p1, p2 = params["gnn1"], params["gnn2"]
    pe1, pn1, pg1 = p1["edge"], p1["node"], p1["glob"]
    pe2, pn2 = p2["edge"], p2["node"]

    gather = _build_sc_gather(n, e)
    scatter1 = _build_sc_scatter(n, e, True)
    scatter2 = _build_sc_scatter(n, e, False)

    xs1, xd1, cnt = _prep1(x, pe1["W1"][:d], pe1["W1"][d:2 * d],
                           pe1["b1"].reshape(1, -1), batch_r)
    xsg1, xdg1 = gather(xs1, xd1, src2d, dst2d)
    xsg1 = xsg1.reshape(e // 2, 128)
    xdg1 = xdg1.reshape(e // 2, 128)
    w1eb1 = jax.scipy.linalg.block_diag(pe1["W1"][2 * d:2 * d + 16],
                                        pe1["W1"][2 * d:2 * d + 16])
    w2b1 = jax.scipy.linalg.block_diag(pe1["W2"], pe1["W2"])
    b2b1 = jnp.tile(pe1["b2"].reshape(1, -1), (1, 2))
    ea1, ge = _edge1(xsg1, xdg1, eap, src_er, src_or, cnt,
                     w1eb1, w2b1, b2b1)
    aggp, degf = scatter1(ea1.reshape(e, 16), dst2d, dst, zeros_np)
    degp = degf.reshape(n // _BN, _NW, _BN)
    x1, gx1 = _node1(x, aggp[0], aggp[1], degp, batch_r,
                     pn1["W1"][:d], pn1["W1"][d:d + 16],
                     pn1["b1"].reshape(1, -1), pn1["W2"],
                     pn1["b2"].reshape(1, -1))
    uwe2, uwn2 = _glob1(cnt, ge, gx1, pg1["W1"][16:16 + d],
                        pg1["W1"][16 + d:], pg1["b1"].reshape(1, -1),
                        pg1["W2"], pg1["b2"].reshape(1, -1),
                        pe2["W1"][2 * d + 16:], pn2["W1"][d + 16:])

    xs2, xd2 = _prep2(x1, pe2["W1"][:d], pe2["W1"][d:2 * d],
                      pe2["b1"].reshape(1, -1), batch_r, uwe2)
    xsg2, xdg2 = gather(xs2, xd2, src2d, dst2d)
    xsg2 = xsg2.reshape(e // 2, 128)
    xdg2 = xdg2.reshape(e // 2, 128)
    w1eb2 = jax.scipy.linalg.block_diag(pe2["W1"][2 * d:2 * d + 16],
                                        pe2["W1"][2 * d:2 * d + 16])
    w2b2 = jax.scipy.linalg.block_diag(pe2["W2"], pe2["W2"])
    b2b2 = jnp.tile(pe2["b2"].reshape(1, -1), (1, 2))
    (ea2,) = _edge2(xsg2, xdg2, ea1, w1eb2, w2b2, b2b2)
    res2 = scatter2(ea2.reshape(e, 16), dst2d, zeros_np)
    aggp2 = res2[0] if isinstance(res2, (tuple, list)) else res2
    (gx2,) = _node2(x1, aggp2[0], aggp2[1], degp, batch_r,
                    pn2["W1"][:d], pn2["W1"][d:d + 16], uwn2,
                    pn2["b1"].reshape(1, -1), pn2["W2"],
                    pn2["b2"].reshape(1, -1))
    act, obj = _head(gx2, cnt, params["action"], params["object"])
    return act, obj

# --- scband reference (transcript-rebuilt; emitter-appended) ---
"""Pipeline reference for scband-action-model-basic-25855703122180 (READ-ONLY COPY).

The authoritative reference and input builder live on the scoring server;
editing this copy changes nothing except your own understanding.
"""

import jax, jax.numpy as jnp
import numpy as np

N = 10000
E = 320000
D = 128
ED = 16
G = 16
H = 64
A = 32
O = 64
B = 16

def _mlp_p(key, din, dh, dout):
    k1, k2 = jax.random.split(key)
    return {"W1": jax.random.normal(k1, (din, dh), dtype=jnp.float32) * 0.05,
            "b1": jnp.zeros((dh,), jnp.float32),
            "W2": jax.random.normal(k2, (dh, dout), dtype=jnp.float32) * 0.05,
            "b2": jnp.zeros((dout,), jnp.float32)}

def _gnn_p(key):
    k1, k2, k3 = jax.random.split(key, 3)
    return {"edge": _mlp_p(k1, 2 * D + ED + G, H, ED),
            "node": _mlp_p(k2, D + ED + G, H, D),
            "glob": _mlp_p(k3, G + D + ED, H, G)}

def setup_inputs(seed: int = 0):
    key = jax.random.key(seed)
    ks = jax.random.split(key, 10)
    x = jax.random.normal(ks[0], (N, D), dtype=jnp.float32)
    edge_index = jax.random.randint(ks[1], (2, E), 0, N)
    edge_attr = jax.random.normal(ks[2], (E, ED), dtype=jnp.float32)
    batch = jnp.sort(jax.random.randint(ks[3], (N,), 0, B))
    batch = batch.at[-1].set(B - 1)
    params = {
        "gnn1": _gnn_p(ks[4]),
        "gnn2": _gnn_p(ks[5]),
        "action": {"W1": jax.random.normal(ks[6], (D, H)) * 0.05, "b1": jnp.zeros((H,)),
                   "g1": jnp.ones((H,)), "be1": jnp.zeros((H,)),
                   "W2": jax.random.normal(ks[7], (H, A)) * 0.05, "b2": jnp.zeros((A,))},
        "object": {"W1": jax.random.normal(ks[8], (D, H)) * 0.05, "b1": jnp.zeros((H,)),
                   "g1": jnp.ones((H,)), "be1": jnp.zeros((H,)),
                   "W2": jax.random.normal(ks[9], (H, H)) * 0.05, "b2": jnp.zeros((H,)),
                   "g2": jnp.ones((H,)), "be2": jnp.zeros((H,)),
                   "W3": jax.random.normal(jax.random.fold_in(key, 99), (H, O)) * 0.05, "b3": jnp.zeros((O,))},
    }
    return {"x": x, "edge_index": edge_index, "edge_attr": edge_attr, "batch": batch, "params": params}

def _bn(h, g, b):
    m = h.mean(axis=0)
    v = h.var(axis=0)
    return g * (h - m) / jnp.sqrt(v + 1e-5) + b

def _mlp2(h, p):
    return jnp.maximum(h @ p["W1"] + p["b1"], 0.0) @ p["W2"] + p["b2"]

def _gnn_layer(x, edge_index, edge_attr, u, batch, p):
    src, dst = edge_index[0], edge_index[1]
    nb = u.shape[0]
    e_in = jnp.concatenate([x[src], x[dst], edge_attr, u[batch[src]]], axis=-1)
    ea = _mlp2(e_in, p["edge"])
    deg = jax.ops.segment_sum(jnp.ones((src.shape[0],), jnp.float32), dst, num_segments=x.shape[0])
    agg = jax.ops.segment_sum(ea, dst, num_segments=x.shape[0]) / jnp.maximum(deg, 1.0)[:, None]
    xn = _mlp2(jnp.concatenate([x, agg, u[batch]], axis=-1), p["node"])
    ncnt = jax.ops.segment_sum(jnp.ones((x.shape[0],), jnp.float32), batch, num_segments=nb)
    gx = jax.ops.segment_sum(xn, batch, num_segments=nb) / jnp.maximum(ncnt, 1.0)[:, None]
    eb = batch[src]
    ecnt = jax.ops.segment_sum(jnp.ones((src.shape[0],), jnp.float32), eb, num_segments=nb)
    ge = jax.ops.segment_sum(ea, eb, num_segments=nb) / jnp.maximum(ecnt, 1.0)[:, None]
    un = _mlp2(jnp.concatenate([u, gx, ge], axis=-1), p["glob"])
    return xn, ea, un

def reference(x, edge_index, edge_attr, batch, params):
    nb = B
    counts = jnp.bincount(batch, length=nb)
    cum = jnp.concatenate([jnp.zeros((1,), counts.dtype), jnp.cumsum(counts)[:-1]])
    pos = jnp.arange(batch.shape[0]) - cum[batch]
    maxn = counts.max().astype(jnp.float32)
    u = jnp.zeros((nb, G), jnp.float32)
    x1, ea1, u1 = _gnn_layer(x, edge_index, edge_attr, u, batch, params["gnn1"])
    x2, ea2, u2 = _gnn_layer(x1, edge_index, ea1, u1, batch, params["gnn2"])
    dense = jnp.zeros((nb, N, x2.shape[-1]), jnp.float32).at[batch, pos].set(x2)
    outputs = dense.sum(axis=1) / maxn
    pa = params["action"]
    h = _bn(outputs @ pa["W1"] + pa["b1"], pa["g1"], pa["be1"])
    action_prob = jnp.maximum(h, 0.0) @ pa["W2"] + pa["b2"]
    po = params["object"]
    h = jnp.maximum(_bn(outputs @ po["W1"] + po["b1"], po["g1"], po["be1"]), 0.0)
    h = jnp.maximum(_bn(h @ po["W2"] + po["b2"], po["g2"], po["be2"]), 0.0)
    object_prob = h @ po["W3"] + po["b3"]
    return (action_prob, object_prob)

if __name__ == "__main__":
    import jax
    _d = setup_inputs()
    print(jax.jit(kernel)(*tuple(_d.values())))

</pallas_src>

<mosaic_0001>
#map = affine_map<(d0, d1) -> (0, 0)>
module attributes {stable_mosaic.version = 14 : i64} {
  func.func @gk(%arg0: i32, %arg1: i32, %arg2: memref<10000x64xf32, #tpu.memory_space<hbm>>, %arg3: memref<10000x64xf32, #tpu.memory_space<hbm>>, %arg4: memref<2560x125xi32, #tpu.memory_space<hbm>>, %arg5: memref<2560x125xi32, #tpu.memory_space<hbm>>, %arg6: memref<320000x64xf32, #tpu.memory_space<hbm>>, %arg7: memref<320000x64xf32, #tpu.memory_space<hbm>>, %arg8: memref<80x125xi32, #tpu.memory_space<vmem>>, %arg9: memref<80x125xi32, #tpu.memory_space<vmem>>, %arg10: memref<1000x64xf32, #tpu.memory_space<vmem>>, %arg11: memref<!tpu.dma_semaphore, #tpu.memory_space<semaphore_mem>>) attributes {dimension_semantics = [#tpu.dimension_semantics<core_parallel>, #tpu.dimension_semantics<subcore_parallel>], iteration_bounds = array<i64: 2, 16>, scalar_prefetch = 0 : i64, scratch_operands = 4 : i64, tpu.core_type = #tpu.core_type<sc_vector_subcore>, window_params = [{transform_indices = #map}, {transform_indices = #map}, {transform_indices = #map}, {transform_indices = #map}, {transform_indices = #map}, {transform_indices = #map}]} {
    %mul3A = arith.constant 2 : i32
    %mul3A_0 = arith.muli %arg1, %mul3A : i32
    %add3A = arith.addi %mul3A_0, %arg0 : i32
    %mul3A_1 = arith.constant 80 : i32
    %mul3A_2 = arith.muli %add3A, %mul3A_1 : i32
    %mul3A_3 = arith.constant 10000 : i32
    %mul3A_4 = arith.muli %add3A, %mul3A_3 : i32
    "tpu.region"() ({
      %run_scoped3A = tpu.sem_alloc : memref<!tpu.dma_semaphore, #tpu.memory_space<semaphore_mem>>
      %dma_start3A = arith.constant 0 : i32
      %dma_start3A_10 = tpu.memref_slice %arg4[%mul3A_2, %dma_start3A] : memref<2560x125xi32, #tpu.memory_space<hbm>> -> memref<80x125xi32, #tpu.memory_space<hbm>>
      %dma_start3A_11 = arith.constant 0 : i32
      %dma_start3A_12 = tpu.memref_slice %arg4[%mul3A_2, %dma_start3A_11] : memref<2560x125xi32, #tpu.memory_space<hbm>> -> memref<80x125xi32, #tpu.memory_space<hbm>>
      tpu.enqueue_dma source(%dma_start3A_12 : memref<80x125xi32, #tpu.memory_space<hbm>>) target(%arg8 : memref<80x125xi32, #tpu.memory_space<vmem>>) target_semaphore(%run_scoped3A : memref<!tpu.dma_semaphore, #tpu.memory_space<semaphore_mem>>)
      %dma_wait3A = arith.constant 0 : i32
      %dma_wait3A_13 = tpu.memref_slice %arg4[%mul3A_2, %dma_wait3A] : memref<2560x125xi32, #tpu.memory_space<hbm>> -> memref<80x125xi32, #tpu.memory_space<hbm>>
      %dma_wait3A_14 = arith.constant 0 : i32
      %dma_wait3A_15 = tpu.memref_slice %arg4[%mul3A_2, %dma_wait3A_14] : memref<2560x125xi32, #tpu.memory_space<hbm>> -> memref<80x125xi32, #tpu.memory_space<hbm>>
      tpu.wait_dma2 semaphore(%run_scoped3A : memref<!tpu.dma_semaphore, #tpu.memory_space<semaphore_mem>>) src(%dma_wait3A_15 : memref<80x125xi32, #tpu.memory_space<hbm>>) dst(%arg8 : memref<80x125xi32, #tpu.memory_space<vmem>>)
      tpu.yield
    }) : () -> ()
    "tpu.region"() ({
      %run_scoped3A = tpu.sem_alloc : memref<!tpu.dma_semaphore, #tpu.memory_space<semaphore_mem>>
      %dma_start3A = arith.constant 0 : i32
      %dma_start3A_10 = tpu.memref_slice %arg5[%mul3A_2, %dma_start3A] : memref<2560x125xi32, #tpu.memory_space<hbm>> -> memref<80x125xi32, #tpu.memory_space<hbm>>
      %dma_start3A_11 = arith.constant 0 : i32
      %dma_start3A_12 = tpu.memref_slice %arg5[%mul3A_2, %dma_start3A_11] : memref<2560x125xi32, #tpu.memory_space<hbm>> -> memref<80x125xi32, #tpu.memory_space<hbm>>
      tpu.enqueue_dma source(%dma_start3A_12 : memref<80x125xi32, #tpu.memory_space<hbm>>) target(%arg9 : memref<80x125xi32, #tpu.memory_space<vmem>>) target_semaphore(%run_scoped3A : memref<!tpu.dma_semaphore, #tpu.memory_space<semaphore_mem>>)
      %dma_wait3A = arith.constant 0 : i32
      %dma_wait3A_13 = tpu.memref_slice %arg5[%mul3A_2, %dma_wait3A] : memref<2560x125xi32, #tpu.memory_space<hbm>> -> memref<80x125xi32, #tpu.memory_space<hbm>>
      %dma_wait3A_14 = arith.constant 0 : i32
      %dma_wait3A_15 = tpu.memref_slice %arg5[%mul3A_2, %dma_wait3A_14] : memref<2560x125xi32, #tpu.memory_space<hbm>> -> memref<80x125xi32, #tpu.memory_space<hbm>>
      tpu.wait_dma2 semaphore(%run_scoped3A : memref<!tpu.dma_semaphore, #tpu.memory_space<semaphore_mem>>) src(%dma_wait3A_15 : memref<80x125xi32, #tpu.memory_space<hbm>>) dst(%arg9 : memref<80x125xi32, #tpu.memory_space<vmem>>)
      tpu.yield
    }) : () -> ()
    %scan3A = arith.constant 0 : i32
    %scan3A_5 = arith.constant 0 : i32
    %scan3A_6 = arith.constant 10 : i32
    %scan3A_7 = arith.addi %scan3A_5, %scan3A_6 : i32
    %scan3A_8 = arith.constant 1 : i32
    scf.for %scan3A_10 = %scan3A_5 to %scan3A_7 step %scan3A_8  : i32 {
      %mul3A_11 = arith.constant 1000 : i32
      %mul3A_12 = arith.muli %scan3A_10, %mul3A_11 : i32
      %add3A_13 = arith.addi %mul3A_4, %mul3A_12 : i32
      %mul3A_14 = arith.constant 8 : i32
      %mul3A_15 = arith.muli %scan3A_10, %mul3A_14 : i32
      %add3A_16 = arith.constant 0 : i32
      %add3A_17 = arith.addi %mul3A_15, %add3A_16 : i32
      %dma_start3A = arith.constant 0 : i32
      %dma_start3A_18 = arith.constant 0 : i32
      %dma_start3A_19 = tpu.memref_slice %arg10[%dma_start3A, %dma_start3A_18] : memref<1000x64xf32, #tpu.memory_space<vmem>> -> memref<125x64xf32, #tpu.memory_space<vmem>>
      %dma_start3A_20 = arith.constant 0 : i32
      %dma_start3A_21 = tpu.memref_slice %arg8[%add3A_17, %dma_start3A_20] : memref<80x125xi32, #tpu.memory_space<vmem>> -> memref<1x125xi32, #tpu.memory_space<vmem>>
      %dma_start3A_22 = tpu.memref_squeeze %dma_start3A_21 : memref<1x125xi32, #tpu.memory_space<vmem>> -> memref<125xi32, #tpu.memory_space<vmem>>
      %dma_start3A_23 = arith.constant 0 : i32
      %dma_start3A_24 = arith.constant 0 : i32
      %dma_start3A_25 = tpu.memref_slice %arg2[%dma_start3A_23, %dma_start3A_24] : memref<10000x64xf32, #tpu.memory_space<hbm>> -> memref<10000x64xf32, #tpu.memory_space<hbm>>
      tpu.enqueue_indirect_dma source(%dma_start3A_25 : memref<10000x64xf32, #tpu.memory_space<hbm>>) target(%dma_start3A_19 : memref<125x64xf32, #tpu.memory_space<vmem>>) offsets(%dma_start3A_22 : memref<125xi32, #tpu.memory_space<vmem>>) semaphore(%arg11 : memref<!tpu.dma_semaphore, #tpu.memory_space<semaphore_mem>>)
      %mul3A_26 = arith.constant 8 : i32
      %mul3A_27 = arith.muli %scan3A_10, %mul3A_26 : i32
      %add3A_28 = arith.constant 1 : i32
      %add3A_29 = arith.addi %mul3A_27, %add3A_28 : i32
      %dma_start3A_30 = arith.constant 125 : i32
      %dma_start3A_31 = arith.constant 0 : i32
      %dma_start3A_32 = tpu.memref_slice %arg10[%dma_start3A_30, %dma_start3A_31] : memref<1000x64xf32, #tpu.memory_space<vmem>> -> memref<125x64xf32, #tpu.memory_space<vmem>>
      %dma_start3A_33 = arith.constant 0 : i32
      %dma_start3A_34 = tpu.memref_slice %arg8[%add3A_29, %dma_start3A_33] : memref<80x125xi32, #tpu.memory_space<vmem>> -> memref<1x125xi32, #tpu.memory_space<vmem>>
      %dma_start3A_35 = tpu.memref_squeeze %dma_start3A_34 : memref<1x125xi32, #tpu.memory_space<vmem>> -> memref<125xi32, #tpu.memory_space<vmem>>
      %dma_start3A_36 = arith.constant 0 : i32
      %dma_start3A_37 = arith.constant 0 : i32
      %dma_start3A_38 = tpu.memref_slice %arg2[%dma_start3A_36, %dma_start3A_37] : memref<10000x64xf32, #tpu.memory_space<hbm>> -> memref<10000x64xf32, #tpu.memory_space<hbm>>
      tpu.enqueue_indirect_dma source(%dma_start3A_38 : memref<10000x64xf32, #tpu.memory_space<hbm>>) target(%dma_start3A_32 : memref<125x64xf32, #tpu.memory_space<vmem>>) offsets(%dma_start3A_35 : memref<125xi32, #tpu.memory_space<vmem>>) semaphore(%arg11 : memref<!tpu.dma_semaphore, #tpu.memory_space<semaphore_mem>>)
      %mul3A_39 = arith.constant 8 : i32
      %mul3A_40 = arith.muli %scan3A_10, %mul3A_39 : i32
      %add3A_41 = arith.constant 2 : i32
      %add3A_42 = arith.addi %mul3A_40, %add3A_41 : i32
      %dma_start3A_43 = arith.constant 250 : i32
      %dma_start3A_44 = arith.constant 0 : i32
      %dma_start3A_45 = tpu.memref_slice %arg10[%dma_start3A_43, %dma_start3A_44] : memref<1000x64xf32, #tpu.memory_space<vmem>> -> memref<125x64xf32, #tpu.memory_space<vmem>>
      %dma_start3A_46 = arith.constant 0 : i32
      %dma_start3A_47 = tpu.memref_slice %arg8[%add3A_42, %dma_start3A_46] : memref<80x125xi32, #tpu.memory_space<vmem>> -> memref<1x125xi32, #tpu.memory_space<vmem>>
      %dma_start3A_48 = tpu.memref_squeeze %dma_start3A_47 : memref<1x125xi32, #tpu.memory_space<vmem>> -> memref<125xi32, #tpu.memory_space<vmem>>
      %dma_start3A_49 = arith.constant 0 : i32
      %dma_start3A_50 = arith.constant 0 : i32
      %dma_start3A_51 = tpu.memref_slice %arg2[%dma_start3A_49, %dma_start3A_50] : memref<10000x64xf32, #tpu.memory_space<hbm>> -> memref<10000x64xf32, #tpu.memory_space<hbm>>
      tpu.enqueue_indirect_dma source(%dma_start3A_51 : memref<10000x64xf32, #tpu.memory_space<hbm>>) target(%dma_start3A_45 : memref<125x64xf32, #tpu.memory_space<vmem>>) offsets(%dma_start3A_48 : memref<125xi32, #tpu.memory_space<vmem>>) semaphore(%arg11 : memref<!tpu.dma_semaphore, #tpu.memory_space<semaphore_mem>>)
      %mul3A_52 = arith.constant 8 : i32
      %mul3A_53 = arith.muli %scan3A_10, %mul3A_52 : i32
      %add3A_54 = arith.constant 3 : i32
      %add3A_55 = arith.addi %mul3A_53, %add3A_54 : i32
      %dma_start3A_56 = arith.constant 375 : i32
      %dma_start3A_57 = arith.constant 0 : i32
      %dma_start3A_58 = tpu.memref_slice %arg10[%dma_start3A_56, %dma_start3A_57] : memref<1000x64xf32, #tpu.memory_space<vmem>> -> memref<125x64xf32, #tpu.memory_space<vmem>>
      %dma_start3A_59 = arith.constant 0 : i32
      %dma_start3A_60 = tpu.memref_slice %arg8[%add3A_55, %dma_start3A_59] : memref<80x125xi32, #tpu.memory_space<vmem>> -> memref<1x125xi32, #tpu.memory_space<vmem>>
      %dma_start3A_61 = tpu.memref_squeeze %dma_start3A_60 : memref<1x125xi32, #tpu.memory_space<vmem>> -> memref<125xi32, #tpu.memory_space<vmem>>
      %dma_start3A_62 = arith.constant 0 : i32
      %dma_start3A_63 = arith.constant 0 : i32
      %dma_start3A_64 = tpu.memref_slice %arg2[%dma_start3A_62, %dma_start3A_63] : memref<10000x64xf32, #tpu.memory_space<hbm>> -> memref<10000x64xf32, #tpu.memory_space<hbm>>
      tpu.enqueue_indirect_dma source(%dma_start3A_64 : memref<10000x64xf32, #tpu.memory_space<hbm>>) target(%dma_start3A_58 : memref<125x64xf32, #tpu.memory_space<vmem>>) offsets(%dma_start3A_61 : memref<125xi32, #tpu.memory_space<vmem>>) semaphore(%arg11 : memref<!tpu.dma_semaphore, #tpu.memory_space<semaphore_mem>>)
      %mul3A_65 = arith.constant 8 : i32
      %mul3A_66 = arith.muli %scan3A_10, %mul3A_65 : i32
      %add3A_67 = arith.constant 4 : i32
      %add3A_68 = arith.addi %mul3A_66, %add3A_67 : i32
      %dma_start3A_69 = arith.constant 500 : i32
      %dma_start3A_70 = arith.constant 0 : i32
      %dma_start3A_71 = tpu.memref_slice %arg10[%dma_start3A_69, %dma_start3A_70] : memref<1000x64xf32, #tpu.memory_space<vmem>> -> memref<125x64xf32, #tpu.memory_space<vmem>>
      %dma_start3A_72 = arith.constant 0 : i32
      %dma_start3A_73 = tpu.memref_slice %arg8[%add3A_68, %dma_start3A_72] : memref<80x125xi32, #tpu.memory_space<vmem>> -> memref<1x125xi32, #tpu.memory_space<vmem>>
      %dma_start3A_74 = tpu.memref_squeeze %dma_start3A_73 : memref<1x125xi32, #tpu.memory_space<vmem>> -> memref<125xi32, #tpu.memory_space<vmem>>
      %dma_start3A_75 = arith.constant 0 : i32
      %dma_start3A_76 = arith.constant 0 : i32
      %dma_start3A_77 = tpu.memref_slice %arg2[%dma_start3A_75, %dma_start3A_76] : memref<10000x64xf32, #tpu.memory_space<hbm>> -> memref<10000x64xf32, #tpu.memory_space<hbm>>
      tpu.enqueue_indirect_dma source(%dma_start3A_77 : memref<10000x64xf32, #tpu.memory_space<hbm>>) target(%dma_start3A_71 : memref<125x64xf32, #tpu.memory_space<vmem>>) offsets(%dma_start3A_74 : memref<125xi32, #tpu.memory_space<vmem>>) semaphore(%arg11 : memref<!tpu.dma_semaphore, #tpu.memory_space<semaphore_mem>>)
      %mul3A_78 = arith.constant 8 : i32
      %mul3A_79 = arith.muli %scan3A_10, %mul3A_78 : i32
      %add3A_80 = arith.constant 5 : i32
      %add3A_81 = arith.addi %mul3A_79, %add3A_80 : i32
      %dma_start3A_82 = arith.constant 625 : i32
      %dma_start3A_83 = arith.constant 0 : i32
      %dma_start3A_84 = tpu.memref_slice %arg10[%dma_start3A_82, %dma_start3A_83] : memref<1000x64xf32, #tpu.memory_space<vmem>> -> memref<125x64xf32, #tpu.memory_space<vmem>>
      %dma_start3A_85 = arith.constant 0 : i32
      %dma_start3A_86 = tpu.memref_slice %arg8[%add3A_81, %dma_start3A_85] : memref<80x125xi32, #tpu.memory_space<vmem>> -> memref<1x125xi32, #tpu.memory_space<vmem>>
      %dma_start3A_87 = tpu.memref_squeeze %dma_start3A_86 : memref<1x125xi32, #tpu.memory_space<vmem>> -> memref<125xi32, #tpu.memory_space<vmem>>
      %dma_start3A_88 = arith.constant 0 : i32
      %dma_start3A_89 = arith.constant 0 : i32
      %dma_start3A_90 = tpu.memref_slice %arg2[%dma_start3A_88, %dma_start3A_89] : memref<10000x64xf32, #tpu.memory_space<hbm>> -> memref<10000x64xf32, #tpu.memory_space<hbm>>
      tpu.enqueue_indirect_dma source(%dma_start3A_90 : memref<10000x64xf32, #tpu.memory_space<hbm>>) target(%dma_start3A_84 : memref<125x64xf32, #tpu.memory_space<vmem>>) offsets(%dma_start3A_87 : memref<125xi32, #tpu.memory_space<vmem>>) semaphore(%arg11 : memref<!tpu.dma_semaphore, #tpu.memory_space<semaphore_mem>>)
      %mul3A_91 = arith.constant 8 : i32
      %mul3A_92 = arith.muli %scan3A_10, %mul3A_91 : i32
      %add3A_93 = arith.constant 6 : i32
      %add3A_94 = arith.addi %mul3A_92, %add3A_93 : i32
      %dma_start3A_95 = arith.constant 750 : i32
      %dma_start3A_96 = arith.constant 0 : i32
      %dma_start3A_97 = tpu.memref_slice %arg10[%dma_start3A_95, %dma_start3A_96] : memref<1000x64xf32, #tpu.memory_space<vmem>> -> memref<125x64xf32, #tpu.memory_space<vmem>>
      %dma_start3A_98 = arith.constant 0 : i32
      %dma_start3A_99 = tpu.memref_slice %arg8[%add3A_94, %dma_start3A_98] : memref<80x125xi32, #tpu.memory_space<vmem>> -> memref<1x125xi32, #tpu.memory_space<vmem>>
      %dma_start3A_100 = tpu.memref_squeeze %dma_start3A_99 : memref<1x125xi32, #tpu.memory_space<vmem>> -> memref<125xi32, #tpu.memory_space<vmem>>
      %dma_start3A_101 = arith.constant 0 : i32
      %dma_start3A_102 = arith.constant 0 : i32
      %dma_start3A_103 = tpu.memref_slice %arg2[%dma_start3A_101, %dma_start3A_102] : memref<10000x64xf32, #tpu.memory_space<hbm>> -> memref<10000x64xf32, #tpu.memory_space<hbm>>
      tpu.enqueue_indirect_dma source(%dma_start3A_103 : memref<10000x64xf32, #tpu.memory_space<hbm>>) target(%dma_start3A_97 : memref<125x64xf32, #tpu.memory_space<vmem>>) offsets(%dma_start3A_100 : memref<125xi32, #tpu.memory_space<vmem>>) semaphore(%arg11 : memref<!tpu.dma_semaphore, #tpu.memory_space<semaphore_mem>>)
      %mul3A_104 = arith.constant 8 : i32
      %mul3A_105 = arith.muli %scan3A_10, %mul3A_104 : i32
      %add3A_106 = arith.constant 7 : i32
      %add3A_107 = arith.addi %mul3A_105, %add3A_106 : i32
      %dma_start3A_108 = arith.constant 875 : i32
      %dma_start3A_109 = arith.constant 0 : i32
      %dma_start3A_110 = tpu.memref_slice %arg10[%dma_start3A_108, %dma_start3A_109] : memref<1000x64xf32, #tpu.memory_space<vmem>> -> memref<125x64xf32, #tpu.memory_space<vmem>>
      %dma_start3A_111 = arith.constant 0 : i32
      %dma_start3A_112 = tpu.memref_slice %arg8[%add3A_107, %dma_start3A_111] : memref<80x125xi32, #tpu.memory_space<vmem>> -> memref<1x125xi32, #tpu.memory_space<vmem>>
      %dma_start3A_113 = tpu.memref_squeeze %dma_start3A_112 : memref<1x125xi32, #tpu.memory_space<vmem>> -> memref<125xi32, #tpu.memory_space<vmem>>
      %dma_start3A_114 = arith.constant 0 : i32
      %dma_start3A_115 = arith.constant 0 : i32
      %dma_start3A_116 = tpu.memref_slice %arg2[%dma_start3A_114, %dma_start3A_115] : memref<10000x64xf32, #tpu.memory_space<hbm>> -> memref<10000x64xf32, #tpu.memory_space<hbm>>
      tpu.enqueue_indirect_dma source(%dma_start3A_116 : memref<10000x64xf32, #tpu.memory_space<hbm>>) target(%dma_start3A_110 : memref<125x64xf32, #tpu.memory_space<vmem>>) offsets(%dma_start3A_113 : memref<125xi32, #tpu.memory_space<vmem>>) semaphore(%arg11 : memref<!tpu.dma_semaphore, #tpu.memory_space<semaphore_mem>>)
      %dma_wait3A = arith.constant 0 : i32
      %dma_wait3A_117 = arith.constant 0 : i32
      %dma_wait3A_118 = tpu.memref_slice %arg10[%dma_wait3A, %dma_wait3A_117] : memref<1000x64xf32, #tpu.memory_space<vmem>> -> memref<125x64xf32, #tpu.memory_space<vmem>>
      %dma_wait3A_119 = arith.constant 0 : i32
      %dma_wait3A_120 = tpu.memref_slice %arg8[%add3A_17, %dma_wait3A_119] : memref<80x125xi32, #tpu.memory_space<vmem>> -> memref<1x125xi32, #tpu.memory_space<vmem>>
      %dma_wait3A_121 = tpu.memref_squeeze %dma_wait3A_120 : memref<1x125xi32, #tpu.memory_space<vmem>> -> memref<125xi32, #tpu.memory_space<vmem>>
      %dma_wait3A_122 = arith.constant 0 : i32
      %dma_wait3A_123 = arith.constant 0 : i32
      %dma_wait3A_124 = tpu.memref_slice %arg2[%dma_wait3A_122, %dma_wait3A_123] : memref<10000x64xf32, #tpu.memory_space<hbm>> -> memref<10000x64xf32, #tpu.memory_space<hbm>>
      tpu.wait_indirect_dma semaphore(%arg11 : memref<!tpu.dma_semaphore, #tpu.memory_space<semaphore_mem>>) src(%dma_wait3A_124 : memref<10000x64xf32, #tpu.memory_space<hbm>>) dst(%dma_wait3A_118 : memref<125x64xf32, #tpu.memory_space<vmem>>)
      %dma_wait3A_125 = arith.constant 125 : i32
      %dma_wait3A_126 = arith.constant 0 : i32
      %dma_wait3A_127 = tpu.memref_slice %arg10[%dma_wait3A_125, %dma_wait3A_126] : memref<1000x64xf32, #tpu.memory_space<vmem>> -> memref<125x64xf32, #tpu.memory_space<vmem>>
      %dma_wait3A_128 = arith.constant 0 : i32
      %dma_wait3A_129 = tpu.memref_slice %arg8[%add3A_29, %dma_wait3A_128] : memref<80x125xi32, #tpu.memory_space<vmem>> -> memref<1x125xi32, #tpu.memory_space<vmem>>
      %dma_wait3A_130 = tpu.memref_squeeze %dma_wait3A_129 : memref<1x125xi32, #tpu.memory_space<vmem>> -> memref<125xi32, #tpu.memory_space<vmem>>
      %dma_wait3A_131 = arith.constant 0 : i32
      %dma_wait3A_132 = arith.constant 0 : i32
      %dma_wait3A_133 = tpu.memref_slice %arg2[%dma_wait3A_131, %dma_wait3A_132] : memref<10000x64xf32, #tpu.memory_space<hbm>> -> memref<10000x64xf32, #tpu.memory_space<hbm>>
      tpu.wait_indirect_dma semaphore(%arg11 : memref<!tpu.dma_semaphore, #tpu.memory_space<semaphore_mem>>) src(%dma_wait3A_133 : memref<10000x64xf32, #tpu.memory_space<hbm>>) dst(%dma_wait3A_127 : memref<125x64xf32, #tpu.memory_space<vmem>>)
      %dma_wait3A_134 = arith.constant 250 : i32
      %dma_wait3A_135 = arith.constant 0 : i32
      %dma_wait3A_136 = tpu.memref_slice %arg10[%dma_wait3A_134, %dma_wait3A_135] : memref<1000x64xf32, #tpu.memory_space<vmem>> -> memref<125x64xf32, #tpu.memory_space<vmem>>
      %dma_wait3A_137 = arith.constant 0 : i32
      %dma_wait3A_138 = tpu.memref_slice %arg8[%add3A_42, %dma_wait3A_137] : memref<80x125xi32, #tpu.memory_space<vmem>> -> memref<1x125xi32, #tpu.memory_space<vmem>>
      %dma_wait3A_139 = tpu.memref_squeeze %dma_wait3A_138 : memref<1x125xi32, #tpu.memory_space<vmem>> -> memref<125xi32, #tpu.memory_space<vmem>>
      %dma_wait3A_140 = arith.constant 0 : i32
      %dma_wait3A_141 = arith.constant 0 : i32
      %dma_wait3A_142 = tpu.memref_slice %arg2[%dma_wait3A_140, %dma_wait3A_141] : memref<10000x64xf32, #tpu.memory_space<hbm>> -> memref<10000x64xf32, #tpu.memory_space<hbm>>
      tpu.wait_indirect_dma semaphore(%arg11 : memref<!tpu.dma_semaphore, #tpu.memory_space<semaphore_mem>>) src(%dma_wait3A_142 : memref<10000x64xf32, #tpu.memory_space<hbm>>) dst(%dma_wait3A_136 : memref<125x64xf32, #tpu.memory_space<vmem>>)
      %dma_wait3A_143 = arith.constant 375 : i32
      %dma_wait3A_144 = arith.constant 0 : i32
      %dma_wait3A_145 = tpu.memref_slice %arg10[%dma_wait3A_143, %dma_wait3A_144] : memref<1000x64xf32, #tpu.memory_space<vmem>> -> memref<125x64xf32, #tpu.memory_space<vmem>>
      %dma_wait3A_146 = arith.constant 0 : i32
      %dma_wait3A_147 = tpu.memref_slice %arg8[%add3A_55, %dma_wait3A_146] : memref<80x125xi32, #tpu.memory_space<vmem>> -> memref<1x125xi32, #tpu.memory_space<vmem>>
      %dma_wait3A_148 = tpu.memref_squeeze %dma_wait3A_147 : memref<1x125xi32, #tpu.memory_space<vmem>> -> memref<125xi32, #tpu.memory_space<vmem>>
      %dma_wait3A_149 = arith.constant 0 : i32
      %dma_wait3A_150 = arith.constant 0 : i32
      %dma_wait3A_151 = tpu.memref_slice %arg2[%dma_wait3A_149, %dma_wait3A_150] : memref<10000x64xf32, #tpu.memory_space<hbm>> -> memref<10000x64xf32, #tpu.memory_space<hbm>>
      tpu.wait_indirect_dma semaphore(%arg11 : memref<!tpu.dma_semaphore, #tpu.memory_space<semaphore_mem>>) src(%dma_wait3A_151 : memref<10000x64xf32, #tpu.memory_space<hbm>>) dst(%dma_wait3A_145 : memref<125x64xf32, #tpu.memory_space<vmem>>)
      %dma_wait3A_152 = arith.constant 500 : i32
      %dma_wait3A_153 = arith.constant 0 : i32
      %dma_wait3A_154 = tpu.memref_slice %arg10[%dma_wait3A_152, %dma_wait3A_153] : memref<1000x64xf32, #tpu.memory_space<vmem>> -> memref<125x64xf32, #tpu.memory_space<vmem>>
      %dma_wait3A_155 = arith.constant 0 : i32
      %dma_wait3A_156 = tpu.memref_slice %arg8[%add3A_68, %dma_wait3A_155] : memref<80x125xi32, #tpu.memory_space<vmem>> -> memref<1x125xi32, #tpu.memory_space<vmem>>
      %dma_wait3A_157 = tpu.memref_squeeze %dma_wait3A_156 : memref<1x125xi32, #tpu.memory_space<vmem>> -> memref<125xi32, #tpu.memory_space<vmem>>
      %dma_wait3A_158 = arith.constant 0 : i32
      %dma_wait3A_159 = arith.constant 0 : i32
      %dma_wait3A_160 = tpu.memref_slice %arg2[%dma_wait3A_158, %dma_wait3A_159] : memref<10000x64xf32, #tpu.memory_space<hbm>> -> memref<10000x64xf32, #tpu.memory_space<hbm>>
      tpu.wait_indirect_dma semaphore(%arg11 : memref<!tpu.dma_semaphore, #tpu.memory_space<semaphore_mem>>) src(%dma_wait3A_160 : memref<10000x64xf32, #tpu.memory_space<hbm>>) dst(%dma_wait3A_154 : memref<125x64xf32, #tpu.memory_space<vmem>>)
      %dma_wait3A_161 = arith.constant 625 : i32
      %dma_wait3A_162 = arith.constant 0 : i32
      %dma_wait3A_163 = tpu.memref_slice %arg10[%dma_wait3A_161, %dma_wait3A_162] : memref<1000x64xf32, #tpu.memory_space<vmem>> -> memref<125x64xf32, #tpu.memory_space<vmem>>
      %dma_wait3A_164 = arith.constant 0 : i32
      %dma_wait3A_165 = tpu.memref_slice %arg8[%add3A_81, %dma_wait3A_164] : memref<80x125xi32, #tpu.memory_space<vmem>> -> memref<1x125xi32, #tpu.memory_space<vmem>>
      %dma_wait3A_166 = tpu.memref_squeeze %dma_wait3A_165 : memref<1x125xi32, #tpu.memory_space<vmem>> -> memref<125xi32, #tpu.memory_space<vmem>>
      %dma_wait3A_167 = arith.constant 0 : i32
      %dma_wait3A_168 = arith.constant 0 : i32
      %dma_wait3A_169 = tpu.memref_slice %arg2[%dma_wait3A_167, %dma_wait3A_168] : memref<10000x64xf32, #tpu.memory_space<hbm>> -> memref<10000x64xf32, #tpu.memory_space<hbm>>
      tpu.wait_indirect_dma semaphore(%arg11 : memref<!tpu.dma_semaphore, #tpu.memory_space<semaphore_mem>>) src(%dma_wait3A_169 : memref<10000x64xf32, #tpu.memory_space<hbm>>) dst(%dma_wait3A_163 : memref<125x64xf32, #tpu.memory_space<vmem>>)
      %dma_wait3A_170 = arith.constant 750 : i32
      %dma_wait3A_171 = arith.constant 0 : i32
      %dma_wait3A_172 = tpu.memref_slice %arg10[%dma_wait3A_170, %dma_wait3A_171] : memref<1000x64xf32, #tpu.memory_space<vmem>> -> memref<125x64xf32, #tpu.memory_space<vmem>>
      %dma_wait3A_173 = arith.constant 0 : i32
      %dma_wait3A_174 = tpu.memref_slice %arg8[%add3A_94, %dma_wait3A_173] : memref<80x125xi32, #tpu.memory_space<vmem>> -> memref<1x125xi32, #tpu.memory_space<vmem>>
      %dma_wait3A_175 = tpu.memref_squeeze %dma_wait3A_174 : memref<1x125xi32, #tpu.memory_space<vmem>> -> memref<125xi32, #tpu.memory_space<vmem>>
      %dma_wait3A_176 = arith.constant 0 : i32
      %dma_wait3A_177 = arith.constant 0 : i32
      %dma_wait3A_178 = tpu.memref_slice %arg2[%dma_wait3A_176, %dma_wait3A_177] : memref<10000x64xf32, #tpu.memory_space<hbm>> -> memref<10000x64xf32, #tpu.memory_space<hbm>>
      tpu.wait_indirect_dma semaphore(%arg11 : memref<!tpu.dma_semaphore, #tpu.memory_space<semaphore_mem>>) src(%dma_wait3A_178 : memref<10000x64xf32, #tpu.memory_space<hbm>>) dst(%dma_wait3A_172 : memref<125x64xf32, #tpu.memory_space<vmem>>)
      %dma_wait3A_179 = arith.constant 875 : i32
      %dma_wait3A_180 = arith.constant 0 : i32
      %dma_wait3A_181 = tpu.memref_slice %arg10[%dma_wait3A_179, %dma_wait3A_180] : memref<1000x64xf32, #tpu.memory_space<vmem>> -> memref<125x64xf32, #tpu.memory_space<vmem>>
      %dma_wait3A_182 = arith.constant 0 : i32
      %dma_wait3A_183 = tpu.memref_slice %arg8[%add3A_107, %dma_wait3A_182] : memref<80x125xi32, #tpu.memory_space<vmem>> -> memref<1x125xi32, #tpu.memory_space<vmem>>
      %dma_wait3A_184 = tpu.memref_squeeze %dma_wait3A_183 : memref<1x125xi32, #tpu.memory_space<vmem>> -> memref<125xi32, #tpu.memory_space<vmem>>
      %dma_wait3A_185 = arith.constant 0 : i32
      %dma_wait3A_186 = arith.constant 0 : i32
      %dma_wait3A_187 = tpu.memref_slice %arg2[%dma_wait3A_185, %dma_wait3A_186] : memref<10000x64xf32, #tpu.memory_space<hbm>> -> memref<10000x64xf32, #tpu.memory_space<hbm>>
      tpu.wait_indirect_dma semaphore(%arg11 : memref<!tpu.dma_semaphore, #tpu.memory_space<semaphore_mem>>) src(%dma_wait3A_187 : memref<10000x64xf32, #tpu.memory_space<hbm>>) dst(%dma_wait3A_181 : memref<125x64xf32, #tpu.memory_space<vmem>>)
      "tpu.region"() ({
        %run_scoped3A = tpu.sem_alloc : memref<!tpu.dma_semaphore, #tpu.memory_space<semaphore_mem>>
        %dma_start3A_364 = arith.constant 0 : i32
        %dma_start3A_365 = tpu.memref_slice %arg6[%add3A_13, %dma_start3A_364] : memref<320000x64xf32, #tpu.memory_space<hbm>> -> memref<1000x64xf32, #tpu.memory_space<hbm>>
        %dma_start3A_366 = arith.constant 0 : i32
        %dma_start3A_367 = tpu.memref_slice %arg6[%add3A_13, %dma_start3A_366] : memref<320000x64xf32, #tpu.memory_space<hbm>> -> memref<1000x64xf32, #tpu.memory_space<hbm>>
        tpu.enqueue_dma source(%arg10 : memref<1000x64xf32, #tpu.memory_space<vmem>>) target(%dma_start3A_367 : memref<1000x64xf32, #tpu.memory_space<hbm>>) target_semaphore(%run_scoped3A : memref<!tpu.dma_semaphore, #tpu.memory_space<semaphore_mem>>)
        %dma_wait3A_368 = arith.constant 0 : i32
        %dma_wait3A_369 = tpu.memref_slice %arg6[%add3A_13, %dma_wait3A_368] : memref<320000x64xf32, #tpu.memory_space<hbm>> -> memref<1000x64xf32, #tpu.memory_space<hbm>>
        %dma_wait3A_370 = arith.constant 0 : i32
        %dma_wait3A_371 = tpu.memref_slice %arg6[%add3A_13, %dma_wait3A_370] : memref<320000x64xf32, #tpu.memory_space<hbm>> -> memref<1000x64xf32, #tpu.memory_space<hbm>>
        tpu.wait_dma2 semaphore(%run_scoped3A : memref<!tpu.dma_semaphore, #tpu.memory_space<semaphore_mem>>) src(%arg10 : memref<1000x64xf32, #tpu.memory_space<vmem>>) dst(%dma_wait3A_371 : memref<1000x64xf32, #tpu.memory_space<hbm>>)
        tpu.yield
      }) : () -> ()
      %mul3A_188 = arith.constant 8 : i32
      %mul3A_189 = arith.muli %scan3A_10, %mul3A_188 : i32
      %add3A_190 = arith.constant 0 : i32
      %add3A_191 = arith.addi %mul3A_189, %add3A_190 : i32
      %dma_start3A_192 = arith.constant 0 : i32
      %dma_start3A_193 = arith.constant 0 : i32
      %dma_start3A_194 = tpu.memref_slice %arg10[%dma_start3A_192, %dma_start3A_193] : memref<1000x64xf32, #tpu.memory_space<vmem>> -> memref<125x64xf32, #tpu.memory_space<vmem>>
      %dma_start3A_195 = arith.constant 0 : i32
      %dma_start3A_196 = tpu.memref_slice %arg9[%add3A_191, %dma_start3A_195] : memref<80x125xi32, #tpu.memory_space<vmem>> -> memref<1x125xi32, #tpu.memory_space<vmem>>
      %dma_start3A_197 = tpu.memref_squeeze %dma_start3A_196 : memref<1x125xi32, #tpu.memory_space<vmem>> -> memref<125xi32, #tpu.memory_space<vmem>>
      %dma_start3A_198 = arith.constant 0 : i32
      %dma_start3A_199 = arith.constant 0 : i32
      %dma_start3A_200 = tpu.memref_slice %arg3[%dma_start3A_198, %dma_start3A_199] : memref<10000x64xf32, #tpu.memory_space<hbm>> -> memref<10000x64xf32, #tpu.memory_space<hbm>>
      tpu.enqueue_indirect_dma source(%dma_start3A_200 : memref<10000x64xf32, #tpu.memory_space<hbm>>) target(%dma_start3A_194 : memref<125x64xf32, #tpu.memory_space<vmem>>) offsets(%dma_start3A_197 : memref<125xi32, #tpu.memory_space<vmem>>) semaphore(%arg11 : memref<!tpu.dma_semaphore, #tpu.memory_space<semaphore_mem>>)
      %mul3A_201 = arith.constant 8 : i32
      %mul3A_202 = arith.muli %scan3A_10, %mul3A_201 : i32
      %add3A_203 = arith.constant 1 : i32
      %add3A_204 = arith.addi %mul3A_202, %add3A_203 : i32
      %dma_start3A_205 = arith.constant 125 : i32
      %dma_start3A_206 = arith.constant 0 : i32
      %dma_start3A_207 = tpu.memref_slice %arg10[%dma_start3A_205, %dma_start3A_206] : memref<1000x64xf32, #tpu.memory_space<vmem>> -> memref<125x64xf32, #tpu.memory_space<vmem>>
      %dma_start3A_208 = arith.constant 0 : i32
      %dma_start3A_209 = tpu.memref_slice %arg9[%add3A_204, %dma_start3A_208] : memref<80x125xi32, #tpu.memory_space<vmem>> -> memref<1x125xi32, #tpu.memory_space<vmem>>
      %dma_start3A_210 = tpu.memref_squeeze %dma_start3A_209 : memref<1x125xi32, #tpu.memory_space<vmem>> -> memref<125xi32, #tpu.memory_space<vmem>>
      %dma_start3A_211 = arith.constant 0 : i32
      %dma_start3A_212 = arith.constant 0 : i32
      %dma_start3A_213 = tpu.memref_slice %arg3[%dma_start3A_211, %dma_start3A_212] : memref<10000x64xf32, #tpu.memory_space<hbm>> -> memref<10000x64xf32, #tpu.memory_space<hbm>>
      tpu.enqueue_indirect_dma source(%dma_start3A_213 : memref<10000x64xf32, #tpu.memory_space<hbm>>) target(%dma_start3A_207 : memref<125x64xf32, #tpu.memory_space<vmem>>) offsets(%dma_start3A_210 : memref<125xi32, #tpu.memory_space<vmem>>) semaphore(%arg11 : memref<!tpu.dma_semaphore, #tpu.memory_space<semaphore_mem>>)
      %mul3A_214 = arith.constant 8 : i32
      %mul3A_215 = arith.muli %scan3A_10, %mul3A_214 : i32
      %add3A_216 = arith.constant 2 : i32
      %add3A_217 = arith.addi %mul3A_215, %add3A_216 : i32
      %dma_start3A_218 = arith.constant 250 : i32
      %dma_start3A_219 = arith.constant 0 : i32
      %dma_start3A_220 = tpu.memref_slice %arg10[%dma_start3A_218, %dma_start3A_219] : memref<1000x64xf32, #tpu.memory_space<vmem>> -> memref<125x64xf32, #tpu.memory_space<vmem>>
      %dma_start3A_221 = arith.constant 0 : i32
      %dma_start3A_222 = tpu.memref_slice %arg9[%add3A_217, %dma_start3A_221] : memref<80x125xi32, #tpu.memory_space<vmem>> -> memref<1x125xi32, #tpu.memory_space<vmem>>
      %dma_start3A_223 = tpu.memref_squeeze %dma_start3A_222 : memref<1x125xi32, #tpu.memory_space<vmem>> -> memref<125xi32, #tpu.memory_space<vmem>>
      %dma_start3A_224 = arith.constant 0 : i32
      %dma_start3A_225 = arith.constant 0 : i32
      %dma_start3A_226 = tpu.memref_slice %arg3[%dma_start3A_224, %dma_start3A_225] : memref<10000x64xf32, #tpu.memory_space<hbm>> -> memref<10000x64xf32, #tpu.memory_space<hbm>>
      tpu.enqueue_indirect_dma source(%dma_start3A_226 : memref<10000x64xf32, #tpu.memory_space<hbm>>) target(%dma_start3A_220 : memref<125x64xf32, #tpu.memory_space<vmem>>) offsets(%dma_start3A_223 : memref<125xi32, #tpu.memory_space<vmem>>) semaphore(%arg11 : memref<!tpu.dma_semaphore, #tpu.memory_space<semaphore_mem>>)
      %mul3A_227 = arith.constant 8 : i32
      %mul3A_228 = arith.muli %scan3A_10, %mul3A_227 : i32
      %add3A_229 = arith.constant 3 : i32
      %add3A_230 = arith.addi %mul3A_228, %add3A_229 : i32
      %dma_start3A_231 = arith.constant 375 : i32
      %dma_start3A_232 = arith.constant 0 : i32
      %dma_start3A_233 = tpu.memref_slice %arg10[%dma_start3A_231, %dma_start3A_232] : memref<1000x64xf32, #tpu.memory_space<vmem>> -> memref<125x64xf32, #tpu.memory_space<vmem>>
      %dma_start3A_234 = arith.constant 0 : i32
      %dma_start3A_235 = tpu.memref_slice %arg9[%add3A_230, %dma_start3A_234] : memref<80x125xi32, #tpu.memory_space<vmem>> -> memref<1x125xi32, #tpu.memory_space<vmem>>
      %dma_start3A_236 = tpu.memref_squeeze %dma_start3A_235 : memref<1x125xi32, #tpu.memory_space<vmem>> -> memref<125xi32, #tpu.memory_space<vmem>>
      %dma_start3A_237 = arith.constant 0 : i32
      %dma_start3A_238 = arith.constant 0 : i32
      %dma_start3A_239 = tpu.memref_slice %arg3[%dma_start3A_237, %dma_start3A_238] : memref<10000x64xf32, #tpu.memory_space<hbm>> -> memref<10000x64xf32, #tpu.memory_space<hbm>>
      tpu.enqueue_indirect_dma source(%dma_start3A_239 : memref<10000x64xf32, #tpu.memory_space<hbm>>) target(%dma_start3A_233 : memref<125x64xf32, #tpu.memory_space<vmem>>) offsets(%dma_start3A_236 : memref<125xi32, #tpu.memory_space<vmem>>) semaphore(%arg11 : memref<!tpu.dma_semaphore, #tpu.memory_space<semaphore_mem>>)
      %mul3A_240 = arith.constant 8 : i32
      %mul3A_241 = arith.muli %scan3A_10, %mul3A_240 : i32
      %add3A_242 = arith.constant 4 : i32
      %add3A_243 = arith.addi %mul3A_241, %add3A_242 : i32
      %dma_start3A_244 = arith.constant 500 : i32
      %dma_start3A_245 = arith.constant 0 : i32
      %dma_start3A_246 = tpu.memref_slice %arg10[%dma_start3A_244, %dma_start3A_245] : memref<1000x64xf32, #tpu.memory_space<vmem>> -> memref<125x64xf32, #tpu.memory_space<vmem>>
      %dma_start3A_247 = arith.constant 0 : i32
      %dma_start3A_248 = tpu.memref_slice %arg9[%add3A_243, %dma_start3A_247] : memref<80x125xi32, #tpu.memory_space<vmem>> -> memref<1x125xi32, #tpu.memory_space<vmem>>
      %dma_start3A_249 = tpu.memref_squeeze %dma_start3A_248 : memref<1x125xi32, #tpu.memory_space<vmem>> -> memref<125xi32, #tpu.memory_space<vmem>>
      %dma_start3A_250 = arith.constant 0 : i32
      %dma_start3A_251 = arith.constant 0 : i32
      %dma_start3A_252 = tpu.memref_slice %arg3[%dma_start3A_250, %dma_start3A_251] : memref<10000x64xf32, #tpu.memory_space<hbm>> -> memref<10000x64xf32, #tpu.memory_space<hbm>>
      tpu.enqueue_indirect_dma source(%dma_start3A_252 : memref<10000x64xf32, #tpu.memory_space<hbm>>) target(%dma_start3A_246 : memref<125x64xf32, #tpu.memory_space<vmem>>) offsets(%dma_start3A_249 : memref<125xi32, #tpu.memory_space<vmem>>) semaphore(%arg11 : memref<!tpu.dma_semaphore, #tpu.memory_space<semaphore_mem>>)
      %mul3A_253 = arith.constant 8 : i32
      %mul3A_254 = arith.muli %scan3A_10, %mul3A_253 : i32
      %add3A_255 = arith.constant 5 : i32
      %add3A_256 = arith.addi %mul3A_254, %add3A_255 : i32
      %dma_start3A_257 = arith.constant 625 : i32
      %dma_start3A_258 = arith.constant 0 : i32
      %dma_start3A_259 = tpu.memref_slice %arg10[%dma_start3A_257, %dma_start3A_258] : memref<1000x64xf32, #tpu.memory_space<vmem>> -> memref<125x64xf32, #tpu.memory_space<vmem>>
      %dma_start3A_260 = arith.constant 0 : i32
      %dma_start3A_261 = tpu.memref_slice %arg9[%add3A_256, %dma_start3A_260] : memref<80x125xi32, #tpu.memory_space<vmem>> -> memref<1x125xi32, #tpu.memory_space<vmem>>
      %dma_start3A_262 = tpu.memref_squeeze %dma_start3A_261 : memref<1x125xi32, #tpu.memory_space<vmem>> -> memref<125xi32, #tpu.memory_space<vmem>>
      %dma_start3A_263 = arith.constant 0 : i32
      %dma_start3A_264 = arith.constant 0 : i32
      %dma_start3A_265 = tpu.memref_slice %arg3[%dma_start3A_263, %dma_start3A_264] : memref<10000x64xf32, #tpu.memory_space<hbm>> -> memref<10000x64xf32, #tpu.memory_space<hbm>>
      tpu.enqueue_indirect_dma source(%dma_start3A_265 : memref<10000x64xf32, #tpu.memory_space<hbm>>) target(%dma_start3A_259 : memref<125x64xf32, #tpu.memory_space<vmem>>) offsets(%dma_start3A_262 : memref<125xi32, #tpu.memory_space<vmem>>) semaphore(%arg11 : memref<!tpu.dma_semaphore, #tpu.memory_space<semaphore_mem>>)
      %mul3A_266 = arith.constant 8 : i32
      %mul3A_267 = arith.muli %scan3A_10, %mul3A_266 : i32
      %add3A_268 = arith.constant 6 : i32
      %add3A_269 = arith.addi %mul3A_267, %add3A_268 : i32
      %dma_start3A_270 = arith.constant 750 : i32
      %dma_start3A_271 = arith.constant 0 : i32
      %dma_start3A_272 = tpu.memref_slice %arg10[%dma_start3A_270, %dma_start3A_271] : memref<1000x64xf32, #tpu.memory_space<vmem>> -> memref<125x64xf32, #tpu.memory_space<vmem>>
      %dma_start3A_273 = arith.constant 0 : i32
      %dma_start3A_274 = tpu.memref_slice %arg9[%add3A_269, %dma_start3A_273] : memref<80x125xi32, #tpu.memory_space<vmem>> -> memref<1x125xi32, #tpu.memory_space<vmem>>
      %dma_start3A_275 = tpu.memref_squeeze %dma_start3A_274 : memref<1x125xi32, #tpu.memory_space<vmem>> -> memref<125xi32, #tpu.memory_space<vmem>>
      %dma_start3A_276 = arith.constant 0 : i32
      %dma_start3A_277 = arith.constant 0 : i32
      %dma_start3A_278 = tpu.memref_slice %arg3[%dma_start3A_276, %dma_start3A_277] : memref<10000x64xf32, #tpu.memory_space<hbm>> -> memref<10000x64xf32, #tpu.memory_space<hbm>>
      tpu.enqueue_indirect_dma source(%dma_start3A_278 : memref<10000x64xf32, #tpu.memory_space<hbm>>) target(%dma_start3A_272 : memref<125x64xf32, #tpu.memory_space<vmem>>) offsets(%dma_start3A_275 : memref<125xi32, #tpu.memory_space<vmem>>) semaphore(%arg11 : memref<!tpu.dma_semaphore, #tpu.memory_space<semaphore_mem>>)
      %mul3A_279 = arith.constant 8 : i32
      %mul3A_280 = arith.muli %scan3A_10, %mul3A_279 : i32
      %add3A_281 = arith.constant 7 : i32
      %add3A_282 = arith.addi %mul3A_280, %add3A_281 : i32
      %dma_start3A_283 = arith.constant 875 : i32
      %dma_start3A_284 = arith.constant 0 : i32
      %dma_start3A_285 = tpu.memref_slice %arg10[%dma_start3A_283, %dma_start3A_284] : memref<1000x64xf32, #tpu.memory_space<vmem>> -> memref<125x64xf32, #tpu.memory_space<vmem>>
      %dma_start3A_286 = arith.constant 0 : i32
      %dma_start3A_287 = tpu.memref_slice %arg9[%add3A_282, %dma_start3A_286] : memref<80x125xi32, #tpu.memory_space<vmem>> -> memref<1x125xi32, #tpu.memory_space<vmem>>
      %dma_start3A_288 = tpu.memref_squeeze %dma_start3A_287 : memref<1x125xi32, #tpu.memory_space<vmem>> -> memref<125xi32, #tpu.memory_space<vmem>>
      %dma_start3A_289 = arith.constant 0 : i32
      %dma_start3A_290 = arith.constant 0 : i32
      %dma_start3A_291 = tpu.memref_slice %arg3[%dma_start3A_289, %dma_start3A_290] : memref<10000x64xf32, #tpu.memory_space<hbm>> -> memref<10000x64xf32, #tpu.memory_space<hbm>>
      tpu.enqueue_indirect_dma source(%dma_start3A_291 : memref<10000x64xf32, #tpu.memory_space<hbm>>) target(%dma_start3A_285 : memref<125x64xf32, #tpu.memory_space<vmem>>) offsets(%dma_start3A_288 : memref<125xi32, #tpu.memory_space<vmem>>) semaphore(%arg11 : memref<!tpu.dma_semaphore, #tpu.memory_space<semaphore_mem>>)
      %dma_wait3A_292 = arith.constant 0 : i32
      %dma_wait3A_293 = arith.constant 0 : i32
      %dma_wait3A_294 = tpu.memref_slice %arg10[%dma_wait3A_292, %dma_wait3A_293] : memref<1000x64xf32, #tpu.memory_space<vmem>> -> memref<125x64xf32, #tpu.memory_space<vmem>>
      %dma_wait3A_295 = arith.constant 0 : i32
      %dma_wait3A_296 = tpu.memref_slice %arg9[%add3A_191, %dma_wait3A_295] : memref<80x125xi32, #tpu.memory_space<vmem>> -> memref<1x125xi32, #tpu.memory_space<vmem>>
      %dma_wait3A_297 = tpu.memref_squeeze %dma_wait3A_296 : memref<1x125xi32, #tpu.memory_space<vmem>> -> memref<125xi32, #tpu.memory_space<vmem>>
      %dma_wait3A_298 = arith.constant 0 : i32
      %dma_wait3A_299 = arith.constant 0 : i32
      %dma_wait3A_300 = tpu.memref_slice %arg3[%dma_wait3A_298, %dma_wait3A_299] : memref<10000x64xf32, #tpu.memory_space<hbm>> -> memref<10000x64xf32, #tpu.memory_space<hbm>>
      tpu.wait_indirect_dma semaphore(%arg11 : memref<!tpu.dma_semaphore, #tpu.memory_space<semaphore_mem>>) src(%dma_wait3A_300 : memref<10000x64xf32, #tpu.memory_space<hbm>>) dst(%dma_wait3A_294 : memref<125x64xf32, #tpu.memory_space<vmem>>)
      %dma_wait3A_301 = arith.constant 125 : i32
      %dma_wait3A_302 = arith.constant 0 : i32
      %dma_wait3A_303 = tpu.memref_slice %arg10[%dma_wait3A_301, %dma_wait3A_302] : memref<1000x64xf32, #tpu.memory_space<vmem>> -> memref<125x64xf32, #tpu.memory_space<vmem>>
      %dma_wait3A_304 = arith.constant 0 : i32
      %dma_wait3A_305 = tpu.memref_slice %arg9[%add3A_204, %dma_wait3A_304] : memref<80x125xi32, #tpu.memory_space<vmem>> -> memref<1x125xi32, #tpu.memory_space<vmem>>
      %dma_wait3A_306 = tpu.memref_squeeze %dma_wait3A_305 : memref<1x125xi32, #tpu.memory_space<vmem>> -> memref<125xi32, #tpu.memory_space<vmem>>
      %dma_wait3A_307 = arith.constant 0 : i32
      %dma_wait3A_308 = arith.constant 0 : i32
      %dma_wait3A_309 = tpu.memref_slice %arg3[%dma_wait3A_307, %dma_wait3A_308] : memref<10000x64xf32, #tpu.memory_space<hbm>> -> memref<10000x64xf32, #tpu.memory_space<hbm>>
      tpu.wait_indirect_dma semaphore(%arg11 : memref<!tpu.dma_semaphore, #tpu.memory_space<semaphore_mem>>) src(%dma_wait3A_309 : memref<10000x64xf32, #tpu.memory_space<hbm>>) dst(%dma_wait3A_303 : memref<125x64xf32, #tpu.memory_space<vmem>>)
      %dma_wait3A_310 = arith.constant 250 : i32
      %dma_wait3A_311 = arith.constant 0 : i32
      %dma_wait3A_312 = tpu.memref_slice %arg10[%dma_wait3A_310, %dma_wait3A_311] : memref<1000x64xf32, #tpu.memory_space<vmem>> -> memref<125x64xf32, #tpu.memory_space<vmem>>
      %dma_wait3A_313 = arith.constant 0 : i32
      %dma_wait3A_314 = tpu.memref_slice %arg9[%add3A_217, %dma_wait3A_313] : memref<80x125xi32, #tpu.memory_space<vmem>> -> memref<1x125xi32, #tpu.memory_space<vmem>>
      %dma_wait3A_315 = tpu.memref_squeeze %dma_wait3A_314 : memref<1x125xi32, #tpu.memory_space<vmem>> -> memref<125xi32, #tpu.memory_space<vmem>>
      %dma_wait3A_316 = arith.constant 0 : i32
      %dma_wait3A_317 = arith.constant 0 : i32
      %dma_wait3A_318 = tpu.memref_slice %arg3[%dma_wait3A_316, %dma_wait3A_317] : memref<10000x64xf32, #tpu.memory_space<hbm>> -> memref<10000x64xf32, #tpu.memory_space<hbm>>
      tpu.wait_indirect_dma semaphore(%arg11 : memref<!tpu.dma_semaphore, #tpu.memory_space<semaphore_mem>>) src(%dma_wait3A_318 : memref<10000x64xf32, #tpu.memory_space<hbm>>) dst(%dma_wait3A_312 : memref<125x64xf32, #tpu.memory_space<vmem>>)
      %dma_wait3A_319 = arith.constant 375 : i32
      %dma_wait3A_320 = arith.constant 0 : i32
      %dma_wait3A_321 = tpu.memref_slice %arg10[%dma_wait3A_319, %dma_wait3A_320] : memref<1000x64xf32, #tpu.memory_space<vmem>> -> memref<125x64xf32, #tpu.memory_space<vmem>>
      %dma_wait3A_322 = arith.constant 0 : i32
      %dma_wait3A_323 = tpu.memref_slice %arg9[%add3A_230, %dma_wait3A_322] : memref<80x125xi32, #tpu.memory_space<vmem>> -> memref<1x125xi32, #tpu.memory_space<vmem>>
      %dma_wait3A_324 = tpu.memref_squeeze %dma_wait3A_323 : memref<1x125xi32, #tpu.memory_space<vmem>> -> memref<125xi32, #tpu.memory_space<vmem>>
      %dma_wait3A_325 = arith.constant 0 : i32
      %dma_wait3A_326 = arith.constant 0 : i32
      %dma_wait3A_327 = tpu.memref_slice %arg3[%dma_wait3A_325, %dma_wait3A_326] : memref<10000x64xf32, #tpu.memory_space<hbm>> -> memref<10000x64xf32, #tpu.memory_space<hbm>>
      tpu.wait_indirect_dma semaphore(%arg11 : memref<!tpu.dma_semaphore, #tpu.memory_space<semaphore_mem>>) src(%dma_wait3A_327 : memref<10000x64xf32, #tpu.memory_space<hbm>>) dst(%dma_wait3A_321 : memref<125x64xf32, #tpu.memory_space<vmem>>)
      %dma_wait3A_328 = arith.constant 500 : i32
      %dma_wait3A_329 = arith.constant 0 : i32
      %dma_wait3A_330 = tpu.memref_slice %arg10[%dma_wait3A_328, %dma_wait3A_329] : memref<1000x64xf32, #tpu.memory_space<vmem>> -> memref<125x64xf32, #tpu.memory_space<vmem>>
      %dma_wait3A_331 = arith.constant 0 : i32
      %dma_wait3A_332 = tpu.memref_slice %arg9[%add3A_243, %dma_wait3A_331] : memref<80x125xi32, #tpu.memory_space<vmem>> -> memref<1x125xi32, #tpu.memory_space<vmem>>
      %dma_wait3A_333 = tpu.memref_squeeze %dma_wait3A_332 : memref<1x125xi32, #tpu.memory_space<vmem>> -> memref<125xi32, #tpu.memory_space<vmem>>
      %dma_wait3A_334 = arith.constant 0 : i32
      %dma_wait3A_335 = arith.constant 0 : i32
      %dma_wait3A_336 = tpu.memref_slice %arg3[%dma_wait3A_334, %dma_wait3A_335] : memref<10000x64xf32, #tpu.memory_space<hbm>> -> memref<10000x64xf32, #tpu.memory_space<hbm>>
      tpu.wait_indirect_dma semaphore(%arg11 : memref<!tpu.dma_semaphore, #tpu.memory_space<semaphore_mem>>) src(%dma_wait3A_336 : memref<10000x64xf32, #tpu.memory_space<hbm>>) dst(%dma_wait3A_330 : memref<125x64xf32, #tpu.memory_space<vmem>>)
      %dma_wait3A_337 = arith.constant 625 : i32
      %dma_wait3A_338 = arith.constant 0 : i32
      %dma_wait3A_339 = tpu.memref_slice %arg10[%dma_wait3A_337, %dma_wait3A_338] : memref<1000x64xf32, #tpu.memory_space<vmem>> -> memref<125x64xf32, #tpu.memory_space<vmem>>
      %dma_wait3A_340 = arith.constant 0 : i32
      %dma_wait3A_341 = tpu.memref_slice %arg9[%add3A_256, %dma_wait3A_340] : memref<80x125xi32, #tpu.memory_space<vmem>> -> memref<1x125xi32, #tpu.memory_space<vmem>>
      %dma_wait3A_342 = tpu.memref_squeeze %dma_wait3A_341 : memref<1x125xi32, #tpu.memory_space<vmem>> -> memref<125xi32, #tpu.memory_space<vmem>>
      %dma_wait3A_343 = arith.constant 0 : i32
      %dma_wait3A_344 = arith.constant 0 : i32
      %dma_wait3A_345 = tpu.memref_slice %arg3[%dma_wait3A_343, %dma_wait3A_344] : memref<10000x64xf32, #tpu.memory_space<hbm>> -> memref<10000x64xf32, #tpu.memory_space<hbm>>
      tpu.wait_indirect_dma semaphore(%arg11 : memref<!tpu.dma_semaphore, #tpu.memory_space<semaphore_mem>>) src(%dma_wait3A_345 : memref<10000x64xf32, #tpu.memory_space<hbm>>) dst(%dma_wait3A_339 : memref<125x64xf32, #tpu.memory_space<vmem>>)
      %dma_wait3A_346 = arith.constant 750 : i32
      %dma_wait3A_347 = arith.constant 0 : i32
      %dma_wait3A_348 = tpu.memref_slice %arg10[%dma_wait3A_346, %dma_wait3A_347] : memref<1000x64xf32, #tpu.memory_space<vmem>> -> memref<125x64xf32, #tpu.memory_space<vmem>>
      %dma_wait3A_349 = arith.constant 0 : i32
      %dma_wait3A_350 = tpu.memref_slice %arg9[%add3A_269, %dma_wait3A_349] : memref<80x125xi32, #tpu.memory_space<vmem>> -> memref<1x125xi32, #tpu.memory_space<vmem>>
      %dma_wait3A_351 = tpu.memref_squeeze %dma_wait3A_350 : memref<1x125xi32, #tpu.memory_space<vmem>> -> memref<125xi32, #tpu.memory_space<vmem>>
      %dma_wait3A_352 = arith.constant 0 : i32
      %dma_wait3A_353 = arith.constant 0 : i32
      %dma_wait3A_354 = tpu.memref_slice %arg3[%dma_wait3A_352, %dma_wait3A_353] : memref<10000x64xf32, #tpu.memory_space<hbm>> -> memref<10000x64xf32, #tpu.memory_space<hbm>>
      tpu.wait_indirect_dma semaphore(%arg11 : memref<!tpu.dma_semaphore, #tpu.memory_space<semaphore_mem>>) src(%dma_wait3A_354 : memref<10000x64xf32, #tpu.memory_space<hbm>>) dst(%dma_wait3A_348 : memref<125x64xf32, #tpu.memory_space<vmem>>)
      %dma_wait3A_355 = arith.constant 875 : i32
      %dma_wait3A_356 = arith.constant 0 : i32
      %dma_wait3A_357 = tpu.memref_slice %arg10[%dma_wait3A_355, %dma_wait3A_356] : memref<1000x64xf32, #tpu.memory_space<vmem>> -> memref<125x64xf32, #tpu.memory_space<vmem>>
      %dma_wait3A_358 = arith.constant 0 : i32
      %dma_wait3A_359 = tpu.memref_slice %arg9[%add3A_282, %dma_wait3A_358] : memref<80x125xi32, #tpu.memory_space<vmem>> -> memref<1x125xi32, #tpu.memory_space<vmem>>
      %dma_wait3A_360 = tpu.memref_squeeze %dma_wait3A_359 : memref<1x125xi32, #tpu.memory_space<vmem>> -> memref<125xi32, #tpu.memory_space<vmem>>
      %dma_wait3A_361 = arith.constant 0 : i32
      %dma_wait3A_362 = arith.constant 0 : i32
      %dma_wait3A_363 = tpu.memref_slice %arg3[%dma_wait3A_361, %dma_wait3A_362] : memref<10000x64xf32, #tpu.memory_space<hbm>> -> memref<10000x64xf32, #tpu.memory_space<hbm>>
      tpu.wait_indirect_dma semaphore(%arg11 : memref<!tpu.dma_semaphore, #tpu.memory_space<semaphore_mem>>) src(%dma_wait3A_363 : memref<10000x64xf32, #tpu.memory_space<hbm>>) dst(%dma_wait3A_357 : memref<125x64xf32, #tpu.memory_space<vmem>>)
      "tpu.region"() ({
        %run_scoped3A = tpu.sem_alloc : memref<!tpu.dma_semaphore, #tpu.memory_space<semaphore_mem>>
        %dma_start3A_364 = arith.constant 0 : i32
        %dma_start3A_365 = tpu.memref_slice %arg7[%add3A_13, %dma_start3A_364] : memref<320000x64xf32, #tpu.memory_space<hbm>> -> memref<1000x64xf32, #tpu.memory_space<hbm>>
        %dma_start3A_366 = arith.constant 0 : i32
        %dma_start3A_367 = tpu.memref_slice %arg7[%add3A_13, %dma_start3A_366] : memref<320000x64xf32, #tpu.memory_space<hbm>> -> memref<1000x64xf32, #tpu.memory_space<hbm>>
        tpu.enqueue_dma source(%arg10 : memref<1000x64xf32, #tpu.memory_space<vmem>>) target(%dma_start3A_367 : memref<1000x64xf32, #tpu.memory_space<hbm>>) target_semaphore(%run_scoped3A : memref<!tpu.dma_semaphore, #tpu.memory_space<semaphore_mem>>)
        %dma_wait3A_368 = arith.constant 0 : i32
        %dma_wait3A_369 = tpu.memref_slice %arg7[%add3A_13, %dma_wait3A_368] : memref<320000x64xf32, #tpu.memory_space<hbm>> -> memref<1000x64xf32, #tpu.memory_space<hbm>>
        %dma_wait3A_370 = arith.constant 0 : i32
        %dma_wait3A_371 = tpu.memref_slice %arg7[%add3A_13, %dma_wait3A_370] : memref<320000x64xf32, #tpu.memory_space<hbm>> -> memref<1000x64xf32, #tpu.memory_space<hbm>>
        tpu.wait_dma2 semaphore(%run_scoped3A : memref<!tpu.dma_semaphore, #tpu.memory_space<semaphore_mem>>) src(%arg10 : memref<1000x64xf32, #tpu.memory_space<vmem>>) dst(%dma_wait3A_371 : memref<1000x64xf32, #tpu.memory_space<hbm>>)
        tpu.yield
      }) : () -> ()
    }
    %scan3A_9 = arith.constant 10 : i32
    return
  }
}

#map = affine_map<(d0, d1) -> (0, 0)>
module attributes {stable_mosaic.version = 14 : i64} {
  func.func @gk(%arg0: i32, %arg1: i32, %arg2: memref<10000x64xf32, #tpu.memory_space<hbm>>, %arg3: memref<10000x64xf32, #tpu.memory_space<hbm>>, %arg4: memref<2560x125xi32, #tpu.memory_space<hbm>>, %arg5: memref<2560x125xi32, #tpu.memory_space<hbm>>, %arg6: memref<320000x64xf32, #tpu.memory_space<hbm>>, %arg7: memref<320000x64xf32, #tpu.memory_space<hbm>>, %arg8: memref<80x125xi32, #tpu.memory_space<vmem>>, %arg9: memref<80x125xi32, #tpu.memory_space<vmem>>, %arg10: memref<1000x64xf32, #tpu.memory_space<vmem>>, %arg11: memref<!tpu.dma_semaphore, #tpu.memory_space<semaphore_mem>>) attributes {dimension_semantics = [#tpu.dimension_semantics<core_parallel>, #tpu.dimension_semantics<subcore_parallel>], iteration_bounds = array<i64: 2, 16>, scalar_prefetch = 0 : i64, scratch_operands = 4 : i64, tpu.core_type = #tpu.core_type<sc_vector_subcore>, window_params = [{transform_indices = #map}, {transform_indices = #map}, {transform_indices = #map}, {transform_indices = #map}, {transform_indices = #map}, {transform_indices = #map}]} {
    %mul3A = arith.constant 2 : i32
    %mul3A_0 = arith.muli %arg1, %mul3A : i32
    %add3A = arith.addi %mul3A_0, %arg0 : i32
    %mul3A_1 = arith.constant 80 : i32
    %mul3A_2 = arith.muli %add3A, %mul3A_1 : i32
    %mul3A_3 = arith.constant 10000 : i32
    %mul3A_4 = arith.muli %add3A, %mul3A_3 : i32
    "tpu.region"() ({
      %run_scoped3A = tpu.sem_alloc : memref<!tpu.dma_semaphore, #tpu.memory_space<semaphore_mem>>
      %dma_start3A = arith.constant 0 : i32
      %dma_start3A_10 = tpu.memref_slice %arg4[%mul3A_2, %dma_start3A] : memref<2560x125xi32, #tpu.memory_space<hbm>> -> memref<80x125xi32, #tpu.memory_space<hbm>>
      %dma_start3A_11 = arith.constant 0 : i32
      %dma_start3A_12 = tpu.memref_slice %arg4[%mul3A_2, %dma_start3A_11] : memref<2560x125xi32, #tpu.memory_space<hbm>> -> memref<80x125xi32, #tpu.memory_space<hbm>>
      tpu.enqueue_dma source(%dma_start3A_12 : memref<80x125xi32, #tpu.memory_space<hbm>>) target(%arg8 : memref<80x125xi32, #tpu.memory_space<vmem>>) target_semaphore(%run_scoped3A : memref<!tpu.dma_semaphore, #tpu.memory_space<semaphore_mem>>)
      %dma_wait3A = arith.constant 0 : i32
      %dma_wait3A_13 = tpu.memref_slice %arg4[%mul3A_2, %dma_wait3A] : memref<2560x125xi32, #tpu.memory_space<hbm>> -> memref<80x125xi32, #tpu.memory_space<hbm>>
      %dma_wait3A_14 = arith.constant 0 : i32
      %dma_wait3A_15 = tpu.memref_slice %arg4[%mul3A_2, %dma_wait3A_14] : memref<2560x125xi32, #tpu.memory_space<hbm>> -> memref<80x125xi32, #tpu.memory_space<hbm>>
      tpu.wait_dma2 semaphore(%run_scoped3A : memref<!tpu.dma_semaphore, #tpu.memory_space<semaphore_mem>>) src(%dma_wait3A_15 : memref<80x125xi32, #tpu.memory_space<hbm>>) dst(%arg8 : memref<80x125xi32, #tpu.memory_space<vmem>>)
      tpu.yield
    }) : () -> ()
    "tpu.region"() ({
      %run_scoped3A = tpu.sem_alloc : memref<!tpu.dma_semaphore, #tpu.memory_space<semaphore_mem>>
      %dma_start3A = arith.constant 0 : i32
      %dma_start3A_10 = tpu.memref_slice %arg5[%mul3A_2, %dma_start3A] : memref<2560x125xi32, #tpu.memory_space<hbm>> -> memref<80x125xi32, #tpu.memory_space<hbm>>
      %dma_start3A_11 = arith.constant 0 : i32
      %dma_start3A_12 = tpu.memref_slice %arg5[%mul3A_2, %dma_start3A_11] : memref<2560x125xi32, #tpu.memory_space<hbm>> -> memref<80x125xi32, #tpu.memory_space<hbm>>
      tpu.enqueue_dma source(%dma_start3A_12 : memref<80x125xi32, #tpu.memory_space<hbm>>) target(%arg9 : memref<80x125xi32, #tpu.memory_space<vmem>>) target_semaphore(%run_scoped3A : memref<!tpu.dma_semaphore, #tpu.memory_space<semaphore_mem>>)
      %dma_wait3A = arith.constant 0 : i32
      %dma_wait3A_13 = tpu.memref_slice %arg5[%mul3A_2, %dma_wait3A] : memref<2560x125xi32, #tpu.memory_space<hbm>> -> memref<80x125xi32, #tpu.memory_space<hbm>>
      %dma_wait3A_14 = arith.constant 0 : i32
      %dma_wait3A_15 = tpu.memref_slice %arg5[%mul3A_2, %dma_wait3A_14] : memref<2560x125xi32, #tpu.memory_space<hbm>> -> memref<80x125xi32, #tpu.memory_space<hbm>>
      tpu.wait_dma2 semaphore(%run_scoped3A : memref<!tpu.dma_semaphore, #tpu.memory_space<semaphore_mem>>) src(%dma_wait3A_15 : memref<80x125xi32, #tpu.memory_space<hbm>>) dst(%arg9 : memref<80x125xi32, #tpu.memory_space<vmem>>)
      tpu.yield
    }) : () -> ()
    %scan3A = arith.constant 0 : i32
    %scan3A_5 = arith.constant 0 : i32
    %scan3A_6 = arith.constant 10 : i32
    %scan3A_7 = arith.addi %scan3A_5, %scan3A_6 : i32
    %scan3A_8 = arith.constant 1 : i32
    scf.for %scan3A_10 = %scan3A_5 to %scan3A_7 step %scan3A_8  : i32 {
      %mul3A_11 = arith.constant 1000 : i32
      %mul3A_12 = arith.muli %scan3A_10, %mul3A_11 : i32
      %add3A_13 = arith.addi %mul3A_4, %mul3A_12 : i32
      %mul3A_14 = arith.constant 8 : i32
      %mul3A_15 = arith.muli %scan3A_10, %mul3A_14 : i32
      %add3A_16 = arith.constant 0 : i32
      %add3A_17 = arith.addi %mul3A_15, %add3A_16 : i32
      %dma_start3A = arith.constant 0 : i32
      %dma_start3A_18 = arith.constant 0 : i32
      %dma_start3A_19 = tpu.memref_slice %arg10[%dma_start3A, %dma_start3A_18] : memref<1000x64xf32, #tpu.memory_space<vmem>> -> memref<125x64xf32, #tpu.memory_space<vmem>>
      %dma_start3A_20 = arith.constant 0 : i32
      %dma_start3A_21 = tpu.memref_slice %arg8[%add3A_17, %dma_start3A_20] : memref<80x125xi32, #tpu.memory_space<vmem>> -> memref<1x125xi32, #tpu.memory_space<vmem>>
      %dma_start3A_22 = tpu.memref_squeeze %dma_start3A_21 : memref<1x125xi32, #tpu.memory_space<vmem>> -> memref<125xi32, #tpu.memory_space<vmem>>
      %dma_start3A_23 = arith.constant 0 : i32
      %dma_start3A_24 = arith.constant 0 : i32
      %dma_start3A_25 = tpu.memref_slice %arg2[%dma_start3A_23, %dma_start3A_24] : memref<10000x64xf32, #tpu.memory_space<hbm>> -> memref<10000x64xf32, #tpu.memory_space<hbm>>
      tpu.enqueue_indirect_dma source(%dma_start3A_25 : memref<10000x64xf32, #tpu.memory_space<hbm>>) target(%dma_start3A_19 : memref<125x64xf32, #tpu.memory_space<vmem>>) offsets(%dma_start3A_22 : memref<125xi32, #tpu.memory_space<vmem>>) semaphore(%arg11 : memref<!tpu.dma_semaphore, #tpu.memory_space<semaphore_mem>>)
      %mul3A_26 = arith.constant 8 : i32
      %mul3A_27 = arith.muli %scan3A_10, %mul3A_26 : i32
      %add3A_28 = arith.constant 1 : i32
      %add3A_29 = arith.addi %mul3A_27, %add3A_28 : i32
      %dma_start3A_30 = arith.constant 125 : i32
      %dma_start3A_31 = arith.constant 0 : i32
      %dma_start3A_32 = tpu.memref_slice %arg10[%dma_start3A_30, %dma_start3A_31] : memref<1000x64xf32, #tpu.memory_space<vmem>> -> memref<125x64xf32, #tpu.memory_space<vmem>>
      %dma_start3A_33 = arith.constant 0 : i32
      %dma_start3A_34 = tpu.memref_slice %arg8[%add3A_29, %dma_start3A_33] : memref<80x125xi32, #tpu.memory_space<vmem>> -> memref<1x125xi32, #tpu.memory_space<vmem>>
      %dma_start3A_35 = tpu.memref_squeeze %dma_start3A_34 : memref<1x125xi32, #tpu.memory_space<vmem>> -> memref<125xi32, #tpu.memory_space<vmem>>
      %dma_start3A_36 = arith.constant 0 : i32
      %dma_start3A_37 = arith.constant 0 : i32
      %dma_start3A_38 = tpu.memref_slice %arg2[%dma_start3A_36, %dma_start3A_37] : memref<10000x64xf32, #tpu.memory_space<hbm>> -> memref<10000x64xf32, #tpu.memory_space<hbm>>
      tpu.enqueue_indirect_dma source(%dma_start3A_38 : memref<10000x64xf32, #tpu.memory_space<hbm>>) target(%dma_start3A_32 : memref<125x64xf32, #tpu.memory_space<vmem>>) offsets(%dma_start3A_35 : memref<125xi32, #tpu.memory_space<vmem>>) semaphore(%arg11 : memref<!tpu.dma_semaphore, #tpu.memory_space<semaphore_mem>>)
      %mul3A_39 = arith.constant 8 : i32
      %mul3A_40 = arith.muli %scan3A_10, %mul3A_39 : i32
      %add3A_41 = arith.constant 2 : i32
      %add3A_42 = arith.addi %mul3A_40, %add3A_41 : i32
      %dma_start3A_43 = arith.constant 250 : i32
      %dma_start3A_44 = arith.constant 0 : i32
      %dma_start3A_45 = tpu.memref_slice %arg10[%dma_start3A_43, %dma_start3A_44] : memref<1000x64xf32, #tpu.memory_space<vmem>> -> memref<125x64xf32, #tpu.memory_space<vmem>>
      %dma_start3A_46 = arith.constant 0 : i32
      %dma_start3A_47 = tpu.memref_slice %arg8[%add3A_42, %dma_start3A_46] : memref<80x125xi32, #tpu.memory_space<vmem>> -> memref<1x125xi32, #tpu.memory_space<vmem>>
      %dma_start3A_48 = tpu.memref_squeeze %dma_start3A_47 : memref<1x125xi32, #tpu.memory_space<vmem>> -> memref<125xi32, #tpu.memory_space<vmem>>
      %dma_start3A_49 = arith.constant 0 : i32
      %dma_start3A_50 = arith.constant 0 : i32
      %dma_start3A_51 = tpu.memref_slice %arg2[%dma_start3A_49, %dma_start3A_50] : memref<10000x64xf32, #tpu.memory_space<hbm>> -> memref<10000x64xf32, #tpu.memory_space<hbm>>
      tpu.enqueue_indirect_dma source(%dma_start3A_51 : memref<10000x64xf32, #tpu.memory_space<hbm>>) target(%dma_start3A_45 : memref<125x64xf32, #tpu.memory_space<vmem>>) offsets(%dma_start3A_48 : memref<125xi32, #tpu.memory_space<vmem>>) semaphore(%arg11 : memref<!tpu.dma_semaphore, #tpu.memory_space<semaphore_mem>>)
      %mul3A_52 = arith.constant 8 : i32
      %mul3A_53 = arith.muli %scan3A_10, %mul3A_52 : i32
      %add3A_54 = arith.constant 3 : i32
      %add3A_55 = arith.addi %mul3A_53, %add3A_54 : i32
      %dma_start3A_56 = arith.constant 375 : i32
      %dma_start3A_57 = arith.constant 0 : i32
      %dma_start3A_58 = tpu.memref_slice %arg10[%dma_start3A_56, %dma_start3A_57] : memref<1000x64xf32, #tpu.memory_space<vmem>> -> memref<125x64xf32, #tpu.memory_space<vmem>>
      %dma_start3A_59 = arith.constant 0 : i32
      %dma_start3A_60 = tpu.memref_slice %arg8[%add3A_55, %dma_start3A_59] : memref<80x125xi32, #tpu.memory_space<vmem>> -> memref<1x125xi32, #tpu.memory_space<vmem>>
      %dma_start3A_61 = tpu.memref_squeeze %dma_start3A_60 : memref<1x125xi32, #tpu.memory_space<vmem>> -> memref<125xi32, #tpu.memory_space<vmem>>
      %dma_start3A_62 = arith.constant 0 : i32
      %dma_start3A_63 = arith.constant 0 : i32
      %dma_start3A_64 = tpu.memref_slice %arg2[%dma_start3A_62, %dma_start3A_63] : memref<10000x64xf32, #tpu.memory_space<hbm>> -> memref<10000x64xf32, #tpu.memory_space<hbm>>
      tpu.enqueue_indirect_dma source(%dma_start3A_64 : memref<10000x64xf32, #tpu.memory_space<hbm>>) target(%dma_start3A_58 : memref<125x64xf32, #tpu.memory_space<vmem>>) offsets(%dma_start3A_61 : memref<125xi32, #tpu.memory_space<vmem>>) semaphore(%arg11 : memref<!tpu.dma_semaphore, #tpu.memory_space<semaphore_mem>>)
      %mul3A_65 = arith.constant 8 : i32
      %mul3A_66 = arith.muli %scan3A_10, %mul3A_65 : i32
      %add3A_67 = arith.constant 4 : i32
      %add3A_68 = arith.addi %mul3A_66, %add3A_67 : i32
      %dma_start3A_69 = arith.constant 500 : i32
      %dma_start3A_70 = arith.constant 0 : i32
      %dma_start3A_71 = tpu.memref_slice %arg10[%dma_start3A_69, %dma_start3A_70] : memref<1000x64xf32, #tpu.memory_space<vmem>> -> memref<125x64xf32, #tpu.memory_space<vmem>>
      %dma_start3A_72 = arith.constant 0 : i32
      %dma_start3A_73 = tpu.memref_slice %arg8[%add3A_68, %dma_start3A_72] : memref<80x125xi32, #tpu.memory_space<vmem>> -> memref<1x125xi32, #tpu.memory_space<vmem>>
      %dma_start3A_74 = tpu.memref_squeeze %dma_start3A_73 : memref<1x125xi32, #tpu.memory_space<vmem>> -> memref<125xi32, #tpu.memory_space<vmem>>
      %dma_start3A_75 = arith.constant 0 : i32
      %dma_start3A_76 = arith.constant 0 : i32
      %dma_start3A_77 = tpu.memref_slice %arg2[%dma_start3A_75, %dma_start3A_76] : memref<10000x64xf32, #tpu.memory_space<hbm>> -> memref<10000x64xf32, #tpu.memory_space<hbm>>
      tpu.enqueue_indirect_dma source(%dma_start3A_77 : memref<10000x64xf32, #tpu.memory_space<hbm>>) target(%dma_start3A_71 : memref<125x64xf32, #tpu.memory_space<vmem>>) offsets(%dma_start3A_74 : memref<125xi32, #tpu.memory_space<vmem>>) semaphore(%arg11 : memref<!tpu.dma_semaphore, #tpu.memory_space<semaphore_mem>>)
      %mul3A_78 = arith.constant 8 : i32
      %mul3A_79 = arith.muli %scan3A_10, %mul3A_78 : i32
      %add3A_80 = arith.constant 5 : i32
      %add3A_81 = arith.addi %mul3A_79, %add3A_80 : i32
      %dma_start3A_82 = arith.constant 625 : i32
      %dma_start3A_83 = arith.constant 0 : i32
      %dma_start3A_84 = tpu.memref_slice %arg10[%dma_start3A_82, %dma_start3A_83] : memref<1000x64xf32, #tpu.memory_space<vmem>> -> memref<125x64xf32, #tpu.memory_space<vmem>>
      %dma_start3A_85 = arith.constant 0 : i32
      %dma_start3A_86 = tpu.memref_slice %arg8[%add3A_81, %dma_start3A_85] : memref<80x125xi32, #tpu.memory_space<vmem>> -> memref<1x125xi32, #tpu.memory_space<vmem>>
      %dma_start3A_87 = tpu.memref_squeeze %dma_start3A_86 : memref<1x125xi32, #tpu.memory_space<vmem>> -> memref<125xi32, #tpu.memory_space<vmem>>
      %dma_start3A_88 = arith.constant 0 : i32
      %dma_start3A_89 = arith.constant 0 : i32
      %dma_start3A_90 = tpu.memref_slice %arg2[%dma_start3A_88, %dma_start3A_89] : memref<10000x64xf32, #tpu.memory_space<hbm>> -> memref<10000x64xf32, #tpu.memory_space<hbm>>
      tpu.enqueue_indirect_dma source(%dma_start3A_90 : memref<10000x64xf32, #tpu.memory_space<hbm>>) target(%dma_start3A_84 : memref<125x64xf32, #tpu.memory_space<vmem>>) offsets(%dma_start3A_87 : memref<125xi32, #tpu.memory_space<vmem>>) semaphore(%arg11 : memref<!tpu.dma_semaphore, #tpu.memory_space<semaphore_mem>>)
      %mul3A_91 = arith.constant 8 : i32
      %mul3A_92 = arith.muli %scan3A_10, %mul3A_91 : i32
      %add3A_93 = arith.constant 6 : i32
      %add3A_94 = arith.addi %mul3A_92, %add3A_93 : i32
      %dma_start3A_95 = arith.constant 750 : i32
      %dma_start3A_96 = arith.constant 0 : i32
      %dma_start3A_97 = tpu.memref_slice %arg10[%dma_start3A_95, %dma_start3A_96] : memref<1000x64xf32, #tpu.memory_space<vmem>> -> memref<125x64xf32, #tpu.memory_space<vmem>>
      %dma_start3A_98 = arith.constant 0 : i32
      %dma_start3A_99 = tpu.memref_slice %arg8[%add3A_94, %dma_start3A_98] : memref<80x125xi32, #tpu.memory_space<vmem>> -> memref<1x125xi32, #tpu.memory_space<vmem>>
      %dma_start3A_100 = tpu.memref_squeeze %dma_start3A_99 : memref<1x125xi32, #tpu.memory_space<vmem>> -> memref<125xi32, #tpu.memory_space<vmem>>
      %dma_start3A_101 = arith.constant 0 : i32
      %dma_start3A_102 = arith.constant 0 : i32
      %dma_start3A_103 = tpu.memref_slice %arg2[%dma_start3A_101, %dma_start3A_102] : memref<10000x64xf32, #tpu.memory_space<hbm>> -> memref<10000x64xf32, #tpu.memory_space<hbm>>
      tpu.enqueue_indirect_dma source(%dma_start3A_103 : memref<10000x64xf32, #tpu.memory_space<hbm>>) target(%dma_start3A_97 : memref<125x64xf32, #tpu.memory_space<vmem>>) offsets(%dma_start3A_100 : memref<125xi32, #tpu.memory_space<vmem>>) semaphore(%arg11 : memref<!tpu.dma_semaphore, #tpu.memory_space<semaphore_mem>>)
      %mul3A_104 = arith.constant 8 : i32
      %mul3A_105 = arith.muli %scan3A_10, %mul3A_104 : i32
      %add3A_106 = arith.constant 7 : i32
      %add3A_107 = arith.addi %mul3A_105, %add3A_106 : i32
      %dma_start3A_108 = arith.constant 875 : i32
      %dma_start3A_109 = arith.constant 0 : i32
      %dma_start3A_110 = tpu.memref_slice %arg10[%dma_start3A_108, %dma_start3A_109] : memref<1000x64xf32, #tpu.memory_space<vmem>> -> memref<125x64xf32, #tpu.memory_space<vmem>>
      %dma_start3A_111 = arith.constant 0 : i32
      %dma_start3A_112 = tpu.memref_slice %arg8[%add3A_107, %dma_start3A_111] : memref<80x125xi32, #tpu.memory_space<vmem>> -> memref<1x125xi32, #tpu.memory_space<vmem>>
      %dma_start3A_113 = tpu.memref_squeeze %dma_start3A_112 : memref<1x125xi32, #tpu.memory_space<vmem>> -> memref<125xi32, #tpu.memory_space<vmem>>
      %dma_start3A_114 = arith.constant 0 : i32
      %dma_start3A_115 = arith.constant 0 : i32
      %dma_start3A_116 = tpu.memref_slice %arg2[%dma_start3A_114, %dma_start3A_115] : memref<10000x64xf32, #tpu.memory_space<hbm>> -> memref<10000x64xf32, #tpu.memory_space<hbm>>
      tpu.enqueue_indirect_dma source(%dma_start3A_116 : memref<10000x64xf32, #tpu.memory_space<hbm>>) target(%dma_start3A_110 : memref<125x64xf32, #tpu.memory_space<vmem>>) offsets(%dma_start3A_113 : memref<125xi32, #tpu.memory_space<vmem>>) semaphore(%arg11 : memref<!tpu.dma_semaphore, #tpu.memory_space<semaphore_mem>>)
      %dma_wait3A = arith.constant 0 : i32
      %dma_wait3A_117 = arith.constant 0 : i32
      %dma_wait3A_118 = tpu.memref_slice %arg10[%dma_wait3A, %dma_wait3A_117] : memref<1000x64xf32, #tpu.memory_space<vmem>> -> memref<125x64xf32, #tpu.memory_space<vmem>>
      %dma_wait3A_119 = arith.constant 0 : i32
      %dma_wait3A_120 = tpu.memref_slice %arg8[%add3A_17, %dma_wait3A_119] : memref<80x125xi32, #tpu.memory_space<vmem>> -> memref<1x125xi32, #tpu.memory_space<vmem>>
      %dma_wait3A_121 = tpu.memref_squeeze %dma_wait3A_120 : memref<1x125xi32, #tpu.memory_space<vmem>> -> memref<125xi32, #tpu.memory_space<vmem>>
      %dma_wait3A_122 = arith.constant 0 : i32
      %dma_wait3A_123 = arith.constant 0 : i32
      %dma_wait3A_124 = tpu.memref_slice %arg2[%dma_wait3A_122, %dma_wait3A_123] : memref<10000x64xf32, #tpu.memory_space<hbm>> -> memref<10000x64xf32, #tpu.memory_space<hbm>>
      tpu.wait_indirect_dma semaphore(%arg11 : memref<!tpu.dma_semaphore, #tpu.memory_space<semaphore_mem>>) src(%dma_wait3A_124 : memref<10000x64xf32, #tpu.memory_space<hbm>>) dst(%dma_wait3A_118 : memref<125x64xf32, #tpu.memory_space<vmem>>)
      %dma_wait3A_125 = arith.constant 125 : i32
      %dma_wait3A_126 = arith.constant 0 : i32
      %dma_wait3A_127 = tpu.memref_slice %arg10[%dma_wait3A_125, %dma_wait3A_126] : memref<1000x64xf32, #tpu.memory_space<vmem>> -> memref<125x64xf32, #tpu.memory_space<vmem>>
      %dma_wait3A_128 = arith.constant 0 : i32
      %dma_wait3A_129 = tpu.memref_slice %arg8[%add3A_29, %dma_wait3A_128] : memref<80x125xi32, #tpu.memory_space<vmem>> -> memref<1x125xi32, #tpu.memory_space<vmem>>
      %dma_wait3A_130 = tpu.memref_squeeze %dma_wait3A_129 : memref<1x125xi32, #tpu.memory_space<vmem>> -> memref<125xi32, #tpu.memory_space<vmem>>
      %dma_wait3A_131 = arith.constant 0 : i32
      %dma_wait3A_132 = arith.constant 0 : i32
      %dma_wait3A_133 = tpu.memref_slice %arg2[%dma_wait3A_131, %dma_wait3A_132] : memref<10000x64xf32, #tpu.memory_space<hbm>> -> memref<10000x64xf32, #tpu.memory_space<hbm>>
      tpu.wait_indirect_dma semaphore(%arg11 : memref<!tpu.dma_semaphore, #tpu.memory_space<semaphore_mem>>) src(%dma_wait3A_133 : memref<10000x64xf32, #tpu.memory_space<hbm>>) dst(%dma_wait3A_127 : memref<125x64xf32, #tpu.memory_space<vmem>>)
      %dma_wait3A_134 = arith.constant 250 : i32
      %dma_wait3A_135 = arith.constant 0 : i32
      %dma_wait3A_136 = tpu.memref_slice %arg10[%dma_wait3A_134, %dma_wait3A_135] : memref<1000x64xf32, #tpu.memory_space<vmem>> -> memref<125x64xf32, #tpu.memory_space<vmem>>
      %dma_wait3A_137 = arith.constant 0 : i32
      %dma_wait3A_138 = tpu.memref_slice %arg8[%add3A_42, %dma_wait3A_137] : memref<80x125xi32, #tpu.memory_space<vmem>> -> memref<1x125xi32, #tpu.memory_space<vmem>>
      %dma_wait3A_139 = tpu.memref_squeeze %dma_wait3A_138 : memref<1x125xi32, #tpu.memory_space<vmem>> -> memref<125xi32, #tpu.memory_space<vmem>>
      %dma_wait3A_140 = arith.constant 0 : i32
      %dma_wait3A_141 = arith.constant 0 : i32
      %dma_wait3A_142 = tpu.memref_slice %arg2[%dma_wait3A_140, %dma_wait3A_141] : memref<10000x64xf32, #tpu.memory_space<hbm>> -> memref<10000x64xf32, #tpu.memory_space<hbm>>
      tpu.wait_indirect_dma semaphore(%arg11 : memref<!tpu.dma_semaphore, #tpu.memory_space<semaphore_mem>>) src(%dma_wait3A_142 : memref<10000x64xf32, #tpu.memory_space<hbm>>) dst(%dma_wait3A_136 : memref<125x64xf32, #tpu.memory_space<vmem>>)
      %dma_wait3A_143 = arith.constant 375 : i32
      %dma_wait3A_144 = arith.constant 0 : i32
      %dma_wait3A_145 = tpu.memref_slice %arg10[%dma_wait3A_143, %dma_wait3A_144] : memref<1000x64xf32, #tpu.memory_space<vmem>> -> memref<125x64xf32, #tpu.memory_space<vmem>>
      %dma_wait3A_146 = arith.constant 0 : i32
      %dma_wait3A_147 = tpu.memref_slice %arg8[%add3A_55, %dma_wait3A_146] : memref<80x125xi32, #tpu.memory_space<vmem>> -> memref<1x125xi32, #tpu.memory_space<vmem>>
      %dma_wait3A_148 = tpu.memref_squeeze %dma_wait3A_147 : memref<1x125xi32, #tpu.memory_space<vmem>> -> memref<125xi32, #tpu.memory_space<vmem>>
      %dma_wait3A_149 = arith.constant 0 : i32
      %dma_wait3A_150 = arith.constant 0 : i32
      %dma_wait3A_151 = tpu.memref_slice %arg2[%dma_wait3A_149, %dma_wait3A_150] : memref<10000x64xf32, #tpu.memory_space<hbm>> -> memref<10000x64xf32, #tpu.memory_space<hbm>>
      tpu.wait_indirect_dma semaphore(%arg11 : memref<!tpu.dma_semaphore, #tpu.memory_space<semaphore_mem>>) src(%dma_wait3A_151 : memref<10000x64xf32, #tpu.memory_space<hbm>>) dst(%dma_wait3A_145 : memref<125x64xf32, #tpu.memory_space<vmem>>)
      %dma_wait3A_152 = arith.constant 500 : i32
      %dma_wait3A_153 = arith.constant 0 : i32
      %dma_wait3A_154 = tpu.memref_slice %arg10[%dma_wait3A_152, %dma_wait3A_153] : memref<1000x64xf32, #tpu.memory_space<vmem>> -> memref<125x64xf32, #tpu.memory_space<vmem>>
      %dma_wait3A_155 = arith.constant 0 : i32
      %dma_wait3A_156 = tpu.memref_slice %arg8[%add3A_68, %dma_wait3A_155] : memref<80x125xi32, #tpu.memory_space<vmem>> -> memref<1x125xi32, #tpu.memory_space<vmem>>
      %dma_wait3A_157 = tpu.memref_squeeze %dma_wait3A_156 : memref<1x125xi32, #tpu.memory_space<vmem>> -> memref<125xi32, #tpu.memory_space<vmem>>
      %dma_wait3A_158 = arith.constant 0 : i32
      %dma_wait3A_159 = arith.constant 0 : i32
      %dma_wait3A_160 = tpu.memref_slice %arg2[%dma_wait3A_158, %dma_wait3A_159] : memref<10000x64xf32, #tpu.memory_space<hbm>> -> memref<10000x64xf32, #tpu.memory_space<hbm>>
      tpu.wait_indirect_dma semaphore(%arg11 : memref<!tpu.dma_semaphore, #tpu.memory_space<semaphore_mem>>) src(%dma_wait3A_160 : memref<10000x64xf32, #tpu.memory_space<hbm>>) dst(%dma_wait3A_154 : memref<125x64xf32, #tpu.memory_space<vmem>>)
      %dma_wait3A_161 = arith.constant 625 : i32
      %dma_wait3A_162 = arith.constant 0 : i32
      %dma_wait3A_163 = tpu.memref_slice %arg10[%dma_wait3A_161, %dma_wait3A_162] : memref<1000x64xf32, #tpu.memory_space<vmem>> -> memref<125x64xf32, #tpu.memory_space<vmem>>
      %dma_wait3A_164 = arith.constant 0 : i32
      %dma_wait3A_165 = tpu.memref_slice %arg8[%add3A_81, %dma_wait3A_164] : memref<80x125xi32, #tpu.memory_space<vmem>> -> memref<1x125xi32, #tpu.memory_space<vmem>>
      %dma_wait3A_166 = tpu.memref_squeeze %dma_wait3A_165 : memref<1x125xi32, #tpu.memory_space<vmem>> -> memref<125xi32, #tpu.memory_space<vmem>>
      %dma_wait3A_167 = arith.constant 0 : i32
      %dma_wait3A_168 = arith.constant 0 : i32
      %dma_wait3A_169 = tpu.memref_slice %arg2[%dma_wait3A_167, %dma_wait3A_168] : memref<10000x64xf32, #tpu.memory_space<hbm>> -> memref<10000x64xf32, #tpu.memory_space<hbm>>
      tpu.wait_indirect_dma semaphore(%arg11 : memref<!tpu.dma_semaphore, #tpu.memory_space<semaphore_mem>>) src(%dma_wait3A_169 : memref<10000x64xf32, #tpu.memory_space<hbm>>) dst(%dma_wait3A_163 : memref<125x64xf32, #tpu.memory_space<vmem>>)
      %dma_wait3A_170 = arith.constant 750 : i32
      %dma_wait3A_171 = arith.constant 0 : i32
      %dma_wait3A_172 = tpu.memref_slice %arg10[%dma_wait3A_170, %dma_wait3A_171] : memref<1000x64xf32, #tpu.memory_space<vmem>> -> memref<125x64xf32, #tpu.memory_space<vmem>>
      %dma_wait3A_173 = arith.constant 0 : i32
      %dma_wait3A_174 = tpu.memref_slice %arg8[%add3A_94, %dma_wait3A_173] : memref<80x125xi32, #tpu.memory_space<vmem>> -> memref<1x125xi32, #tpu.memory_space<vmem>>
      %dma_wait3A_175 = tpu.memref_squeeze %dma_wait3A_174 : memref<1x125xi32, #tpu.memory_space<vmem>> -> memref<125xi32, #tpu.memory_space<vmem>>
      %dma_wait3A_176 = arith.constant 0 : i32
      %dma_wait3A_177 = arith.constant 0 : i32
      %dma_wait3A_178 = tpu.memref_slice %arg2[%dma_wait3A_176, %dma_wait3A_177] : memref<10000x64xf32, #tpu.memory_space<hbm>> -> memref<10000x64xf32, #tpu.memory_space<hbm>>
      tpu.wait_indirect_dma semaphore(%arg11 : memref<!tpu.dma_semaphore, #tpu.memory_space<semaphore_mem>>) src(%dma_wait3A_178 : memref<10000x64xf32, #tpu.memory_space<hbm>>) dst(%dma_wait3A_172 : memref<125x64xf32, #tpu.memory_space<vmem>>)
      %dma_wait3A_179 = arith.constant 875 : i32
      %dma_wait3A_180 = arith.constant 0 : i32
      %dma_wait3A_181 = tpu.memref_slice %arg10[%dma_wait3A_179, %dma_wait3A_180] : memref<1000x64xf32, #tpu.memory_space<vmem>> -> memref<125x64xf32, #tpu.memory_space<vmem>>
      %dma_wait3A_182 = arith.constant 0 : i32
      %dma_wait3A_183 = tpu.memref_slice %arg8[%add3A_107, %dma_wait3A_182] : memref<80x125xi32, #tpu.memory_space<vmem>> -> memref<1x125xi32, #tpu.memory_space<vmem>>
      %dma_wait3A_184 = tpu.memref_squeeze %dma_wait3A_183 : memref<1x125xi32, #tpu.memory_space<vmem>> -> memref<125xi32, #tpu.memory_space<vmem>>
      %dma_wait3A_185 = arith.constant 0 : i32
      %dma_wait3A_186 = arith.constant 0 : i32
      %dma_wait3A_187 = tpu.memref_slice %arg2[%dma_wait3A_185, %dma_wait3A_186] : memref<10000x64xf32, #tpu.memory_space<hbm>> -> memref<10000x64xf32, #tpu.memory_space<hbm>>
      tpu.wait_indirect_dma semaphore(%arg11 : memref<!tpu.dma_semaphore, #tpu.memory_space<semaphore_mem>>) src(%dma_wait3A_187 : memref<10000x64xf32, #tpu.memory_space<hbm>>) dst(%dma_wait3A_181 : memref<125x64xf32, #tpu.memory_space<vmem>>)
      "tpu.region"() ({
        %run_scoped3A = tpu.sem_alloc : memref<!tpu.dma_semaphore, #tpu.memory_space<semaphore_mem>>
        %dma_start3A_364 = arith.constant 0 : i32
        %dma_start3A_365 = tpu.memref_slice %arg6[%add3A_13, %dma_start3A_364] : memref<320000x64xf32, #tpu.memory_space<hbm>> -> memref<1000x64xf32, #tpu.memory_space<hbm>>
        %dma_start3A_366 = arith.constant 0 : i32
        %dma_start3A_367 = tpu.memref_slice %arg6[%add3A_13, %dma_start3A_366] : memref<320000x64xf32, #tpu.memory_space<hbm>> -> memref<1000x64xf32, #tpu.memory_space<hbm>>
        tpu.enqueue_dma source(%arg10 : memref<1000x64xf32, #tpu.memory_space<vmem>>) target(%dma_start3A_367 : memref<1000x64xf32, #tpu.memory_space<hbm>>) target_semaphore(%run_scoped3A : memref<!tpu.dma_semaphore, #tpu.memory_space<semaphore_mem>>)
        %dma_wait3A_368 = arith.constant 0 : i32
        %dma_wait3A_369 = tpu.memref_slice %arg6[%add3A_13, %dma_wait3A_368] : memref<320000x64xf32, #tpu.memory_space<hbm>> -> memref<1000x64xf32, #tpu.memory_space<hbm>>
        %dma_wait3A_370 = arith.constant 0 : i32
        %dma_wait3A_371 = tpu.memref_slice %arg6[%add3A_13, %dma_wait3A_370] : memref<320000x64xf32, #tpu.memory_space<hbm>> -> memref<1000x64xf32, #tpu.memory_space<hbm>>
        tpu.wait_dma2 semaphore(%run_scoped3A : memref<!tpu.dma_semaphore, #tpu.memory_space<semaphore_mem>>) src(%arg10 : memref<1000x64xf32, #tpu.memory_space<vmem>>) dst(%dma_wait3A_371 : memref<1000x64xf32, #tpu.memory_space<hbm>>)
        tpu.yield
      }) : () -> ()
      %mul3A_188 = arith.constant 8 : i32
      %mul3A_189 = arith.muli %scan3A_10, %mul3A_188 : i32
      %add3A_190 = arith.constant 0 : i32
      %add3A_191 = arith.addi %mul3A_189, %add3A_190 : i32
      %dma_start3A_192 = arith.constant 0 : i32
      %dma_start3A_193 = arith.constant 0 : i32
      %dma_start3A_194 = tpu.memref_slice %arg10[%dma_start3A_192, %dma_start3A_193] : memref<1000x64xf32, #tpu.memory_space<vmem>> -> memref<125x64xf32, #tpu.memory_space<vmem>>
      %dma_start3A_195 = arith.constant 0 : i32
      %dma_start3A_196 = tpu.memref_slice %arg9[%add3A_191, %dma_start3A_195] : memref<80x125xi32, #tpu.memory_space<vmem>> -> memref<1x125xi32, #tpu.memory_space<vmem>>
      %dma_start3A_197 = tpu.memref_squeeze %dma_start3A_196 : memref<1x125xi32, #tpu.memory_space<vmem>> -> memref<125xi32, #tpu.memory_space<vmem>>
      %dma_start3A_198 = arith.constant 0 : i32
      %dma_start3A_199 = arith.constant 0 : i32
      %dma_start3A_200 = tpu.memref_slice %arg3[%dma_start3A_198, %dma_start3A_199] : memref<10000x64xf32, #tpu.memory_space<hbm>> -> memref<10000x64xf32, #tpu.memory_space<hbm>>
      tpu.enqueue_indirect_dma source(%dma_start3A_200 : memref<10000x64xf32, #tpu.memory_space<hbm>>) target(%dma_start3A_194 : memref<125x64xf32, #tpu.memory_space<vmem>>) offsets(%dma_start3A_197 : memref<125xi32, #tpu.memory_space<vmem>>) semaphore(%arg11 : memref<!tpu.dma_semaphore, #tpu.memory_space<semaphore_mem>>)
      %mul3A_201 = arith.constant 8 : i32
      %mul3A_202 = arith.muli %scan3A_10, %mul3A_201 : i32
      %add3A_203 = arith.constant 1 : i32
      %add3A_204 = arith.addi %mul3A_202, %add3A_203 : i32
      %dma_start3A_205 = arith.constant 125 : i32
      %dma_start3A_206 = arith.constant 0 : i32
      %dma_start3A_207 = tpu.memref_slice %arg10[%dma_start3A_205, %dma_start3A_206] : memref<1000x64xf32, #tpu.memory_space<vmem>> -> memref<125x64xf32, #tpu.memory_space<vmem>>
      %dma_start3A_208 = arith.constant 0 : i32
      %dma_start3A_209 = tpu.memref_slice %arg9[%add3A_204, %dma_start3A_208] : memref<80x125xi32, #tpu.memory_space<vmem>> -> memref<1x125xi32, #tpu.memory_space<vmem>>
      %dma_start3A_210 = tpu.memref_squeeze %dma_start3A_209 : memref<1x125xi32, #tpu.memory_space<vmem>> -> memref<125xi32, #tpu.memory_space<vmem>>
      %dma_start3A_211 = arith.constant 0 : i32
      %dma_start3A_212 = arith.constant 0 : i32
      %dma_start3A_213 = tpu.memref_slice %arg3[%dma_start3A_211, %dma_start3A_212] : memref<10000x64xf32, #tpu.memory_space<hbm>> -> memref<10000x64xf32, #tpu.memory_space<hbm>>
      tpu.enqueue_indirect_dma source(%dma_start3A_213 : memref<10000x64xf32, #tpu.memory_space<hbm>>) target(%dma_start3A_207 : memref<125x64xf32, #tpu.memory_space<vmem>>) offsets(%dma_start3A_210 : memref<125xi32, #tpu.memory_space<vmem>>) semaphore(%arg11 : memref<!tpu.dma_semaphore, #tpu.memory_space<semaphore_mem>>)
      %mul3A_214 = arith.constant 8 : i32
      %mul3A_215 = arith.muli %scan3A_10, %mul3A_214 : i32
      %add3A_216 = arith.constant 2 : i32
      %add3A_217 = arith.addi %mul3A_215, %add3A_216 : i32
      %dma_start3A_218 = arith.constant 250 : i32
      %dma_start3A_219 = arith.constant 0 : i32
      %dma_start3A_220 = tpu.memref_slice %arg10[%dma_start3A_218, %dma_start3A_219] : memref<1000x64xf32, #tpu.memory_space<vmem>> -> memref<125x64xf32, #tpu.memory_space<vmem>>
      %dma_start3A_221 = arith.constant 0 : i32
      %dma_start3A_222 = tpu.memref_slice %arg9[%add3A_217, %dma_start3A_221] : memref<80x125xi32, #tpu.memory_space<vmem>> -> memref<1x125xi32, #tpu.memory_space<vmem>>
      %dma_start3A_223 = tpu.memref_squeeze %dma_start3A_222 : memref<1x125xi32, #tpu.memory_space<vmem>> -> memref<125xi32, #tpu.memory_space<vmem>>
      %dma_start3A_224 = arith.constant 0 : i32
      %dma_start3A_225 = arith.constant 0 : i32
      %dma_start3A_226 = tpu.memref_slice %arg3[%dma_start3A_224, %dma_start3A_225] : memref<10000x64xf32, #tpu.memory_space<hbm>> -> memref<10000x64xf32, #tpu.memory_space<hbm>>
      tpu.enqueue_indirect_dma source(%dma_start3A_226 : memref<10000x64xf32, #tpu.memory_space<hbm>>) target(%dma_start3A_220 : memref<125x64xf32, #tpu.memory_space<vmem>>) offsets(%dma_start3A_223 : memref<125xi32, #tpu.memory_space<vmem>>) semaphore(%arg11 : memref<!tpu.dma_semaphore, #tpu.memory_space<semaphore_mem>>)
      %mul3A_227 = arith.constant 8 : i32
      %mul3A_228 = arith.muli %scan3A_10, %mul3A_227 : i32
      %add3A_229 = arith.constant 3 : i32
      %add3A_230 = arith.addi %mul3A_228, %add3A_229 : i32
      %dma_start3A_231 = arith.constant 375 : i32
      %dma_start3A_232 = arith.constant 0 : i32
      %dma_start3A_233 = tpu.memref_slice %arg10[%dma_start3A_231, %dma_start3A_232] : memref<1000x64xf32, #tpu.memory_space<vmem>> -> memref<125x64xf32, #tpu.memory_space<vmem>>
      %dma_start3A_234 = arith.constant 0 : i32
      %dma_start3A_235 = tpu.memref_slice %arg9[%add3A_230, %dma_start3A_234] : memref<80x125xi32, #tpu.memory_space<vmem>> -> memref<1x125xi32, #tpu.memory_space<vmem>>
      %dma_start3A_236 = tpu.memref_squeeze %dma_start3A_235 : memref<1x125xi32, #tpu.memory_space<vmem>> -> memref<125xi32, #tpu.memory_space<vmem>>
      %dma_start3A_237 = arith.constant 0 : i32
      %dma_start3A_238 = arith.constant 0 : i32
      %dma_start3A_239 = tpu.memref_slice %arg3[%dma_start3A_237, %dma_start3A_238] : memref<10000x64xf32, #tpu.memory_space<hbm>> -> memref<10000x64xf32, #tpu.memory_space<hbm>>
      tpu.enqueue_indirect_dma source(%dma_start3A_239 : memref<10000x64xf32, #tpu.memory_space<hbm>>) target(%dma_start3A_233 : memref<125x64xf32, #tpu.memory_space<vmem>>) offsets(%dma_start3A_236 : memref<125xi32, #tpu.memory_space<vmem>>) semaphore(%arg11 : memref<!tpu.dma_semaphore, #tpu.memory_space<semaphore_mem>>)
      %mul3A_240 = arith.constant 8 : i32
      %mul3A_241 = arith.muli %scan3A_10, %mul3A_240 : i32
      %add3A_242 = arith.constant 4 : i32
      %add3A_243 = arith.addi %mul3A_241, %add3A_242 : i32
      %dma_start3A_244 = arith.constant 500 : i32
      %dma_start3A_245 = arith.constant 0 : i32
      %dma_start3A_246 = tpu.memref_slice %arg10[%dma_start3A_244, %dma_start3A_245] : memref<1000x64xf32, #tpu.memory_space<vmem>> -> memref<125x64xf32, #tpu.memory_space<vmem>>
      %dma_start3A_247 = arith.constant 0 : i32
      %dma_start3A_248 = tpu.memref_slice %arg9[%add3A_243, %dma_start3A_247] : memref<80x125xi32, #tpu.memory_space<vmem>> -> memref<1x125xi32, #tpu.memory_space<vmem>>
      %dma_start3A_249 = tpu.memref_squeeze %dma_start3A_248 : memref<1x125xi32, #tpu.memory_space<vmem>> -> memref<125xi32, #tpu.memory_space<vmem>>
      %dma_start3A_250 = arith.constant 0 : i32
      %dma_start3A_251 = arith.constant 0 : i32
      %dma_start3A_252 = tpu.memref_slice %arg3[%dma_start3A_250, %dma_start3A_251] : memref<10000x64xf32, #tpu.memory_space<hbm>> -> memref<10000x64xf32, #tpu.memory_space<hbm>>
      tpu.enqueue_indirect_dma source(%dma_start3A_252 : memref<10000x64xf32, #tpu.memory_space<hbm>>) target(%dma_start3A_246 : memref<125x64xf32, #tpu.memory_space<vmem>>) offsets(%dma_start3A_249 : memref<125xi32, #tpu.memory_space<vmem>>) semaphore(%arg11 : memref<!tpu.dma_semaphore, #tpu.memory_space<semaphore_mem>>)
      %mul3A_253 = arith.constant 8 : i32
      %mul3A_254 = arith.muli %scan3A_10, %mul3A_253 : i32
      %add3A_255 = arith.constant 5 : i32
      %add3A_256 = arith.addi %mul3A_254, %add3A_255 : i32
      %dma_start3A_257 = arith.constant 625 : i32
      %dma_start3A_258 = arith.constant 0 : i32
      %dma_start3A_259 = tpu.memref_slice %arg10[%dma_start3A_257, %dma_start3A_258] : memref<1000x64xf32, #tpu.memory_space<vmem>> -> memref<125x64xf32, #tpu.memory_space<vmem>>
      %dma_start3A_260 = arith.constant 0 : i32
      %dma_start3A_261 = tpu.memref_slice %arg9[%add3A_256, %dma_start3A_260] : memref<80x125xi32, #tpu.memory_space<vmem>> -> memref<1x125xi32, #tpu.memory_space<vmem>>
      %dma_start3A_262 = tpu.memref_squeeze %dma_start3A_261 : memref<1x125xi32, #tpu.memory_space<vmem>> -> memref<125xi32, #tpu.memory_space<vmem>>
      %dma_start3A_263 = arith.constant 0 : i32
      %dma_start3A_264 = arith.constant 0 : i32
      %dma_start3A_265 = tpu.memref_slice %arg3[%dma_start3A_263, %dma_start3A_264] : memref<10000x64xf32, #tpu.memory_space<hbm>> -> memref<10000x64xf32, #tpu.memory_space<hbm>>
      tpu.enqueue_indirect_dma source(%dma_start3A_265 : memref<10000x64xf32, #tpu.memory_space<hbm>>) target(%dma_start3A_259 : memref<125x64xf32, #tpu.memory_space<vmem>>) offsets(%dma_start3A_262 : memref<125xi32, #tpu.memory_space<vmem>>) semaphore(%arg11 : memref<!tpu.dma_semaphore, #tpu.memory_space<semaphore_mem>>)
      %mul3A_266 = arith.constant 8 : i32
      %mul3A_267 = arith.muli %scan3A_10, %mul3A_266 : i32
      %add3A_268 = arith.constant 6 : i32
      %add3A_269 = arith.addi %mul3A_267, %add3A_268 : i32
      %dma_start3A_270 = arith.constant 750 : i32
      %dma_start3A_271 = arith.constant 0 : i32
      %dma_start3A_272 = tpu.memref_slice %arg10[%dma_start3A_270, %dma_start3A_271] : memref<1000x64xf32, #tpu.memory_space<vmem>> -> memref<125x64xf32, #tpu.memory_space<vmem>>
      %dma_start3A_273 = arith.constant 0 : i32
      %dma_start3A_274 = tpu.memref_slice %arg9[%add3A_269, %dma_start3A_273] : memref<80x125xi32, #tpu.memory_space<vmem>> -> memref<1x125xi32, #tpu.memory_space<vmem>>
      %dma_start3A_275 = tpu.memref_squeeze %dma_start3A_274 : memref<1x125xi32, #tpu.memory_space<vmem>> -> memref<125xi32, #tpu.memory_space<vmem>>
      %dma_start3A_276 = arith.constant 0 : i32
      %dma_start3A_277 = arith.constant 0 : i32
      %dma_start3A_278 = tpu.memref_slice %arg3[%dma_start3A_276, %dma_start3A_277] : memref<10000x64xf32, #tpu.memory_space<hbm>> -> memref<10000x64xf32, #tpu.memory_space<hbm>>
      tpu.enqueue_indirect_dma source(%dma_start3A_278 : memref<10000x64xf32, #tpu.memory_space<hbm>>) target(%dma_start3A_272 : memref<125x64xf32, #tpu.memory_space<vmem>>) offsets(%dma_start3A_275 : memref<125xi32, #tpu.memory_space<vmem>>) semaphore(%arg11 : memref<!tpu.dma_semaphore, #tpu.memory_space<semaphore_mem>>)
      %mul3A_279 = arith.constant 8 : i32
      %mul3A_280 = arith.muli %scan3A_10, %mul3A_279 : i32
      %add3A_281 = arith.constant 7 : i32
      %add3A_282 = arith.addi %mul3A_280, %add3A_281 : i32
      %dma_start3A_283 = arith.constant 875 : i32
      %dma_start3A_284 = arith.constant 0 : i32
      %dma_start3A_285 = tpu.memref_slice %arg10[%dma_start3A_283, %dma_start3A_284] : memref<1000x64xf32, #tpu.memory_space<vmem>> -> memref<125x64xf32, #tpu.memory_space<vmem>>
      %dma_start3A_286 = arith.constant 0 : i32
      %dma_start3A_287 = tpu.memref_slice %arg9[%add3A_282, %dma_start3A_286] : memref<80x125xi32, #tpu.memory_space<vmem>> -> memref<1x125xi32, #tpu.memory_space<vmem>>
      %dma_start3A_288 = tpu.memref_squeeze %dma_start3A_287 : memref<1x125xi32, #tpu.memory_space<vmem>> -> memref<125xi32, #tpu.memory_space<vmem>>
      %dma_start3A_289 = arith.constant 0 : i32
      %dma_start3A_290 = arith.constant 0 : i32
      %dma_start3A_291 = tpu.memref_slice %arg3[%dma_start3A_289, %dma_start3A_290] : memref<10000x64xf32, #tpu.memory_space<hbm>> -> memref<10000x64xf32, #tpu.memory_space<hbm>>
      tpu.enqueue_indirect_dma source(%dma_start3A_291 : memref<10000x64xf32, #tpu.memory_space<hbm>>) target(%dma_start3A_285 : memref<125x64xf32, #tpu.memory_space<vmem>>) offsets(%dma_start3A_288 : memref<125xi32, #tpu.memory_space<vmem>>) semaphore(%arg11 : memref<!tpu.dma_semaphore, #tpu.memory_space<semaphore_mem>>)
      %dma_wait3A_292 = arith.constant 0 : i32
      %dma_wait3A_293 = arith.constant 0 : i32
      %dma_wait3A_294 = tpu.memref_slice %arg10[%dma_wait3A_292, %dma_wait3A_293] : memref<1000x64xf32, #tpu.memory_space<vmem>> -> memref<125x64xf32, #tpu.memory_space<vmem>>
      %dma_wait3A_295 = arith.constant 0 : i32
      %dma_wait3A_296 = tpu.memref_slice %arg9[%add3A_191, %dma_wait3A_295] : memref<80x125xi32, #tpu.memory_space<vmem>> -> memref<1x125xi32, #tpu.memory_space<vmem>>
      %dma_wait3A_297 = tpu.memref_squeeze %dma_wait3A_296 : memref<1x125xi32, #tpu.memory_space<vmem>> -> memref<125xi32, #tpu.memory_space<vmem>>
      %dma_wait3A_298 = arith.constant 0 : i32
      %dma_wait3A_299 = arith.constant 0 : i32
      %dma_wait3A_300 = tpu.memref_slice %arg3[%dma_wait3A_298, %dma_wait3A_299] : memref<10000x64xf32, #tpu.memory_space<hbm>> -> memref<10000x64xf32, #tpu.memory_space<hbm>>
      tpu.wait_indirect_dma semaphore(%arg11 : memref<!tpu.dma_semaphore, #tpu.memory_space<semaphore_mem>>) src(%dma_wait3A_300 : memref<10000x64xf32, #tpu.memory_space<hbm>>) dst(%dma_wait3A_294 : memref<125x64xf32, #tpu.memory_space<vmem>>)
      %dma_wait3A_301 = arith.constant 125 : i32
      %dma_wait3A_302 = arith.constant 0 : i32
      %dma_wait3A_303 = tpu.memref_slice %arg10[%dma_wait3A_301, %dma_wait3A_302] : memref<1000x64xf32, #tpu.memory_space<vmem>> -> memref<125x64xf32, #tpu.memory_space<vmem>>
      %dma_wait3A_304 = arith.constant 0 : i32
      %dma_wait3A_305 = tpu.memref_slice %arg9[%add3A_204, %dma_wait3A_304] : memref<80x125xi32, #tpu.memory_space<vmem>> -> memref<1x125xi32, #tpu.memory_space<vmem>>
      %dma_wait3A_306 = tpu.memref_squeeze %dma_wait3A_305 : memref<1x125xi32, #tpu.memory_space<vmem>> -> memref<125xi32, #tpu.memory_space<vmem>>
      %dma_wait3A_307 = arith.constant 0 : i32
      %dma_wait3A_308 = arith.constant 0 : i32
      %dma_wait3A_309 = tpu.memref_slice %arg3[%dma_wait3A_307, %dma_wait3A_308] : memref<10000x64xf32, #tpu.memory_space<hbm>> -> memref<10000x64xf32, #tpu.memory_space<hbm>>
      tpu.wait_indirect_dma semaphore(%arg11 : memref<!tpu.dma_semaphore, #tpu.memory_space<semaphore_mem>>) src(%dma_wait3A_309 : memref<10000x64xf32, #tpu.memory_space<hbm>>) dst(%dma_wait3A_303 : memref<125x64xf32, #tpu.memory_space<vmem>>)
      %dma_wait3A_310 = arith.constant 250 : i32
      %dma_wait3A_311 = arith.constant 0 : i32
      %dma_wait3A_312 = tpu.memref_slice %arg10[%dma_wait3A_310, %dma_wait3A_311] : memref<1000x64xf32, #tpu.memory_space<vmem>> -> memref<125x64xf32, #tpu.memory_space<vmem>>
      %dma_wait3A_313 = arith.constant 0 : i32
      %dma_wait3A_314 = tpu.memref_slice %arg9[%add3A_217, %dma_wait3A_313] : memref<80x125xi32, #tpu.memory_space<vmem>> -> memref<1x125xi32, #tpu.memory_space<vmem>>
      %dma_wait3A_315 = tpu.memref_squeeze %dma_wait3A_314 : memref<1x125xi32, #tpu.memory_space<vmem>> -> memref<125xi32, #tpu.memory_space<vmem>>
      %dma_wait3A_316 = arith.constant 0 : i32
      %dma_wait3A_317 = arith.constant 0 : i32
      %dma_wait3A_318 = tpu.memref_slice %arg3[%dma_wait3A_316, %dma_wait3A_317] : memref<10000x64xf32, #tpu.memory_space<hbm>> -> memref<10000x64xf32, #tpu.memory_space<hbm>>
      tpu.wait_indirect_dma semaphore(%arg11 : memref<!tpu.dma_semaphore, #tpu.memory_space<semaphore_mem>>) src(%dma_wait3A_318 : memref<10000x64xf32, #tpu.memory_space<hbm>>) dst(%dma_wait3A_312 : memref<125x64xf32, #tpu.memory_space<vmem>>)
      %dma_wait3A_319 = arith.constant 375 : i32
      %dma_wait3A_320 = arith.constant 0 : i32
      %dma_wait3A_321 = tpu.memref_slice %arg10[%dma_wait3A_319, %dma_wait3A_320] : memref<1000x64xf32, #tpu.memory_space<vmem>> -> memref<125x64xf32, #tpu.memory_space<vmem>>
      %dma_wait3A_322 = arith.constant 0 : i32
      %dma_wait3A_323 = tpu.memref_slice %arg9[%add3A_230, %dma_wait3A_322] : memref<80x125xi32, #tpu.memory_space<vmem>> -> memref<1x125xi32, #tpu.memory_space<vmem>>
      %dma_wait3A_324 = tpu.memref_squeeze %dma_wait3A_323 : memref<1x125xi32, #tpu.memory_space<vmem>> -> memref<125xi32, #tpu.memory_space<vmem>>
      %dma_wait3A_325 = arith.constant 0 : i32
      %dma_wait3A_326 = arith.constant 0 : i32
      %dma_wait3A_327 = tpu.memref_slice %arg3[%dma_wait3A_325, %dma_wait3A_326] : memref<10000x64xf32, #tpu.memory_space<hbm>> -> memref<10000x64xf32, #tpu.memory_space<hbm>>
      tpu.wait_indirect_dma semaphore(%arg11 : memref<!tpu.dma_semaphore, #tpu.memory_space<semaphore_mem>>) src(%dma_wait3A_327 : memref<10000x64xf32, #tpu.memory_space<hbm>>) dst(%dma_wait3A_321 : memref<125x64xf32, #tpu.memory_space<vmem>>)
      %dma_wait3A_328 = arith.constant 500 : i32
      %dma_wait3A_329 = arith.constant 0 : i32
      %dma_wait3A_330 = tpu.memref_slice %arg10[%dma_wait3A_328, %dma_wait3A_329] : memref<1000x64xf32, #tpu.memory_space<vmem>> -> memref<125x64xf32, #tpu.memory_space<vmem>>
      %dma_wait3A_331 = arith.constant 0 : i32
      %dma_wait3A_332 = tpu.memref_slice %arg9[%add3A_243, %dma_wait3A_331] : memref<80x125xi32, #tpu.memory_space<vmem>> -> memref<1x125xi32, #tpu.memory_space<vmem>>
      %dma_wait3A_333 = tpu.memref_squeeze %dma_wait3A_332 : memref<1x125xi32, #tpu.memory_space<vmem>> -> memref<125xi32, #tpu.memory_space<vmem>>
      %dma_wait3A_334 = arith.constant 0 : i32
      %dma_wait3A_335 = arith.constant 0 : i32
      %dma_wait3A_336 = tpu.memref_slice %arg3[%dma_wait3A_334, %dma_wait3A_335] : memref<10000x64xf32, #tpu.memory_space<hbm>> -> memref<10000x64xf32, #tpu.memory_space<hbm>>
      tpu.wait_indirect_dma semaphore(%arg11 : memref<!tpu.dma_semaphore, #tpu.memory_space<semaphore_mem>>) src(%dma_wait3A_336 : memref<10000x64xf32, #tpu.memory_space<hbm>>) dst(%dma_wait3A_330 : memref<125x64xf32, #tpu.memory_space<vmem>>)
      %dma_wait3A_337 = arith.constant 625 : i32
      %dma_wait3A_338 = arith.constant 0 : i32
      %dma_wait3A_339 = tpu.memref_slice %arg10[%dma_wait3A_337, %dma_wait3A_338] : memref<1000x64xf32, #tpu.memory_space<vmem>> -> memref<125x64xf32, #tpu.memory_space<vmem>>
      %dma_wait3A_340 = arith.constant 0 : i32
      %dma_wait3A_341 = tpu.memref_slice %arg9[%add3A_256, %dma_wait3A_340] : memref<80x125xi32, #tpu.memory_space<vmem>> -> memref<1x125xi32, #tpu.memory_space<vmem>>
      %dma_wait3A_342 = tpu.memref_squeeze %dma_wait3A_341 : memref<1x125xi32, #tpu.memory_space<vmem>> -> memref<125xi32, #tpu.memory_space<vmem>>
      %dma_wait3A_343 = arith.constant 0 : i32
      %dma_wait3A_344 = arith.constant 0 : i32
      %dma_wait3A_345 = tpu.memref_slice %arg3[%dma_wait3A_343, %dma_wait3A_344] : memref<10000x64xf32, #tpu.memory_space<hbm>> -> memref<10000x64xf32, #tpu.memory_space<hbm>>
      tpu.wait_indirect_dma semaphore(%arg11 : memref<!tpu.dma_semaphore, #tpu.memory_space<semaphore_mem>>) src(%dma_wait3A_345 : memref<10000x64xf32, #tpu.memory_space<hbm>>) dst(%dma_wait3A_339 : memref<125x64xf32, #tpu.memory_space<vmem>>)
      %dma_wait3A_346 = arith.constant 750 : i32
      %dma_wait3A_347 = arith.constant 0 : i32
      %dma_wait3A_348 = tpu.memref_slice %arg10[%dma_wait3A_346, %dma_wait3A_347] : memref<1000x64xf32, #tpu.memory_space<vmem>> -> memref<125x64xf32, #tpu.memory_space<vmem>>
      %dma_wait3A_349 = arith.constant 0 : i32
      %dma_wait3A_350 = tpu.memref_slice %arg9[%add3A_269, %dma_wait3A_349] : memref<80x125xi32, #tpu.memory_space<vmem>> -> memref<1x125xi32, #tpu.memory_space<vmem>>
      %dma_wait3A_351 = tpu.memref_squeeze %dma_wait3A_350 : memref<1x125xi32, #tpu.memory_space<vmem>> -> memref<125xi32, #tpu.memory_space<vmem>>
      %dma_wait3A_352 = arith.constant 0 : i32
      %dma_wait3A_353 = arith.constant 0 : i32
      %dma_wait3A_354 = tpu.memref_slice %arg3[%dma_wait3A_352, %dma_wait3A_353] : memref<10000x64xf32, #tpu.memory_space<hbm>> -> memref<10000x64xf32, #tpu.memory_space<hbm>>
      tpu.wait_indirect_dma semaphore(%arg11 : memref<!tpu.dma_semaphore, #tpu.memory_space<semaphore_mem>>) src(%dma_wait3A_354 : memref<10000x64xf32, #tpu.memory_space<hbm>>) dst(%dma_wait3A_348 : memref<125x64xf32, #tpu.memory_space<vmem>>)
      %dma_wait3A_355 = arith.constant 875 : i32
      %dma_wait3A_356 = arith.constant 0 : i32
      %dma_wait3A_357 = tpu.memref_slice %arg10[%dma_wait3A_355, %dma_wait3A_356] : memref<1000x64xf32, #tpu.memory_space<vmem>> -> memref<125x64xf32, #tpu.memory_space<vmem>>
      %dma_wait3A_358 = arith.constant 0 : i32
      %dma_wait3A_359 = tpu.memref_slice %arg9[%add3A_282, %dma_wait3A_358] : memref<80x125xi32, #tpu.memory_space<vmem>> -> memref<1x125xi32, #tpu.memory_space<vmem>>
      %dma_wait3A_360 = tpu.memref_squeeze %dma_wait3A_359 : memref<1x125xi32, #tpu.memory_space<vmem>> -> memref<125xi32, #tpu.memory_space<vmem>>
      %dma_wait3A_361 = arith.constant 0 : i32
      %dma_wait3A_362 = arith.constant 0 : i32
      %dma_wait3A_363 = tpu.memref_slice %arg3[%dma_wait3A_361, %dma_wait3A_362] : memref<10000x64xf32, #tpu.memory_space<hbm>> -> memref<10000x64xf32, #tpu.memory_space<hbm>>
      tpu.wait_indirect_dma semaphore(%arg11 : memref<!tpu.dma_semaphore, #tpu.memory_space<semaphore_mem>>) src(%dma_wait3A_363 : memref<10000x64xf32, #tpu.memory_space<hbm>>) dst(%dma_wait3A_357 : memref<125x64xf32, #tpu.memory_space<vmem>>)
      "tpu.region"() ({
        %run_scoped3A = tpu.sem_alloc : memref<!tpu.dma_semaphore, #tpu.memory_space<semaphore_mem>>
        %dma_start3A_364 = arith.constant 0 : i32
        %dma_start3A_365 = tpu.memref_slice %arg7[%add3A_13, %dma_start3A_364] : memref<320000x64xf32, #tpu.memory_space<hbm>> -> memref<1000x64xf32, #tpu.memory_space<hbm>>
        %dma_start3A_366 = arith.constant 0 : i32
        %dma_start3A_367 = tpu.memref_slice %arg7[%add3A_13, %dma_start3A_366] : memref<320000x64xf32, #tpu.memory_space<hbm>> -> memref<1000x64xf32, #tpu.memory_space<hbm>>
        tpu.enqueue_dma source(%arg10 : memref<1000x64xf32, #tpu.memory_space<vmem>>) target(%dma_start3A_367 : memref<1000x64xf32, #tpu.memory_space<hbm>>) target_semaphore(%run_scoped3A : memref<!tpu.dma_semaphore, #tpu.memory_space<semaphore_mem>>)
        %dma_wait3A_368 = arith.constant 0 : i32
        %dma_wait3A_369 = tpu.memref_slice %arg7[%add3A_13, %dma_wait3A_368] : memref<320000x64xf32, #tpu.memory_space<hbm>> -> memref<1000x64xf32, #tpu.memory_space<hbm>>
        %dma_wait3A_370 = arith.constant 0 : i32
        %dma_wait3A_371 = tpu.memref_slice %arg7[%add3A_13, %dma_wait3A_370] : memref<320000x64xf32, #tpu.memory_space<hbm>> -> memref<1000x64xf32, #tpu.memory_space<hbm>>
        tpu.wait_dma2 semaphore(%run_scoped3A : memref<!tpu.dma_semaphore, #tpu.memory_space<semaphore_mem>>) src(%arg10 : memref<1000x64xf32, #tpu.memory_space<vmem>>) dst(%dma_wait3A_371 : memref<1000x64xf32, #tpu.memory_space<hbm>>)
        tpu.yield
      }) : () -> ()
    }
    %scan3A_9 = arith.constant 10 : i32
    return
  }
}

#map = affine_map<(d0, d1) -> (0, 0)>
#map1 = affine_map<(d0, d1) -> (0)>
#map2 = affine_map<(d0, d1) -> (0, 0, 0)>
module attributes {stable_mosaic.version = 14 : i64} {
  func.func @sk(%arg0: i32, %arg1: i32, %arg2: memref<320000x16xf32, #tpu.memory_space<hbm>>, %arg3: memref<2560x125xi32, #tpu.memory_space<hbm>>, %arg4: memref<320000xi32, #tpu.memory_space<hbm>>, %arg5: memref<1000x16xf32, #tpu.memory_space<hbm>>, %arg6: memref<2x10000x16xf32, #tpu.memory_space<hbm>>, %arg7: memref<320000xf32, #tpu.memory_space<hbm>>, %arg8: memref<80x125xi32, #tpu.memory_space<vmem>>, %arg9: memref<1000x16xf32, #tpu.memory_space<vmem>>, %arg10: memref<10000x16xf32, #tpu.memory_space<vmem_shared>>, %arg11: memref<10000xi32, #tpu.memory_space<vmem>>, %arg12: memref<10000xf32, #tpu.memory_space<vmem>>) attributes {dimension_semantics = [#tpu.dimension_semantics<core_parallel>, #tpu.dimension_semantics<subcore_parallel>], iteration_bounds = array<i64: 2, 16>, scalar_prefetch = 0 : i64, scratch_operands = 5 : i64, tpu.core_type = #tpu.core_type<sc_vector_subcore>, window_params = [{transform_indices = #map}, {transform_indices = #map}, {transform_indices = #map1}, {transform_indices = #map}, {transform_indices = #map2}, {transform_indices = #map1}]} {
    %mul3A = arith.constant 2 : i32
    %mul3A_0 = arith.muli %arg1, %mul3A : i32
    %add3A = arith.addi %mul3A_0, %arg0 : i32
    %lt3A = arith.constant 10 : i32
    %lt3A_1 = arith.cmpi slt, %arg1, %lt3A : i32
    %convert_element_type3A = arith.extui %lt3A_1 : i1 to i32
    %cond3A = arith.constant 0 : i32
    %cond3A_2 = arith.cmpi ne, %convert_element_type3A, %cond3A : i32
    scf.if %cond3A_2 {
      %mul3A_73 = arith.constant 1000 : i32
      %mul3A_74 = arith.muli %arg1, %mul3A_73 : i32
      "tpu.region"() ({
        %run_scoped3A = tpu.sem_alloc : memref<!tpu.dma_semaphore, #tpu.memory_space<semaphore_mem>>
        %dma_start3A = arith.constant 0 : i32
        %dma_start3A_75 = tpu.memref_slice %arg10[%mul3A_74, %dma_start3A] : memref<10000x16xf32, #tpu.memory_space<vmem_shared>> -> memref<1000x16xf32, #tpu.memory_space<vmem_shared>>
        tpu.enqueue_dma source(%arg5 : memref<1000x16xf32, #tpu.memory_space<hbm>>) target(%dma_start3A_75 : memref<1000x16xf32, #tpu.memory_space<vmem_shared>>) target_semaphore(%run_scoped3A : memref<!tpu.dma_semaphore, #tpu.memory_space<semaphore_mem>>)
        %dma_wait3A = arith.constant 0 : i32
        %dma_wait3A_76 = tpu.memref_slice %arg10[%mul3A_74, %dma_wait3A] : memref<10000x16xf32, #tpu.memory_space<vmem_shared>> -> memref<1000x16xf32, #tpu.memory_space<vmem_shared>>
        tpu.wait_dma2 semaphore(%run_scoped3A : memref<!tpu.dma_semaphore, #tpu.memory_space<semaphore_mem>>) src(%arg5 : memref<1000x16xf32, #tpu.memory_space<hbm>>) dst(%dma_wait3A_76 : memref<1000x16xf32, #tpu.memory_space<vmem_shared>>)
        tpu.yield
      }) : () -> ()
    } else {
    }
    %barrier3A = arith.constant 0 : index
    tpu.barrier barrier_id(%barrier3A)
    %mul3A_3 = arith.constant 80 : i32
    %mul3A_4 = arith.muli %add3A, %mul3A_3 : i32
    %mul3A_5 = arith.constant 10000 : i32
    %mul3A_6 = arith.muli %add3A, %mul3A_5 : i32
    "tpu.region"() ({
      %run_scoped3A = tpu.sem_alloc : memref<!tpu.dma_semaphore, #tpu.memory_space<semaphore_mem>>
      %dma_start3A = arith.constant 0 : i32
      %dma_start3A_73 = tpu.memref_slice %arg3[%mul3A_4, %dma_start3A] : memref<2560x125xi32, #tpu.memory_space<hbm>> -> memref<80x125xi32, #tpu.memory_space<hbm>>
      %dma_start3A_74 = arith.constant 0 : i32
      %dma_start3A_75 = tpu.memref_slice %arg3[%mul3A_4, %dma_start3A_74] : memref<2560x125xi32, #tpu.memory_space<hbm>> -> memref<80x125xi32, #tpu.memory_space<hbm>>
      tpu.enqueue_dma source(%dma_start3A_75 : memref<80x125xi32, #tpu.memory_space<hbm>>) target(%arg8 : memref<80x125xi32, #tpu.memory_space<vmem>>) target_semaphore(%run_scoped3A : memref<!tpu.dma_semaphore, #tpu.memory_space<semaphore_mem>>)
      %dma_wait3A = arith.constant 0 : i32
      %dma_wait3A_76 = tpu.memref_slice %arg3[%mul3A_4, %dma_wait3A] : memref<2560x125xi32, #tpu.memory_space<hbm>> -> memref<80x125xi32, #tpu.memory_space<hbm>>
      %dma_wait3A_77 = arith.constant 0 : i32
      %dma_wait3A_78 = tpu.memref_slice %arg3[%mul3A_4, %dma_wait3A_77] : memref<2560x125xi32, #tpu.memory_space<hbm>> -> memref<80x125xi32, #tpu.memory_space<hbm>>
      tpu.wait_dma2 semaphore(%run_scoped3A : memref<!tpu.dma_semaphore, #tpu.memory_space<semaphore_mem>>) src(%dma_wait3A_78 : memref<80x125xi32, #tpu.memory_space<hbm>>) dst(%arg8 : memref<80x125xi32, #tpu.memory_space<vmem>>)
      tpu.yield
    }) : () -> ()
    "tpu.region"() ({
      %run_scoped3A = tpu.sem_alloc : memref<!tpu.dma_semaphore, #tpu.memory_space<semaphore_mem>>
      %dma_start3A = tpu.memref_slice %arg4[%mul3A_6] : memref<320000xi32, #tpu.memory_space<hbm>> -> memref<10000xi32, #tpu.memory_space<hbm>>
      %dma_start3A_73 = tpu.memref_slice %arg4[%mul3A_6] : memref<320000xi32, #tpu.memory_space<hbm>> -> memref<10000xi32, #tpu.memory_space<hbm>>
      tpu.enqueue_dma source(%dma_start3A_73 : memref<10000xi32, #tpu.memory_space<hbm>>) target(%arg11 : memref<10000xi32, #tpu.memory_space<vmem>>) target_semaphore(%run_scoped3A : memref<!tpu.dma_semaphore, #tpu.memory_space<semaphore_mem>>)
      %dma_wait3A = tpu.memref_slice %arg4[%mul3A_6] : memref<320000xi32, #tpu.memory_space<hbm>> -> memref<10000xi32, #tpu.memory_space<hbm>>
      %dma_wait3A_74 = tpu.memref_slice %arg4[%mul3A_6] : memref<320000xi32, #tpu.memory_space<hbm>> -> memref<10000xi32, #tpu.memory_space<hbm>>
      tpu.wait_dma2 semaphore(%run_scoped3A : memref<!tpu.dma_semaphore, #tpu.memory_space<semaphore_mem>>) src(%dma_wait3A_74 : memref<10000xi32, #tpu.memory_space<hbm>>) dst(%arg11 : memref<10000xi32, #tpu.memory_space<vmem>>)
      tpu.yield
    }) : () -> ()
    %broadcast_in_dim3A = arith.constant 0.000000e+00 : f32
    %broadcast_in_dim3A_7 = vector.broadcast %broadcast_in_dim3A : f32 to vector<16xf32>
    %scan3A = arith.constant 0 : i32
    %scan3A_8 = arith.constant 0 : i32
    %scan3A_9 = arith.constant 625 : i32
    %scan3A_10 = arith.addi %scan3A_8, %scan3A_9 : i32
    %scan3A_11 = arith.constant 1 : i32
    scf.for %scan3A_73 = %scan3A_8 to %scan3A_10 step %scan3A_11  : i32 {
      %mul3A_74 = arith.constant 16 : i32
      %mul3A_75 = arith.muli %scan3A_73, %mul3A_74 : i32
      %swap3A = arith.index_cast %mul3A_75 : i32 to index
      %swap3A_76 = tpu.vector_load %arg12[%swap3A] {strides = array<i32>} : memref<10000xf32, #tpu.memory_space<vmem>>, vector<16xf32>,
      tpu.vector_store %arg12[%swap3A], %broadcast_in_dim3A_7 {strides = array<i32>} : memref<10000xf32, #tpu.memory_space<vmem>>, vector<16xf32>,
    }
    %scan3A_12 = arith.constant 625 : i32
    %broadcast_in_dim3A_13 = arith.constant 1.000000e+00 : f32
    %broadcast_in_dim3A_14 = vector.broadcast %broadcast_in_dim3A_13 : f32 to vector<16xf32>
    %scan3A_15 = arith.constant 0 : i32
    %scan3A_16 = arith.constant 0 : i32
    %scan3A_17 = arith.constant 625 : i32
    %scan3A_18 = arith.addi %scan3A_16, %scan3A_17 : i32
    %scan3A_19 = arith.constant 1 : i32
    scf.for %scan3A_73 = %scan3A_16 to %scan3A_18 step %scan3A_19  : i32 {
      %mul3A_74 = arith.constant 16 : i32
      %mul3A_75 = arith.muli %scan3A_73, %mul3A_74 : i32
      %get3A = arith.index_cast %mul3A_75 : i32 to index
      %get3A_76 = tpu.vector_load %arg11[%get3A] {strides = array<i32>} : memref<10000xi32, #tpu.memory_space<vmem>>, vector<16xi32>,
      tpu.vector_store_idx %arg12[%get3A_76], %broadcast_in_dim3A_14 {add = true} : memref<10000xf32, #tpu.memory_space<vmem>>[vector<16xi32>], vector<16xf32>,
    }
    %scan3A_20 = arith.constant 625 : i32
    %mul3A_21 = arith.constant 1000 : i32
    %mul3A_22 = arith.muli %add3A, %mul3A_21 : i32
    %add3A_23 = arith.constant 0 : i32
    %add3A_24 = arith.addi %add3A_23, %mul3A_22 : i32
    "tpu.region"() ({
      %run_scoped3A = tpu.sem_alloc : memref<!tpu.dma_semaphore, #tpu.memory_space<semaphore_mem>>
      %dma_start3A = arith.constant 0 : i32
      %dma_start3A_73 = tpu.memref_slice %arg12[%dma_start3A] : memref<10000xf32, #tpu.memory_space<vmem>> -> memref<1000xf32, #tpu.memory_space<vmem>>
      %dma_start3A_74 = tpu.memref_slice %arg7[%add3A_24] : memref<320000xf32, #tpu.memory_space<hbm>> -> memref<1000xf32, #tpu.memory_space<hbm>>
      %dma_start3A_75 = tpu.memref_slice %arg7[%add3A_24] : memref<320000xf32, #tpu.memory_space<hbm>> -> memref<1000xf32, #tpu.memory_space<hbm>>
      %dma_start3A_76 = arith.constant 0 : i32
      %dma_start3A_77 = tpu.memref_slice %arg12[%dma_start3A_76] : memref<10000xf32, #tpu.memory_space<vmem>> -> memref<1000xf32, #tpu.memory_space<vmem>>
      tpu.enqueue_dma source(%dma_start3A_77 : memref<1000xf32, #tpu.memory_space<vmem>>) target(%dma_start3A_75 : memref<1000xf32, #tpu.memory_space<hbm>>) target_semaphore(%run_scoped3A : memref<!tpu.dma_semaphore, #tpu.memory_space<semaphore_mem>>)
      %dma_wait3A = arith.constant 0 : i32
      %dma_wait3A_78 = tpu.memref_slice %arg12[%dma_wait3A] : memref<10000xf32, #tpu.memory_space<vmem>> -> memref<1000xf32, #tpu.memory_space<vmem>>
      %dma_wait3A_79 = tpu.memref_slice %arg7[%add3A_24] : memref<320000xf32, #tpu.memory_space<hbm>> -> memref<1000xf32, #tpu.memory_space<hbm>>
      %dma_wait3A_80 = tpu.memref_slice %arg7[%add3A_24] : memref<320000xf32, #tpu.memory_space<hbm>> -> memref<1000xf32, #tpu.memory_space<hbm>>
      %dma_wait3A_81 = arith.constant 0 : i32
      %dma_wait3A_82 = tpu.memref_slice %arg12[%dma_wait3A_81] : memref<10000xf32, #tpu.memory_space<vmem>> -> memref<1000xf32, #tpu.memory_space<vmem>>
      tpu.wait_dma2 semaphore(%run_scoped3A : memref<!tpu.dma_semaphore, #tpu.memory_space<semaphore_mem>>) src(%dma_wait3A_82 : memref<1000xf32, #tpu.memory_space<vmem>>) dst(%dma_wait3A_80 : memref<1000xf32, #tpu.memory_space<hbm>>)
      tpu.yield
    }) : () -> ()
    %mul3A_25 = arith.constant 1000 : i32
    %mul3A_26 = arith.muli %add3A, %mul3A_25 : i32
    %add3A_27 = arith.constant 32000 : i32
    %add3A_28 = arith.addi %add3A_27, %mul3A_26 : i32
    "tpu.region"() ({
      %run_scoped3A = tpu.sem_alloc : memref<!tpu.dma_semaphore, #tpu.memory_space<semaphore_mem>>
      %dma_start3A = arith.constant 1000 : i32
      %dma_start3A_73 = tpu.memref_slice %arg12[%dma_start3A] : memref<10000xf32, #tpu.memory_space<vmem>> -> memref<1000xf32, #tpu.memory_space<vmem>>
      %dma_start3A_74 = tpu.memref_slice %arg7[%add3A_28] : memref<320000xf32, #tpu.memory_space<hbm>> -> memref<1000xf32, #tpu.memory_space<hbm>>
      %dma_start3A_75 = tpu.memref_slice %arg7[%add3A_28] : memref<320000xf32, #tpu.memory_space<hbm>> -> memref<1000xf32, #tpu.memory_space<hbm>>
      %dma_start3A_76 = arith.constant 1000 : i32
      %dma_start3A_77 = tpu.memref_slice %arg12[%dma_start3A_76] : memref<10000xf32, #tpu.memory_space<vmem>> -> memref<1000xf32, #tpu.memory_space<vmem>>
      tpu.enqueue_dma source(%dma_start3A_77 : memref<1000xf32, #tpu.memory_space<vmem>>) target(%dma_start3A_75 : memref<1000xf32, #tpu.memory_space<hbm>>) target_semaphore(%run_scoped3A : memref<!tpu.dma_semaphore, #tpu.memory_space<semaphore_mem>>)
      %dma_wait3A = arith.constant 1000 : i32
      %dma_wait3A_78 = tpu.memref_slice %arg12[%dma_wait3A] : memref<10000xf32, #tpu.memory_space<vmem>> -> memref<1000xf32, #tpu.memory_space<vmem>>
      %dma_wait3A_79 = tpu.memref_slice %arg7[%add3A_28] : memref<320000xf32, #tpu.memory_space<hbm>> -> memref<1000xf32, #tpu.memory_space<hbm>>
      %dma_wait3A_80 = tpu.memref_slice %arg7[%add3A_28] : memref<320000xf32, #tpu.memory_space<hbm>> -> memref<1000xf32, #tpu.memory_space<hbm>>
      %dma_wait3A_81 = arith.constant 1000 : i32
      %dma_wait3A_82 = tpu.memref_slice %arg12[%dma_wait3A_81] : memref<10000xf32, #tpu.memory_space<vmem>> -> memref<1000xf32, #tpu.memory_space<vmem>>
      tpu.wait_dma2 semaphore(%run_scoped3A : memref<!tpu.dma_semaphore, #tpu.memory_space<semaphore_mem>>) src(%dma_wait3A_82 : memref<1000xf32, #tpu.memory_space<vmem>>) dst(%dma_wait3A_80 : memref<1000xf32, #tpu.memory_space<hbm>>)
      tpu.yield
    }) : () -> ()
    %mul3A_29 = arith.constant 1000 : i32
    %mul3A_30 = arith.muli %add3A, %mul3A_29 : i32
    %add3A_31 = arith.constant 64000 : i32
    %add3A_32 = arith.addi %add3A_31, %mul3A_30 : i32
    "tpu.region"() ({
      %run_scoped3A = tpu.sem_alloc : memref<!tpu.dma_semaphore, #tpu.memory_space<semaphore_mem>>
      %dma_start3A = arith.constant 2000 : i32
      %dma_start3A_73 = tpu.memref_slice %arg12[%dma_start3A] : memref<10000xf32, #tpu.memory_space<vmem>> -> memref<1000xf32, #tpu.memory_space<vmem>>
      %dma_start3A_74 = tpu.memref_slice %arg7[%add3A_32] : memref<320000xf32, #tpu.memory_space<hbm>> -> memref<1000xf32, #tpu.memory_space<hbm>>
      %dma_start3A_75 = tpu.memref_slice %arg7[%add3A_32] : memref<320000xf32, #tpu.memory_space<hbm>> -> memref<1000xf32, #tpu.memory_space<hbm>>
      %dma_start3A_76 = arith.constant 2000 : i32
      %dma_start3A_77 = tpu.memref_slice %arg12[%dma_start3A_76] : memref<10000xf32, #tpu.memory_space<vmem>> -> memref<1000xf32, #tpu.memory_space<vmem>>
      tpu.enqueue_dma source(%dma_start3A_77 : memref<1000xf32, #tpu.memory_space<vmem>>) target(%dma_start3A_75 : memref<1000xf32, #tpu.memory_space<hbm>>) target_semaphore(%run_scoped3A : memref<!tpu.dma_semaphore, #tpu.memory_space<semaphore_mem>>)
      %dma_wait3A = arith.constant 2000 : i32
      %dma_wait3A_78 = tpu.memref_slice %arg12[%dma_wait3A] : memref<10000xf32, #tpu.memory_space<vmem>> -> memref<1000xf32, #tpu.memory_space<vmem>>
      %dma_wait3A_79 = tpu.memref_slice %arg7[%add3A_32] : memref<320000xf32, #tpu.memory_space<hbm>> -> memref<1000xf32, #tpu.memory_space<hbm>>
      %dma_wait3A_80 = tpu.memref_slice %arg7[%add3A_32] : memref<320000xf32, #tpu.memory_space<hbm>> -> memref<1000xf32, #tpu.memory_space<hbm>>
      %dma_wait3A_81 = arith.constant 2000 : i32
      %dma_wait3A_82 = tpu.memref_slice %arg12[%dma_wait3A_81] : memref<10000xf32, #tpu.memory_space<vmem>> -> memref<1000xf32, #tpu.memory_space<vmem>>
      tpu.wait_dma2 semaphore(%run_scoped3A : memref<!tpu.dma_semaphore, #tpu.memory_space<semaphore_mem>>) src(%dma_wait3A_82 : memref<1000xf32, #tpu.memory_space<vmem>>) dst(%dma_wait3A_80 : memref<1000xf32, #tpu.memory_space<hbm>>)
      tpu.yield
    }) : () -> ()
    %mul3A_33 = arith.constant 1000 : i32
    %mul3A_34 = arith.muli %add3A, %mul3A_33 : i32
    %add3A_35 = arith.constant 96000 : i32
    %add3A_36 = arith.addi %add3A_35, %mul3A_34 : i32
    "tpu.region"() ({
      %run_scoped3A = tpu.sem_alloc : memref<!tpu.dma_semaphore, #tpu.memory_space<semaphore_mem>>
      %dma_start3A = arith.constant 3000 : i32
      %dma_start3A_73 = tpu.memref_slice %arg12[%dma_start3A] : memref<10000xf32, #tpu.memory_space<vmem>> -> memref<1000xf32, #tpu.memory_space<vmem>>
      %dma_start3A_74 = tpu.memref_slice %arg7[%add3A_36] : memref<320000xf32, #tpu.memory_space<hbm>> -> memref<1000xf32, #tpu.memory_space<hbm>>
      %dma_start3A_75 = tpu.memref_slice %arg7[%add3A_36] : memref<320000xf32, #tpu.memory_space<hbm>> -> memref<1000xf32, #tpu.memory_space<hbm>>
      %dma_start3A_76 = arith.constant 3000 : i32
      %dma_start3A_77 = tpu.memref_slice %arg12[%dma_start3A_76] : memref<10000xf32, #tpu.memory_space<vmem>> -> memref<1000xf32, #tpu.memory_space<vmem>>
      tpu.enqueue_dma source(%dma_start3A_77 : memref<1000xf32, #tpu.memory_space<vmem>>) target(%dma_start3A_75 : memref<1000xf32, #tpu.memory_space<hbm>>) target_semaphore(%run_scoped3A : memref<!tpu.dma_semaphore, #tpu.memory_space<semaphore_mem>>)
      %dma_wait3A = arith.constant 3000 : i32
      %dma_wait3A_78 = tpu.memref_slice %arg12[%dma_wait3A] : memref<10000xf32, #tpu.memory_space<vmem>> -> memref<1000xf32, #tpu.memory_space<vmem>>
      %dma_wait3A_79 = tpu.memref_slice %arg7[%add3A_36] : memref<320000xf32, #tpu.memory_space<hbm>> -> memref<1000xf32, #tpu.memory_space<hbm>>
      %dma_wait3A_80 = tpu.memref_slice %arg7[%add3A_36] : memref<320000xf32, #tpu.memory_space<hbm>> -> memref<1000xf32, #tpu.memory_space<hbm>>
      %dma_wait3A_81 = arith.constant 3000 : i32
      %dma_wait3A_82 = tpu.memref_slice %arg12[%dma_wait3A_81] : memref<10000xf32, #tpu.memory_space<vmem>> -> memref<1000xf32, #tpu.memory_space<vmem>>
      tpu.wait_dma2 semaphore(%run_scoped3A : memref<!tpu.dma_semaphore, #tpu.memory_space<semaphore_mem>>) src(%dma_wait3A_82 : memref<1000xf32, #tpu.memory_space<vmem>>) dst(%dma_wait3A_80 : memref<1000xf32, #tpu.memory_space<hbm>>)
      tpu.yield
    }) : () -> ()
    %mul3A_37 = arith.constant 1000 : i32
    %mul3A_38 = arith.muli %add3A, %mul3A_37 : i32
    %add3A_39 = arith.constant 128000 : i32
    %add3A_40 = arith.addi %add3A_39, %mul3A_38 : i32
    "tpu.region"() ({
      %run_scoped3A = tpu.sem_alloc : memref<!tpu.dma_semaphore, #tpu.memory_space<semaphore_mem>>
      %dma_start3A = arith.constant 4000 : i32
      %dma_start3A_73 = tpu.memref_slice %arg12[%dma_start3A] : memref<10000xf32, #tpu.memory_space<vmem>> -> memref<1000xf32, #tpu.memory_space<vmem>>
      %dma_start3A_74 = tpu.memref_slice %arg7[%add3A_40] : memref<320000xf32, #tpu.memory_space<hbm>> -> memref<1000xf32, #tpu.memory_space<hbm>>
      %dma_start3A_75 = tpu.memref_slice %arg7[%add3A_40] : memref<320000xf32, #tpu.memory_space<hbm>> -> memref<1000xf32, #tpu.memory_space<hbm>>
      %dma_start3A_76 = arith.constant 4000 : i32
      %dma_start3A_77 = tpu.memref_slice %arg12[%dma_start3A_76] : memref<10000xf32, #tpu.memory_space<vmem>> -> memref<1000xf32, #tpu.memory_space<vmem>>
      tpu.enqueue_dma source(%dma_start3A_77 : memref<1000xf32, #tpu.memory_space<vmem>>) target(%dma_start3A_75 : memref<1000xf32, #tpu.memory_space<hbm>>) target_semaphore(%run_scoped3A : memref<!tpu.dma_semaphore, #tpu.memory_space<semaphore_mem>>)
      %dma_wait3A = arith.constant 4000 : i32
      %dma_wait3A_78 = tpu.memref_slice %arg12[%dma_wait3A] : memref<10000xf32, #tpu.memory_space<vmem>> -> memref<1000xf32, #tpu.memory_space<vmem>>
      %dma_wait3A_79 = tpu.memref_slice %arg7[%add3A_40] : memref<320000xf32, #tpu.memory_space<hbm>> -> memref<1000xf32, #tpu.memory_space<hbm>>
      %dma_wait3A_80 = tpu.memref_slice %arg7[%add3A_40] : memref<320000xf32, #tpu.memory_space<hbm>> -> memref<1000xf32, #tpu.memory_space<hbm>>
      %dma_wait3A_81 = arith.constant 4000 : i32
      %dma_wait3A_82 = tpu.memref_slice %arg12[%dma_wait3A_81] : memref<10000xf32, #tpu.memory_space<vmem>> -> memref<1000xf32, #tpu.memory_space<vmem>>
      tpu.wait_dma2 semaphore(%run_scoped3A : memref<!tpu.dma_semaphore, #tpu.memory_space<semaphore_mem>>) src(%dma_wait3A_82 : memref<1000xf32, #tpu.memory_space<vmem>>) dst(%dma_wait3A_80 : memref<1000xf32, #tpu.memory_space<hbm>>)
      tpu.yield
    }) : () -> ()
    %mul3A_41 = arith.constant 1000 : i32
    %mul3A_42 = arith.muli %add3A, %mul3A_41 : i32
    %add3A_43 = arith.constant 160000 : i32
    %add3A_44 = arith.addi %add3A_43, %mul3A_42 : i32
    "tpu.region"() ({
      %run_scoped3A = tpu.sem_alloc : memref<!tpu.dma_semaphore, #tpu.memory_space<semaphore_mem>>
      %dma_start3A = arith.constant 5000 : i32
      %dma_start3A_73 = tpu.memref_slice %arg12[%dma_start3A] : memref<10000xf32, #tpu.memory_space<vmem>> -> memref<1000xf32, #tpu.memory_space<vmem>>
      %dma_start3A_74 = tpu.memref_slice %arg7[%add3A_44] : memref<320000xf32, #tpu.memory_space<hbm>> -> memref<1000xf32, #tpu.memory_space<hbm>>
      %dma_start3A_75 = tpu.memref_slice %arg7[%add3A_44] : memref<320000xf32, #tpu.memory_space<hbm>> -> memref<1000xf32, #tpu.memory_space<hbm>>
      %dma_start3A_76 = arith.constant 5000 : i32
      %dma_start3A_77 = tpu.memref_slice %arg12[%dma_start3A_76] : memref<10000xf32, #tpu.memory_space<vmem>> -> memref<1000xf32, #tpu.memory_space<vmem>>
      tpu.enqueue_dma source(%dma_start3A_77 : memref<1000xf32, #tpu.memory_space<vmem>>) target(%dma_start3A_75 : memref<1000xf32, #tpu.memory_space<hbm>>) target_semaphore(%run_scoped3A : memref<!tpu.dma_semaphore, #tpu.memory_space<semaphore_mem>>)
      %dma_wait3A = arith.constant 5000 : i32
      %dma_wait3A_78 = tpu.memref_slice %arg12[%dma_wait3A] : memref<10000xf32, #tpu.memory_space<vmem>> -> memref<1000xf32, #tpu.memory_space<vmem>>
      %dma_wait3A_79 = tpu.memref_slice %arg7[%add3A_44] : memref<320000xf32, #tpu.memory_space<hbm>> -> memref<1000xf32, #tpu.memory_space<hbm>>
      %dma_wait3A_80 = tpu.memref_slice %arg7[%add3A_44] : memref<320000xf32, #tpu.memory_space<hbm>> -> memref<1000xf32, #tpu.memory_space<hbm>>
      %dma_wait3A_81 = arith.constant 5000 : i32
      %dma_wait3A_82 = tpu.memref_slice %arg12[%dma_wait3A_81] : memref<10000xf32, #tpu.memory_space<vmem>> -> memref<1000xf32, #tpu.memory_space<vmem>>
      tpu.wait_dma2 semaphore(%run_scoped3A : memref<!tpu.dma_semaphore, #tpu.memory_space<semaphore_mem>>) src(%dma_wait3A_82 : memref<1000xf32, #tpu.memory_space<vmem>>) dst(%dma_wait3A_80 : memref<1000xf32, #tpu.memory_space<hbm>>)
      tpu.yield
    }) : () -> ()
    %mul3A_45 = arith.constant 1000 : i32
    %mul3A_46 = arith.muli %add3A, %mul3A_45 : i32
    %add3A_47 = arith.constant 192000 : i32
    %add3A_48 = arith.addi %add3A_47, %mul3A_46 : i32
    "tpu.region"() ({
      %run_scoped3A = tpu.sem_alloc : memref<!tpu.dma_semaphore, #tpu.memory_space<semaphore_mem>>
      %dma_start3A = arith.constant 6000 : i32
      %dma_start3A_73 = tpu.memref_slice %arg12[%dma_start3A] : memref<10000xf32, #tpu.memory_space<vmem>> -> memref<1000xf32, #tpu.memory_space<vmem>>
      %dma_start3A_74 = tpu.memref_slice %arg7[%add3A_48] : memref<320000xf32, #tpu.memory_space<hbm>> -> memref<1000xf32, #tpu.memory_space<hbm>>
      %dma_start3A_75 = tpu.memref_slice %arg7[%add3A_48] : memref<320000xf32, #tpu.memory_space<hbm>> -> memref<1000xf32, #tpu.memory_space<hbm>>
      %dma_start3A_76 = arith.constant 6000 : i32
      %dma_start3A_77 = tpu.memref_slice %arg12[%dma_start3A_76] : memref<10000xf32, #tpu.memory_space<vmem>> -> memref<1000xf32, #tpu.memory_space<vmem>>
      tpu.enqueue_dma source(%dma_start3A_77 : memref<1000xf32, #tpu.memory_space<vmem>>) target(%dma_start3A_75 : memref<1000xf32, #tpu.memory_space<hbm>>) target_semaphore(%run_scoped3A : memref<!tpu.dma_semaphore, #tpu.memory_space<semaphore_mem>>)
      %dma_wait3A = arith.constant 6000 : i32
      %dma_wait3A_78 = tpu.memref_slice %arg12[%dma_wait3A] : memref<10000xf32, #tpu.memory_space<vmem>> -> memref<1000xf32, #tpu.memory_space<vmem>>
      %dma_wait3A_79 = tpu.memref_slice %arg7[%add3A_48] : memref<320000xf32, #tpu.memory_space<hbm>> -> memref<1000xf32, #tpu.memory_space<hbm>>
      %dma_wait3A_80 = tpu.memref_slice %arg7[%add3A_48] : memref<320000xf32, #tpu.memory_space<hbm>> -> memref<1000xf32, #tpu.memory_space<hbm>>
      %dma_wait3A_81 = arith.constant 6000 : i32
      %dma_wait3A_82 = tpu.memref_slice %arg12[%dma_wait3A_81] : memref<10000xf32, #tpu.memory_space<vmem>> -> memref<1000xf32, #tpu.memory_space<vmem>>
      tpu.wait_dma2 semaphore(%run_scoped3A : memref<!tpu.dma_semaphore, #tpu.memory_space<semaphore_mem>>) src(%dma_wait3A_82 : memref<1000xf32, #tpu.memory_space<vmem>>) dst(%dma_wait3A_80 : memref<1000xf32, #tpu.memory_space<hbm>>)
      tpu.yield
    }) : () -> ()
    %mul3A_49 = arith.constant 1000 : i32
    %mul3A_50 = arith.muli %add3A, %mul3A_49 : i32
    %add3A_51 = arith.constant 224000 : i32
    %add3A_52 = arith.addi %add3A_51, %mul3A_50 : i32
    "tpu.region"() ({
      %run_scoped3A = tpu.sem_alloc : memref<!tpu.dma_semaphore, #tpu.memory_space<semaphore_mem>>
      %dma_start3A = arith.constant 7000 : i32
      %dma_start3A_73 = tpu.memref_slice %arg12[%dma_start3A] : memref<10000xf32, #tpu.memory_space<vmem>> -> memref<1000xf32, #tpu.memory_space<vmem>>
      %dma_start3A_74 = tpu.memref_slice %arg7[%add3A_52] : memref<320000xf32, #tpu.memory_space<hbm>> -> memref<1000xf32, #tpu.memory_space<hbm>>
      %dma_start3A_75 = tpu.memref_slice %arg7[%add3A_52] : memref<320000xf32, #tpu.memory_space<hbm>> -> memref<1000xf32, #tpu.memory_space<hbm>>
      %dma_start3A_76 = arith.constant 7000 : i32
      %dma_start3A_77 = tpu.memref_slice %arg12[%dma_start3A_76] : memref<10000xf32, #tpu.memory_space<vmem>> -> memref<1000xf32, #tpu.memory_space<vmem>>
      tpu.enqueue_dma source(%dma_start3A_77 : memref<1000xf32, #tpu.memory_space<vmem>>) target(%dma_start3A_75 : memref<1000xf32, #tpu.memory_space<hbm>>) target_semaphore(%run_scoped3A : memref<!tpu.dma_semaphore, #tpu.memory_space<semaphore_mem>>)
      %dma_wait3A = arith.constant 7000 : i32
      %dma_wait3A_78 = tpu.memref_slice %arg12[%dma_wait3A] : memref<10000xf32, #tpu.memory_space<vmem>> -> memref<1000xf32, #tpu.memory_space<vmem>>
      %dma_wait3A_79 = tpu.memref_slice %arg7[%add3A_52] : memref<320000xf32, #tpu.memory_space<hbm>> -> memref<1000xf32, #tpu.memory_space<hbm>>
      %dma_wait3A_80 = tpu.memref_slice %arg7[%add3A_52] : memref<320000xf32, #tpu.memory_space<hbm>> -> memref<1000xf32, #tpu.memory_space<hbm>>
      %dma_wait3A_81 = arith.constant 7000 : i32
      %dma_wait3A_82 = tpu.memref_slice %arg12[%dma_wait3A_81] : memref<10000xf32, #tpu.memory_space<vmem>> -> memref<1000xf32, #tpu.memory_space<vmem>>
      tpu.wait_dma2 semaphore(%run_scoped3A : memref<!tpu.dma_semaphore, #tpu.memory_space<semaphore_mem>>) src(%dma_wait3A_82 : memref<1000xf32, #tpu.memory_space<vmem>>) dst(%dma_wait3A_80 : memref<1000xf32, #tpu.memory_space<hbm>>)
      tpu.yield
    }) : () -> ()
    %mul3A_53 = arith.constant 1000 : i32
    %mul3A_54 = arith.muli %add3A, %mul3A_53 : i32
    %add3A_55 = arith.constant 256000 : i32
    %add3A_56 = arith.addi %add3A_55, %mul3A_54 : i32
    "tpu.region"() ({
      %run_scoped3A = tpu.sem_alloc : memref<!tpu.dma_semaphore, #tpu.memory_space<semaphore_mem>>
      %dma_start3A = arith.constant 8000 : i32
      %dma_start3A_73 = tpu.memref_slice %arg12[%dma_start3A] : memref<10000xf32, #tpu.memory_space<vmem>> -> memref<1000xf32, #tpu.memory_space<vmem>>
      %dma_start3A_74 = tpu.memref_slice %arg7[%add3A_56] : memref<320000xf32, #tpu.memory_space<hbm>> -> memref<1000xf32, #tpu.memory_space<hbm>>
      %dma_start3A_75 = tpu.memref_slice %arg7[%add3A_56] : memref<320000xf32, #tpu.memory_space<hbm>> -> memref<1000xf32, #tpu.memory_space<hbm>>
      %dma_start3A_76 = arith.constant 8000 : i32
      %dma_start3A_77 = tpu.memref_slice %arg12[%dma_start3A_76] : memref<10000xf32, #tpu.memory_space<vmem>> -> memref<1000xf32, #tpu.memory_space<vmem>>
      tpu.enqueue_dma source(%dma_start3A_77 : memref<1000xf32, #tpu.memory_space<vmem>>) target(%dma_start3A_75 : memref<1000xf32, #tpu.memory_space<hbm>>) target_semaphore(%run_scoped3A : memref<!tpu.dma_semaphore, #tpu.memory_space<semaphore_mem>>)
      %dma_wait3A = arith.constant 8000 : i32
      %dma_wait3A_78 = tpu.memref_slice %arg12[%dma_wait3A] : memref<10000xf32, #tpu.memory_space<vmem>> -> memref<1000xf32, #tpu.memory_space<vmem>>
      %dma_wait3A_79 = tpu.memref_slice %arg7[%add3A_56] : memref<320000xf32, #tpu.memory_space<hbm>> -> memref<1000xf32, #tpu.memory_space<hbm>>
      %dma_wait3A_80 = tpu.memref_slice %arg7[%add3A_56] : memref<320000xf32, #tpu.memory_space<hbm>> -> memref<1000xf32, #tpu.memory_space<hbm>>
      %dma_wait3A_81 = arith.constant 8000 : i32
      %dma_wait3A_82 = tpu.memref_slice %arg12[%dma_wait3A_81] : memref<10000xf32, #tpu.memory_space<vmem>> -> memref<1000xf32, #tpu.memory_space<vmem>>
      tpu.wait_dma2 semaphore(%run_scoped3A : memref<!tpu.dma_semaphore, #tpu.memory_space<semaphore_mem>>) src(%dma_wait3A_82 : memref<1000xf32, #tpu.memory_space<vmem>>) dst(%dma_wait3A_80 : memref<1000xf32, #tpu.memory_space<hbm>>)
      tpu.yield
    }) : () -> ()
    %mul3A_57 = arith.constant 1000 : i32
    %mul3A_58 = arith.muli %add3A, %mul3A_57 : i32
    %add3A_59 = arith.constant 288000 : i32
    %add3A_60 = arith.addi %add3A_59, %mul3A_58 : i32
    "tpu.region"() ({
      %run_scoped3A = tpu.sem_alloc : memref<!tpu.dma_semaphore, #tpu.memory_space<semaphore_mem>>
      %dma_start3A = arith.constant 9000 : i32
      %dma_start3A_73 = tpu.memref_slice %arg12[%dma_start3A] : memref<10000xf32, #tpu.memory_space<vmem>> -> memref<1000xf32, #tpu.memory_space<vmem>>
      %dma_start3A_74 = tpu.memref_slice %arg7[%add3A_60] : memref<320000xf32, #tpu.memory_space<hbm>> -> memref<1000xf32, #tpu.memory_space<hbm>>
      %dma_start3A_75 = tpu.memref_slice %arg7[%add3A_60] : memref<320000xf32, #tpu.memory_space<hbm>> -> memref<1000xf32, #tpu.memory_space<hbm>>
      %dma_start3A_76 = arith.constant 9000 : i32
      %dma_start3A_77 = tpu.memref_slice %arg12[%dma_start3A_76] : memref<10000xf32, #tpu.memory_space<vmem>> -> memref<1000xf32, #tpu.memory_space<vmem>>
      tpu.enqueue_dma source(%dma_start3A_77 : memref<1000xf32, #tpu.memory_space<vmem>>) target(%dma_start3A_75 : memref<1000xf32, #tpu.memory_space<hbm>>) target_semaphore(%run_scoped3A : memref<!tpu.dma_semaphore, #tpu.memory_space<semaphore_mem>>)
      %dma_wait3A = arith.constant 9000 : i32
      %dma_wait3A_78 = tpu.memref_slice %arg12[%dma_wait3A] : memref<10000xf32, #tpu.memory_space<vmem>> -> memref<1000xf32, #tpu.memory_space<vmem>>
      %dma_wait3A_79 = tpu.memref_slice %arg7[%add3A_60] : memref<320000xf32, #tpu.memory_space<hbm>> -> memref<1000xf32, #tpu.memory_space<hbm>>
      %dma_wait3A_80 = tpu.memref_slice %arg7[%add3A_60] : memref<320000xf32, #tpu.memory_space<hbm>> -> memref<1000xf32, #tpu.memory_space<hbm>>
      %dma_wait3A_81 = arith.constant 9000 : i32
      %dma_wait3A_82 = tpu.memref_slice %arg12[%dma_wait3A_81] : memref<10000xf32, #tpu.memory_space<vmem>> -> memref<1000xf32, #tpu.memory_space<vmem>>
      tpu.wait_dma2 semaphore(%run_scoped3A : memref<!tpu.dma_semaphore, #tpu.memory_space<semaphore_mem>>) src(%dma_wait3A_82 : memref<1000xf32, #tpu.memory_space<vmem>>) dst(%dma_wait3A_80 : memref<1000xf32, #tpu.memory_space<hbm>>)
      tpu.yield
    }) : () -> ()
    %scan3A_61 = arith.constant 0 : i32
    %scan3A_62 = arith.constant 0 : i32
    %scan3A_63 = arith.constant 10 : i32
    %scan3A_64 = arith.addi %scan3A_62, %scan3A_63 : i32
    %scan3A_65 = arith.constant 1 : i32
    scf.for %scan3A_73 = %scan3A_62 to %scan3A_64 step %scan3A_65  : i32 {
      %mul3A_74 = arith.constant 1000 : i32
      %mul3A_75 = arith.muli %scan3A_73, %mul3A_74 : i32
      %add3A_76 = arith.addi %mul3A_6, %mul3A_75 : i32
      "tpu.region"() ({
        %run_scoped3A = tpu.sem_alloc : memref<!tpu.dma_semaphore, #tpu.memory_space<semaphore_mem>>
        %dma_start3A = arith.constant 0 : i32
        %dma_start3A_109 = tpu.memref_slice %arg2[%add3A_76, %dma_start3A] : memref<320000x16xf32, #tpu.memory_space<hbm>> -> memref<1000x16xf32, #tpu.memory_space<hbm>>
        %dma_start3A_110 = arith.constant 0 : i32
        %dma_start3A_111 = tpu.memref_slice %arg2[%add3A_76, %dma_start3A_110] : memref<320000x16xf32, #tpu.memory_space<hbm>> -> memref<1000x16xf32, #tpu.memory_space<hbm>>
        tpu.enqueue_dma source(%dma_start3A_111 : memref<1000x16xf32, #tpu.memory_space<hbm>>) target(%arg9 : memref<1000x16xf32, #tpu.memory_space<vmem>>) target_semaphore(%run_scoped3A : memref<!tpu.dma_semaphore, #tpu.memory_space<semaphore_mem>>)
        %dma_wait3A = arith.constant 0 : i32
        %dma_wait3A_112 = tpu.memref_slice %arg2[%add3A_76, %dma_wait3A] : memref<320000x16xf32, #tpu.memory_space<hbm>> -> memref<1000x16xf32, #tpu.memory_space<hbm>>
        %dma_wait3A_113 = arith.constant 0 : i32
        %dma_wait3A_114 = tpu.memref_slice %arg2[%add3A_76, %dma_wait3A_113] : memref<320000x16xf32, #tpu.memory_space<hbm>> -> memref<1000x16xf32, #tpu.memory_space<hbm>>
        tpu.wait_dma2 semaphore(%run_scoped3A : memref<!tpu.dma_semaphore, #tpu.memory_space<semaphore_mem>>) src(%dma_wait3A_114 : memref<1000x16xf32, #tpu.memory_space<hbm>>) dst(%arg9 : memref<1000x16xf32, #tpu.memory_space<vmem>>)
        tpu.yield
      }) : () -> ()
      %mul3A_77 = arith.constant 8 : i32
      %mul3A_78 = arith.muli %scan3A_73, %mul3A_77 : i32
      %add3A_79 = arith.constant 0 : i32
      %add3A_80 = arith.addi %mul3A_78, %add3A_79 : i32
      "tpu.region"() ({
        %run_scoped3A = tpu.sem_alloc : memref<!tpu.dma_semaphore, #tpu.memory_space<semaphore_mem>>
        %dma_start3A = arith.constant 0 : i32
        %dma_start3A_109 = arith.constant 0 : i32
        %dma_start3A_110 = tpu.memref_slice %arg9[%dma_start3A, %dma_start3A_109] : memref<1000x16xf32, #tpu.memory_space<vmem>> -> memref<125x16xf32, #tpu.memory_space<vmem>>
        %dma_start3A_111 = arith.constant 0 : i32
        %dma_start3A_112 = tpu.memref_slice %arg8[%add3A_80, %dma_start3A_111] : memref<80x125xi32, #tpu.memory_space<vmem>> -> memref<1x125xi32, #tpu.memory_space<vmem>>
        %dma_start3A_113 = tpu.memref_squeeze %dma_start3A_112 : memref<1x125xi32, #tpu.memory_space<vmem>> -> memref<125xi32, #tpu.memory_space<vmem>>
        %dma_start3A_114 = arith.constant 0 : i32
        %dma_start3A_115 = arith.constant 0 : i32
        %dma_start3A_116 = tpu.memref_slice %arg10[%dma_start3A_114, %dma_start3A_115] : memref<10000x16xf32, #tpu.memory_space<vmem_shared>> -> memref<10000x16xf32, #tpu.memory_space<vmem_shared>>
        tpu.enqueue_indirect_dma source(%dma_start3A_110 : memref<125x16xf32, #tpu.memory_space<vmem>>) target(%dma_start3A_116 : memref<10000x16xf32, #tpu.memory_space<vmem_shared>>) offsets(%dma_start3A_113 : memref<125xi32, #tpu.memory_space<vmem>>) semaphore(%run_scoped3A : memref<!tpu.dma_semaphore, #tpu.memory_space<semaphore_mem>>) {add = true}
        %dma_wait3A = arith.constant 0 : i32
        %dma_wait3A_117 = arith.constant 0 : i32
        %dma_wait3A_118 = tpu.memref_slice %arg9[%dma_wait3A, %dma_wait3A_117] : memref<1000x16xf32, #tpu.memory_space<vmem>> -> memref<125x16xf32, #tpu.memory_space<vmem>>
        %dma_wait3A_119 = arith.constant 0 : i32
        %dma_wait3A_120 = tpu.memref_slice %arg8[%add3A_80, %dma_wait3A_119] : memref<80x125xi32, #tpu.memory_space<vmem>> -> memref<1x125xi32, #tpu.memory_space<vmem>>
        %dma_wait3A_121 = tpu.memref_squeeze %dma_wait3A_120 : memref<1x125xi32, #tpu.memory_space<vmem>> -> memref<125xi32, #tpu.memory_space<vmem>>
        %dma_wait3A_122 = arith.constant 0 : i32
        %dma_wait3A_123 = arith.constant 0 : i32
        %dma_wait3A_124 = tpu.memref_slice %arg10[%dma_wait3A_122, %dma_wait3A_123] : memref<10000x16xf32, #tpu.memory_space<vmem_shared>> -> memref<10000x16xf32, #tpu.memory_space<vmem_shared>>
        tpu.wait_indirect_dma semaphore(%run_scoped3A : memref<!tpu.dma_semaphore, #tpu.memory_space<semaphore_mem>>) src(%dma_wait3A_118 : memref<125x16xf32, #tpu.memory_space<vmem>>) dst(%dma_wait3A_124 : memref<10000x16xf32, #tpu.memory_space<vmem_shared>>)
        tpu.yield
      }) : () -> ()
      %mul3A_81 = arith.constant 8 : i32
      %mul3A_82 = arith.muli %scan3A_73, %mul3A_81 : i32
      %add3A_83 = arith.constant 1 : i32
      %add3A_84 = arith.addi %mul3A_82, %add3A_83 : i32
      "tpu.region"() ({
        %run_scoped3A = tpu.sem_alloc : memref<!tpu.dma_semaphore, #tpu.memory_space<semaphore_mem>>
        %dma_start3A = arith.constant 125 : i32
        %dma_start3A_109 = arith.constant 0 : i32
        %dma_start3A_110 = tpu.memref_slice %arg9[%dma_start3A, %dma_start3A_109] : memref<1000x16xf32, #tpu.memory_space<vmem>> -> memref<125x16xf32, #tpu.memory_space<vmem>>
        %dma_start3A_111 = arith.constant 0 : i32
        %dma_start3A_112 = tpu.memref_slice %arg8[%add3A_84, %dma_start3A_111] : memref<80x125xi32, #tpu.memory_space<vmem>> -> memref<1x125xi32, #tpu.memory_space<vmem>>
        %dma_start3A_113 = tpu.memref_squeeze %dma_start3A_112 : memref<1x125xi32, #tpu.memory_space<vmem>> -> memref<125xi32, #tpu.memory_space<vmem>>
        %dma_start3A_114 = arith.constant 0 : i32
        %dma_start3A_115 = arith.constant 0 : i32
        %dma_start3A_116 = tpu.memref_slice %arg10[%dma_start3A_114, %dma_start3A_115] : memref<10000x16xf32, #tpu.memory_space<vmem_shared>> -> memref<10000x16xf32, #tpu.memory_space<vmem_shared>>
        tpu.enqueue_indirect_dma source(%dma_start3A_110 : memref<125x16xf32, #tpu.memory_space<vmem>>) target(%dma_start3A_116 : memref<10000x16xf32, #tpu.memory_space<vmem_shared>>) offsets(%dma_start3A_113 : memref<125xi32, #tpu.memory_space<vmem>>) semaphore(%run_scoped3A : memref<!tpu.dma_semaphore, #tpu.memory_space<semaphore_mem>>) {add = true}
        %dma_wait3A = arith.constant 125 : i32
        %dma_wait3A_117 = arith.constant 0 : i32
        %dma_wait3A_118 = tpu.memref_slice %arg9[%dma_wait3A, %dma_wait3A_117] : memref<1000x16xf32, #tpu.memory_space<vmem>> -> memref<125x16xf32, #tpu.memory_space<vmem>>
        %dma_wait3A_119 = arith.constant 0 : i32
        %dma_wait3A_120 = tpu.memref_slice %arg8[%add3A_84, %dma_wait3A_119] : memref<80x125xi32, #tpu.memory_space<vmem>> -> memref<1x125xi32, #tpu.memory_space<vmem>>
        %dma_wait3A_121 = tpu.memref_squeeze %dma_wait3A_120 : memref<1x125xi32, #tpu.memory_space<vmem>> -> memref<125xi32, #tpu.memory_space<vmem>>
        %dma_wait3A_122 = arith.constant 0 : i32
        %dma_wait3A_123 = arith.constant 0 : i32
        %dma_wait3A_124 = tpu.memref_slice %arg10[%dma_wait3A_122, %dma_wait3A_123] : memref<10000x16xf32, #tpu.memory_space<vmem_shared>> -> memref<10000x16xf32, #tpu.memory_space<vmem_shared>>
        tpu.wait_indirect_dma semaphore(%run_scoped3A : memref<!tpu.dma_semaphore, #tpu.memory_space<semaphore_mem>>) src(%dma_wait3A_118 : memref<125x16xf32, #tpu.memory_space<vmem>>) dst(%dma_wait3A_124 : memref<10000x16xf32, #tpu.memory_space<vmem_shared>>)
        tpu.yield
      }) : () -> ()
      %mul3A_85 = arith.constant 8 : i32
      %mul3A_86 = arith.muli %scan3A_73, %mul3A_85 : i32
      %add3A_87 = arith.constant 2 : i32
      %add3A_88 = arith.addi %mul3A_86, %add3A_87 : i32
      "tpu.region"() ({
        %run_scoped3A = tpu.sem_alloc : memref<!tpu.dma_semaphore, #tpu.memory_space<semaphore_mem>>
        %dma_start3A = arith.constant 250 : i32
        %dma_start3A_109 = arith.constant 0 : i32
        %dma_start3A_110 = tpu.memref_slice %arg9[%dma_start3A, %dma_start3A_109] : memref<1000x16xf32, #tpu.memory_space<vmem>> -> memref<125x16xf32, #tpu.memory_space<vmem>>
        %dma_start3A_111 = arith.constant 0 : i32
        %dma_start3A_112 = tpu.memref_slice %arg8[%add3A_88, %dma_start3A_111] : memref<80x125xi32, #tpu.memory_space<vmem>> -> memref<1x125xi32, #tpu.memory_space<vmem>>
        %dma_start3A_113 = tpu.memref_squeeze %dma_start3A_112 : memref<1x125xi32, #tpu.memory_space<vmem>> -> memref<125xi32, #tpu.memory_space<vmem>>
        %dma_start3A_114 = arith.constant 0 : i32
        %dma_start3A_115 = arith.constant 0 : i32
        %dma_start3A_116 = tpu.memref_slice %arg10[%dma_start3A_114, %dma_start3A_115] : memref<10000x16xf32, #tpu.memory_space<vmem_shared>> -> memref<10000x16xf32, #tpu.memory_space<vmem_shared>>
        tpu.enqueue_indirect_dma source(%dma_start3A_110 : memref<125x16xf32, #tpu.memory_space<vmem>>) target(%dma_start3A_116 : memref<10000x16xf32, #tpu.memory_space<vmem_shared>>) offsets(%dma_start3A_113 : memref<125xi32, #tpu.memory_space<vmem>>) semaphore(%run_scoped3A : memref<!tpu.dma_semaphore, #tpu.memory_space<semaphore_mem>>) {add = true}
        %dma_wait3A = arith.constant 250 : i32
        %dma_wait3A_117 = arith.constant 0 : i32
        %dma_wait3A_118 = tpu.memref_slice %arg9[%dma_wait3A, %dma_wait3A_117] : memref<1000x16xf32, #tpu.memory_space<vmem>> -> memref<125x16xf32, #tpu.memory_space<vmem>>
        %dma_wait3A_119 = arith.constant 0 : i32
        %dma_wait3A_120 = tpu.memref_slice %arg8[%add3A_88, %dma_wait3A_119] : memref<80x125xi32, #tpu.memory_space<vmem>> -> memref<1x125xi32, #tpu.memory_space<vmem>>
        %dma_wait3A_121 = tpu.memref_squeeze %dma_wait3A_120 : memref<1x125xi32, #tpu.memory_space<vmem>> -> memref<125xi32, #tpu.memory_space<vmem>>
        %dma_wait3A_122 = arith.constant 0 : i32
        %dma_wait3A_123 = arith.constant 0 : i32
        %dma_wait3A_124 = tpu.memref_slice %arg10[%dma_wait3A_122, %dma_wait3A_123] : memref<10000x16xf32, #tpu.memory_space<vmem_shared>> -> memref<10000x16xf32, #tpu.memory_space<vmem_shared>>
        tpu.wait_indirect_dma semaphore(%run_scoped3A : memref<!tpu.dma_semaphore, #tpu.memory_space<semaphore_mem>>) src(%dma_wait3A_118 : memref<125x16xf32, #tpu.memory_space<vmem>>) dst(%dma_wait3A_124 : memref<10000x16xf32, #tpu.memory_space<vmem_shared>>)
        tpu.yield
      }) : () -> ()
      %mul3A_89 = arith.constant 8 : i32
      %mul3A_90 = arith.muli %scan3A_73, %mul3A_89 : i32
      %add3A_91 = arith.constant 3 : i32
      %add3A_92 = arith.addi %mul3A_90, %add3A_91 : i32
      "tpu.region"() ({
        %run_scoped3A = tpu.sem_alloc : memref<!tpu.dma_semaphore, #tpu.memory_space<semaphore_mem>>
        %dma_start3A = arith.constant 375 : i32
        %dma_start3A_109 = arith.constant 0 : i32
        %dma_start3A_110 = tpu.memref_slice %arg9[%dma_start3A, %dma_start3A_109] : memref<1000x16xf32, #tpu.memory_space<vmem>> -> memref<125x16xf32, #tpu.memory_space<vmem>>
        %dma_start3A_111 = arith.constant 0 : i32
        %dma_start3A_112 = tpu.memref_slice %arg8[%add3A_92, %dma_start3A_111] : memref<80x125xi32, #tpu.memory_space<vmem>> -> memref<1x125xi32, #tpu.memory_space<vmem>>
        %dma_start3A_113 = tpu.memref_squeeze %dma_start3A_112 : memref<1x125xi32, #tpu.memory_space<vmem>> -> memref<125xi32, #tpu.memory_space<vmem>>
        %dma_start3A_114 = arith.constant 0 : i32
        %dma_start3A_115 = arith.constant 0 : i32
        %dma_start3A_116 = tpu.memref_slice %arg10[%dma_start3A_114, %dma_start3A_115] : memref<10000x16xf32, #tpu.memory_space<vmem_shared>> -> memref<10000x16xf32, #tpu.memory_space<vmem_shared>>
        tpu.enqueue_indirect_dma source(%dma_start3A_110 : memref<125x16xf32, #tpu.memory_space<vmem>>) target(%dma_start3A_116 : memref<10000x16xf32, #tpu.memory_space<vmem_shared>>) offsets(%dma_start3A_113 : memref<125xi32, #tpu.memory_space<vmem>>) semaphore(%run_scoped3A : memref<!tpu.dma_semaphore, #tpu.memory_space<semaphore_mem>>) {add = true}
        %dma_wait3A = arith.constant 375 : i32
        %dma_wait3A_117 = arith.constant 0 : i32
        %dma_wait3A_118 = tpu.memref_slice %arg9[%dma_wait3A, %dma_wait3A_117] : memref<1000x16xf32, #tpu.memory_space<vmem>> -> memref<125x16xf32, #tpu.memory_space<vmem>>
        %dma_wait3A_119 = arith.constant 0 : i32
        %dma_wait3A_120 = tpu.memref_slice %arg8[%add3A_92, %dma_wait3A_119] : memref<80x125xi32, #tpu.memory_space<vmem>> -> memref<1x125xi32, #tpu.memory_space<vmem>>
        %dma_wait3A_121 = tpu.memref_squeeze %dma_wait3A_120 : memref<1x125xi32, #tpu.memory_space<vmem>> -> memref<125xi32, #tpu.memory_space<vmem>>
        %dma_wait3A_122 = arith.constant 0 : i32
        %dma_wait3A_123 = arith.constant 0 : i32
        %dma_wait3A_124 = tpu.memref_slice %arg10[%dma_wait3A_122, %dma_wait3A_123] : memref<10000x16xf32, #tpu.memory_space<vmem_shared>> -> memref<10000x16xf32, #tpu.memory_space<vmem_shared>>
        tpu.wait_indirect_dma semaphore(%run_scoped3A : memref<!tpu.dma_semaphore, #tpu.memory_space<semaphore_mem>>) src(%dma_wait3A_118 : memref<125x16xf32, #tpu.memory_space<vmem>>) dst(%dma_wait3A_124 : memref<10000x16xf32, #tpu.memory_space<vmem_shared>>)
        tpu.yield
      }) : () -> ()
      %mul3A_93 = arith.constant 8 : i32
      %mul3A_94 = arith.muli %scan3A_73, %mul3A_93 : i32
      %add3A_95 = arith.constant 4 : i32
      %add3A_96 = arith.addi %mul3A_94, %add3A_95 : i32
      "tpu.region"() ({
        %run_scoped3A = tpu.sem_alloc : memref<!tpu.dma_semaphore, #tpu.memory_space<semaphore_mem>>
        %dma_start3A = arith.constant 500 : i32
        %dma_start3A_109 = arith.constant 0 : i32
        %dma_start3A_110 = tpu.memref_slice %arg9[%dma_start3A, %dma_start3A_109] : memref<1000x16xf32, #tpu.memory_space<vmem>> -> memref<125x16xf32, #tpu.memory_space<vmem>>
        %dma_start3A_111 = arith.constant 0 : i32
        %dma_start3A_112 = tpu.memref_slice %arg8[%add3A_96, %dma_start3A_111] : memref<80x125xi32, #tpu.memory_space<vmem>> -> memref<1x125xi32, #tpu.memory_space<vmem>>
        %dma_start3A_113 = tpu.memref_squeeze %dma_start3A_112 : memref<1x125xi32, #tpu.memory_space<vmem>> -> memref<125xi32, #tpu.memory_space<vmem>>
        %dma_start3A_114 = arith.constant 0 : i32
        %dma_start3A_115 = arith.constant 0 : i32
        %dma_start3A_116 = tpu.memref_slice %arg10[%dma_start3A_114, %dma_start3A_115] : memref<10000x16xf32, #tpu.memory_space<vmem_shared>> -> memref<10000x16xf32, #tpu.memory_space<vmem_shared>>
        tpu.enqueue_indirect_dma source(%dma_start3A_110 : memref<125x16xf32, #tpu.memory_space<vmem>>) target(%dma_start3A_116 : memref<10000x16xf32, #tpu.memory_space<vmem_shared>>) offsets(%dma_start3A_113 : memref<125xi32, #tpu.memory_space<vmem>>) semaphore(%run_scoped3A : memref<!tpu.dma_semaphore, #tpu.memory_space<semaphore_mem>>) {add = true}
        %dma_wait3A = arith.constant 500 : i32
        %dma_wait3A_117 = arith.constant 0 : i32
        %dma_wait3A_118 = tpu.memref_slice %arg9[%dma_wait3A, %dma_wait3A_117] : memref<1000x16xf32, #tpu.memory_space<vmem>> -> memref<125x16xf32, #tpu.memory_space<vmem>>
        %dma_wait3A_119 = arith.constant 0 : i32
        %dma_wait3A_120 = tpu.memref_slice %arg8[%add3A_96, %dma_wait3A_119] : memref<80x125xi32, #tpu.memory_space<vmem>> -> memref<1x125xi32, #tpu.memory_space<vmem>>
        %dma_wait3A_121 = tpu.memref_squeeze %dma_wait3A_120 : memref<1x125xi32, #tpu.memory_space<vmem>> -> memref<125xi32, #tpu.memory_space<vmem>>
        %dma_wait3A_122 = arith.constant 0 : i32
        %dma_wait3A_123 = arith.constant 0 : i32
        %dma_wait3A_124 = tpu.memref_slice %arg10[%dma_wait3A_122, %dma_wait3A_123] : memref<10000x16xf32, #tpu.memory_space<vmem_shared>> -> memref<10000x16xf32, #tpu.memory_space<vmem_shared>>
        tpu.wait_indirect_dma semaphore(%run_scoped3A : memref<!tpu.dma_semaphore, #tpu.memory_space<semaphore_mem>>) src(%dma_wait3A_118 : memref<125x16xf32, #tpu.memory_space<vmem>>) dst(%dma_wait3A_124 : memref<10000x16xf32, #tpu.memory_space<vmem_shared>>)
        tpu.yield
      }) : () -> ()
      %mul3A_97 = arith.constant 8 : i32
      %mul3A_98 = arith.muli %scan3A_73, %mul3A_97 : i32
      %add3A_99 = arith.constant 5 : i32
      %add3A_100 = arith.addi %mul3A_98, %add3A_99 : i32
      "tpu.region"() ({
        %run_scoped3A = tpu.sem_alloc : memref<!tpu.dma_semaphore, #tpu.memory_space<semaphore_mem>>
        %dma_start3A = arith.constant 625 : i32
        %dma_start3A_109 = arith.constant 0 : i32
        %dma_start3A_110 = tpu.memref_slice %arg9[%dma_start3A, %dma_start3A_109] : memref<1000x16xf32, #tpu.memory_space<vmem>> -> memref<125x16xf32, #tpu.memory_space<vmem>>
        %dma_start3A_111 = arith.constant 0 : i32
        %dma_start3A_112 = tpu.memref_slice %arg8[%add3A_100, %dma_start3A_111] : memref<80x125xi32, #tpu.memory_space<vmem>> -> memref<1x125xi32, #tpu.memory_space<vmem>>
        %dma_start3A_113 = tpu.memref_squeeze %dma_start3A_112 : memref<1x125xi32, #tpu.memory_space<vmem>> -> memref<125xi32, #tpu.memory_space<vmem>>
        %dma_start3A_114 = arith.constant 0 : i32
        %dma_start3A_115 = arith.constant 0 : i32
        %dma_start3A_116 = tpu.memref_slice %arg10[%dma_start3A_114, %dma_start3A_115] : memref<10000x16xf32, #tpu.memory_space<vmem_shared>> -> memref<10000x16xf32, #tpu.memory_space<vmem_shared>>
        tpu.enqueue_indirect_dma source(%dma_start3A_110 : memref<125x16xf32, #tpu.memory_space<vmem>>) target(%dma_start3A_116 : memref<10000x16xf32, #tpu.memory_space<vmem_shared>>) offsets(%dma_start3A_113 : memref<125xi32, #tpu.memory_space<vmem>>) semaphore(%run_scoped3A : memref<!tpu.dma_semaphore, #tpu.memory_space<semaphore_mem>>) {add = true}
        %dma_wait3A = arith.constant 625 : i32
        %dma_wait3A_117 = arith.constant 0 : i32
        %dma_wait3A_118 = tpu.memref_slice %arg9[%dma_wait3A, %dma_wait3A_117] : memref<1000x16xf32, #tpu.memory_space<vmem>> -> memref<125x16xf32, #tpu.memory_space<vmem>>
        %dma_wait3A_119 = arith.constant 0 : i32
        %dma_wait3A_120 = tpu.memref_slice %arg8[%add3A_100, %dma_wait3A_119] : memref<80x125xi32, #tpu.memory_space<vmem>> -> memref<1x125xi32, #tpu.memory_space<vmem>>
        %dma_wait3A_121 = tpu.memref_squeeze %dma_wait3A_120 : memref<1x125xi32, #tpu.memory_space<vmem>> -> memref<125xi32, #tpu.memory_space<vmem>>
        %dma_wait3A_122 = arith.constant 0 : i32
        %dma_wait3A_123 = arith.constant 0 : i32
        %dma_wait3A_124 = tpu.memref_slice %arg10[%dma_wait3A_122, %dma_wait3A_123] : memref<10000x16xf32, #tpu.memory_space<vmem_shared>> -> memref<10000x16xf32, #tpu.memory_space<vmem_shared>>
        tpu.wait_indirect_dma semaphore(%run_scoped3A : memref<!tpu.dma_semaphore, #tpu.memory_space<semaphore_mem>>) src(%dma_wait3A_118 : memref<125x16xf32, #tpu.memory_space<vmem>>) dst(%dma_wait3A_124 : memref<10000x16xf32, #tpu.memory_space<vmem_shared>>)
        tpu.yield
      }) : () -> ()
      %mul3A_101 = arith.constant 8 : i32
      %mul3A_102 = arith.muli %scan3A_73, %mul3A_101 : i32
      %add3A_103 = arith.constant 6 : i32
      %add3A_104 = arith.addi %mul3A_102, %add3A_103 : i32
      "tpu.region"() ({
        %run_scoped3A = tpu.sem_alloc : memref<!tpu.dma_semaphore, #tpu.memory_space<semaphore_mem>>
        %dma_start3A = arith.constant 750 : i32
        %dma_start3A_109 = arith.constant 0 : i32
        %dma_start3A_110 = tpu.memref_slice %arg9[%dma_start3A, %dma_start3A_109] : memref<1000x16xf32, #tpu.memory_space<vmem>> -> memref<125x16xf32, #tpu.memory_space<vmem>>
        %dma_start3A_111 = arith.constant 0 : i32
        %dma_start3A_112 = tpu.memref_slice %arg8[%add3A_104, %dma_start3A_111] : memref<80x125xi32, #tpu.memory_space<vmem>> -> memref<1x125xi32, #tpu.memory_space<vmem>>
        %dma_start3A_113 = tpu.memref_squeeze %dma_start3A_112 : memref<1x125xi32, #tpu.memory_space<vmem>> -> memref<125xi32, #tpu.memory_space<vmem>>
        %dma_start3A_114 = arith.constant 0 : i32
        %dma_start3A_115 = arith.constant 0 : i32
        %dma_start3A_116 = tpu.memref_slice %arg10[%dma_start3A_114, %dma_start3A_115] : memref<10000x16xf32, #tpu.memory_space<vmem_shared>> -> memref<10000x16xf32, #tpu.memory_space<vmem_shared>>
        tpu.enqueue_indirect_dma source(%dma_start3A_110 : memref<125x16xf32, #tpu.memory_space<vmem>>) target(%dma_start3A_116 : memref<10000x16xf32, #tpu.memory_space<vmem_shared>>) offsets(%dma_start3A_113 : memref<125xi32, #tpu.memory_space<vmem>>) semaphore(%run_scoped3A : memref<!tpu.dma_semaphore, #tpu.memory_space<semaphore_mem>>) {add = true}
        %dma_wait3A = arith.constant 750 : i32
        %dma_wait3A_117 = arith.constant 0 : i32
        %dma_wait3A_118 = tpu.memref_slice %arg9[%dma_wait3A, %dma_wait3A_117] : memref<1000x16xf32, #tpu.memory_space<vmem>> -> memref<125x16xf32, #tpu.memory_space<vmem>>
        %dma_wait3A_119 = arith.constant 0 : i32
        %dma_wait3A_120 = tpu.memref_slice %arg8[%add3A_104, %dma_wait3A_119] : memref<80x125xi32, #tpu.memory_space<vmem>> -> memref<1x125xi32, #tpu.memory_space<vmem>>
        %dma_wait3A_121 = tpu.memref_squeeze %dma_wait3A_120 : memref<1x125xi32, #tpu.memory_space<vmem>> -> memref<125xi32, #tpu.memory_space<vmem>>
        %dma_wait3A_122 = arith.constant 0 : i32
        %dma_wait3A_123 = arith.constant 0 : i32
        %dma_wait3A_124 = tpu.memref_slice %arg10[%dma_wait3A_122, %dma_wait3A_123] : memref<10000x16xf32, #tpu.memory_space<vmem_shared>> -> memref<10000x16xf32, #tpu.memory_space<vmem_shared>>
        tpu.wait_indirect_dma semaphore(%run_scoped3A : memref<!tpu.dma_semaphore, #tpu.memory_space<semaphore_mem>>) src(%dma_wait3A_118 : memref<125x16xf32, #tpu.memory_space<vmem>>) dst(%dma_wait3A_124 : memref<10000x16xf32, #tpu.memory_space<vmem_shared>>)
        tpu.yield
      }) : () -> ()
      %mul3A_105 = arith.constant 8 : i32
      %mul3A_106 = arith.muli %scan3A_73, %mul3A_105 : i32
      %add3A_107 = arith.constant 7 : i32
      %add3A_108 = arith.addi %mul3A_106, %add3A_107 : i32
      "tpu.region"() ({
        %run_scoped3A = tpu.sem_alloc : memref<!tpu.dma_semaphore, #tpu.memory_space<semaphore_mem>>
        %dma_start3A = arith.constant 875 : i32
        %dma_start3A_109 = arith.constant 0 : i32
        %dma_start3A_110 = tpu.memref_slice %arg9[%dma_start3A, %dma_start3A_109] : memref<1000x16xf32, #tpu.memory_space<vmem>> -> memref<125x16xf32, #tpu.memory_space<vmem>>
        %dma_start3A_111 = arith.constant 0 : i32
        %dma_start3A_112 = tpu.memref_slice %arg8[%add3A_108, %dma_start3A_111] : memref<80x125xi32, #tpu.memory_space<vmem>> -> memref<1x125xi32, #tpu.memory_space<vmem>>
        %dma_start3A_113 = tpu.memref_squeeze %dma_start3A_112 : memref<1x125xi32, #tpu.memory_space<vmem>> -> memref<125xi32, #tpu.memory_space<vmem>>
        %dma_start3A_114 = arith.constant 0 : i32
        %dma_start3A_115 = arith.constant 0 : i32
        %dma_start3A_116 = tpu.memref_slice %arg10[%dma_start3A_114, %dma_start3A_115] : memref<10000x16xf32, #tpu.memory_space<vmem_shared>> -> memref<10000x16xf32, #tpu.memory_space<vmem_shared>>
        tpu.enqueue_indirect_dma source(%dma_start3A_110 : memref<125x16xf32, #tpu.memory_space<vmem>>) target(%dma_start3A_116 : memref<10000x16xf32, #tpu.memory_space<vmem_shared>>) offsets(%dma_start3A_113 : memref<125xi32, #tpu.memory_space<vmem>>) semaphore(%run_scoped3A : memref<!tpu.dma_semaphore, #tpu.memory_space<semaphore_mem>>) {add = true}
        %dma_wait3A = arith.constant 875 : i32
        %dma_wait3A_117 = arith.constant 0 : i32
        %dma_wait3A_118 = tpu.memref_slice %arg9[%dma_wait3A, %dma_wait3A_117] : memref<1000x16xf32, #tpu.memory_space<vmem>> -> memref<125x16xf32, #tpu.memory_space<vmem>>
        %dma_wait3A_119 = arith.constant 0 : i32
        %dma_wait3A_120 = tpu.memref_slice %arg8[%add3A_108, %dma_wait3A_119] : memref<80x125xi32, #tpu.memory_space<vmem>> -> memref<1x125xi32, #tpu.memory_space<vmem>>
        %dma_wait3A_121 = tpu.memref_squeeze %dma_wait3A_120 : memref<1x125xi32, #tpu.memory_space<vmem>> -> memref<125xi32, #tpu.memory_space<vmem>>
        %dma_wait3A_122 = arith.constant 0 : i32
        %dma_wait3A_123 = arith.constant 0 : i32
        %dma_wait3A_124 = tpu.memref_slice %arg10[%dma_wait3A_122, %dma_wait3A_123] : memref<10000x16xf32, #tpu.memory_space<vmem_shared>> -> memref<10000x16xf32, #tpu.memory_space<vmem_shared>>
        tpu.wait_indirect_dma semaphore(%run_scoped3A : memref<!tpu.dma_semaphore, #tpu.memory_space<semaphore_mem>>) src(%dma_wait3A_118 : memref<125x16xf32, #tpu.memory_space<vmem>>) dst(%dma_wait3A_124 : memref<10000x16xf32, #tpu.memory_space<vmem_shared>>)
        tpu.yield
      }) : () -> ()
    }
    %scan3A_66 = arith.constant 10 : i32
    %barrier3A_67 = arith.constant 0 : index
    tpu.barrier barrier_id(%barrier3A_67)
    %lt3A_68 = arith.constant 10 : i32
    %lt3A_69 = arith.cmpi slt, %arg1, %lt3A_68 : i32
    %convert_element_type3A_70 = arith.extui %lt3A_69 : i1 to i32
    %cond3A_71 = arith.constant 0 : i32
    %cond3A_72 = arith.cmpi ne, %convert_element_type3A_70, %cond3A_71 : i32
    scf.if %cond3A_72 {
      %mul3A_73 = arith.constant 1000 : i32
      %mul3A_74 = arith.muli %arg1, %mul3A_73 : i32
      %mul3A_75 = arith.constant 1000 : i32
      %mul3A_76 = arith.muli %arg1, %mul3A_75 : i32
      "tpu.region"() ({
        %run_scoped3A = tpu.sem_alloc : memref<!tpu.dma_semaphore, #tpu.memory_space<semaphore_mem>>
        %dma_start3A = arith.constant 0 : i32
        %dma_start3A_77 = tpu.memref_slice %arg6[%arg0, %mul3A_76, %dma_start3A] : memref<2x10000x16xf32, #tpu.memory_space<hbm>> -> memref<1x1000x16xf32, #tpu.memory_space<hbm>>
        %dma_start3A_78 = tpu.memref_squeeze %dma_start3A_77 : memref<1x1000x16xf32, #tpu.memory_space<hbm>> -> memref<1000x16xf32, #tpu.memory_space<hbm>>
        %dma_start3A_79 = arith.constant 0 : i32
        %dma_start3A_80 = tpu.memref_slice %arg10[%mul3A_74, %dma_start3A_79] : memref<10000x16xf32, #tpu.memory_space<vmem_shared>> -> memref<1000x16xf32, #tpu.memory_space<vmem_shared>>
        tpu.enqueue_dma source(%dma_start3A_80 : memref<1000x16xf32, #tpu.memory_space<vmem_shared>>) target(%dma_start3A_78 : memref<1000x16xf32, #tpu.memory_space<hbm>>) target_semaphore(%run_scoped3A : memref<!tpu.dma_semaphore, #tpu.memory_space<semaphore_mem>>)
        %dma_wait3A = arith.constant 0 : i32
        %dma_wait3A_81 = tpu.memref_slice %arg6[%arg0, %mul3A_76, %dma_wait3A] : memref<2x10000x16xf32, #tpu.memory_space<hbm>> -> memref<1x1000x16xf32, #tpu.memory_space<hbm>>
        %dma_wait3A_82 = tpu.memref_squeeze %dma_wait3A_81 : memref<1x1000x16xf32, #tpu.memory_space<hbm>> -> memref<1000x16xf32, #tpu.memory_space<hbm>>
        %dma_wait3A_83 = arith.constant 0 : i32
        %dma_wait3A_84 = tpu.memref_slice %arg10[%mul3A_74, %dma_wait3A_83] : memref<10000x16xf32, #tpu.memory_space<vmem_shared>> -> memref<1000x16xf32, #tpu.memory_space<vmem_shared>>
        tpu.wait_dma2 semaphore(%run_scoped3A : memref<!tpu.dma_semaphore, #tpu.memory_space<semaphore_mem>>) src(%dma_wait3A_84 : memref<1000x16xf32, #tpu.memory_space<vmem_shared>>) dst(%dma_wait3A_82 : memref<1000x16xf32, #tpu.memory_space<hbm>>)
        tpu.yield
      }) : () -> ()
    } else {
    }
    return
  }
}

#map = affine_map<(d0, d1) -> (0, 0)>
#map1 = affine_map<(d0, d1) -> (0, 0, 0)>
module attributes {stable_mosaic.version = 14 : i64} {
  func.func @sk(%arg0: i32, %arg1: i32, %arg2: memref<320000x16xf32, #tpu.memory_space<hbm>>, %arg3: memref<2560x125xi32, #tpu.memory_space<hbm>>, %arg4: memref<1000x16xf32, #tpu.memory_space<hbm>>, %arg5: memref<2x10000x16xf32, #tpu.memory_space<hbm>>, %arg6: memref<80x125xi32, #tpu.memory_space<vmem>>, %arg7: memref<1000x16xf32, #tpu.memory_space<vmem>>, %arg8: memref<10000x16xf32, #tpu.memory_space<vmem_shared>>) attributes {dimension_semantics = [#tpu.dimension_semantics<core_parallel>, #tpu.dimension_semantics<subcore_parallel>], iteration_bounds = array<i64: 2, 16>, scalar_prefetch = 0 : i64, scratch_operands = 3 : i64, tpu.core_type = #tpu.core_type<sc_vector_subcore>, window_params = [{transform_indices = #map}, {transform_indices = #map}, {transform_indices = #map}, {transform_indices = #map1}]} {
    %mul3A = arith.constant 2 : i32
    %mul3A_0 = arith.muli %arg1, %mul3A : i32
    %add3A = arith.addi %mul3A_0, %arg0 : i32
    %lt3A = arith.constant 10 : i32
    %lt3A_1 = arith.cmpi slt, %arg1, %lt3A : i32
    %convert_element_type3A = arith.extui %lt3A_1 : i1 to i32
    %cond3A = arith.constant 0 : i32
    %cond3A_2 = arith.cmpi ne, %convert_element_type3A, %cond3A : i32
    scf.if %cond3A_2 {
      %mul3A_18 = arith.constant 1000 : i32
      %mul3A_19 = arith.muli %arg1, %mul3A_18 : i32
      "tpu.region"() ({
        %run_scoped3A = tpu.sem_alloc : memref<!tpu.dma_semaphore, #tpu.memory_space<semaphore_mem>>
        %dma_start3A = arith.constant 0 : i32
        %dma_start3A_20 = tpu.memref_slice %arg8[%mul3A_19, %dma_start3A] : memref<10000x16xf32, #tpu.memory_space<vmem_shared>> -> memref<1000x16xf32, #tpu.memory_space<vmem_shared>>
        tpu.enqueue_dma source(%arg4 : memref<1000x16xf32, #tpu.memory_space<hbm>>) target(%dma_start3A_20 : memref<1000x16xf32, #tpu.memory_space<vmem_shared>>) target_semaphore(%run_scoped3A : memref<!tpu.dma_semaphore, #tpu.memory_space<semaphore_mem>>)
        %dma_wait3A = arith.constant 0 : i32
        %dma_wait3A_21 = tpu.memref_slice %arg8[%mul3A_19, %dma_wait3A] : memref<10000x16xf32, #tpu.memory_space<vmem_shared>> -> memref<1000x16xf32, #tpu.memory_space<vmem_shared>>
        tpu.wait_dma2 semaphore(%run_scoped3A : memref<!tpu.dma_semaphore, #tpu.memory_space<semaphore_mem>>) src(%arg4 : memref<1000x16xf32, #tpu.memory_space<hbm>>) dst(%dma_wait3A_21 : memref<1000x16xf32, #tpu.memory_space<vmem_shared>>)
        tpu.yield
      }) : () -> ()
    } else {
    }
    %barrier3A = arith.constant 0 : index
    tpu.barrier barrier_id(%barrier3A)
    %mul3A_3 = arith.constant 80 : i32
    %mul3A_4 = arith.muli %add3A, %mul3A_3 : i32
    %mul3A_5 = arith.constant 10000 : i32
    %mul3A_6 = arith.muli %add3A, %mul3A_5 : i32
    "tpu.region"() ({
      %run_scoped3A = tpu.sem_alloc : memref<!tpu.dma_semaphore, #tpu.memory_space<semaphore_mem>>
      %dma_start3A = arith.constant 0 : i32
      %dma_start3A_18 = tpu.memref_slice %arg3[%mul3A_4, %dma_start3A] : memref<2560x125xi32, #tpu.memory_space<hbm>> -> memref<80x125xi32, #tpu.memory_space<hbm>>
      %dma_start3A_19 = arith.constant 0 : i32
      %dma_start3A_20 = tpu.memref_slice %arg3[%mul3A_4, %dma_start3A_19] : memref<2560x125xi32, #tpu.memory_space<hbm>> -> memref<80x125xi32, #tpu.memory_space<hbm>>
      tpu.enqueue_dma source(%dma_start3A_20 : memref<80x125xi32, #tpu.memory_space<hbm>>) target(%arg6 : memref<80x125xi32, #tpu.memory_space<vmem>>) target_semaphore(%run_scoped3A : memref<!tpu.dma_semaphore, #tpu.memory_space<semaphore_mem>>)
      %dma_wait3A = arith.constant 0 : i32
      %dma_wait3A_21 = tpu.memref_slice %arg3[%mul3A_4, %dma_wait3A] : memref<2560x125xi32, #tpu.memory_space<hbm>> -> memref<80x125xi32, #tpu.memory_space<hbm>>
      %dma_wait3A_22 = arith.constant 0 : i32
      %dma_wait3A_23 = tpu.memref_slice %arg3[%mul3A_4, %dma_wait3A_22] : memref<2560x125xi32, #tpu.memory_space<hbm>> -> memref<80x125xi32, #tpu.memory_space<hbm>>
      tpu.wait_dma2 semaphore(%run_scoped3A : memref<!tpu.dma_semaphore, #tpu.memory_space<semaphore_mem>>) src(%dma_wait3A_23 : memref<80x125xi32, #tpu.memory_space<hbm>>) dst(%arg6 : memref<80x125xi32, #tpu.memory_space<vmem>>)
      tpu.yield
    }) : () -> ()
    %scan3A = arith.constant 0 : i32
    %scan3A_7 = arith.constant 0 : i32
    %scan3A_8 = arith.constant 10 : i32
    %scan3A_9 = arith.addi %scan3A_7, %scan3A_8 : i32
    %scan3A_10 = arith.constant 1 : i32
    scf.for %scan3A_18 = %scan3A_7 to %scan3A_9 step %scan3A_10  : i32 {
      %mul3A_19 = arith.constant 1000 : i32
      %mul3A_20 = arith.muli %scan3A_18, %mul3A_19 : i32
      %add3A_21 = arith.addi %mul3A_6, %mul3A_20 : i32
      "tpu.region"() ({
        %run_scoped3A = tpu.sem_alloc : memref<!tpu.dma_semaphore, #tpu.memory_space<semaphore_mem>>
        %dma_start3A = arith.constant 0 : i32
        %dma_start3A_54 = tpu.memref_slice %arg2[%add3A_21, %dma_start3A] : memref<320000x16xf32, #tpu.memory_space<hbm>> -> memref<1000x16xf32, #tpu.memory_space<hbm>>
        %dma_start3A_55 = arith.constant 0 : i32
        %dma_start3A_56 = tpu.memref_slice %arg2[%add3A_21, %dma_start3A_55] : memref<320000x16xf32, #tpu.memory_space<hbm>> -> memref<1000x16xf32, #tpu.memory_space<hbm>>
        tpu.enqueue_dma source(%dma_start3A_56 : memref<1000x16xf32, #tpu.memory_space<hbm>>) target(%arg7 : memref<1000x16xf32, #tpu.memory_space<vmem>>) target_semaphore(%run_scoped3A : memref<!tpu.dma_semaphore, #tpu.memory_space<semaphore_mem>>)
        %dma_wait3A = arith.constant 0 : i32
        %dma_wait3A_57 = tpu.memref_slice %arg2[%add3A_21, %dma_wait3A] : memref<320000x16xf32, #tpu.memory_space<hbm>> -> memref<1000x16xf32, #tpu.memory_space<hbm>>
        %dma_wait3A_58 = arith.constant 0 : i32
        %dma_wait3A_59 = tpu.memref_slice %arg2[%add3A_21, %dma_wait3A_58] : memref<320000x16xf32, #tpu.memory_space<hbm>> -> memref<1000x16xf32, #tpu.memory_space<hbm>>
        tpu.wait_dma2 semaphore(%run_scoped3A : memref<!tpu.dma_semaphore, #tpu.memory_space<semaphore_mem>>) src(%dma_wait3A_59 : memref<1000x16xf32, #tpu.memory_space<hbm>>) dst(%arg7 : memref<1000x16xf32, #tpu.memory_space<vmem>>)
        tpu.yield
      }) : () -> ()
      %mul3A_22 = arith.constant 8 : i32
      %mul3A_23 = arith.muli %scan3A_18, %mul3A_22 : i32
      %add3A_24 = arith.constant 0 : i32
      %add3A_25 = arith.addi %mul3A_23, %add3A_24 : i32
      "tpu.region"() ({
        %run_scoped3A = tpu.sem_alloc : memref<!tpu.dma_semaphore, #tpu.memory_space<semaphore_mem>>
        %dma_start3A = arith.constant 0 : i32
        %dma_start3A_54 = arith.constant 0 : i32
        %dma_start3A_55 = tpu.memref_slice %arg7[%dma_start3A, %dma_start3A_54] : memref<1000x16xf32, #tpu.memory_space<vmem>> -> memref<125x16xf32, #tpu.memory_space<vmem>>
        %dma_start3A_56 = arith.constant 0 : i32
        %dma_start3A_57 = tpu.memref_slice %arg6[%add3A_25, %dma_start3A_56] : memref<80x125xi32, #tpu.memory_space<vmem>> -> memref<1x125xi32, #tpu.memory_space<vmem>>
        %dma_start3A_58 = tpu.memref_squeeze %dma_start3A_57 : memref<1x125xi32, #tpu.memory_space<vmem>> -> memref<125xi32, #tpu.memory_space<vmem>>
        %dma_start3A_59 = arith.constant 0 : i32
        %dma_start3A_60 = arith.constant 0 : i32
        %dma_start3A_61 = tpu.memref_slice %arg8[%dma_start3A_59, %dma_start3A_60] : memref<10000x16xf32, #tpu.memory_space<vmem_shared>> -> memref<10000x16xf32, #tpu.memory_space<vmem_shared>>
        tpu.enqueue_indirect_dma source(%dma_start3A_55 : memref<125x16xf32, #tpu.memory_space<vmem>>) target(%dma_start3A_61 : memref<10000x16xf32, #tpu.memory_space<vmem_shared>>) offsets(%dma_start3A_58 : memref<125xi32, #tpu.memory_space<vmem>>) semaphore(%run_scoped3A : memref<!tpu.dma_semaphore, #tpu.memory_space<semaphore_mem>>) {add = true}
        %dma_wait3A = arith.constant 0 : i32
        %dma_wait3A_62 = arith.constant 0 : i32
        %dma_wait3A_63 = tpu.memref_slice %arg7[%dma_wait3A, %dma_wait3A_62] : memref<1000x16xf32, #tpu.memory_space<vmem>> -> memref<125x16xf32, #tpu.memory_space<vmem>>
        %dma_wait3A_64 = arith.constant 0 : i32
        %dma_wait3A_65 = tpu.memref_slice %arg6[%add3A_25, %dma_wait3A_64] : memref<80x125xi32, #tpu.memory_space<vmem>> -> memref<1x125xi32, #tpu.memory_space<vmem>>
        %dma_wait3A_66 = tpu.memref_squeeze %dma_wait3A_65 : memref<1x125xi32, #tpu.memory_space<vmem>> -> memref<125xi32, #tpu.memory_space<vmem>>
        %dma_wait3A_67 = arith.constant 0 : i32
        %dma_wait3A_68 = arith.constant 0 : i32
        %dma_wait3A_69 = tpu.memref_slice %arg8[%dma_wait3A_67, %dma_wait3A_68] : memref<10000x16xf32, #tpu.memory_space<vmem_shared>> -> memref<10000x16xf32, #tpu.memory_space<vmem_shared>>
        tpu.wait_indirect_dma semaphore(%run_scoped3A : memref<!tpu.dma_semaphore, #tpu.memory_space<semaphore_mem>>) src(%dma_wait3A_63 : memref<125x16xf32, #tpu.memory_space<vmem>>) dst(%dma_wait3A_69 : memref<10000x16xf32, #tpu.memory_space<vmem_shared>>)
        tpu.yield
      }) : () -> ()
      %mul3A_26 = arith.constant 8 : i32
      %mul3A_27 = arith.muli %scan3A_18, %mul3A_26 : i32
      %add3A_28 = arith.constant 1 : i32
      %add3A_29 = arith.addi %mul3A_27, %add3A_28 : i32
      "tpu.region"() ({
        %run_scoped3A = tpu.sem_alloc : memref<!tpu.dma_semaphore, #tpu.memory_space<semaphore_mem>>
        %dma_start3A = arith.constant 125 : i32
        %dma_start3A_54 = arith.constant 0 : i32
        %dma_start3A_55 = tpu.memref_slice %arg7[%dma_start3A, %dma_start3A_54] : memref<1000x16xf32, #tpu.memory_space<vmem>> -> memref<125x16xf32, #tpu.memory_space<vmem>>
        %dma_start3A_56 = arith.constant 0 : i32
        %dma_start3A_57 = tpu.memref_slice %arg6[%add3A_29, %dma_start3A_56] : memref<80x125xi32, #tpu.memory_space<vmem>> -> memref<1x125xi32, #tpu.memory_space<vmem>>
        %dma_start3A_58 = tpu.memref_squeeze %dma_start3A_57 : memref<1x125xi32, #tpu.memory_space<vmem>> -> memref<125xi32, #tpu.memory_space<vmem>>
        %dma_start3A_59 = arith.constant 0 : i32
        %dma_start3A_60 = arith.constant 0 : i32
        %dma_start3A_61 = tpu.memref_slice %arg8[%dma_start3A_59, %dma_start3A_60] : memref<10000x16xf32, #tpu.memory_space<vmem_shared>> -> memref<10000x16xf32, #tpu.memory_space<vmem_shared>>
        tpu.enqueue_indirect_dma source(%dma_start3A_55 : memref<125x16xf32, #tpu.memory_space<vmem>>) target(%dma_start3A_61 : memref<10000x16xf32, #tpu.memory_space<vmem_shared>>) offsets(%dma_start3A_58 : memref<125xi32, #tpu.memory_space<vmem>>) semaphore(%run_scoped3A : memref<!tpu.dma_semaphore, #tpu.memory_space<semaphore_mem>>) {add = true}
        %dma_wait3A = arith.constant 125 : i32
        %dma_wait3A_62 = arith.constant 0 : i32
        %dma_wait3A_63 = tpu.memref_slice %arg7[%dma_wait3A, %dma_wait3A_62] : memref<1000x16xf32, #tpu.memory_space<vmem>> -> memref<125x16xf32, #tpu.memory_space<vmem>>
        %dma_wait3A_64 = arith.constant 0 : i32
        %dma_wait3A_65 = tpu.memref_slice %arg6[%add3A_29, %dma_wait3A_64] : memref<80x125xi32, #tpu.memory_space<vmem>> -> memref<1x125xi32, #tpu.memory_space<vmem>>
        %dma_wait3A_66 = tpu.memref_squeeze %dma_wait3A_65 : memref<1x125xi32, #tpu.memory_space<vmem>> -> memref<125xi32, #tpu.memory_space<vmem>>
        %dma_wait3A_67 = arith.constant 0 : i32
        %dma_wait3A_68 = arith.constant 0 : i32
        %dma_wait3A_69 = tpu.memref_slice %arg8[%dma_wait3A_67, %dma_wait3A_68] : memref<10000x16xf32, #tpu.memory_space<vmem_shared>> -> memref<10000x16xf32, #tpu.memory_space<vmem_shared>>
        tpu.wait_indirect_dma semaphore(%run_scoped3A : memref<!tpu.dma_semaphore, #tpu.memory_space<semaphore_mem>>) src(%dma_wait3A_63 : memref<125x16xf32, #tpu.memory_space<vmem>>) dst(%dma_wait3A_69 : memref<10000x16xf32, #tpu.memory_space<vmem_shared>>)
        tpu.yield
      }) : () -> ()
      %mul3A_30 = arith.constant 8 : i32
      %mul3A_31 = arith.muli %scan3A_18, %mul3A_30 : i32
      %add3A_32 = arith.constant 2 : i32
      %add3A_33 = arith.addi %mul3A_31, %add3A_32 : i32
      "tpu.region"() ({
        %run_scoped3A = tpu.sem_alloc : memref<!tpu.dma_semaphore, #tpu.memory_space<semaphore_mem>>
        %dma_start3A = arith.constant 250 : i32
        %dma_start3A_54 = arith.constant 0 : i32
        %dma_start3A_55 = tpu.memref_slice %arg7[%dma_start3A, %dma_start3A_54] : memref<1000x16xf32, #tpu.memory_space<vmem>> -> memref<125x16xf32, #tpu.memory_space<vmem>>
        %dma_start3A_56 = arith.constant 0 : i32
        %dma_start3A_57 = tpu.memref_slice %arg6[%add3A_33, %dma_start3A_56] : memref<80x125xi32, #tpu.memory_space<vmem>> -> memref<1x125xi32, #tpu.memory_space<vmem>>
        %dma_start3A_58 = tpu.memref_squeeze %dma_start3A_57 : memref<1x125xi32, #tpu.memory_space<vmem>> -> memref<125xi32, #tpu.memory_space<vmem>>
        %dma_start3A_59 = arith.constant 0 : i32
        %dma_start3A_60 = arith.constant 0 : i32
        %dma_start3A_61 = tpu.memref_slice %arg8[%dma_start3A_59, %dma_start3A_60] : memref<10000x16xf32, #tpu.memory_space<vmem_shared>> -> memref<10000x16xf32, #tpu.memory_space<vmem_shared>>
        tpu.enqueue_indirect_dma source(%dma_start3A_55 : memref<125x16xf32, #tpu.memory_space<vmem>>) target(%dma_start3A_61 : memref<10000x16xf32, #tpu.memory_space<vmem_shared>>) offsets(%dma_start3A_58 : memref<125xi32, #tpu.memory_space<vmem>>) semaphore(%run_scoped3A : memref<!tpu.dma_semaphore, #tpu.memory_space<semaphore_mem>>) {add = true}
        %dma_wait3A = arith.constant 250 : i32
        %dma_wait3A_62 = arith.constant 0 : i32
        %dma_wait3A_63 = tpu.memref_slice %arg7[%dma_wait3A, %dma_wait3A_62] : memref<1000x16xf32, #tpu.memory_space<vmem>> -> memref<125x16xf32, #tpu.memory_space<vmem>>
        %dma_wait3A_64 = arith.constant 0 : i32
        %dma_wait3A_65 = tpu.memref_slice %arg6[%add3A_33, %dma_wait3A_64] : memref<80x125xi32, #tpu.memory_space<vmem>> -> memref<1x125xi32, #tpu.memory_space<vmem>>
        %dma_wait3A_66 = tpu.memref_squeeze %dma_wait3A_65 : memref<1x125xi32, #tpu.memory_space<vmem>> -> memref<125xi32, #tpu.memory_space<vmem>>
        %dma_wait3A_67 = arith.constant 0 : i32
        %dma_wait3A_68 = arith.constant 0 : i32
        %dma_wait3A_69 = tpu.memref_slice %arg8[%dma_wait3A_67, %dma_wait3A_68] : memref<10000x16xf32, #tpu.memory_space<vmem_shared>> -> memref<10000x16xf32, #tpu.memory_space<vmem_shared>>
        tpu.wait_indirect_dma semaphore(%run_scoped3A : memref<!tpu.dma_semaphore, #tpu.memory_space<semaphore_mem>>) src(%dma_wait3A_63 : memref<125x16xf32, #tpu.memory_space<vmem>>) dst(%dma_wait3A_69 : memref<10000x16xf32, #tpu.memory_space<vmem_shared>>)
        tpu.yield
      }) : () -> ()
      %mul3A_34 = arith.constant 8 : i32
      %mul3A_35 = arith.muli %scan3A_18, %mul3A_34 : i32
      %add3A_36 = arith.constant 3 : i32
      %add3A_37 = arith.addi %mul3A_35, %add3A_36 : i32
      "tpu.region"() ({
        %run_scoped3A = tpu.sem_alloc : memref<!tpu.dma_semaphore, #tpu.memory_space<semaphore_mem>>
        %dma_start3A = arith.constant 375 : i32
        %dma_start3A_54 = arith.constant 0 : i32
        %dma_start3A_55 = tpu.memref_slice %arg7[%dma_start3A, %dma_start3A_54] : memref<1000x16xf32, #tpu.memory_space<vmem>> -> memref<125x16xf32, #tpu.memory_space<vmem>>
        %dma_start3A_56 = arith.constant 0 : i32
        %dma_start3A_57 = tpu.memref_slice %arg6[%add3A_37, %dma_start3A_56] : memref<80x125xi32, #tpu.memory_space<vmem>> -> memref<1x125xi32, #tpu.memory_space<vmem>>
        %dma_start3A_58 = tpu.memref_squeeze %dma_start3A_57 : memref<1x125xi32, #tpu.memory_space<vmem>> -> memref<125xi32, #tpu.memory_space<vmem>>
        %dma_start3A_59 = arith.constant 0 : i32
        %dma_start3A_60 = arith.constant 0 : i32
        %dma_start3A_61 = tpu.memref_slice %arg8[%dma_start3A_59, %dma_start3A_60] : memref<10000x16xf32, #tpu.memory_space<vmem_shared>> -> memref<10000x16xf32, #tpu.memory_space<vmem_shared>>
        tpu.enqueue_indirect_dma source(%dma_start3A_55 : memref<125x16xf32, #tpu.memory_space<vmem>>) target(%dma_start3A_61 : memref<10000x16xf32, #tpu.memory_space<vmem_shared>>) offsets(%dma_start3A_58 : memref<125xi32, #tpu.memory_space<vmem>>) semaphore(%run_scoped3A : memref<!tpu.dma_semaphore, #tpu.memory_space<semaphore_mem>>) {add = true}
        %dma_wait3A = arith.constant 375 : i32
        %dma_wait3A_62 = arith.constant 0 : i32
        %dma_wait3A_63 = tpu.memref_slice %arg7[%dma_wait3A, %dma_wait3A_62] : memref<1000x16xf32, #tpu.memory_space<vmem>> -> memref<125x16xf32, #tpu.memory_space<vmem>>
        %dma_wait3A_64 = arith.constant 0 : i32
        %dma_wait3A_65 = tpu.memref_slice %arg6[%add3A_37, %dma_wait3A_64] : memref<80x125xi32, #tpu.memory_space<vmem>> -> memref<1x125xi32, #tpu.memory_space<vmem>>
        %dma_wait3A_66 = tpu.memref_squeeze %dma_wait3A_65 : memref<1x125xi32, #tpu.memory_space<vmem>> -> memref<125xi32, #tpu.memory_space<vmem>>
        %dma_wait3A_67 = arith.constant 0 : i32
        %dma_wait3A_68 = arith.constant 0 : i32
        %dma_wait3A_69 = tpu.memref_slice %arg8[%dma_wait3A_67, %dma_wait3A_68] : memref<10000x16xf32, #tpu.memory_space<vmem_shared>> -> memref<10000x16xf32, #tpu.memory_space<vmem_shared>>
        tpu.wait_indirect_dma semaphore(%run_scoped3A : memref<!tpu.dma_semaphore, #tpu.memory_space<semaphore_mem>>) src(%dma_wait3A_63 : memref<125x16xf32, #tpu.memory_space<vmem>>) dst(%dma_wait3A_69 : memref<10000x16xf32, #tpu.memory_space<vmem_shared>>)
        tpu.yield
      }) : () -> ()
      %mul3A_38 = arith.constant 8 : i32
      %mul3A_39 = arith.muli %scan3A_18, %mul3A_38 : i32
      %add3A_40 = arith.constant 4 : i32
      %add3A_41 = arith.addi %mul3A_39, %add3A_40 : i32
      "tpu.region"() ({
        %run_scoped3A = tpu.sem_alloc : memref<!tpu.dma_semaphore, #tpu.memory_space<semaphore_mem>>
        %dma_start3A = arith.constant 500 : i32
        %dma_start3A_54 = arith.constant 0 : i32
        %dma_start3A_55 = tpu.memref_slice %arg7[%dma_start3A, %dma_start3A_54] : memref<1000x16xf32, #tpu.memory_space<vmem>> -> memref<125x16xf32, #tpu.memory_space<vmem>>
        %dma_start3A_56 = arith.constant 0 : i32
        %dma_start3A_57 = tpu.memref_slice %arg6[%add3A_41, %dma_start3A_56] : memref<80x125xi32, #tpu.memory_space<vmem>> -> memref<1x125xi32, #tpu.memory_space<vmem>>
        %dma_start3A_58 = tpu.memref_squeeze %dma_start3A_57 : memref<1x125xi32, #tpu.memory_space<vmem>> -> memref<125xi32, #tpu.memory_space<vmem>>
        %dma_start3A_59 = arith.constant 0 : i32
        %dma_start3A_60 = arith.constant 0 : i32
        %dma_start3A_61 = tpu.memref_slice %arg8[%dma_start3A_59, %dma_start3A_60] : memref<10000x16xf32, #tpu.memory_space<vmem_shared>> -> memref<10000x16xf32, #tpu.memory_space<vmem_shared>>
        tpu.enqueue_indirect_dma source(%dma_start3A_55 : memref<125x16xf32, #tpu.memory_space<vmem>>) target(%dma_start3A_61 : memref<10000x16xf32, #tpu.memory_space<vmem_shared>>) offsets(%dma_start3A_58 : memref<125xi32, #tpu.memory_space<vmem>>) semaphore(%run_scoped3A : memref<!tpu.dma_semaphore, #tpu.memory_space<semaphore_mem>>) {add = true}
        %dma_wait3A = arith.constant 500 : i32
        %dma_wait3A_62 = arith.constant 0 : i32
        %dma_wait3A_63 = tpu.memref_slice %arg7[%dma_wait3A, %dma_wait3A_62] : memref<1000x16xf32, #tpu.memory_space<vmem>> -> memref<125x16xf32, #tpu.memory_space<vmem>>
        %dma_wait3A_64 = arith.constant 0 : i32
        %dma_wait3A_65 = tpu.memref_slice %arg6[%add3A_41, %dma_wait3A_64] : memref<80x125xi32, #tpu.memory_space<vmem>> -> memref<1x125xi32, #tpu.memory_space<vmem>>
        %dma_wait3A_66 = tpu.memref_squeeze %dma_wait3A_65 : memref<1x125xi32, #tpu.memory_space<vmem>> -> memref<125xi32, #tpu.memory_space<vmem>>
        %dma_wait3A_67 = arith.constant 0 : i32
        %dma_wait3A_68 = arith.constant 0 : i32
        %dma_wait3A_69 = tpu.memref_slice %arg8[%dma_wait3A_67, %dma_wait3A_68] : memref<10000x16xf32, #tpu.memory_space<vmem_shared>> -> memref<10000x16xf32, #tpu.memory_space<vmem_shared>>
        tpu.wait_indirect_dma semaphore(%run_scoped3A : memref<!tpu.dma_semaphore, #tpu.memory_space<semaphore_mem>>) src(%dma_wait3A_63 : memref<125x16xf32, #tpu.memory_space<vmem>>) dst(%dma_wait3A_69 : memref<10000x16xf32, #tpu.memory_space<vmem_shared>>)
        tpu.yield
      }) : () -> ()
      %mul3A_42 = arith.constant 8 : i32
      %mul3A_43 = arith.muli %scan3A_18, %mul3A_42 : i32
      %add3A_44 = arith.constant 5 : i32
      %add3A_45 = arith.addi %mul3A_43, %add3A_44 : i32
      "tpu.region"() ({
        %run_scoped3A = tpu.sem_alloc : memref<!tpu.dma_semaphore, #tpu.memory_space<semaphore_mem>>
        %dma_start3A = arith.constant 625 : i32
        %dma_start3A_54 = arith.constant 0 : i32
        %dma_start3A_55 = tpu.memref_slice %arg7[%dma_start3A, %dma_start3A_54] : memref<1000x16xf32, #tpu.memory_space<vmem>> -> memref<125x16xf32, #tpu.memory_space<vmem>>
        %dma_start3A_56 = arith.constant 0 : i32
        %dma_start3A_57 = tpu.memref_slice %arg6[%add3A_45, %dma_start3A_56] : memref<80x125xi32, #tpu.memory_space<vmem>> -> memref<1x125xi32, #tpu.memory_space<vmem>>
        %dma_start3A_58 = tpu.memref_squeeze %dma_start3A_57 : memref<1x125xi32, #tpu.memory_space<vmem>> -> memref<125xi32, #tpu.memory_space<vmem>>
        %dma_start3A_59 = arith.constant 0 : i32
        %dma_start3A_60 = arith.constant 0 : i32
        %dma_start3A_61 = tpu.memref_slice %arg8[%dma_start3A_59, %dma_start3A_60] : memref<10000x16xf32, #tpu.memory_space<vmem_shared>> -> memref<10000x16xf32, #tpu.memory_space<vmem_shared>>
        tpu.enqueue_indirect_dma source(%dma_start3A_55 : memref<125x16xf32, #tpu.memory_space<vmem>>) target(%dma_start3A_61 : memref<10000x16xf32, #tpu.memory_space<vmem_shared>>) offsets(%dma_start3A_58 : memref<125xi32, #tpu.memory_space<vmem>>) semaphore(%run_scoped3A : memref<!tpu.dma_semaphore, #tpu.memory_space<semaphore_mem>>) {add = true}
        %dma_wait3A = arith.constant 625 : i32
        %dma_wait3A_62 = arith.constant 0 : i32
        %dma_wait3A_63 = tpu.memref_slice %arg7[%dma_wait3A, %dma_wait3A_62] : memref<1000x16xf32, #tpu.memory_space<vmem>> -> memref<125x16xf32, #tpu.memory_space<vmem>>
        %dma_wait3A_64 = arith.constant 0 : i32
        %dma_wait3A_65 = tpu.memref_slice %arg6[%add3A_45, %dma_wait3A_64] : memref<80x125xi32, #tpu.memory_space<vmem>> -> memref<1x125xi32, #tpu.memory_space<vmem>>
        %dma_wait3A_66 = tpu.memref_squeeze %dma_wait3A_65 : memref<1x125xi32, #tpu.memory_space<vmem>> -> memref<125xi32, #tpu.memory_space<vmem>>
        %dma_wait3A_67 = arith.constant 0 : i32
        %dma_wait3A_68 = arith.constant 0 : i32
        %dma_wait3A_69 = tpu.memref_slice %arg8[%dma_wait3A_67, %dma_wait3A_68] : memref<10000x16xf32, #tpu.memory_space<vmem_shared>> -> memref<10000x16xf32, #tpu.memory_space<vmem_shared>>
        tpu.wait_indirect_dma semaphore(%run_scoped3A : memref<!tpu.dma_semaphore, #tpu.memory_space<semaphore_mem>>) src(%dma_wait3A_63 : memref<125x16xf32, #tpu.memory_space<vmem>>) dst(%dma_wait3A_69 : memref<10000x16xf32, #tpu.memory_space<vmem_shared>>)
        tpu.yield
      }) : () -> ()
      %mul3A_46 = arith.constant 8 : i32
      %mul3A_47 = arith.muli %scan3A_18, %mul3A_46 : i32
      %add3A_48 = arith.constant 6 : i32
      %add3A_49 = arith.addi %mul3A_47, %add3A_48 : i32
      "tpu.region"() ({
        %run_scoped3A = tpu.sem_alloc : memref<!tpu.dma_semaphore, #tpu.memory_space<semaphore_mem>>
        %dma_start3A = arith.constant 750 : i32
        %dma_start3A_54 = arith.constant 0 : i32
        %dma_start3A_55 = tpu.memref_slice %arg7[%dma_start3A, %dma_start3A_54] : memref<1000x16xf32, #tpu.memory_space<vmem>> -> memref<125x16xf32, #tpu.memory_space<vmem>>
        %dma_start3A_56 = arith.constant 0 : i32
        %dma_start3A_57 = tpu.memref_slice %arg6[%add3A_49, %dma_start3A_56] : memref<80x125xi32, #tpu.memory_space<vmem>> -> memref<1x125xi32, #tpu.memory_space<vmem>>
        %dma_start3A_58 = tpu.memref_squeeze %dma_start3A_57 : memref<1x125xi32, #tpu.memory_space<vmem>> -> memref<125xi32, #tpu.memory_space<vmem>>
        %dma_start3A_59 = arith.constant 0 : i32
        %dma_start3A_60 = arith.constant 0 : i32
        %dma_start3A_61 = tpu.memref_slice %arg8[%dma_start3A_59, %dma_start3A_60] : memref<10000x16xf32, #tpu.memory_space<vmem_shared>> -> memref<10000x16xf32, #tpu.memory_space<vmem_shared>>
        tpu.enqueue_indirect_dma source(%dma_start3A_55 : memref<125x16xf32, #tpu.memory_space<vmem>>) target(%dma_start3A_61 : memref<10000x16xf32, #tpu.memory_space<vmem_shared>>) offsets(%dma_start3A_58 : memref<125xi32, #tpu.memory_space<vmem>>) semaphore(%run_scoped3A : memref<!tpu.dma_semaphore, #tpu.memory_space<semaphore_mem>>) {add = true}
        %dma_wait3A = arith.constant 750 : i32
        %dma_wait3A_62 = arith.constant 0 : i32
        %dma_wait3A_63 = tpu.memref_slice %arg7[%dma_wait3A, %dma_wait3A_62] : memref<1000x16xf32, #tpu.memory_space<vmem>> -> memref<125x16xf32, #tpu.memory_space<vmem>>
        %dma_wait3A_64 = arith.constant 0 : i32
        %dma_wait3A_65 = tpu.memref_slice %arg6[%add3A_49, %dma_wait3A_64] : memref<80x125xi32, #tpu.memory_space<vmem>> -> memref<1x125xi32, #tpu.memory_space<vmem>>
        %dma_wait3A_66 = tpu.memref_squeeze %dma_wait3A_65 : memref<1x125xi32, #tpu.memory_space<vmem>> -> memref<125xi32, #tpu.memory_space<vmem>>
        %dma_wait3A_67 = arith.constant 0 : i32
        %dma_wait3A_68 = arith.constant 0 : i32
        %dma_wait3A_69 = tpu.memref_slice %arg8[%dma_wait3A_67, %dma_wait3A_68] : memref<10000x16xf32, #tpu.memory_space<vmem_shared>> -> memref<10000x16xf32, #tpu.memory_space<vmem_shared>>
        tpu.wait_indirect_dma semaphore(%run_scoped3A : memref<!tpu.dma_semaphore, #tpu.memory_space<semaphore_mem>>) src(%dma_wait3A_63 : memref<125x16xf32, #tpu.memory_space<vmem>>) dst(%dma_wait3A_69 : memref<10000x16xf32, #tpu.memory_space<vmem_shared>>)
        tpu.yield
      }) : () -> ()
      %mul3A_50 = arith.constant 8 : i32
      %mul3A_51 = arith.muli %scan3A_18, %mul3A_50 : i32
      %add3A_52 = arith.constant 7 : i32
      %add3A_53 = arith.addi %mul3A_51, %add3A_52 : i32
      "tpu.region"() ({
        %run_scoped3A = tpu.sem_alloc : memref<!tpu.dma_semaphore, #tpu.memory_space<semaphore_mem>>
        %dma_start3A = arith.constant 875 : i32
        %dma_start3A_54 = arith.constant 0 : i32
        %dma_start3A_55 = tpu.memref_slice %arg7[%dma_start3A, %dma_start3A_54] : memref<1000x16xf32, #tpu.memory_space<vmem>> -> memref<125x16xf32, #tpu.memory_space<vmem>>
        %dma_start3A_56 = arith.constant 0 : i32
        %dma_start3A_57 = tpu.memref_slice %arg6[%add3A_53, %dma_start3A_56] : memref<80x125xi32, #tpu.memory_space<vmem>> -> memref<1x125xi32, #tpu.memory_space<vmem>>
        %dma_start3A_58 = tpu.memref_squeeze %dma_start3A_57 : memref<1x125xi32, #tpu.memory_space<vmem>> -> memref<125xi32, #tpu.memory_space<vmem>>
        %dma_start3A_59 = arith.constant 0 : i32
        %dma_start3A_60 = arith.constant 0 : i32
        %dma_start3A_61 = tpu.memref_slice %arg8[%dma_start3A_59, %dma_start3A_60] : memref<10000x16xf32, #tpu.memory_space<vmem_shared>> -> memref<10000x16xf32, #tpu.memory_space<vmem_shared>>
        tpu.enqueue_indirect_dma source(%dma_start3A_55 : memref<125x16xf32, #tpu.memory_space<vmem>>) target(%dma_start3A_61 : memref<10000x16xf32, #tpu.memory_space<vmem_shared>>) offsets(%dma_start3A_58 : memref<125xi32, #tpu.memory_space<vmem>>) semaphore(%run_scoped3A : memref<!tpu.dma_semaphore, #tpu.memory_space<semaphore_mem>>) {add = true}
        %dma_wait3A = arith.constant 875 : i32
        %dma_wait3A_62 = arith.constant 0 : i32
        %dma_wait3A_63 = tpu.memref_slice %arg7[%dma_wait3A, %dma_wait3A_62] : memref<1000x16xf32, #tpu.memory_space<vmem>> -> memref<125x16xf32, #tpu.memory_space<vmem>>
        %dma_wait3A_64 = arith.constant 0 : i32
        %dma_wait3A_65 = tpu.memref_slice %arg6[%add3A_53, %dma_wait3A_64] : memref<80x125xi32, #tpu.memory_space<vmem>> -> memref<1x125xi32, #tpu.memory_space<vmem>>
        %dma_wait3A_66 = tpu.memref_squeeze %dma_wait3A_65 : memref<1x125xi32, #tpu.memory_space<vmem>> -> memref<125xi32, #tpu.memory_space<vmem>>
        %dma_wait3A_67 = arith.constant 0 : i32
        %dma_wait3A_68 = arith.constant 0 : i32
        %dma_wait3A_69 = tpu.memref_slice %arg8[%dma_wait3A_67, %dma_wait3A_68] : memref<10000x16xf32, #tpu.memory_space<vmem_shared>> -> memref<10000x16xf32, #tpu.memory_space<vmem_shared>>
        tpu.wait_indirect_dma semaphore(%run_scoped3A : memref<!tpu.dma_semaphore, #tpu.memory_space<semaphore_mem>>) src(%dma_wait3A_63 : memref<125x16xf32, #tpu.memory_space<vmem>>) dst(%dma_wait3A_69 : memref<10000x16xf32, #tpu.memory_space<vmem_shared>>)
        tpu.yield
      }) : () -> ()
    }
    %scan3A_11 = arith.constant 10 : i32
    %barrier3A_12 = arith.constant 0 : index
    tpu.barrier barrier_id(%barrier3A_12)
    %lt3A_13 = arith.constant 10 : i32
    %lt3A_14 = arith.cmpi slt, %arg1, %lt3A_13 : i32
    %convert_element_type3A_15 = arith.extui %lt3A_14 : i1 to i32
    %cond3A_16 = arith.constant 0 : i32
    %cond3A_17 = arith.cmpi ne, %convert_element_type3A_15, %cond3A_16 : i32
    scf.if %cond3A_17 {
      %mul3A_18 = arith.constant 1000 : i32
      %mul3A_19 = arith.muli %arg1, %mul3A_18 : i32
      %mul3A_20 = arith.constant 1000 : i32
      %mul3A_21 = arith.muli %arg1, %mul3A_20 : i32
      "tpu.region"() ({
        %run_scoped3A = tpu.sem_alloc : memref<!tpu.dma_semaphore, #tpu.memory_space<semaphore_mem>>
        %dma_start3A = arith.constant 0 : i32
        %dma_start3A_22 = tpu.memref_slice %arg5[%arg0, %mul3A_21, %dma_start3A] : memref<2x10000x16xf32, #tpu.memory_space<hbm>> -> memref<1x1000x16xf32, #tpu.memory_space<hbm>>
        %dma_start3A_23 = tpu.memref_squeeze %dma_start3A_22 : memref<1x1000x16xf32, #tpu.memory_space<hbm>> -> memref<1000x16xf32, #tpu.memory_space<hbm>>
        %dma_start3A_24 = arith.constant 0 : i32
        %dma_start3A_25 = tpu.memref_slice %arg8[%mul3A_19, %dma_start3A_24] : memref<10000x16xf32, #tpu.memory_space<vmem_shared>> -> memref<1000x16xf32, #tpu.memory_space<vmem_shared>>
        tpu.enqueue_dma source(%dma_start3A_25 : memref<1000x16xf32, #tpu.memory_space<vmem_shared>>) target(%dma_start3A_23 : memref<1000x16xf32, #tpu.memory_space<hbm>>) target_semaphore(%run_scoped3A : memref<!tpu.dma_semaphore, #tpu.memory_space<semaphore_mem>>)
        %dma_wait3A = arith.constant 0 : i32
        %dma_wait3A_26 = tpu.memref_slice %arg5[%arg0, %mul3A_21, %dma_wait3A] : memref<2x10000x16xf32, #tpu.memory_space<hbm>> -> memref<1x1000x16xf32, #tpu.memory_space<hbm>>
        %dma_wait3A_27 = tpu.memref_squeeze %dma_wait3A_26 : memref<1x1000x16xf32, #tpu.memory_space<hbm>> -> memref<1000x16xf32, #tpu.memory_space<hbm>>
        %dma_wait3A_28 = arith.constant 0 : i32
        %dma_wait3A_29 = tpu.memref_slice %arg8[%mul3A_19, %dma_wait3A_28] : memref<10000x16xf32, #tpu.memory_space<vmem_shared>> -> memref<1000x16xf32, #tpu.memory_space<vmem_shared>>
        tpu.wait_dma2 semaphore(%run_scoped3A : memref<!tpu.dma_semaphore, #tpu.memory_space<semaphore_mem>>) src(%dma_wait3A_29 : memref<1000x16xf32, #tpu.memory_space<vmem_shared>>) dst(%dma_wait3A_27 : memref<1000x16xf32, #tpu.memory_space<hbm>>)
        tpu.yield
      }) : () -> ()
    } else {
    }
    return
  }
}

module attributes {stable_mosaic.version = 14 : i64} {
  func.func @_prep1_body(%arg0: i32, %arg1: memref<1000x128xf32, #tpu.memory_space<vmem>>, %arg2: memref<128x64xf32, #tpu.memory_space<vmem>>, %arg3: memref<128x64xf32, #tpu.memory_space<vmem>>, %arg4: memref<1x64xf32, #tpu.memory_space<vmem>>, %arg5: memref<1x1x1000xi32, #tpu.memory_space<vmem>>, %arg6: memref<1000x64xf32, #tpu.memory_space<vmem>>, %arg7: memref<1000x64xf32, #tpu.memory_space<vmem>>, %arg8: memref<8x16xf32, #tpu.memory_space<vmem>>) attributes {dimension_semantics = [#tpu.dimension_semantics<arbitrary>], iteration_bounds = array<i64: 10>, scalar_prefetch = 0 : i64, scratch_operands = 0 : i64, tpu.core_type = #tpu.core_type<tc>, window_params = [{transform_indices = @transform_0, window_bounds = array<i64: 1000, 128>}, {pipeline_mode = #tpu.pipeline_mode<synchronous>, transform_indices = @transform_1, window_bounds = array<i64: 128, 64>}, {pipeline_mode = #tpu.pipeline_mode<synchronous>, transform_indices = @transform_2, window_bounds = array<i64: 128, 64>}, {pipeline_mode = #tpu.pipeline_mode<synchronous>, transform_indices = @transform_3, window_bounds = array<i64: 1, 64>}, {transform_indices = @transform_4, window_bounds = array<i64: 1, 1, 1000>}, {transform_indices = @transform_5, window_bounds = array<i64: 1000, 64>}, {transform_indices = @transform_6, window_bounds = array<i64: 1000, 64>}, {pipeline_mode = #tpu.pipeline_mode<synchronous>, transform_indices = @transform_7, window_bounds = array<i64: 8, 16>}]} {
    %get3A = arith.constant 0 : index
    %get3A_0 = arith.constant 0 : index
    %get3A_1 = vector.load %arg1[%get3A, %get3A_0] : memref<1000x128xf32, #tpu.memory_space<vmem>>, vector<1000x128xf32>
    %get3A_2 = arith.constant 0 : index
    %get3A_3 = arith.constant 0 : index
    %get3A_4 = vector.load %arg2[%get3A_2, %get3A_3] : memref<128x64xf32, #tpu.memory_space<vmem>>, vector<128x64xf32>
    %dot_general3A = arith.constant dense<0.000000e+00> : vector<1000x64xf32>
    %dot_general3A_5 = tpu.matmul %get3A_1, %get3A_4, %dot_general3A {dimension_numbers = #tpu.dot_dimension_numbers<[1], [0], [0], [1], [0, 0, 1, 1], [], []>, transpose_lhs_hint = false} : vector<1000x128xf32>, vector<128x64xf32>, vector<1000x64xf32> -> vector<1000x64xf32>
    %get3A_6 = arith.constant 0 : index
    %get3A_7 = arith.constant 0 : index
    %get3A_8 = vector.load %arg4[%get3A_6, %get3A_7] : memref<1x64xf32, #tpu.memory_space<vmem>>, vector<1x64xf32>
    %add3A = vector.broadcast %get3A_8 : vector<1x64xf32> to vector<1000x64xf32>
    %add3A_9 = arith.addf %dot_general3A_5, %add3A : vector<1000x64xf32>
    %swap3A = arith.constant 0 : index
    %swap3A_10 = arith.constant 0 : index
    %swap3A_11 = vector.load %arg6[%swap3A, %swap3A_10] : memref<1000x64xf32, #tpu.memory_space<vmem>>, vector<1000x64xf32>
    tpu.vector_store %arg6[%swap3A, %swap3A_10], %add3A_9 {strides = array<i32>} : memref<1000x64xf32, #tpu.memory_space<vmem>>, vector<1000x64xf32>,
    %get3A_12 = arith.constant 0 : index
    %get3A_13 = arith.constant 0 : index
    %get3A_14 = vector.load %arg3[%get3A_12, %get3A_13] : memref<128x64xf32, #tpu.memory_space<vmem>>, vector<128x64xf32>
    %dot_general3A_15 = arith.constant dense<0.000000e+00> : vector<1000x64xf32>
    %dot_general3A_16 = tpu.matmul %get3A_1, %get3A_14, %dot_general3A_15 {dimension_numbers = #tpu.dot_dimension_numbers<[1], [0], [0], [1], [0, 0, 1, 1], [], []>, transpose_lhs_hint = false} : vector<1000x128xf32>, vector<128x64xf32>, vector<1000x64xf32> -> vector<1000x64xf32>
    %swap3A_17 = arith.constant 0 : index
    %swap3A_18 = arith.constant 0 : index
    %swap3A_19 = vector.load %arg7[%swap3A_17, %swap3A_18] : memref<1000x64xf32, #tpu.memory_space<vmem>>, vector<1000x64xf32>
    tpu.vector_store %arg7[%swap3A_17, %swap3A_18], %dot_general3A_16 {strides = array<i32>} : memref<1000x64xf32, #tpu.memory_space<vmem>>, vector<1000x64xf32>,
    %get3A_20 = arith.constant 0 : index
    %get3A_21 = arith.constant 0 : index
    %get3A_22 = arith.constant 0 : index
    %get3A_23 = vector.load %arg5[%get3A_20, %get3A_21, %get3A_22] : memref<1x1x1000xi32, #tpu.memory_space<vmem>>, vector<1x1x1000xi32>
    %get3A_24 = vector.shape_cast %get3A_23 : vector<1x1x1000xi32> to vector<1000xi32>
    %broadcast_in_dim3A = vector.shape_cast %get3A_24 : vector<1000xi32> to vector<1000x1xi32>
    %iota3A = tpu.iota {dimensions = array<i32: 1>} : vector<1x16xi32>
    %eq3A = vector.broadcast %broadcast_in_dim3A : vector<1000x1xi32> to vector<1000x16xi32>
    %eq3A_25 = vector.broadcast %iota3A : vector<1x16xi32> to vector<1000x16xi32>
    %eq3A_26 = arith.cmpi eq, %eq3A, %eq3A_25 : vector<1000x16xi32>
    %convert_element_type3A = arith.extui %eq3A_26 : vector<1000x16xi1> to vector<1000x16xi32>
    %convert_element_type3A_27 = arith.sitofp %convert_element_type3A : vector<1000x16xi32> to vector<1000x16xf32>
    %reduce_sum3A = arith.constant dense<0.000000e+00> : vector<16xf32>
    %reduce_sum3A_28 = vector.multi_reduction <add>, %convert_element_type3A_27, %reduce_sum3A [0] : vector<1000x16xf32> to vector<16xf32>
    %eq3A_29 = arith.constant 0 : i32
    %eq3A_30 = arith.cmpi eq, %arg0, %eq3A_29 : i32
    %convert_element_type3A_31 = arith.extui %eq3A_30 : i1 to i32
    %cond3A = arith.constant 0 : i32
    %cond3A_32 = arith.cmpi ne, %convert_element_type3A_31, %cond3A : i32
    scf.if %cond3A_32 {
      %broadcast_in_dim3A_43 = arith.constant 0.000000e+00 : f32
      %broadcast_in_dim3A_44 = vector.broadcast %broadcast_in_dim3A_43 : f32 to vector<8x16xf32>
      %swap3A_45 = arith.constant 0 : index
      %swap3A_46 = arith.constant 0 : index
      %swap3A_47 = vector.load %arg8[%swap3A_45, %swap3A_46] : memref<8x16xf32, #tpu.memory_space<vmem>>, vector<8x16xf32>
      tpu.vector_store %arg8[%swap3A_45, %swap3A_46], %broadcast_in_dim3A_44 {strides = array<i32>} : memref<8x16xf32, #tpu.memory_space<vmem>>, vector<8x16xf32>,
    } else {
    }
    %get3A_33 = arith.constant 0 : index
    %get3A_34 = arith.constant 0 : index
    %get3A_35 = vector.load %arg8[%get3A_33, %get3A_34] : memref<8x16xf32, #tpu.memory_space<vmem>>, vector<8x16xf32>
    %broadcast_in_dim3A_36 = vector.shape_cast %reduce_sum3A_28 : vector<16xf32> to vector<1x16xf32>
    %broadcast_in_dim3A_37 = arith.constant 0.000000e+00 : f32
    %broadcast_in_dim3A_38 = vector.broadcast %broadcast_in_dim3A_37 : f32 to vector<7x16xf32>
    %concatenate3A = tpu.concatenate %broadcast_in_dim3A_36, %broadcast_in_dim3A_38 in 0 : vector<1x16xf32>, vector<7x16xf32> -> vector<8x16xf32>
    %add3A_39 = arith.addf %get3A_35, %concatenate3A : vector<8x16xf32>
    %swap3A_40 = arith.constant 0 : index
    %swap3A_41 = arith.constant 0 : index
    %swap3A_42 = vector.load %arg8[%swap3A_40, %swap3A_41] : memref<8x16xf32, #tpu.memory_space<vmem>>, vector<8x16xf32>
    tpu.vector_store %arg8[%swap3A_40, %swap3A_41], %add3A_39 {strides = array<i32>} : memref<8x16xf32, #tpu.memory_space<vmem>>, vector<8x16xf32>,
    return
  }
  func.func @transform_0(%arg0: i32) -> (i32, i32) {
    %c0_i32 = arith.constant 0 : i32
    %c0_i32_0 = arith.constant 0 : i32
    return %arg0, %c0_i32 : i32, i32
  }
  func.func @transform_1(%arg0: i32) -> (i32, i32) {
    %c0_i32 = arith.constant 0 : i32
    %c0_i32_0 = arith.constant 0 : i32
    %c0_i32_1 = arith.constant 0 : i32
    return %c0_i32, %c0_i32_0 : i32, i32
  }
  func.func @transform_2(%arg0: i32) -> (i32, i32) {
    %c0_i32 = arith.constant 0 : i32
    %c0_i32_0 = arith.constant 0 : i32
    %c0_i32_1 = arith.constant 0 : i32
    return %c0_i32, %c0_i32_0 : i32, i32
  }
  func.func @transform_3(%arg0: i32) -> (i32, i32) {
    %c0_i32 = arith.constant 0 : i32
    %c0_i32_0 = arith.constant 0 : i32
    %c0_i32_1 = arith.constant 0 : i32
    return %c0_i32, %c0_i32_0 : i32, i32
  }
  func.func @transform_4(%arg0: i32) -> (i32, i32, i32) {
    %c0_i32 = arith.constant 0 : i32
    %c0_i32_0 = arith.constant 0 : i32
    %c0_i32_1 = arith.constant 0 : i32
    return %arg0, %c0_i32, %c0_i32_0 : i32, i32, i32
  }
  func.func @transform_5(%arg0: i32) -> (i32, i32) {
    %c0_i32 = arith.constant 0 : i32
    %c0_i32_0 = arith.constant 0 : i32
    return %arg0, %c0_i32 : i32, i32
  }
  func.func @transform_6(%arg0: i32) -> (i32, i32) {
    %c0_i32 = arith.constant 0 : i32
    %c0_i32_0 = arith.constant 0 : i32
    return %arg0, %c0_i32 : i32, i32
  }
  func.func @transform_7(%arg0: i32) -> (i32, i32) {
    %c0_i32 = arith.constant 0 : i32
    %c0_i32_0 = arith.constant 0 : i32
    %c0_i32_1 = arith.constant 0 : i32
    return %c0_i32, %c0_i32_0 : i32, i32
  }
}

module attributes {stable_mosaic.version = 14 : i64} {
  func.func @_edge1_body(%arg0: i32, %arg1: memref<3200x128xf32, #tpu.memory_space<vmem>>, %arg2: memref<3200x128xf32, #tpu.memory_space<vmem>>, %arg3: memref<3200x32xf32, #tpu.memory_space<vmem>>, %arg4: memref<1x1x3200xi32, #tpu.memory_space<vmem>>, %arg5: memref<1x1x3200xi32, #tpu.memory_space<vmem>>, %arg6: memref<8x16xf32, #tpu.memory_space<vmem>>, %arg7: memref<32x128xf32, #tpu.memory_space<vmem>>, %arg8: memref<128x32xf32, #tpu.memory_space<vmem>>, %arg9: memref<1x32xf32, #tpu.memory_space<vmem>>, %arg10: memref<3200x32xf32, #tpu.memory_space<vmem>>, %arg11: memref<24x16xf32, #tpu.memory_space<vmem>>) attributes {dimension_semantics = [#tpu.dimension_semantics<arbitrary>], iteration_bounds = array<i64: 50>, scalar_prefetch = 0 : i64, scratch_operands = 0 : i64, tpu.core_type = #tpu.core_type<tc>, window_params = [{transform_indices = @transform_0, window_bounds = array<i64: 3200, 128>}, {transform_indices = @transform_1, window_bounds = array<i64: 3200, 128>}, {transform_indices = @transform_2, window_bounds = array<i64: 3200, 32>}, {transform_indices = @transform_3, window_bounds = array<i64: 1, 1, 3200>}, {transform_indices = @transform_4, window_bounds = array<i64: 1, 1, 3200>}, {pipeline_mode = #tpu.pipeline_mode<synchronous>, transform_indices = @transform_5, window_bounds = array<i64: 8, 16>}, {pipeline_mode = #tpu.pipeline_mode<synchronous>, transform_indices = @transform_6, window_bounds = array<i64: 32, 128>}, {pipeline_mode = #tpu.pipeline_mode<synchronous>, transform_indices = @transform_7, window_bounds = array<i64: 128, 32>}, {pipeline_mode = #tpu.pipeline_mode<synchronous>, transform_indices = @transform_8, window_bounds = array<i64: 1, 32>}, {transform_indices = @transform_9, window_bounds = array<i64: 3200, 32>}, {pipeline_mode = #tpu.pipeline_mode<synchronous>, transform_indices = @transform_10, window_bounds = array<i64: 24, 16>}]} {
    %get3A = arith.constant 0 : index
    %get3A_0 = arith.constant 0 : index
    %get3A_1 = vector.load %arg6[%get3A, %get3A_0] : memref<8x16xf32, #tpu.memory_space<vmem>>, vector<1x16xf32>
    %get3A_2 = arith.constant 0 : index
    %get3A_3 = arith.constant 0 : index
    %get3A_4 = arith.constant 0 : index
    %get3A_5 = vector.load %arg4[%get3A_2, %get3A_3, %get3A_4] : memref<1x1x3200xi32, #tpu.memory_space<vmem>>, vector<1x1x3200xi32>
    %get3A_6 = vector.shape_cast %get3A_5 : vector<1x1x3200xi32> to vector<3200xi32>
    %convert_element_type3A = arith.sitofp %get3A_6 : vector<3200xi32> to vector<3200xf32>
    %iota3A = tpu.iota {dimensions = array<i32: 0>} : vector<16x16xi32>
    %iota3A_7 = tpu.iota {dimensions = array<i32: 1>} : vector<16x16xi32>
    %lt3A = arith.cmpi slt, %iota3A, %iota3A_7 : vector<16x16xi32>
    %convert_element_type3A_8 = arith.extui %lt3A : vector<16x16xi1> to vector<16x16xi32>
    %convert_element_type3A_9 = arith.sitofp %convert_element_type3A_8 : vector<16x16xi32> to vector<16x16xf32>
    %dot_general3A = arith.constant dense<0.000000e+00> : vector<1x16xf32>
    %dot_general3A_10 = tpu.matmul %get3A_1, %convert_element_type3A_9, %dot_general3A {dimension_numbers = #tpu.dot_dimension_numbers<[1], [0], [0], [1], [0, 0, 1, 1], [], []>, precision = #tpu.contract_precision<fp32>, transpose_lhs_hint = false} : vector<1x16xf32>, vector<16x16xf32>, vector<1x16xf32> -> vector<1x16xf32>
    %add3A = arith.addf %dot_general3A_10, %get3A_1 : vector<1x16xf32>
    %broadcast_in_dim3A = vector.shape_cast %convert_element_type3A : vector<3200xf32> to vector<1x3200xf32>
    %reshape3A = vector.shape_cast %dot_general3A_10 : vector<1x16xf32> to vector<16x1xf32>
    %ge3A = vector.broadcast %broadcast_in_dim3A : vector<1x3200xf32> to vector<16x3200xf32>
    %ge3A_11 = vector.broadcast %reshape3A : vector<16x1xf32> to vector<16x3200xf32>
    %ge3A_12 = arith.cmpf oge, %ge3A, %ge3A_11 : vector<16x3200xf32>
    %reshape3A_13 = vector.shape_cast %add3A : vector<1x16xf32> to vector<16x1xf32>
    %lt3A_14 = vector.broadcast %broadcast_in_dim3A : vector<1x3200xf32> to vector<16x3200xf32>
    %lt3A_15 = vector.broadcast %reshape3A_13 : vector<16x1xf32> to vector<16x3200xf32>
    %lt3A_16 = arith.cmpf olt, %lt3A_14, %lt3A_15 : vector<16x3200xf32>
    %and3A = arith.andi %ge3A_12, %lt3A_16 : vector<16x3200xi1>
    %convert_element_type3A_17 = arith.extui %and3A : vector<16x3200xi1> to vector<16x3200xi32>
    %convert_element_type3A_18 = arith.sitofp %convert_element_type3A_17 : vector<16x3200xi32> to vector<16x3200xf32>
    %get3A_19 = arith.constant 0 : index
    %get3A_20 = arith.constant 0 : index
    %get3A_21 = arith.constant 0 : index
    %get3A_22 = vector.load %arg5[%get3A_19, %get3A_20, %get3A_21] : memref<1x1x3200xi32, #tpu.memory_space<vmem>>, vector<1x1x3200xi32>
    %get3A_23 = vector.shape_cast %get3A_22 : vector<1x1x3200xi32> to vector<3200xi32>
    %convert_element_type3A_24 = arith.sitofp %get3A_23 : vector<3200xi32> to vector<3200xf32>
    %iota3A_25 = tpu.iota {dimensions = array<i32: 0>} : vector<16x16xi32>
    %iota3A_26 = tpu.iota {dimensions = array<i32: 1>} : vector<16x16xi32>
    %lt3A_27 = arith.cmpi slt, %iota3A_25, %iota3A_26 : vector<16x16xi32>
    %convert_element_type3A_28 = arith.extui %lt3A_27 : vector<16x16xi1> to vector<16x16xi32>
    %convert_element_type3A_29 = arith.sitofp %convert_element_type3A_28 : vector<16x16xi32> to vector<16x16xf32>
    %dot_general3A_30 = arith.constant dense<0.000000e+00> : vector<1x16xf32>
    %dot_general3A_31 = tpu.matmul %get3A_1, %convert_element_type3A_29, %dot_general3A_30 {dimension_numbers = #tpu.dot_dimension_numbers<[1], [0], [0], [1], [0, 0, 1, 1], [], []>, precision = #tpu.contract_precision<fp32>, transpose_lhs_hint = false} : vector<1x16xf32>, vector<16x16xf32>, vector<1x16xf32> -> vector<1x16xf32>
    %add3A_32 = arith.addf %dot_general3A_31, %get3A_1 : vector<1x16xf32>
    %broadcast_in_dim3A_33 = vector.shape_cast %convert_element_type3A_24 : vector<3200xf32> to vector<1x3200xf32>
    %reshape3A_34 = vector.shape_cast %dot_general3A_31 : vector<1x16xf32> to vector<16x1xf32>
    %ge3A_35 = vector.broadcast %broadcast_in_dim3A_33 : vector<1x3200xf32> to vector<16x3200xf32>
    %ge3A_36 = vector.broadcast %reshape3A_34 : vector<16x1xf32> to vector<16x3200xf32>
    %ge3A_37 = arith.cmpf oge, %ge3A_35, %ge3A_36 : vector<16x3200xf32>
    %reshape3A_38 = vector.shape_cast %add3A_32 : vector<1x16xf32> to vector<16x1xf32>
    %lt3A_39 = vector.broadcast %broadcast_in_dim3A_33 : vector<1x3200xf32> to vector<16x3200xf32>
    %lt3A_40 = vector.broadcast %reshape3A_38 : vector<16x1xf32> to vector<16x3200xf32>
    %lt3A_41 = arith.cmpf olt, %lt3A_39, %lt3A_40 : vector<16x3200xf32>
    %and3A_42 = arith.andi %ge3A_37, %lt3A_41 : vector<16x3200xi1>
    %convert_element_type3A_43 = arith.extui %and3A_42 : vector<16x3200xi1> to vector<16x3200xi32>
    %convert_element_type3A_44 = arith.sitofp %convert_element_type3A_43 : vector<16x3200xi32> to vector<16x3200xf32>
    %get3A_45 = arith.constant 0 : index
    %get3A_46 = arith.constant 0 : index
    %get3A_47 = vector.load %arg1[%get3A_45, %get3A_46] : memref<3200x128xf32, #tpu.memory_space<vmem>>, vector<3200x128xf32>
    %get3A_48 = arith.constant 0 : index
    %get3A_49 = arith.constant 0 : index
    %get3A_50 = vector.load %arg2[%get3A_48, %get3A_49] : memref<3200x128xf32, #tpu.memory_space<vmem>>, vector<3200x128xf32>
    %add3A_51 = arith.addf %get3A_47, %get3A_50 : vector<3200x128xf32>
    %get3A_52 = arith.constant 0 : index
    %get3A_53 = arith.constant 0 : index
    %get3A_54 = vector.load %arg3[%get3A_52, %get3A_53] : memref<3200x32xf32, #tpu.memory_space<vmem>>, vector<3200x32xf32>
    %get3A_55 = arith.constant 0 : index
    %get3A_56 = arith.constant 0 : index
    %get3A_57 = vector.load %arg7[%get3A_55, %get3A_56] : memref<32x128xf32, #tpu.memory_space<vmem>>, vector<32x128xf32>
    %dot_general3A_58 = arith.constant dense<0.000000e+00> : vector<3200x128xf32>
    %dot_general3A_59 = tpu.matmul %get3A_54, %get3A_57, %dot_general3A_58 {dimension_numbers = #tpu.dot_dimension_numbers<[1], [0], [0], [1], [0, 0, 1, 1], [], []>, transpose_lhs_hint = false} : vector<3200x32xf32>, vector<32x128xf32>, vector<3200x128xf32> -> vector<3200x128xf32>
    %add3A_60 = arith.addf %add3A_51, %dot_general3A_59 : vector<3200x128xf32>
    %max3A = arith.constant 0.000000e+00 : f32
    %max3A_61 = vector.broadcast %max3A : f32 to vector<3200x128xf32>
    %max3A_62 = arith.maximumf %add3A_60, %max3A_61 : vector<3200x128xf32>
    %get3A_63 = arith.constant 0 : index
    %get3A_64 = arith.constant 0 : index
    %get3A_65 = vector.load %arg8[%get3A_63, %get3A_64] : memref<128x32xf32, #tpu.memory_space<vmem>>, vector<128x32xf32>
    %dot_general3A_66 = arith.constant dense<0.000000e+00> : vector<3200x32xf32>
    %dot_general3A_67 = tpu.matmul %max3A_62, %get3A_65, %dot_general3A_66 {dimension_numbers = #tpu.dot_dimension_numbers<[1], [0], [0], [1], [0, 0, 1, 1], [], []>, transpose_lhs_hint = false} : vector<3200x128xf32>, vector<128x32xf32>, vector<3200x32xf32> -> vector<3200x32xf32>
    %get3A_68 = arith.constant 0 : index
    %get3A_69 = arith.constant 0 : index
    %get3A_70 = vector.load %arg9[%get3A_68, %get3A_69] : memref<1x32xf32, #tpu.memory_space<vmem>>, vector<1x32xf32>
    %add3A_71 = vector.broadcast %get3A_70 : vector<1x32xf32> to vector<3200x32xf32>
    %add3A_72 = arith.addf %dot_general3A_67, %add3A_71 : vector<3200x32xf32>
    %swap3A = arith.constant 0 : index
    %swap3A_73 = arith.constant 0 : index
    %swap3A_74 = vector.load %arg10[%swap3A, %swap3A_73] : memref<3200x32xf32, #tpu.memory_space<vmem>>, vector<3200x32xf32>
    tpu.vector_store %arg10[%swap3A, %swap3A_73], %add3A_72 {strides = array<i32>} : memref<3200x32xf32, #tpu.memory_space<vmem>>, vector<3200x32xf32>,
    %slice3A = vector.extract_strided_slice %add3A_72 {offsets = [0, 0], sizes = [3200, 16], strides = [1, 1]} : vector<3200x32xf32> to vector<3200x16xf32>
    %dot_general3A_75 = arith.constant dense<0.000000e+00> : vector<16x16xf32>
    %dot_general3A_76 = tpu.matmul %convert_element_type3A_18, %slice3A, %dot_general3A_75 {dimension_numbers = #tpu.dot_dimension_numbers<[1], [0], [0], [1], [0, 0, 1, 1], [], []>, precision = #tpu.contract_precision<fp32>, transpose_lhs_hint = false} : vector<16x3200xf32>, vector<3200x16xf32>, vector<16x16xf32> -> vector<16x16xf32>
    %slice3A_77 = vector.extract_strided_slice %add3A_72 {offsets = [0, 16], sizes = [3200, 16], strides = [1, 1]} : vector<3200x32xf32> to vector<3200x16xf32>
    %dot_general3A_78 = arith.constant dense<0.000000e+00> : vector<16x16xf32>
    %dot_general3A_79 = tpu.matmul %convert_element_type3A_44, %slice3A_77, %dot_general3A_78 {dimension_numbers = #tpu.dot_dimension_numbers<[1], [0], [0], [1], [0, 0, 1, 1], [], []>, precision = #tpu.contract_precision<fp32>, transpose_lhs_hint = false} : vector<16x3200xf32>, vector<3200x16xf32>, vector<16x16xf32> -> vector<16x16xf32>
    %add3A_80 = arith.addf %dot_general3A_76, %dot_general3A_79 : vector<16x16xf32>
    %reduce_sum3A = arith.constant dense<0.000000e+00> : vector<16xf32>
    %reduce_sum3A_81 = vector.multi_reduction <add>, %convert_element_type3A_18, %reduce_sum3A [1] : vector<16x3200xf32> to vector<16xf32>
    %reduce_sum3A_82 = arith.constant dense<0.000000e+00> : vector<16xf32>
    %reduce_sum3A_83 = vector.multi_reduction <add>, %convert_element_type3A_44, %reduce_sum3A_82 [1] : vector<16x3200xf32> to vector<16xf32>
    %add3A_84 = arith.addf %reduce_sum3A_81, %reduce_sum3A_83 : vector<16xf32>
    %broadcast_in_dim3A_85 = vector.shape_cast %add3A_84 : vector<16xf32> to vector<1x16xf32>
    %broadcast_in_dim3A_86 = arith.constant 0.000000e+00 : f32
    %broadcast_in_dim3A_87 = vector.broadcast %broadcast_in_dim3A_86 : f32 to vector<7x16xf32>
    %concatenate3A = tpu.concatenate %add3A_80, %broadcast_in_dim3A_85, %broadcast_in_dim3A_87 in 0 : vector<16x16xf32>, vector<1x16xf32>, vector<7x16xf32> -> vector<24x16xf32>
    %eq3A = arith.constant 0 : i32
    %eq3A_88 = arith.cmpi eq, %arg0, %eq3A : i32
    %convert_element_type3A_89 = arith.extui %eq3A_88 : i1 to i32
    %cond3A = arith.constant 0 : i32
    %cond3A_90 = arith.cmpi ne, %convert_element_type3A_89, %cond3A : i32
    scf.if %cond3A_90 {
      %broadcast_in_dim3A_98 = arith.constant 0.000000e+00 : f32
      %broadcast_in_dim3A_99 = vector.broadcast %broadcast_in_dim3A_98 : f32 to vector<24x16xf32>
      %swap3A_100 = arith.constant 0 : index
      %swap3A_101 = arith.constant 0 : index
      %swap3A_102 = vector.load %arg11[%swap3A_100, %swap3A_101] : memref<24x16xf32, #tpu.memory_space<vmem>>, vector<24x16xf32>
      tpu.vector_store %arg11[%swap3A_100, %swap3A_101], %broadcast_in_dim3A_99 {strides = array<i32>} : memref<24x16xf32, #tpu.memory_space<vmem>>, vector<24x16xf32>,
    } else {
    }
    %get3A_91 = arith.constant 0 : index
    %get3A_92 = arith.constant 0 : index
    %get3A_93 = vector.load %arg11[%get3A_91, %get3A_92] : memref<24x16xf32, #tpu.memory_space<vmem>>, vector<24x16xf32>
    %add3A_94 = arith.addf %get3A_93, %concatenate3A : vector<24x16xf32>
    %swap3A_95 = arith.constant 0 : index
    %swap3A_96 = arith.constant 0 : index
    %swap3A_97 = vector.load %arg11[%swap3A_95, %swap3A_96] : memref<24x16xf32, #tpu.memory_space<vmem>>, vector<24x16xf32>
    tpu.vector_store %arg11[%swap3A_95, %swap3A_96], %add3A_94 {strides = array<i32>} : memref<24x16xf32, #tpu.memory_space<vmem>>, vector<24x16xf32>,
    return
  }
  func.func @transform_0(%arg0: i32) -> (i32, i32) {
    %c0_i32 = arith.constant 0 : i32
    %c0_i32_0 = arith.constant 0 : i32
    return %arg0, %c0_i32 : i32, i32
  }
  func.func @transform_1(%arg0: i32) -> (i32, i32) {
    %c0_i32 = arith.constant 0 : i32
    %c0_i32_0 = arith.constant 0 : i32
    return %arg0, %c0_i32 : i32, i32
  }
  func.func @transform_2(%arg0: i32) -> (i32, i32) {
    %c0_i32 = arith.constant 0 : i32
    %c0_i32_0 = arith.constant 0 : i32
    return %arg0, %c0_i32 : i32, i32
  }
  func.func @transform_3(%arg0: i32) -> (i32, i32, i32) {
    %c0_i32 = arith.constant 0 : i32
    %c0_i32_0 = arith.constant 0 : i32
    %c0_i32_1 = arith.constant 0 : i32
    return %arg0, %c0_i32, %c0_i32_0 : i32, i32, i32
  }
  func.func @transform_4(%arg0: i32) -> (i32, i32, i32) {
    %c0_i32 = arith.constant 0 : i32
    %c0_i32_0 = arith.constant 0 : i32
    %c0_i32_1 = arith.constant 0 : i32
    return %arg0, %c0_i32, %c0_i32_0 : i32, i32, i32
  }
  func.func @transform_5(%arg0: i32) -> (i32, i32) {
    %c0_i32 = arith.constant 0 : i32
    %c0_i32_0 = arith.constant 0 : i32
    %c0_i32_1 = arith.constant 0 : i32
    return %c0_i32, %c0_i32_0 : i32, i32
  }
  func.func @transform_6(%arg0: i32) -> (i32, i32) {
    %c0_i32 = arith.constant 0 : i32
    %c0_i32_0 = arith.constant 0 : i32
    %c0_i32_1 = arith.constant 0 : i32
    return %c0_i32, %c0_i32_0 : i32, i32
  }
  func.func @transform_7(%arg0: i32) -> (i32, i32) {
    %c0_i32 = arith.constant 0 : i32
    %c0_i32_0 = arith.constant 0 : i32
    %c0_i32_1 = arith.constant 0 : i32
    return %c0_i32, %c0_i32_0 : i32, i32
  }
  func.func @transform_8(%arg0: i32) -> (i32, i32) {
    %c0_i32 = arith.constant 0 : i32
    %c0_i32_0 = arith.constant 0 : i32
    %c0_i32_1 = arith.constant 0 : i32
    return %c0_i32, %c0_i32_0 : i32, i32
  }
  func.func @transform_9(%arg0: i32) -> (i32, i32) {
    %c0_i32 = arith.constant 0 : i32
    %c0_i32_0 = arith.constant 0 : i32
    return %arg0, %c0_i32 : i32, i32
  }
  func.func @transform_10(%arg0: i32) -> (i32, i32) {
    %c0_i32 = arith.constant 0 : i32
    %c0_i32_0 = arith.constant 0 : i32
    %c0_i32_1 = arith.constant 0 : i32
    return %c0_i32, %c0_i32_0 : i32, i32
  }
}

module attributes {stable_mosaic.version = 14 : i64} {
  func.func @_node1_body(%arg0: i32, %arg1: memref<1000x128xf32, #tpu.memory_space<vmem>>, %arg2: memref<1000x16xf32, #tpu.memory_space<vmem>>, %arg3: memref<1000x16xf32, #tpu.memory_space<vmem>>, %arg4: memref<1x32x1000xf32, #tpu.memory_space<vmem>>, %arg5: memref<1x1x1000xi32, #tpu.memory_space<vmem>>, %arg6: memref<128x64xf32, #tpu.memory_space<vmem>>, %arg7: memref<16x64xf32, #tpu.memory_space<vmem>>, %arg8: memref<1x64xf32, #tpu.memory_space<vmem>>, %arg9: memref<64x128xf32, #tpu.memory_space<vmem>>, %arg10: memref<1x128xf32, #tpu.memory_space<vmem>>, %arg11: memref<1000x128xf32, #tpu.memory_space<vmem>>, %arg12: memref<16x128xf32, #tpu.memory_space<vmem>>) attributes {dimension_semantics = [#tpu.dimension_semantics<arbitrary>], iteration_bounds = array<i64: 10>, scalar_prefetch = 0 : i64, scratch_operands = 0 : i64, tpu.core_type = #tpu.core_type<tc>, window_params = [{transform_indices = @transform_0, window_bounds = array<i64: 1000, 128>}, {transform_indices = @transform_1, window_bounds = array<i64: 1000, 16>}, {transform_indices = @transform_2, window_bounds = array<i64: 1000, 16>}, {transform_indices = @transform_3, window_bounds = array<i64: 1, 32, 1000>}, {transform_indices = @transform_4, window_bounds = array<i64: 1, 1, 1000>}, {pipeline_mode = #tpu.pipeline_mode<synchronous>, transform_indices = @transform_5, window_bounds = array<i64: 128, 64>}, {pipeline_mode = #tpu.pipeline_mode<synchronous>, transform_indices = @transform_6, window_bounds = array<i64: 16, 64>}, {pipeline_mode = #tpu.pipeline_mode<synchronous>, transform_indices = @transform_7, window_bounds = array<i64: 1, 64>}, {pipeline_mode = #tpu.pipeline_mode<synchronous>, transform_indices = @transform_8, window_bounds = array<i64: 64, 128>}, {pipeline_mode = #tpu.pipeline_mode<synchronous>, transform_indices = @transform_9, window_bounds = array<i64: 1, 128>}, {transform_indices = @transform_10, window_bounds = array<i64: 1000, 128>}, {pipeline_mode = #tpu.pipeline_mode<synchronous>, transform_indices = @transform_11, window_bounds = array<i64: 16, 128>}]} {
    %get3A = arith.constant 0 : index
    %get3A_0 = arith.constant 0 : index
    %get3A_1 = arith.constant 0 : index
    %get3A_2 = vector.load %arg4[%get3A, %get3A_0, %get3A_1] : memref<1x32x1000xf32, #tpu.memory_space<vmem>>, vector<1x32x1000xf32>
    %get3A_3 = vector.shape_cast %get3A_2 : vector<1x32x1000xf32> to vector<32x1000xf32>
    %reduce_sum3A = arith.constant dense<0.000000e+00> : vector<1000xf32>
    %reduce_sum3A_4 = vector.multi_reduction <add>, %get3A_3, %reduce_sum3A [0] : vector<32x1000xf32> to vector<1000xf32>
    %broadcast_in_dim3A = vector.shape_cast %reduce_sum3A_4 : vector<1000xf32> to vector<1000x1xf32>
    %get3A_5 = arith.constant 0 : index
    %get3A_6 = arith.constant 0 : index
    %get3A_7 = vector.load %arg2[%get3A_5, %get3A_6] : memref<1000x16xf32, #tpu.memory_space<vmem>>, vector<1000x16xf32>
    %get3A_8 = arith.constant 0 : index
    %get3A_9 = arith.constant 0 : index
    %get3A_10 = vector.load %arg3[%get3A_8, %get3A_9] : memref<1000x16xf32, #tpu.memory_space<vmem>>, vector<1000x16xf32>
    %add3A = arith.addf %get3A_7, %get3A_10 : vector<1000x16xf32>
    %max3A = arith.constant 1.000000e+00 : f32
    %max3A_11 = vector.broadcast %max3A : f32 to vector<1000x1xf32>
    %max3A_12 = arith.maximumf %broadcast_in_dim3A, %max3A_11 : vector<1000x1xf32>
    %div3A = vector.broadcast %max3A_12 : vector<1000x1xf32> to vector<1000x16xf32>
    %div3A_13 = arith.divf %add3A, %div3A : vector<1000x16xf32>
    %get3A_14 = arith.constant 0 : index
    %get3A_15 = arith.constant 0 : index
    %get3A_16 = arith.constant 0 : index
    %get3A_17 = vector.load %arg5[%get3A_14, %get3A_15, %get3A_16] : memref<1x1x1000xi32, #tpu.memory_space<vmem>>, vector<1x1x1000xi32>
    %get3A_18 = vector.shape_cast %get3A_17 : vector<1x1x1000xi32> to vector<1000xi32>
    %broadcast_in_dim3A_19 = vector.shape_cast %get3A_18 : vector<1000xi32> to vector<1000x1xi32>
    %iota3A = tpu.iota {dimensions = array<i32: 1>} : vector<1x16xi32>
    %eq3A = vector.broadcast %broadcast_in_dim3A_19 : vector<1000x1xi32> to vector<1000x16xi32>
    %eq3A_20 = vector.broadcast %iota3A : vector<1x16xi32> to vector<1000x16xi32>
    %eq3A_21 = arith.cmpi eq, %eq3A, %eq3A_20 : vector<1000x16xi32>
    %convert_element_type3A = arith.extui %eq3A_21 : vector<1000x16xi1> to vector<1000x16xi32>
    %convert_element_type3A_22 = arith.sitofp %convert_element_type3A : vector<1000x16xi32> to vector<1000x16xf32>
    %get3A_23 = arith.constant 0 : index
    %get3A_24 = arith.constant 0 : index
    %get3A_25 = vector.load %arg1[%get3A_23, %get3A_24] : memref<1000x128xf32, #tpu.memory_space<vmem>>, vector<1000x128xf32>
    %get3A_26 = arith.constant 0 : index
    %get3A_27 = arith.constant 0 : index
    %get3A_28 = vector.load %arg6[%get3A_26, %get3A_27] : memref<128x64xf32, #tpu.memory_space<vmem>>, vector<128x64xf32>
    %dot_general3A = arith.constant dense<0.000000e+00> : vector<1000x64xf32>
    %dot_general3A_29 = tpu.matmul %get3A_25, %get3A_28, %dot_general3A {dimension_numbers = #tpu.dot_dimension_numbers<[1], [0], [0], [1], [0, 0, 1, 1], [], []>, transpose_lhs_hint = false} : vector<1000x128xf32>, vector<128x64xf32>, vector<1000x64xf32> -> vector<1000x64xf32>
    %get3A_30 = arith.constant 0 : index
    %get3A_31 = arith.constant 0 : index
    %get3A_32 = vector.load %arg7[%get3A_30, %get3A_31] : memref<16x64xf32, #tpu.memory_space<vmem>>, vector<16x64xf32>
    %dot_general3A_33 = arith.constant dense<0.000000e+00> : vector<1000x64xf32>
    %dot_general3A_34 = tpu.matmul %div3A_13, %get3A_32, %dot_general3A_33 {dimension_numbers = #tpu.dot_dimension_numbers<[1], [0], [0], [1], [0, 0, 1, 1], [], []>, transpose_lhs_hint = false} : vector<1000x16xf32>, vector<16x64xf32>, vector<1000x64xf32> -> vector<1000x64xf32>
    %add3A_35 = arith.addf %dot_general3A_29, %dot_general3A_34 : vector<1000x64xf32>
    %get3A_36 = arith.constant 0 : index
    %get3A_37 = arith.constant 0 : index
    %get3A_38 = vector.load %arg8[%get3A_36, %get3A_37] : memref<1x64xf32, #tpu.memory_space<vmem>>, vector<1x64xf32>
    %add3A_39 = vector.broadcast %get3A_38 : vector<1x64xf32> to vector<1000x64xf32>
    %add3A_40 = arith.addf %add3A_35, %add3A_39 : vector<1000x64xf32>
    %max3A_41 = arith.constant 0.000000e+00 : f32
    %max3A_42 = vector.broadcast %max3A_41 : f32 to vector<1000x64xf32>
    %max3A_43 = arith.maximumf %add3A_40, %max3A_42 : vector<1000x64xf32>
    %get3A_44 = arith.constant 0 : index
    %get3A_45 = arith.constant 0 : index
    %get3A_46 = vector.load %arg9[%get3A_44, %get3A_45] : memref<64x128xf32, #tpu.memory_space<vmem>>, vector<64x128xf32>
    %dot_general3A_47 = arith.constant dense<0.000000e+00> : vector<1000x128xf32>
    %dot_general3A_48 = tpu.matmul %max3A_43, %get3A_46, %dot_general3A_47 {dimension_numbers = #tpu.dot_dimension_numbers<[1], [0], [0], [1], [0, 0, 1, 1], [], []>, transpose_lhs_hint = false} : vector<1000x64xf32>, vector<64x128xf32>, vector<1000x128xf32> -> vector<1000x128xf32>
    %get3A_49 = arith.constant 0 : index
    %get3A_50 = arith.constant 0 : index
    %get3A_51 = vector.load %arg10[%get3A_49, %get3A_50] : memref<1x128xf32, #tpu.memory_space<vmem>>, vector<1x128xf32>
    %add3A_52 = vector.broadcast %get3A_51 : vector<1x128xf32> to vector<1000x128xf32>
    %add3A_53 = arith.addf %dot_general3A_48, %add3A_52 : vector<1000x128xf32>
    %swap3A = arith.constant 0 : index
    %swap3A_54 = arith.constant 0 : index
    %swap3A_55 = vector.load %arg11[%swap3A, %swap3A_54] : memref<1000x128xf32, #tpu.memory_space<vmem>>, vector<1000x128xf32>
    tpu.vector_store %arg11[%swap3A, %swap3A_54], %add3A_53 {strides = array<i32>} : memref<1000x128xf32, #tpu.memory_space<vmem>>, vector<1000x128xf32>,
    %dot_general3A_56 = arith.constant dense<0.000000e+00> : vector<16x128xf32>
    %dot_general3A_57 = tpu.matmul %convert_element_type3A_22, %add3A_53, %dot_general3A_56 {dimension_numbers = #tpu.dot_dimension_numbers<[0], [0], [1], [1], [0, 1, 1, 1], [], []>, precision = #tpu.contract_precision<fp32>, transpose_lhs_hint = false} : vector<1000x16xf32>, vector<1000x128xf32>, vector<16x128xf32> -> vector<16x128xf32>
    %eq3A_58 = arith.constant 0 : i32
    %eq3A_59 = arith.cmpi eq, %arg0, %eq3A_58 : i32
    %convert_element_type3A_60 = arith.extui %eq3A_59 : i1 to i32
    %cond3A = arith.constant 0 : i32
    %cond3A_61 = arith.cmpi ne, %convert_element_type3A_60, %cond3A : i32
    scf.if %cond3A_61 {
      %broadcast_in_dim3A_69 = arith.constant 0.000000e+00 : f32
      %broadcast_in_dim3A_70 = vector.broadcast %broadcast_in_dim3A_69 : f32 to vector<16x128xf32>
      %swap3A_71 = arith.constant 0 : index
      %swap3A_72 = arith.constant 0 : index
      %swap3A_73 = vector.load %arg12[%swap3A_71, %swap3A_72] : memref<16x128xf32, #tpu.memory_space<vmem>>, vector<16x128xf32>
      tpu.vector_store %arg12[%swap3A_71, %swap3A_72], %broadcast_in_dim3A_70 {strides = array<i32>} : memref<16x128xf32, #tpu.memory_space<vmem>>, vector<16x128xf32>,
    } else {
    }
    %get3A_62 = arith.constant 0 : index
    %get3A_63 = arith.constant 0 : index
    %get3A_64 = vector.load %arg12[%get3A_62, %get3A_63] : memref<16x128xf32, #tpu.memory_space<vmem>>, vector<16x128xf32>
    %add3A_65 = arith.addf %get3A_64, %dot_general3A_57 : vector<16x128xf32>
    %swap3A_66 = arith.constant 0 : index
    %swap3A_67 = arith.constant 0 : index
    %swap3A_68 = vector.load %arg12[%swap3A_66, %swap3A_67] : memref<16x128xf32, #tpu.memory_space<vmem>>, vector<16x128xf32>
    tpu.vector_store %arg12[%swap3A_66, %swap3A_67], %add3A_65 {strides = array<i32>} : memref<16x128xf32, #tpu.memory_space<vmem>>, vector<16x128xf32>,
    return
  }
  func.func @transform_0(%arg0: i32) -> (i32, i32) {
    %c0_i32 = arith.constant 0 : i32
    %c0_i32_0 = arith.constant 0 : i32
    return %arg0, %c0_i32 : i32, i32
  }
  func.func @transform_1(%arg0: i32) -> (i32, i32) {
    %c0_i32 = arith.constant 0 : i32
    %c0_i32_0 = arith.constant 0 : i32
    return %arg0, %c0_i32 : i32, i32
  }
  func.func @transform_2(%arg0: i32) -> (i32, i32) {
    %c0_i32 = arith.constant 0 : i32
    %c0_i32_0 = arith.constant 0 : i32
    return %arg0, %c0_i32 : i32, i32
  }
  func.func @transform_3(%arg0: i32) -> (i32, i32, i32) {
    %c0_i32 = arith.constant 0 : i32
    %c0_i32_0 = arith.constant 0 : i32
    %c0_i32_1 = arith.constant 0 : i32
    return %arg0, %c0_i32, %c0_i32_0 : i32, i32, i32
  }
  func.func @transform_4(%arg0: i32) -> (i32, i32, i32) {
    %c0_i32 = arith.constant 0 : i32
    %c0_i32_0 = arith.constant 0 : i32
    %c0_i32_1 = arith.constant 0 : i32
    return %arg0, %c0_i32, %c0_i32_0 : i32, i32, i32
  }
  func.func @transform_5(%arg0: i32) -> (i32, i32) {
    %c0_i32 = arith.constant 0 : i32
    %c0_i32_0 = arith.constant 0 : i32
    %c0_i32_1 = arith.constant 0 : i32
    return %c0_i32, %c0_i32_0 : i32, i32
  }
  func.func @transform_6(%arg0: i32) -> (i32, i32) {
    %c0_i32 = arith.constant 0 : i32
    %c0_i32_0 = arith.constant 0 : i32
    %c0_i32_1 = arith.constant 0 : i32
    return %c0_i32, %c0_i32_0 : i32, i32
  }
  func.func @transform_7(%arg0: i32) -> (i32, i32) {
    %c0_i32 = arith.constant 0 : i32
    %c0_i32_0 = arith.constant 0 : i32
    %c0_i32_1 = arith.constant 0 : i32
    return %c0_i32, %c0_i32_0 : i32, i32
  }
  func.func @transform_8(%arg0: i32) -> (i32, i32) {
    %c0_i32 = arith.constant 0 : i32
    %c0_i32_0 = arith.constant 0 : i32
    %c0_i32_1 = arith.constant 0 : i32
    return %c0_i32, %c0_i32_0 : i32, i32
  }
  func.func @transform_9(%arg0: i32) -> (i32, i32) {
    %c0_i32 = arith.constant 0 : i32
    %c0_i32_0 = arith.constant 0 : i32
    %c0_i32_1 = arith.constant 0 : i32
    return %c0_i32, %c0_i32_0 : i32, i32
  }
  func.func @transform_10(%arg0: i32) -> (i32, i32) {
    %c0_i32 = arith.constant 0 : i32
    %c0_i32_0 = arith.constant 0 : i32
    return %arg0, %c0_i32 : i32, i32
  }
  func.func @transform_11(%arg0: i32) -> (i32, i32) {
    %c0_i32 = arith.constant 0 : i32
    %c0_i32_0 = arith.constant 0 : i32
    %c0_i32_1 = arith.constant 0 : i32
    return %c0_i32, %c0_i32_0 : i32, i32
  }
}

module attributes {stable_mosaic.version = 14 : i64} {
  func.func @_glob1_body(%arg0: memref<8x16xf32, #tpu.memory_space<vmem>>, %arg1: memref<24x16xf32, #tpu.memory_space<vmem>>, %arg2: memref<16x128xf32, #tpu.memory_space<vmem>>, %arg3: memref<128x64xf32, #tpu.memory_space<vmem>>, %arg4: memref<16x64xf32, #tpu.memory_space<vmem>>, %arg5: memref<1x64xf32, #tpu.memory_space<vmem>>, %arg6: memref<64x16xf32, #tpu.memory_space<vmem>>, %arg7: memref<1x16xf32, #tpu.memory_space<vmem>>, %arg8: memref<16x64xf32, #tpu.memory_space<vmem>>, %arg9: memref<16x64xf32, #tpu.memory_space<vmem>>, %arg10: memref<16x64xf32, #tpu.memory_space<vmem>>, %arg11: memref<16x64xf32, #tpu.memory_space<vmem>>) attributes {dimension_semantics = [], scalar_prefetch = 0 : i64, scratch_operands = 0 : i64, tpu.core_type = #tpu.core_type<tc>} {
    %get3A = arith.constant 0 : index
    %get3A_0 = arith.constant 0 : index
    %get3A_1 = vector.load %arg0[%get3A, %get3A_0] : memref<8x16xf32, #tpu.memory_space<vmem>>, vector<1x16xf32>
    %get3A_2 = arith.constant 0 : index
    %get3A_3 = arith.constant 0 : index
    %get3A_4 = vector.load %arg2[%get3A_2, %get3A_3] : memref<16x128xf32, #tpu.memory_space<vmem>>, vector<16x128xf32>
    %max3A = arith.constant 1.000000e+00 : f32
    %max3A_5 = vector.broadcast %max3A : f32 to vector<1x16xf32>
    %max3A_6 = arith.maximumf %get3A_1, %max3A_5 : vector<1x16xf32>
    %reshape3A = vector.shape_cast %max3A_6 : vector<1x16xf32> to vector<16x1xf32>
    %div3A = vector.broadcast %reshape3A : vector<16x1xf32> to vector<16x128xf32>
    %div3A_7 = arith.divf %get3A_4, %div3A : vector<16x128xf32>
    %get3A_8 = arith.constant 16 : index
    %get3A_9 = arith.constant 0 : index
    %get3A_10 = vector.load %arg1[%get3A_8, %get3A_9] : memref<24x16xf32, #tpu.memory_space<vmem>>, vector<1x16xf32>
    %get3A_11 = arith.constant 0 : index
    %get3A_12 = arith.constant 0 : index
    %get3A_13 = vector.load %arg1[%get3A_11, %get3A_12] : memref<24x16xf32, #tpu.memory_space<vmem>>, vector<16x16xf32>
    %max3A_14 = arith.constant 1.000000e+00 : f32
    %max3A_15 = vector.broadcast %max3A_14 : f32 to vector<1x16xf32>
    %max3A_16 = arith.maximumf %get3A_10, %max3A_15 : vector<1x16xf32>
    %reshape3A_17 = vector.shape_cast %max3A_16 : vector<1x16xf32> to vector<16x1xf32>
    %div3A_18 = vector.broadcast %reshape3A_17 : vector<16x1xf32> to vector<16x16xf32>
    %div3A_19 = arith.divf %get3A_13, %div3A_18 : vector<16x16xf32>
    %get3A_20 = arith.constant 0 : index
    %get3A_21 = arith.constant 0 : index
    %get3A_22 = vector.load %arg3[%get3A_20, %get3A_21] : memref<128x64xf32, #tpu.memory_space<vmem>>, vector<128x64xf32>
    %dot_general3A = arith.constant dense<0.000000e+00> : vector<16x64xf32>
    %dot_general3A_23 = tpu.matmul %div3A_7, %get3A_22, %dot_general3A {dimension_numbers = #tpu.dot_dimension_numbers<[1], [0], [0], [1], [0, 0, 1, 1], [], []>, transpose_lhs_hint = false} : vector<16x128xf32>, vector<128x64xf32>, vector<16x64xf32> -> vector<16x64xf32>
    %get3A_24 = arith.constant 0 : index
    %get3A_25 = arith.constant 0 : index
    %get3A_26 = vector.load %arg4[%get3A_24, %get3A_25] : memref<16x64xf32, #tpu.memory_space<vmem>>, vector<16x64xf32>
    %dot_general3A_27 = arith.constant dense<0.000000e+00> : vector<16x64xf32>
    %dot_general3A_28 = tpu.matmul %div3A_19, %get3A_26, %dot_general3A_27 {dimension_numbers = #tpu.dot_dimension_numbers<[1], [0], [0], [1], [0, 0, 1, 1], [], []>, transpose_lhs_hint = false} : vector<16x16xf32>, vector<16x64xf32>, vector<16x64xf32> -> vector<16x64xf32>
    %add3A = arith.addf %dot_general3A_23, %dot_general3A_28 : vector<16x64xf32>
    %get3A_29 = arith.constant 0 : index
    %get3A_30 = arith.constant 0 : index
    %get3A_31 = vector.load %arg5[%get3A_29, %get3A_30] : memref<1x64xf32, #tpu.memory_space<vmem>>, vector<1x64xf32>
    %add3A_32 = vector.broadcast %get3A_31 : vector<1x64xf32> to vector<16x64xf32>
    %add3A_33 = arith.addf %add3A, %add3A_32 : vector<16x64xf32>
    %max3A_34 = arith.constant 0.000000e+00 : f32
    %max3A_35 = vector.broadcast %max3A_34 : f32 to vector<16x64xf32>
    %max3A_36 = arith.maximumf %add3A_33, %max3A_35 : vector<16x64xf32>
    %get3A_37 = arith.constant 0 : index
    %get3A_38 = arith.constant 0 : index
    %get3A_39 = vector.load %arg6[%get3A_37, %get3A_38] : memref<64x16xf32, #tpu.memory_space<vmem>>, vector<64x16xf32>
    %dot_general3A_40 = arith.constant dense<0.000000e+00> : vector<16x16xf32>
    %dot_general3A_41 = tpu.matmul %max3A_36, %get3A_39, %dot_general3A_40 {dimension_numbers = #tpu.dot_dimension_numbers<[1], [0], [0], [1], [0, 0, 1, 1], [], []>, transpose_lhs_hint = false} : vector<16x64xf32>, vector<64x16xf32>, vector<16x16xf32> -> vector<16x16xf32>
    %get3A_42 = arith.constant 0 : index
    %get3A_43 = arith.constant 0 : index
    %get3A_44 = vector.load %arg7[%get3A_42, %get3A_43] : memref<1x16xf32, #tpu.memory_space<vmem>>, vector<1x16xf32>
    %add3A_45 = vector.broadcast %get3A_44 : vector<1x16xf32> to vector<16x16xf32>
    %add3A_46 = arith.addf %dot_general3A_41, %add3A_45 : vector<16x16xf32>
    %get3A_47 = arith.constant 0 : index
    %get3A_48 = arith.constant 0 : index
    %get3A_49 = vector.load %arg8[%get3A_47, %get3A_48] : memref<16x64xf32, #tpu.memory_space<vmem>>, vector<16x64xf32>
    %dot_general3A_50 = arith.constant dense<0.000000e+00> : vector<16x64xf32>
    %dot_general3A_51 = tpu.matmul %add3A_46, %get3A_49, %dot_general3A_50 {dimension_numbers = #tpu.dot_dimension_numbers<[1], [0], [0], [1], [0, 0, 1, 1], [], []>, transpose_lhs_hint = false} : vector<16x16xf32>, vector<16x64xf32>, vector<16x64xf32> -> vector<16x64xf32>
    %swap3A = arith.constant 0 : index
    %swap3A_52 = arith.constant 0 : index
    %swap3A_53 = vector.load %arg10[%swap3A, %swap3A_52] : memref<16x64xf32, #tpu.memory_space<vmem>>, vector<16x64xf32>
    tpu.vector_store %arg10[%swap3A, %swap3A_52], %dot_general3A_51 {strides = array<i32>} : memref<16x64xf32, #tpu.memory_space<vmem>>, vector<16x64xf32>,
    %get3A_54 = arith.constant 0 : index
    %get3A_55 = arith.constant 0 : index
    %get3A_56 = vector.load %arg9[%get3A_54, %get3A_55] : memref<16x64xf32, #tpu.memory_space<vmem>>, vector<16x64xf32>
    %dot_general3A_57 = arith.constant dense<0.000000e+00> : vector<16x64xf32>
    %dot_general3A_58 = tpu.matmul %add3A_46, %get3A_56, %dot_general3A_57 {dimension_numbers = #tpu.dot_dimension_numbers<[1], [0], [0], [1], [0, 0, 1, 1], [], []>, transpose_lhs_hint = false} : vector<16x16xf32>, vector<16x64xf32>, vector<16x64xf32> -> vector<16x64xf32>
    %swap3A_59 = arith.constant 0 : index
    %swap3A_60 = arith.constant 0 : index
    %swap3A_61 = vector.load %arg11[%swap3A_59, %swap3A_60] : memref<16x64xf32, #tpu.memory_space<vmem>>, vector<16x64xf32>
    tpu.vector_store %arg11[%swap3A_59, %swap3A_60], %dot_general3A_58 {strides = array<i32>} : memref<16x64xf32, #tpu.memory_space<vmem>>, vector<16x64xf32>,
    return
  }
}

module attributes {stable_mosaic.version = 14 : i64} {
  func.func @_prep2_body(%arg0: i32, %arg1: memref<1000x128xf32, #tpu.memory_space<vmem>>, %arg2: memref<128x64xf32, #tpu.memory_space<vmem>>, %arg3: memref<128x64xf32, #tpu.memory_space<vmem>>, %arg4: memref<1x64xf32, #tpu.memory_space<vmem>>, %arg5: memref<1x1x1000xi32, #tpu.memory_space<vmem>>, %arg6: memref<16x64xf32, #tpu.memory_space<vmem>>, %arg7: memref<1000x64xf32, #tpu.memory_space<vmem>>, %arg8: memref<1000x64xf32, #tpu.memory_space<vmem>>) attributes {dimension_semantics = [#tpu.dimension_semantics<arbitrary>], iteration_bounds = array<i64: 10>, scalar_prefetch = 0 : i64, scratch_operands = 0 : i64, tpu.core_type = #tpu.core_type<tc>, window_params = [{transform_indices = @transform_0, window_bounds = array<i64: 1000, 128>}, {pipeline_mode = #tpu.pipeline_mode<synchronous>, transform_indices = @transform_1, window_bounds = array<i64: 128, 64>}, {pipeline_mode = #tpu.pipeline_mode<synchronous>, transform_indices = @transform_2, window_bounds = array<i64: 128, 64>}, {pipeline_mode = #tpu.pipeline_mode<synchronous>, transform_indices = @transform_3, window_bounds = array<i64: 1, 64>}, {transform_indices = @transform_4, window_bounds = array<i64: 1, 1, 1000>}, {pipeline_mode = #tpu.pipeline_mode<synchronous>, transform_indices = @transform_5, window_bounds = array<i64: 16, 64>}, {transform_indices = @transform_6, window_bounds = array<i64: 1000, 64>}, {transform_indices = @transform_7, window_bounds = array<i64: 1000, 64>}]} {
    %get3A = arith.constant 0 : index
    %get3A_0 = arith.constant 0 : index
    %get3A_1 = vector.load %arg1[%get3A, %get3A_0] : memref<1000x128xf32, #tpu.memory_space<vmem>>, vector<1000x128xf32>
    %get3A_2 = arith.constant 0 : index
    %get3A_3 = arith.constant 0 : index
    %get3A_4 = arith.constant 0 : index
    %get3A_5 = vector.load %arg5[%get3A_2, %get3A_3, %get3A_4] : memref<1x1x1000xi32, #tpu.memory_space<vmem>>, vector<1x1x1000xi32>
    %get3A_6 = vector.shape_cast %get3A_5 : vector<1x1x1000xi32> to vector<1000xi32>
    %broadcast_in_dim3A = vector.shape_cast %get3A_6 : vector<1000xi32> to vector<1000x1xi32>
    %iota3A = tpu.iota {dimensions = array<i32: 1>} : vector<1x16xi32>
    %eq3A = vector.broadcast %broadcast_in_dim3A : vector<1000x1xi32> to vector<1000x16xi32>
    %eq3A_7 = vector.broadcast %iota3A : vector<1x16xi32> to vector<1000x16xi32>
    %eq3A_8 = arith.cmpi eq, %eq3A, %eq3A_7 : vector<1000x16xi32>
    %convert_element_type3A = arith.extui %eq3A_8 : vector<1000x16xi1> to vector<1000x16xi32>
    %convert_element_type3A_9 = arith.sitofp %convert_element_type3A : vector<1000x16xi32> to vector<1000x16xf32>
    %get3A_10 = arith.constant 0 : index
    %get3A_11 = arith.constant 0 : index
    %get3A_12 = vector.load %arg2[%get3A_10, %get3A_11] : memref<128x64xf32, #tpu.memory_space<vmem>>, vector<128x64xf32>
    %dot_general3A = arith.constant dense<0.000000e+00> : vector<1000x64xf32>
    %dot_general3A_13 = tpu.matmul %get3A_1, %get3A_12, %dot_general3A {dimension_numbers = #tpu.dot_dimension_numbers<[1], [0], [0], [1], [0, 0, 1, 1], [], []>, transpose_lhs_hint = false} : vector<1000x128xf32>, vector<128x64xf32>, vector<1000x64xf32> -> vector<1000x64xf32>
    %get3A_14 = arith.constant 0 : index
    %get3A_15 = arith.constant 0 : index
    %get3A_16 = vector.load %arg6[%get3A_14, %get3A_15] : memref<16x64xf32, #tpu.memory_space<vmem>>, vector<16x64xf32>
    %dot_general3A_17 = arith.constant dense<0.000000e+00> : vector<1000x64xf32>
    %dot_general3A_18 = tpu.matmul %convert_element_type3A_9, %get3A_16, %dot_general3A_17 {dimension_numbers = #tpu.dot_dimension_numbers<[1], [0], [0], [1], [0, 0, 1, 1], [], []>, precision = #tpu.contract_precision<fp32>, transpose_lhs_hint = false} : vector<1000x16xf32>, vector<16x64xf32>, vector<1000x64xf32> -> vector<1000x64xf32>
    %add3A = arith.addf %dot_general3A_13, %dot_general3A_18 : vector<1000x64xf32>
    %get3A_19 = arith.constant 0 : index
    %get3A_20 = arith.constant 0 : index
    %get3A_21 = vector.load %arg4[%get3A_19, %get3A_20] : memref<1x64xf32, #tpu.memory_space<vmem>>, vector<1x64xf32>
    %add3A_22 = vector.broadcast %get3A_21 : vector<1x64xf32> to vector<1000x64xf32>
    %add3A_23 = arith.addf %add3A, %add3A_22 : vector<1000x64xf32>
    %swap3A = arith.constant 0 : index
    %swap3A_24 = arith.constant 0 : index
    %swap3A_25 = vector.load %arg7[%swap3A, %swap3A_24] : memref<1000x64xf32, #tpu.memory_space<vmem>>, vector<1000x64xf32>
    tpu.vector_store %arg7[%swap3A, %swap3A_24], %add3A_23 {strides = array<i32>} : memref<1000x64xf32, #tpu.memory_space<vmem>>, vector<1000x64xf32>,
    %get3A_26 = arith.constant 0 : index
    %get3A_27 = arith.constant 0 : index
    %get3A_28 = vector.load %arg3[%get3A_26, %get3A_27] : memref<128x64xf32, #tpu.memory_space<vmem>>, vector<128x64xf32>
    %dot_general3A_29 = arith.constant dense<0.000000e+00> : vector<1000x64xf32>
    %dot_general3A_30 = tpu.matmul %get3A_1, %get3A_28, %dot_general3A_29 {dimension_numbers = #tpu.dot_dimension_numbers<[1], [0], [0], [1], [0, 0, 1, 1], [], []>, transpose_lhs_hint = false} : vector<1000x128xf32>, vector<128x64xf32>, vector<1000x64xf32> -> vector<1000x64xf32>
    %swap3A_31 = arith.constant 0 : index
    %swap3A_32 = arith.constant 0 : index
    %swap3A_33 = vector.load %arg8[%swap3A_31, %swap3A_32] : memref<1000x64xf32, #tpu.memory_space<vmem>>, vector<1000x64xf32>
    tpu.vector_store %arg8[%swap3A_31, %swap3A_32], %dot_general3A_30 {strides = array<i32>} : memref<1000x64xf32, #tpu.memory_space<vmem>>, vector<1000x64xf32>,
    return
  }
  func.func @transform_0(%arg0: i32) -> (i32, i32) {
    %c0_i32 = arith.constant 0 : i32
    %c0_i32_0 = arith.constant 0 : i32
    return %arg0, %c0_i32 : i32, i32
  }
  func.func @transform_1(%arg0: i32) -> (i32, i32) {
    %c0_i32 = arith.constant 0 : i32
    %c0_i32_0 = arith.constant 0 : i32
    %c0_i32_1 = arith.constant 0 : i32
    return %c0_i32, %c0_i32_0 : i32, i32
  }
  func.func @transform_2(%arg0: i32) -> (i32, i32) {
    %c0_i32 = arith.constant 0 : i32
    %c0_i32_0 = arith.constant 0 : i32
    %c0_i32_1 = arith.constant 0 : i32
    return %c0_i32, %c0_i32_0 : i32, i32
  }
  func.func @transform_3(%arg0: i32) -> (i32, i32) {
    %c0_i32 = arith.constant 0 : i32
    %c0_i32_0 = arith.constant 0 : i32
    %c0_i32_1 = arith.constant 0 : i32
    return %c0_i32, %c0_i32_0 : i32, i32
  }
  func.func @transform_4(%arg0: i32) -> (i32, i32, i32) {
    %c0_i32 = arith.constant 0 : i32
    %c0_i32_0 = arith.constant 0 : i32
    %c0_i32_1 = arith.constant 0 : i32
    return %arg0, %c0_i32, %c0_i32_0 : i32, i32, i32
  }
  func.func @transform_5(%arg0: i32) -> (i32, i32) {
    %c0_i32 = arith.constant 0 : i32
    %c0_i32_0 = arith.constant 0 : i32
    %c0_i32_1 = arith.constant 0 : i32
    return %c0_i32, %c0_i32_0 : i32, i32
  }
  func.func @transform_6(%arg0: i32) -> (i32, i32) {
    %c0_i32 = arith.constant 0 : i32
    %c0_i32_0 = arith.constant 0 : i32
    return %arg0, %c0_i32 : i32, i32
  }
  func.func @transform_7(%arg0: i32) -> (i32, i32) {
    %c0_i32 = arith.constant 0 : i32
    %c0_i32_0 = arith.constant 0 : i32
    return %arg0, %c0_i32 : i32, i32
  }
}

module attributes {stable_mosaic.version = 14 : i64} {
  func.func @_edge2_body(%arg0: i32, %arg1: memref<3200x128xf32, #tpu.memory_space<vmem>>, %arg2: memref<3200x128xf32, #tpu.memory_space<vmem>>, %arg3: memref<3200x32xf32, #tpu.memory_space<vmem>>, %arg4: memref<32x128xf32, #tpu.memory_space<vmem>>, %arg5: memref<128x32xf32, #tpu.memory_space<vmem>>, %arg6: memref<1x32xf32, #tpu.memory_space<vmem>>, %arg7: memref<3200x32xf32, #tpu.memory_space<vmem>>) attributes {dimension_semantics = [#tpu.dimension_semantics<arbitrary>], iteration_bounds = array<i64: 50>, scalar_prefetch = 0 : i64, scratch_operands = 0 : i64, tpu.core_type = #tpu.core_type<tc>, window_params = [{transform_indices = @transform_0, window_bounds = array<i64: 3200, 128>}, {transform_indices = @transform_1, window_bounds = array<i64: 3200, 128>}, {transform_indices = @transform_2, window_bounds = array<i64: 3200, 32>}, {pipeline_mode = #tpu.pipeline_mode<synchronous>, transform_indices = @transform_3, window_bounds = array<i64: 32, 128>}, {pipeline_mode = #tpu.pipeline_mode<synchronous>, transform_indices = @transform_4, window_bounds = array<i64: 128, 32>}, {pipeline_mode = #tpu.pipeline_mode<synchronous>, transform_indices = @transform_5, window_bounds = array<i64: 1, 32>}, {transform_indices = @transform_6, window_bounds = array<i64: 3200, 32>}]} {
    %get3A = arith.constant 0 : index
    %get3A_0 = arith.constant 0 : index
    %get3A_1 = vector.load %arg1[%get3A, %get3A_0] : memref<3200x128xf32, #tpu.memory_space<vmem>>, vector<3200x128xf32>
    %get3A_2 = arith.constant 0 : index
    %get3A_3 = arith.constant 0 : index
    %get3A_4 = vector.load %arg2[%get3A_2, %get3A_3] : memref<3200x128xf32, #tpu.memory_space<vmem>>, vector<3200x128xf32>
    %add3A = arith.addf %get3A_1, %get3A_4 : vector<3200x128xf32>
    %get3A_5 = arith.constant 0 : index
    %get3A_6 = arith.constant 0 : index
    %get3A_7 = vector.load %arg3[%get3A_5, %get3A_6] : memref<3200x32xf32, #tpu.memory_space<vmem>>, vector<3200x32xf32>
    %get3A_8 = arith.constant 0 : index
    %get3A_9 = arith.constant 0 : index
    %get3A_10 = vector.load %arg4[%get3A_8, %get3A_9] : memref<32x128xf32, #tpu.memory_space<vmem>>, vector<32x128xf32>
    %dot_general3A = arith.constant dense<0.000000e+00> : vector<3200x128xf32>
    %dot_general3A_11 = tpu.matmul %get3A_7, %get3A_10, %dot_general3A {dimension_numbers = #tpu.dot_dimension_numbers<[1], [0], [0], [1], [0, 0, 1, 1], [], []>, transpose_lhs_hint = false} : vector<3200x32xf32>, vector<32x128xf32>, vector<3200x128xf32> -> vector<3200x128xf32>
    %add3A_12 = arith.addf %add3A, %dot_general3A_11 : vector<3200x128xf32>
    %max3A = arith.constant 0.000000e+00 : f32
    %max3A_13 = vector.broadcast %max3A : f32 to vector<3200x128xf32>
    %max3A_14 = arith.maximumf %add3A_12, %max3A_13 : vector<3200x128xf32>
    %get3A_15 = arith.constant 0 : index
    %get3A_16 = arith.constant 0 : index
    %get3A_17 = vector.load %arg5[%get3A_15, %get3A_16] : memref<128x32xf32, #tpu.memory_space<vmem>>, vector<128x32xf32>
    %dot_general3A_18 = arith.constant dense<0.000000e+00> : vector<3200x32xf32>
    %dot_general3A_19 = tpu.matmul %max3A_14, %get3A_17, %dot_general3A_18 {dimension_numbers = #tpu.dot_dimension_numbers<[1], [0], [0], [1], [0, 0, 1, 1], [], []>, transpose_lhs_hint = false} : vector<3200x128xf32>, vector<128x32xf32>, vector<3200x32xf32> -> vector<3200x32xf32>
    %get3A_20 = arith.constant 0 : index
    %get3A_21 = arith.constant 0 : index
    %get3A_22 = vector.load %arg6[%get3A_20, %get3A_21] : memref<1x32xf32, #tpu.memory_space<vmem>>, vector<1x32xf32>
    %add3A_23 = vector.broadcast %get3A_22 : vector<1x32xf32> to vector<3200x32xf32>
    %add3A_24 = arith.addf %dot_general3A_19, %add3A_23 : vector<3200x32xf32>
    %swap3A = arith.constant 0 : index
    %swap3A_25 = arith.constant 0 : index
    %swap3A_26 = vector.load %arg7[%swap3A, %swap3A_25] : memref<3200x32xf32, #tpu.memory_space<vmem>>, vector<3200x32xf32>
    tpu.vector_store %arg7[%swap3A, %swap3A_25], %add3A_24 {strides = array<i32>} : memref<3200x32xf32, #tpu.memory_space<vmem>>, vector<3200x32xf32>,
    return
  }
  func.func @transform_0(%arg0: i32) -> (i32, i32) {
    %c0_i32 = arith.constant 0 : i32
    %c0_i32_0 = arith.constant 0 : i32
    return %arg0, %c0_i32 : i32, i32
  }
  func.func @transform_1(%arg0: i32) -> (i32, i32) {
    %c0_i32 = arith.constant 0 : i32
    %c0_i32_0 = arith.constant 0 : i32
    return %arg0, %c0_i32 : i32, i32
  }
  func.func @transform_2(%arg0: i32) -> (i32, i32) {
    %c0_i32 = arith.constant 0 : i32
    %c0_i32_0 = arith.constant 0 : i32
    return %arg0, %c0_i32 : i32, i32
  }
  func.func @transform_3(%arg0: i32) -> (i32, i32) {
    %c0_i32 = arith.constant 0 : i32
    %c0_i32_0 = arith.constant 0 : i32
    %c0_i32_1 = arith.constant 0 : i32
    return %c0_i32, %c0_i32_0 : i32, i32
  }
  func.func @transform_4(%arg0: i32) -> (i32, i32) {
    %c0_i32 = arith.constant 0 : i32
    %c0_i32_0 = arith.constant 0 : i32
    %c0_i32_1 = arith.constant 0 : i32
    return %c0_i32, %c0_i32_0 : i32, i32
  }
  func.func @transform_5(%arg0: i32) -> (i32, i32) {
    %c0_i32 = arith.constant 0 : i32
    %c0_i32_0 = arith.constant 0 : i32
    %c0_i32_1 = arith.constant 0 : i32
    return %c0_i32, %c0_i32_0 : i32, i32
  }
  func.func @transform_6(%arg0: i32) -> (i32, i32) {
    %c0_i32 = arith.constant 0 : i32
    %c0_i32_0 = arith.constant 0 : i32
    return %arg0, %c0_i32 : i32, i32
  }
}

module attributes {stable_mosaic.version = 14 : i64} {
  func.func @_node2_body(%arg0: i32, %arg1: memref<1000x128xf32, #tpu.memory_space<vmem>>, %arg2: memref<1000x16xf32, #tpu.memory_space<vmem>>, %arg3: memref<1000x16xf32, #tpu.memory_space<vmem>>, %arg4: memref<1x32x1000xf32, #tpu.memory_space<vmem>>, %arg5: memref<1x1x1000xi32, #tpu.memory_space<vmem>>, %arg6: memref<128x64xf32, #tpu.memory_space<vmem>>, %arg7: memref<16x64xf32, #tpu.memory_space<vmem>>, %arg8: memref<16x64xf32, #tpu.memory_space<vmem>>, %arg9: memref<1x64xf32, #tpu.memory_space<vmem>>, %arg10: memref<64x128xf32, #tpu.memory_space<vmem>>, %arg11: memref<1x128xf32, #tpu.memory_space<vmem>>, %arg12: memref<16x128xf32, #tpu.memory_space<vmem>>) attributes {dimension_semantics = [#tpu.dimension_semantics<arbitrary>], iteration_bounds = array<i64: 10>, scalar_prefetch = 0 : i64, scratch_operands = 0 : i64, tpu.core_type = #tpu.core_type<tc>, window_params = [{transform_indices = @transform_0, window_bounds = array<i64: 1000, 128>}, {transform_indices = @transform_1, window_bounds = array<i64: 1000, 16>}, {transform_indices = @transform_2, window_bounds = array<i64: 1000, 16>}, {transform_indices = @transform_3, window_bounds = array<i64: 1, 32, 1000>}, {transform_indices = @transform_4, window_bounds = array<i64: 1, 1, 1000>}, {pipeline_mode = #tpu.pipeline_mode<synchronous>, transform_indices = @transform_5, window_bounds = array<i64: 128, 64>}, {pipeline_mode = #tpu.pipeline_mode<synchronous>, transform_indices = @transform_6, window_bounds = array<i64: 16, 64>}, {pipeline_mode = #tpu.pipeline_mode<synchronous>, transform_indices = @transform_7, window_bounds = array<i64: 16, 64>}, {pipeline_mode = #tpu.pipeline_mode<synchronous>, transform_indices = @transform_8, window_bounds = array<i64: 1, 64>}, {pipeline_mode = #tpu.pipeline_mode<synchronous>, transform_indices = @transform_9, window_bounds = array<i64: 64, 128>}, {pipeline_mode = #tpu.pipeline_mode<synchronous>, transform_indices = @transform_10, window_bounds = array<i64: 1, 128>}, {pipeline_mode = #tpu.pipeline_mode<synchronous>, transform_indices = @transform_11, window_bounds = array<i64: 16, 128>}]} {
    %get3A = arith.constant 0 : index
    %get3A_0 = arith.constant 0 : index
    %get3A_1 = arith.constant 0 : index
    %get3A_2 = vector.load %arg4[%get3A, %get3A_0, %get3A_1] : memref<1x32x1000xf32, #tpu.memory_space<vmem>>, vector<1x32x1000xf32>
    %get3A_3 = vector.shape_cast %get3A_2 : vector<1x32x1000xf32> to vector<32x1000xf32>
    %reduce_sum3A = arith.constant dense<0.000000e+00> : vector<1000xf32>
    %reduce_sum3A_4 = vector.multi_reduction <add>, %get3A_3, %reduce_sum3A [0] : vector<32x1000xf32> to vector<1000xf32>
    %broadcast_in_dim3A = vector.shape_cast %reduce_sum3A_4 : vector<1000xf32> to vector<1000x1xf32>
    %get3A_5 = arith.constant 0 : index
    %get3A_6 = arith.constant 0 : index
    %get3A_7 = vector.load %arg2[%get3A_5, %get3A_6] : memref<1000x16xf32, #tpu.memory_space<vmem>>, vector<1000x16xf32>
    %get3A_8 = arith.constant 0 : index
    %get3A_9 = arith.constant 0 : index
    %get3A_10 = vector.load %arg3[%get3A_8, %get3A_9] : memref<1000x16xf32, #tpu.memory_space<vmem>>, vector<1000x16xf32>
    %add3A = arith.addf %get3A_7, %get3A_10 : vector<1000x16xf32>
    %max3A = arith.constant 1.000000e+00 : f32
    %max3A_11 = vector.broadcast %max3A : f32 to vector<1000x1xf32>
    %max3A_12 = arith.maximumf %broadcast_in_dim3A, %max3A_11 : vector<1000x1xf32>
    %div3A = vector.broadcast %max3A_12 : vector<1000x1xf32> to vector<1000x16xf32>
    %div3A_13 = arith.divf %add3A, %div3A : vector<1000x16xf32>
    %get3A_14 = arith.constant 0 : index
    %get3A_15 = arith.constant 0 : index
    %get3A_16 = arith.constant 0 : index
    %get3A_17 = vector.load %arg5[%get3A_14, %get3A_15, %get3A_16] : memref<1x1x1000xi32, #tpu.memory_space<vmem>>, vector<1x1x1000xi32>
    %get3A_18 = vector.shape_cast %get3A_17 : vector<1x1x1000xi32> to vector<1000xi32>
    %broadcast_in_dim3A_19 = vector.shape_cast %get3A_18 : vector<1000xi32> to vector<1000x1xi32>
    %iota3A = tpu.iota {dimensions = array<i32: 1>} : vector<1x16xi32>
    %eq3A = vector.broadcast %broadcast_in_dim3A_19 : vector<1000x1xi32> to vector<1000x16xi32>
    %eq3A_20 = vector.broadcast %iota3A : vector<1x16xi32> to vector<1000x16xi32>
    %eq3A_21 = arith.cmpi eq, %eq3A, %eq3A_20 : vector<1000x16xi32>
    %convert_element_type3A = arith.extui %eq3A_21 : vector<1000x16xi1> to vector<1000x16xi32>
    %convert_element_type3A_22 = arith.sitofp %convert_element_type3A : vector<1000x16xi32> to vector<1000x16xf32>
    %get3A_23 = arith.constant 0 : index
    %get3A_24 = arith.constant 0 : index
    %get3A_25 = vector.load %arg1[%get3A_23, %get3A_24] : memref<1000x128xf32, #tpu.memory_space<vmem>>, vector<1000x128xf32>
    %get3A_26 = arith.constant 0 : index
    %get3A_27 = arith.constant 0 : index
    %get3A_28 = vector.load %arg6[%get3A_26, %get3A_27] : memref<128x64xf32, #tpu.memory_space<vmem>>, vector<128x64xf32>
    %dot_general3A = arith.constant dense<0.000000e+00> : vector<1000x64xf32>
    %dot_general3A_29 = tpu.matmul %get3A_25, %get3A_28, %dot_general3A {dimension_numbers = #tpu.dot_dimension_numbers<[1], [0], [0], [1], [0, 0, 1, 1], [], []>, transpose_lhs_hint = false} : vector<1000x128xf32>, vector<128x64xf32>, vector<1000x64xf32> -> vector<1000x64xf32>
    %get3A_30 = arith.constant 0 : index
    %get3A_31 = arith.constant 0 : index
    %get3A_32 = vector.load %arg7[%get3A_30, %get3A_31] : memref<16x64xf32, #tpu.memory_space<vmem>>, vector<16x64xf32>
    %dot_general3A_33 = arith.constant dense<0.000000e+00> : vector<1000x64xf32>
    %dot_general3A_34 = tpu.matmul %div3A_13, %get3A_32, %dot_general3A_33 {dimension_numbers = #tpu.dot_dimension_numbers<[1], [0], [0], [1], [0, 0, 1, 1], [], []>, transpose_lhs_hint = false} : vector<1000x16xf32>, vector<16x64xf32>, vector<1000x64xf32> -> vector<1000x64xf32>
    %add3A_35 = arith.addf %dot_general3A_29, %dot_general3A_34 : vector<1000x64xf32>
    %get3A_36 = arith.constant 0 : index
    %get3A_37 = arith.constant 0 : index
    %get3A_38 = vector.load %arg8[%get3A_36, %get3A_37] : memref<16x64xf32, #tpu.memory_space<vmem>>, vector<16x64xf32>
    %dot_general3A_39 = arith.constant dense<0.000000e+00> : vector<1000x64xf32>
    %dot_general3A_40 = tpu.matmul %convert_element_type3A_22, %get3A_38, %dot_general3A_39 {dimension_numbers = #tpu.dot_dimension_numbers<[1], [0], [0], [1], [0, 0, 1, 1], [], []>, precision = #tpu.contract_precision<fp32>, transpose_lhs_hint = false} : vector<1000x16xf32>, vector<16x64xf32>, vector<1000x64xf32> -> vector<1000x64xf32>
    %add3A_41 = arith.addf %add3A_35, %dot_general3A_40 : vector<1000x64xf32>
    %get3A_42 = arith.constant 0 : index
    %get3A_43 = arith.constant 0 : index
    %get3A_44 = vector.load %arg9[%get3A_42, %get3A_43] : memref<1x64xf32, #tpu.memory_space<vmem>>, vector<1x64xf32>
    %add3A_45 = vector.broadcast %get3A_44 : vector<1x64xf32> to vector<1000x64xf32>
    %add3A_46 = arith.addf %add3A_41, %add3A_45 : vector<1000x64xf32>
    %max3A_47 = arith.constant 0.000000e+00 : f32
    %max3A_48 = vector.broadcast %max3A_47 : f32 to vector<1000x64xf32>
    %max3A_49 = arith.maximumf %add3A_46, %max3A_48 : vector<1000x64xf32>
    %get3A_50 = arith.constant 0 : index
    %get3A_51 = arith.constant 0 : index
    %get3A_52 = vector.load %arg10[%get3A_50, %get3A_51] : memref<64x128xf32, #tpu.memory_space<vmem>>, vector<64x128xf32>
    %dot_general3A_53 = arith.constant dense<0.000000e+00> : vector<1000x128xf32>
    %dot_general3A_54 = tpu.matmul %max3A_49, %get3A_52, %dot_general3A_53 {dimension_numbers = #tpu.dot_dimension_numbers<[1], [0], [0], [1], [0, 0, 1, 1], [], []>, transpose_lhs_hint = false} : vector<1000x64xf32>, vector<64x128xf32>, vector<1000x128xf32> -> vector<1000x128xf32>
    %get3A_55 = arith.constant 0 : index
    %get3A_56 = arith.constant 0 : index
    %get3A_57 = vector.load %arg11[%get3A_55, %get3A_56] : memref<1x128xf32, #tpu.memory_space<vmem>>, vector<1x128xf32>
    %add3A_58 = vector.broadcast %get3A_57 : vector<1x128xf32> to vector<1000x128xf32>
    %add3A_59 = arith.addf %dot_general3A_54, %add3A_58 : vector<1000x128xf32>
    %dot_general3A_60 = arith.constant dense<0.000000e+00> : vector<16x128xf32>
    %dot_general3A_61 = tpu.matmul %convert_element_type3A_22, %add3A_59, %dot_general3A_60 {dimension_numbers = #tpu.dot_dimension_numbers<[0], [0], [1], [1], [0, 1, 1, 1], [], []>, precision = #tpu.contract_precision<fp32>, transpose_lhs_hint = false} : vector<1000x16xf32>, vector<1000x128xf32>, vector<16x128xf32> -> vector<16x128xf32>
    %eq3A_62 = arith.constant 0 : i32
    %eq3A_63 = arith.cmpi eq, %arg0, %eq3A_62 : i32
    %convert_element_type3A_64 = arith.extui %eq3A_63 : i1 to i32
    %cond3A = arith.constant 0 : i32
    %cond3A_65 = arith.cmpi ne, %convert_element_type3A_64, %cond3A : i32
    scf.if %cond3A_65 {
      %broadcast_in_dim3A_72 = arith.constant 0.000000e+00 : f32
      %broadcast_in_dim3A_73 = vector.broadcast %broadcast_in_dim3A_72 : f32 to vector<16x128xf32>
      %swap3A_74 = arith.constant 0 : index
      %swap3A_75 = arith.constant 0 : index
      %swap3A_76 = vector.load %arg12[%swap3A_74, %swap3A_75] : memref<16x128xf32, #tpu.memory_space<vmem>>, vector<16x128xf32>
      tpu.vector_store %arg12[%swap3A_74, %swap3A_75], %broadcast_in_dim3A_73 {strides = array<i32>} : memref<16x128xf32, #tpu.memory_space<vmem>>, vector<16x128xf32>,
    } else {
    }
    %get3A_66 = arith.constant 0 : index
    %get3A_67 = arith.constant 0 : index
    %get3A_68 = vector.load %arg12[%get3A_66, %get3A_67] : memref<16x128xf32, #tpu.memory_space<vmem>>, vector<16x128xf32>
    %add3A_69 = arith.addf %get3A_68, %dot_general3A_61 : vector<16x128xf32>
    %swap3A = arith.constant 0 : index
    %swap3A_70 = arith.constant 0 : index
    %swap3A_71 = vector.load %arg12[%swap3A, %swap3A_70] : memref<16x128xf32, #tpu.memory_space<vmem>>, vector<16x128xf32>
    tpu.vector_store %arg12[%swap3A, %swap3A_70], %add3A_69 {strides = array<i32>} : memref<16x128xf32, #tpu.memory_space<vmem>>, vector<16x128xf32>,
    return
  }
  func.func @transform_0(%arg0: i32) -> (i32, i32) {
    %c0_i32 = arith.constant 0 : i32
    %c0_i32_0 = arith.constant 0 : i32
    return %arg0, %c0_i32 : i32, i32
  }
  func.func @transform_1(%arg0: i32) -> (i32, i32) {
    %c0_i32 = arith.constant 0 : i32
    %c0_i32_0 = arith.constant 0 : i32
    return %arg0, %c0_i32 : i32, i32
  }
  func.func @transform_2(%arg0: i32) -> (i32, i32) {
    %c0_i32 = arith.constant 0 : i32
    %c0_i32_0 = arith.constant 0 : i32
    return %arg0, %c0_i32 : i32, i32
  }
  func.func @transform_3(%arg0: i32) -> (i32, i32, i32) {
    %c0_i32 = arith.constant 0 : i32
    %c0_i32_0 = arith.constant 0 : i32
    %c0_i32_1 = arith.constant 0 : i32
    return %arg0, %c0_i32, %c0_i32_0 : i32, i32, i32
  }
  func.func @transform_4(%arg0: i32) -> (i32, i32, i32) {
    %c0_i32 = arith.constant 0 : i32
    %c0_i32_0 = arith.constant 0 : i32
    %c0_i32_1 = arith.constant 0 : i32
    return %arg0, %c0_i32, %c0_i32_0 : i32, i32, i32
  }
  func.func @transform_5(%arg0: i32) -> (i32, i32) {
    %c0_i32 = arith.constant 0 : i32
    %c0_i32_0 = arith.constant 0 : i32
    %c0_i32_1 = arith.constant 0 : i32
    return %c0_i32, %c0_i32_0 : i32, i32
  }
  func.func @transform_6(%arg0: i32) -> (i32, i32) {
    %c0_i32 = arith.constant 0 : i32
    %c0_i32_0 = arith.constant 0 : i32
    %c0_i32_1 = arith.constant 0 : i32
    return %c0_i32, %c0_i32_0 : i32, i32
  }
  func.func @transform_7(%arg0: i32) -> (i32, i32) {
    %c0_i32 = arith.constant 0 : i32
    %c0_i32_0 = arith.constant 0 : i32
    %c0_i32_1 = arith.constant 0 : i32
    return %c0_i32, %c0_i32_0 : i32, i32
  }
  func.func @transform_8(%arg0: i32) -> (i32, i32) {
    %c0_i32 = arith.constant 0 : i32
    %c0_i32_0 = arith.constant 0 : i32
    %c0_i32_1 = arith.constant 0 : i32
    return %c0_i32, %c0_i32_0 : i32, i32
  }
  func.func @transform_9(%arg0: i32) -> (i32, i32) {
    %c0_i32 = arith.constant 0 : i32
    %c0_i32_0 = arith.constant 0 : i32
    %c0_i32_1 = arith.constant 0 : i32
    return %c0_i32, %c0_i32_0 : i32, i32
  }
  func.func @transform_10(%arg0: i32) -> (i32, i32) {
    %c0_i32 = arith.constant 0 : i32
    %c0_i32_0 = arith.constant 0 : i32
    %c0_i32_1 = arith.constant 0 : i32
    return %c0_i32, %c0_i32_0 : i32, i32
  }
  func.func @transform_11(%arg0: i32) -> (i32, i32) {
    %c0_i32 = arith.constant 0 : i32
    %c0_i32_0 = arith.constant 0 : i32
    %c0_i32_1 = arith.constant 0 : i32
    return %c0_i32, %c0_i32_0 : i32, i32
  }
}

module attributes {stable_mosaic.version = 14 : i64} {
  func.func @_head_body(%arg0: memref<16x128xf32, #tpu.memory_space<vmem>>, %arg1: memref<8x16xf32, #tpu.memory_space<vmem>>, %arg2: memref<128x64xf32, #tpu.memory_space<vmem>>, %arg3: memref<1x64xf32, #tpu.memory_space<vmem>>, %arg4: memref<1x64xf32, #tpu.memory_space<vmem>>, %arg5: memref<1x64xf32, #tpu.memory_space<vmem>>, %arg6: memref<64x32xf32, #tpu.memory_space<vmem>>, %arg7: memref<1x32xf32, #tpu.memory_space<vmem>>, %arg8: memref<128x64xf32, #tpu.memory_space<vmem>>, %arg9: memref<1x64xf32, #tpu.memory_space<vmem>>, %arg10: memref<1x64xf32, #tpu.memory_space<vmem>>, %arg11: memref<1x64xf32, #tpu.memory_space<vmem>>, %arg12: memref<64x64xf32, #tpu.memory_space<vmem>>, %arg13: memref<1x64xf32, #tpu.memory_space<vmem>>, %arg14: memref<1x64xf32, #tpu.memory_space<vmem>>, %arg15: memref<1x64xf32, #tpu.memory_space<vmem>>, %arg16: memref<64x64xf32, #tpu.memory_space<vmem>>, %arg17: memref<1x64xf32, #tpu.memory_space<vmem>>, %arg18: memref<16x32xf32, #tpu.memory_space<vmem>>, %arg19: memref<16x64xf32, #tpu.memory_space<vmem>>) attributes {dimension_semantics = [], scalar_prefetch = 0 : i64, scratch_operands = 0 : i64, tpu.core_type = #tpu.core_type<tc>} {
    %get3A = arith.constant 0 : index
    %get3A_0 = arith.constant 0 : index
    %get3A_1 = vector.load %arg1[%get3A, %get3A_0] : memref<8x16xf32, #tpu.memory_space<vmem>>, vector<1x16xf32>
    %reduce_max3A = vector.shape_cast %get3A_1 : vector<1x16xf32> to vector<1x1x16xf32>
    %reduce_max3A_2 = arith.constant dense<0xFF800000> : vector<1xf32>
    %reduce_max3A_3 = vector.multi_reduction <maximumf>, %reduce_max3A, %reduce_max3A_2 [1, 2] : vector<1x1x16xf32> to vector<1xf32>
    %reduce_max3A_4 = vector.shape_cast %reduce_max3A_3 : vector<1xf32> to vector<1x1x1xf32>
    %reduce_max3A_5 = vector.extract %reduce_max3A_4[0, 0, 0] : f32 from vector<1x1x1xf32>
    %get3A_6 = arith.constant 0 : index
    %get3A_7 = arith.constant 0 : index
    %get3A_8 = vector.load %arg0[%get3A_6, %get3A_7] : memref<16x128xf32, #tpu.memory_space<vmem>>, vector<16x128xf32>
    %div3A = vector.broadcast %reduce_max3A_5 : f32 to vector<16x128xf32>
    %div3A_9 = arith.divf %get3A_8, %div3A : vector<16x128xf32>
    %get3A_10 = arith.constant 0 : index
    %get3A_11 = arith.constant 0 : index
    %get3A_12 = vector.load %arg2[%get3A_10, %get3A_11] : memref<128x64xf32, #tpu.memory_space<vmem>>, vector<128x64xf32>
    %dot_general3A = arith.constant dense<0.000000e+00> : vector<16x64xf32>
    %dot_general3A_13 = tpu.matmul %div3A_9, %get3A_12, %dot_general3A {dimension_numbers = #tpu.dot_dimension_numbers<[1], [0], [0], [1], [0, 0, 1, 1], [], []>, transpose_lhs_hint = false} : vector<16x128xf32>, vector<128x64xf32>, vector<16x64xf32> -> vector<16x64xf32>
    %get3A_14 = arith.constant 0 : index
    %get3A_15 = arith.constant 0 : index
    %get3A_16 = vector.load %arg3[%get3A_14, %get3A_15] : memref<1x64xf32, #tpu.memory_space<vmem>>, vector<1x64xf32>
    %add3A = vector.broadcast %get3A_16 : vector<1x64xf32> to vector<16x64xf32>
    %add3A_17 = arith.addf %dot_general3A_13, %add3A : vector<16x64xf32>
    %get3A_18 = arith.constant 0 : index
    %get3A_19 = arith.constant 0 : index
    %get3A_20 = vector.load %arg4[%get3A_18, %get3A_19] : memref<1x64xf32, #tpu.memory_space<vmem>>, vector<1x64xf32>
    %get3A_21 = arith.constant 0 : index
    %get3A_22 = arith.constant 0 : index
    %get3A_23 = vector.load %arg5[%get3A_21, %get3A_22] : memref<1x64xf32, #tpu.memory_space<vmem>>, vector<1x64xf32>
    %reduce_sum3A = arith.constant dense<0.000000e+00> : vector<64xf32>
    %reduce_sum3A_24 = vector.multi_reduction <add>, %add3A_17, %reduce_sum3A [0] : vector<16x64xf32> to vector<64xf32>
    %broadcast_in_dim3A = vector.shape_cast %reduce_sum3A_24 : vector<64xf32> to vector<1x64xf32>
    %div3A_25 = arith.constant 1.600000e+01 : f32
    %div3A_26 = vector.broadcast %div3A_25 : f32 to vector<1x64xf32>
    %div3A_27 = arith.divf %broadcast_in_dim3A, %div3A_26 : vector<1x64xf32>
    %sub3A = vector.broadcast %div3A_27 : vector<1x64xf32> to vector<16x64xf32>
    %sub3A_28 = arith.subf %add3A_17, %sub3A : vector<16x64xf32>
    %integer_pow3A = arith.mulf %sub3A_28, %sub3A_28 : vector<16x64xf32>
    %reduce_sum3A_29 = arith.constant dense<0.000000e+00> : vector<64xf32>
    %reduce_sum3A_30 = vector.multi_reduction <add>, %integer_pow3A, %reduce_sum3A_29 [0] : vector<16x64xf32> to vector<64xf32>
    %broadcast_in_dim3A_31 = vector.shape_cast %reduce_sum3A_30 : vector<64xf32> to vector<1x64xf32>
    %div3A_32 = arith.constant 1.600000e+01 : f32
    %div3A_33 = vector.broadcast %div3A_32 : f32 to vector<1x64xf32>
    %div3A_34 = arith.divf %broadcast_in_dim3A_31, %div3A_33 : vector<1x64xf32>
    %sub3A_35 = vector.broadcast %div3A_27 : vector<1x64xf32> to vector<16x64xf32>
    %sub3A_36 = arith.subf %add3A_17, %sub3A_35 : vector<16x64xf32>
    %mul3A = vector.broadcast %get3A_20 : vector<1x64xf32> to vector<16x64xf32>
    %mul3A_37 = arith.mulf %mul3A, %sub3A_36 : vector<16x64xf32>
    %add3A_38 = arith.constant 9.99999974E-6 : f32
    %add3A_39 = vector.broadcast %add3A_38 : f32 to vector<1x64xf32>
    %add3A_40 = arith.addf %div3A_34, %add3A_39 : vector<1x64xf32>
    %sqrt3A = math.sqrt %add3A_40 : vector<1x64xf32>
    %div3A_41 = vector.broadcast %sqrt3A : vector<1x64xf32> to vector<16x64xf32>
    %div3A_42 = arith.divf %mul3A_37, %div3A_41 : vector<16x64xf32>
    %add3A_43 = vector.broadcast %get3A_23 : vector<1x64xf32> to vector<16x64xf32>
    %add3A_44 = arith.addf %div3A_42, %add3A_43 : vector<16x64xf32>
    %max3A = arith.constant 0.000000e+00 : f32
    %max3A_45 = vector.broadcast %max3A : f32 to vector<16x64xf32>
    %max3A_46 = arith.maximumf %add3A_44, %max3A_45 : vector<16x64xf32>
    %get3A_47 = arith.constant 0 : index
    %get3A_48 = arith.constant 0 : index
    %get3A_49 = vector.load %arg6[%get3A_47, %get3A_48] : memref<64x32xf32, #tpu.memory_space<vmem>>, vector<64x32xf32>
    %dot_general3A_50 = arith.constant dense<0.000000e+00> : vector<16x32xf32>
    %dot_general3A_51 = tpu.matmul %max3A_46, %get3A_49, %dot_general3A_50 {dimension_numbers = #tpu.dot_dimension_numbers<[1], [0], [0], [1], [0, 0, 1, 1], [], []>, transpose_lhs_hint = false} : vector<16x64xf32>, vector<64x32xf32>, vector<16x32xf32> -> vector<16x32xf32>
    %get3A_52 = arith.constant 0 : index
    %get3A_53 = arith.constant 0 : index
    %get3A_54 = vector.load %arg7[%get3A_52, %get3A_53] : memref<1x32xf32, #tpu.memory_space<vmem>>, vector<1x32xf32>
    %add3A_55 = vector.broadcast %get3A_54 : vector<1x32xf32> to vector<16x32xf32>
    %add3A_56 = arith.addf %dot_general3A_51, %add3A_55 : vector<16x32xf32>
    %swap3A = arith.constant 0 : index
    %swap3A_57 = arith.constant 0 : index
    %swap3A_58 = vector.load %arg18[%swap3A, %swap3A_57] : memref<16x32xf32, #tpu.memory_space<vmem>>, vector<16x32xf32>
    tpu.vector_store %arg18[%swap3A, %swap3A_57], %add3A_56 {strides = array<i32>} : memref<16x32xf32, #tpu.memory_space<vmem>>, vector<16x32xf32>,
    %get3A_59 = arith.constant 0 : index
    %get3A_60 = arith.constant 0 : index
    %get3A_61 = vector.load %arg8[%get3A_59, %get3A_60] : memref<128x64xf32, #tpu.memory_space<vmem>>, vector<128x64xf32>
    %dot_general3A_62 = arith.constant dense<0.000000e+00> : vector<16x64xf32>
    %dot_general3A_63 = tpu.matmul %div3A_9, %get3A_61, %dot_general3A_62 {dimension_numbers = #tpu.dot_dimension_numbers<[1], [0], [0], [1], [0, 0, 1, 1], [], []>, transpose_lhs_hint = false} : vector<16x128xf32>, vector<128x64xf32>, vector<16x64xf32> -> vector<16x64xf32>
    %get3A_64 = arith.constant 0 : index
    %get3A_65 = arith.constant 0 : index
    %get3A_66 = vector.load %arg9[%get3A_64, %get3A_65] : memref<1x64xf32, #tpu.memory_space<vmem>>, vector<1x64xf32>
    %add3A_67 = vector.broadcast %get3A_66 : vector<1x64xf32> to vector<16x64xf32>
    %add3A_68 = arith.addf %dot_general3A_63, %add3A_67 : vector<16x64xf32>
    %get3A_69 = arith.constant 0 : index
    %get3A_70 = arith.constant 0 : index
    %get3A_71 = vector.load %arg10[%get3A_69, %get3A_70] : memref<1x64xf32, #tpu.memory_space<vmem>>, vector<1x64xf32>
    %get3A_72 = arith.constant 0 : index
    %get3A_73 = arith.constant 0 : index
    %get3A_74 = vector.load %arg11[%get3A_72, %get3A_73] : memref<1x64xf32, #tpu.memory_space<vmem>>, vector<1x64xf32>
    %reduce_sum3A_75 = arith.constant dense<0.000000e+00> : vector<64xf32>
    %reduce_sum3A_76 = vector.multi_reduction <add>, %add3A_68, %reduce_sum3A_75 [0] : vector<16x64xf32> to vector<64xf32>
    %broadcast_in_dim3A_77 = vector.shape_cast %reduce_sum3A_76 : vector<64xf32> to vector<1x64xf32>
    %div3A_78 = arith.constant 1.600000e+01 : f32
    %div3A_79 = vector.broadcast %div3A_78 : f32 to vector<1x64xf32>
    %div3A_80 = arith.divf %broadcast_in_dim3A_77, %div3A_79 : vector<1x64xf32>
    %sub3A_81 = vector.broadcast %div3A_80 : vector<1x64xf32> to vector<16x64xf32>
    %sub3A_82 = arith.subf %add3A_68, %sub3A_81 : vector<16x64xf32>
    %integer_pow3A_83 = arith.mulf %sub3A_82, %sub3A_82 : vector<16x64xf32>
    %reduce_sum3A_84 = arith.constant dense<0.000000e+00> : vector<64xf32>
    %reduce_sum3A_85 = vector.multi_reduction <add>, %integer_pow3A_83, %reduce_sum3A_84 [0] : vector<16x64xf32> to vector<64xf32>
    %broadcast_in_dim3A_86 = vector.shape_cast %reduce_sum3A_85 : vector<64xf32> to vector<1x64xf32>
    %div3A_87 = arith.constant 1.600000e+01 : f32
    %div3A_88 = vector.broadcast %div3A_87 : f32 to vector<1x64xf32>
    %div3A_89 = arith.divf %broadcast_in_dim3A_86, %div3A_88 : vector<1x64xf32>
    %sub3A_90 = vector.broadcast %div3A_80 : vector<1x64xf32> to vector<16x64xf32>
    %sub3A_91 = arith.subf %add3A_68, %sub3A_90 : vector<16x64xf32>
    %mul3A_92 = vector.broadcast %get3A_71 : vector<1x64xf32> to vector<16x64xf32>
    %mul3A_93 = arith.mulf %mul3A_92, %sub3A_91 : vector<16x64xf32>
    %add3A_94 = arith.constant 9.99999974E-6 : f32
    %add3A_95 = vector.broadcast %add3A_94 : f32 to vector<1x64xf32>
    %add3A_96 = arith.addf %div3A_89, %add3A_95 : vector<1x64xf32>
    %sqrt3A_97 = math.sqrt %add3A_96 : vector<1x64xf32>
    %div3A_98 = vector.broadcast %sqrt3A_97 : vector<1x64xf32> to vector<16x64xf32>
    %div3A_99 = arith.divf %mul3A_93, %div3A_98 : vector<16x64xf32>
    %add3A_100 = vector.broadcast %get3A_74 : vector<1x64xf32> to vector<16x64xf32>
    %add3A_101 = arith.addf %div3A_99, %add3A_100 : vector<16x64xf32>
    %max3A_102 = arith.constant 0.000000e+00 : f32
    %max3A_103 = vector.broadcast %max3A_102 : f32 to vector<16x64xf32>
    %max3A_104 = arith.maximumf %add3A_101, %max3A_103 : vector<16x64xf32>
    %get3A_105 = arith.constant 0 : index
    %get3A_106 = arith.constant 0 : index
    %get3A_107 = vector.load %arg12[%get3A_105, %get3A_106] : memref<64x64xf32, #tpu.memory_space<vmem>>, vector<64x64xf32>
    %dot_general3A_108 = arith.constant dense<0.000000e+00> : vector<16x64xf32>
    %dot_general3A_109 = tpu.matmul %max3A_104, %get3A_107, %dot_general3A_108 {dimension_numbers = #tpu.dot_dimension_numbers<[1], [0], [0], [1], [0, 0, 1, 1], [], []>, transpose_lhs_hint = false} : vector<16x64xf32>, vector<64x64xf32>, vector<16x64xf32> -> vector<16x64xf32>
    %get3A_110 = arith.constant 0 : index
    %get3A_111 = arith.constant 0 : index
    %get3A_112 = vector.load %arg13[%get3A_110, %get3A_111] : memref<1x64xf32, #tpu.memory_space<vmem>>, vector<1x64xf32>
    %add3A_113 = vector.broadcast %get3A_112 : vector<1x64xf32> to vector<16x64xf32>
    %add3A_114 = arith.addf %dot_general3A_109, %add3A_113 : vector<16x64xf32>
    %get3A_115 = arith.constant 0 : index
    %get3A_116 = arith.constant 0 : index
    %get3A_117 = vector.load %arg14[%get3A_115, %get3A_116] : memref<1x64xf32, #tpu.memory_space<vmem>>, vector<1x64xf32>
    %get3A_118 = arith.constant 0 : index
    %get3A_119 = arith.constant 0 : index
    %get3A_120 = vector.load %arg15[%get3A_118, %get3A_119] : memref<1x64xf32, #tpu.memory_space<vmem>>, vector<1x64xf32>
    %reduce_sum3A_121 = arith.constant dense<0.000000e+00> : vector<64xf32>
    %reduce_sum3A_122 = vector.multi_reduction <add>, %add3A_114, %reduce_sum3A_121 [0] : vector<16x64xf32> to vector<64xf32>
    %broadcast_in_dim3A_123 = vector.shape_cast %reduce_sum3A_122 : vector<64xf32> to vector<1x64xf32>
    %div3A_124 = arith.constant 1.600000e+01 : f32
    %div3A_125 = vector.broadcast %div3A_124 : f32 to vector<1x64xf32>
    %div3A_126 = arith.divf %broadcast_in_dim3A_123, %div3A_125 : vector<1x64xf32>
    %sub3A_127 = vector.broadcast %div3A_126 : vector<1x64xf32> to vector<16x64xf32>
    %sub3A_128 = arith.subf %add3A_114, %sub3A_127 : vector<16x64xf32>
    %integer_pow3A_129 = arith.mulf %sub3A_128, %sub3A_128 : vector<16x64xf32>
    %reduce_sum3A_130 = arith.constant dense<0.000000e+00> : vector<64xf32>
    %reduce_sum3A_131 = vector.multi_reduction <add>, %integer_pow3A_129, %reduce_sum3A_130 [0] : vector<16x64xf32> to vector<64xf32>
    %broadcast_in_dim3A_132 = vector.shape_cast %reduce_sum3A_131 : vector<64xf32> to vector<1x64xf32>
    %div3A_133 = arith.constant 1.600000e+01 : f32
    %div3A_134 = vector.broadcast %div3A_133 : f32 to vector<1x64xf32>
    %div3A_135 = arith.divf %broadcast_in_dim3A_132, %div3A_134 : vector<1x64xf32>
    %sub3A_136 = vector.broadcast %div3A_126 : vector<1x64xf32> to vector<16x64xf32>
    %sub3A_137 = arith.subf %add3A_114, %sub3A_136 : vector<16x64xf32>
    %mul3A_138 = vector.broadcast %get3A_117 : vector<1x64xf32> to vector<16x64xf32>
    %mul3A_139 = arith.mulf %mul3A_138, %sub3A_137 : vector<16x64xf32>
    %add3A_140 = arith.constant 9.99999974E-6 : f32
    %add3A_141 = vector.broadcast %add3A_140 : f32 to vector<1x64xf32>
    %add3A_142 = arith.addf %div3A_135, %add3A_141 : vector<1x64xf32>
    %sqrt3A_143 = math.sqrt %add3A_142 : vector<1x64xf32>
    %div3A_144 = vector.broadcast %sqrt3A_143 : vector<1x64xf32> to vector<16x64xf32>
    %div3A_145 = arith.divf %mul3A_139, %div3A_144 : vector<16x64xf32>
    %add3A_146 = vector.broadcast %get3A_120 : vector<1x64xf32> to vector<16x64xf32>
    %add3A_147 = arith.addf %div3A_145, %add3A_146 : vector<16x64xf32>
    %max3A_148 = arith.constant 0.000000e+00 : f32
    %max3A_149 = vector.broadcast %max3A_148 : f32 to vector<16x64xf32>
    %max3A_150 = arith.maximumf %add3A_147, %max3A_149 : vector<16x64xf32>
    %get3A_151 = arith.constant 0 : index
    %get3A_152 = arith.constant 0 : index
    %get3A_153 = vector.load %arg16[%get3A_151, %get3A_152] : memref<64x64xf32, #tpu.memory_space<vmem>>, vector<64x64xf32>
    %dot_general3A_154 = arith.constant dense<0.000000e+00> : vector<16x64xf32>
    %dot_general3A_155 = tpu.matmul %max3A_150, %get3A_153, %dot_general3A_154 {dimension_numbers = #tpu.dot_dimension_numbers<[1], [0], [0], [1], [0, 0, 1, 1], [], []>, transpose_lhs_hint = false} : vector<16x64xf32>, vector<64x64xf32>, vector<16x64xf32> -> vector<16x64xf32>
    %get3A_156 = arith.constant 0 : index
    %get3A_157 = arith.constant 0 : index
    %get3A_158 = vector.load %arg17[%get3A_156, %get3A_157] : memref<1x64xf32, #tpu.memory_space<vmem>>, vector<1x64xf32>
    %add3A_159 = vector.broadcast %get3A_158 : vector<1x64xf32> to vector<16x64xf32>
    %add3A_160 = arith.addf %dot_general3A_155, %add3A_159 : vector<16x64xf32>
    %swap3A_161 = arith.constant 0 : index
    %swap3A_162 = arith.constant 0 : index
    %swap3A_163 = vector.load %arg19[%swap3A_161, %swap3A_162] : memref<16x64xf32, #tpu.memory_space<vmem>>, vector<16x64xf32>
    tpu.vector_store %arg19[%swap3A_161, %swap3A_162], %add3A_160 {strides = array<i32>} : memref<16x64xf32, #tpu.memory_space<vmem>>, vector<16x64xf32>,
    return
  }
}

</mosaic_0001>

<sc_bundles>
// kernel: kernel.14.cloned.1.call-start
scs
__scs_entry_jumppad:
0x0: {  	(pc) =	sbr.rel $0x88, $3  }
0x1: {  	(tag) =	ssettag $0x0;
	lr =	simm.s32 $0x1  }
0x2: {  	[smem:$0x3F79] =	sst lr;
	_ =	strace $0xD0000000  }
0x3: {  	_ = 	snop  }
0x4: {  	_ = 	snop  }
0x5: {  	_ = 	snop  }
0x6: {  	_ = 	snop  }
0x7: {  	_ = 	snop  }
__scs_overlays_trampoline_lowered:
0x8: {  	[smem:$0x3F88] =	sst s0  }
0x9: {  	[smem:$0x3F89] =	sst s1  }
0xa: {  	[smem:$0x3F8A] =	sst s2  }
0xb: {  	[smem:$0x3F8B] =	sst s3  }
0xc: {  	[smem:$0x3F8C] =	sst s4  }
0xd: {  	[smem:$0x3F8D] =	sst s5  }
0xe: {  	[smem:$0x3F8E] =	sst s6  }
0xf: {  	[smem:$0x3F8F] =	sst s7  }
0x10: {  	[smem:$0x3F90] =	sst s8  }
0x11: {  	[smem:$0x3F91] =	sst s9;
	s0 =	simm.s32 @!p0 $0x0  }
0x12: {  	s1 =	sld [smem:$0x3F77];
	s0 =	simm.s32 @p0 $0x1  }
0x13: {  	[smem:$0x3F92] =	sst s0;
	s0 =	simm.s32 @!p1 $0x0  }
0x14: {  	s2 =	sld [smem:$0x3F76];
	s0 =	simm.s32 @p1 $0x1  }
0x15: {  	[smem:$0x3F93] =	sst s0;
	s0 =	simm.s32 @!p2 $0x0  }
0x16: {  	s3 =	sld [smem:$0x3FDB];
	s0 =	simm.s32 @p2 $0x1  }
0x17: {  	s4 =	simm.s32 $0x1BF5;
	[smem:$0x3F95] =	sst s0  }
0x18: {  	s0 =	sld [smem:$0x3F78];
	_ =	swait.ge [sflag:s4], $0x0  }
0x19: {  	s7 =	sld [smem:$0x3F79]  }
0x1a: {  	s8 =	sadd.s32 $0xFFFFE003, lr  }
0x1b: {  	s9 =	sadd.s32 $0xFFFFFEF7, lr;
	s5 =	simm.s32 $0xFFFFFFFF;
	p2 =	slt.u32 s8, $0xFFFFF086  }
0x1c: {  	p1 =	slt.u32 s9, $0xF7A;
	s5 =	simm.s32 @!p2 $0x0  }
0x1d: {  	s5 =	simm.s32 @p1 $0x1;
	p0 =	seq.s32 s7, s2  }
0x1e: {  	s7 =	smul.u32 @!p0 $0xF7A, s2;
	p2 =	seq.s32 @!p0 s5, $0x0  }
0x1f: {  	s9 =	smul.u32 $0xF7A, s1;
	s8 =	simm.s32 @!p0 $0x1BF5;
	p2 =	por !p2, p0  }
0x20: {  	[sflag:s8] =	ssyncset.s32 @!p0 $0xFFFFF086;
	s6 =	sadd.s32 @!p0 s3, s7;
	s7 =	simm.s32 @!p0 $0x108  }
0x21: {  	s3 =	sadd.s32 s3, s9;
	s6 =	sadd.s32 @!p0 $0x88, s6;
	s7 =	simm.s32 @p2 $0x1082  }
0x22: {  	[simem:s7], [sflag:s8] =	dma.local @!p0 [hbm:s6], $0xF7A  }
0x23: {  	s9 =	sor.u32 $0xD0000000, s2;
	s6 =	simm.s32 $0x108;
	_ =	swait.ge @!p0 [sflag:s8], $0x0  }
0x24: {  	s3 =	sadd.s32 $0x88, s3;
	s6 =	simm.s32 @!p1 $0x1082;
	[sflag:s4] =	ssyncset.s32 $0xFFFFF086  }
0x25: {  	[simem:s6], [sflag:s4] =	dma.local [hbm:s3], $0xF7A  }
0x26: {  	[smem:$0x3F79] =	sst s1;
	(tag) =	ssettag s2;
	_ =	strace s9  }
0x27: {  	s1 =	sld [smem:$0x3F89]  }
0x28: {  	s2 =	sld [smem:$0x3F8A]  }
0x29: {  	s4 =	sld [smem:$0x3F8C]  }
0x2a: {  	p0 =	seq.s32 s5, $0x0;
	s5 =	sld [smem:$0x3F8D]  }
0x2b: {  	s6 =	sld [smem:$0x3F8E]  }
0x2c: {  	s7 =	sld [smem:$0x3F8F]  }
0x2d: {  	s3 =	simm.s32 $0x108;
	s8 =	sld [smem:$0x3F90]  }
0x2e: {  	s3 =	simm.s32 @!p0 $0x1082;
	s9 =	sld [smem:$0x3F91]  }
0x2f: {  	lr =	sadd.s32 s0, s3;
	s0 =	sld [smem:$0x3F88]  }
0x30: {  	s3 =	sld [smem:$0x3F8B]  }
0x31: {  	[smem:$0x3F94] =	sst s10  }
0x32: {  	s10 =	sld [smem:$0x3F92];
	_ =	sdelay $0x3  }
0x33: {  	p0 =	seq.s32 s10, $0x1;
	s10 =	sld [smem:$0x3F94];
	_ =	sdelay $0x3  }
0x34: {  	[smem:$0x3F94] =	sst s10  }
0x35: {  	s10 =	sld [smem:$0x3F93];
	_ =	sdelay $0x3  }
0x36: {  	p1 =	seq.s32 s10, $0x1;
	s10 =	sld [smem:$0x3F94];
	_ =	sdelay $0x3  }
0x37: {  	[smem:$0x3F94] =	sst s10  }
0x38: {  	s10 =	sld [smem:$0x3F95]  }
0x39: {  	_ = 	snop;
	(pc) =	sbr.ind lr, $3  }
0x3a: {  	_ = 	snop  }
0x3b: {  	_ = 	snop  }
0x3c: {  	p2 =	seq.s32 s10, $0x1;
	s10 =	sld [smem:$0x3F94]  }
0x3d: {  	_ =	shalt  }
0x3e: {  	_ =	shalt  }
0x3f: {  	_ =	shalt  }
0x40: {  	_ =	shalt  }
0x41: {  	_ =	shalt  }
0x42: {  	_ =	shalt  }
0x43: {  	_ =	shalt  }
0x44: {  	_ =	shalt  }
0x45: {  	_ =	shalt  }
0x46: {  	_ =	shalt  }
0x47: {  	_ =	shalt  }
0x48: {  	_ =	shalt  }
0x49: {  	_ =	shalt  }
0x4a: {  	_ =	shalt  }
0x4b: {  	_ =	shalt  }
0x4c: {  	_ =	shalt  }
0x4d: {  	_ =	shalt  }
0x4e: {  	_ =	shalt  }
0x4f: {  	_ =	shalt  }
0x50: {  	_ =	shalt  }
0x51: {  	_ =	shalt  }
0x52: {  	_ =	shalt  }
0x53: {  	_ =	shalt  }
0x54: {  	_ =	shalt  }
0x55: {  	_ =	shalt  }
0x56: {  	_ =	shalt  }
0x57: {  	_ =	shalt  }
0x58: {  	_ =	shalt  }
0x59: {  	_ =	shalt  }
0x5a: {  	_ =	shalt  }
0x5b: {  	_ =	shalt  }
0x5c: {  	_ =	shalt  }
0x5d: {  	_ =	shalt  }
0x5e: {  	_ =	shalt  }
0x5f: {  	_ =	shalt  }
0x60: {  	_ =	shalt  }
0x61: {  	_ =	shalt  }
0x62: {  	_ =	shalt  }
0x63: {  	_ =	shalt  }
0x64: {  	_ =	shalt  }
0x65: {  	_ =	shalt  }
0x66: {  	_ =	shalt  }
0x67: {  	_ =	shalt  }
0x68: {  	_ =	shalt  }
0x69: {  	_ =	shalt  }
0x6a: {  	_ =	shalt  }
0x6b: {  	_ =	shalt  }
0x6c: {  	_ =	shalt  }
0x6d: {  	_ =	shalt  }
0x6e: {  	_ =	shalt  }
0x6f: {  	_ =	shalt  }
0x70: {  	_ =	shalt  }
0x71: {  	_ =	shalt  }
0x72: {  	_ =	shalt  }
0x73: {  	_ =	shalt  }
0x74: {  	_ =	shalt  }
0x75: {  	_ =	shalt  }
0x76: {  	_ =	shalt  }
0x77: {  	_ =	shalt  }
0x78: {  	_ =	shalt  }
0x79: {  	_ =	shalt  }
0x7a: {  	_ =	shalt  }
0x7b: {  	_ =	shalt  }
0x7c: {  	_ =	shalt  }
0x7d: {  	_ =	shalt  }
0x7e: {  	_ =	shalt  }
0x7f: {  	_ =	shalt  }
0x80: {  	_ =	shalt  }
0x81: {  	_ =	shalt  }
0x82: {  	_ =	shalt  }
0x83: {  	_ =	shalt  }
0x84: {  	_ =	shalt  }
0x85: {  	_ =	shalt  }
0x86: {  	_ =	shalt  }
0x87: {  	_ =	shalt  }
.Lfunc_end0:
.L_simem_size_0:
called_computation_lowered:
.L_overlay_start_0:
0x88: {  	s2 =	sld [smem:$0x3FD9]  }
0x89: {  	s3 =	sld [smem:$0x3FFE];
	_ =	sdelay $0x1  }
0x8a: {  	s1 =	srdreg.scid  }
0x8b: {  	s0 =	sand.u32 $0x1, s1  }
0x8c: {  	s16 =	sshll.u32 s0, $0xA;
	s2 =	sadd.s32 s3, s2  }
0x8d: {  	s2 =	sadd.s32 s2, s16  }
0x8e: {  	[smem:$0x3FA0] =	sst s2  }
0x8f: {  	_ = 	snop  }
0x90: {  	(tm) =	ssettm $0x1  }
0x91: {  	s17 =	sld [smem:$0x3FFB];
	_ =	sdelay $0x3  }
0x92: {  	_ =	strace s17  }
0x93: {  	s2 =	sld [smem:$0x3FFC];
	_ =	sdelay $0x3  }
0x94: {  	_ =	strace s2  }
0x95: {  	s2 =	sld [smem:$0x3FFD];
	_ =	sdelay $0x3  }
0x96: {  	_ =	strace s2  }
0x97: {  	_ =	strace $0x8FFFFFFF  }
0x98: {  	s18 =	sld [smem:$0x3FDB];
	_ =	sdelay $0x1  }
0x99: {  	s19 =	simm.s32 $_scs_section_size  }
0x9a: {  	s4 =	simm.s32 $_size__tile_overlayer_lowered;
	s5 =	simm.s32 $_tile_overlayer_lowered  }
0x9b: {  	s22 =	simm.s32 $0x1BFF;
	s21 =	sshll.u32 s5, $0x1;
	s2 =	sadd.s32 s19, s18  }
0x9c: {  	s6 =	simm.s32 $0x0;
	s20 =	sshll.u32 s4, $0x1;
	s4 =	sadd.s32 s21, s2  }
0x9d: {  	[timem:s6], [sflag:s22] =	dma.local [hbm:s4], s20  }
0x9e: {  	_ =	swait.ge [sflag:s22], s20  }
0x9f: {  	s3 =	ssub.s32 $0x0, s20;
	[sflag:s22] =	ssyncset.done $0x0  }
0xa0: {  	[sflag:s22] =	ssyncadd.s32 s3;
	_ =	sdelay $0x1  }
0xa1: {  	s23 =	simm.s32 $0x1B8B  }
0xa2: {  	_ =	swait.ge [sflag:s23], $0x1  }
0xa3: {  	[sflag:s23] =	ssyncset.done $0x0  }
0xa4: {  	s25 =	simm.s32 $0x1B8E;
	s24 =	sld [smem:$0x3FFE];
	[sflag:s23] =	ssyncadd.s32 $0xFFFFFFFF  }
0xa5: {  	s26 =	simm.s32 $execute0_lowered;
	[smem:$0x3FD2] =	sst s25  }
0xa6: {  	s4 =	sshll.u32 s26, $0x1;
	_ =	strace $0x80000046;
	[dreg:$0x1] =	wrdreg $0xFFFFFFFF  }
0xa7: {  	s28 =	simm.s32 $_size_execute0_lowered;
	s2 =	sadd.s32 s2, s4;
	[dreg:$0x0] =	wrdreg $0x0  }
0xa8: {  	s4 =	sshll.u32 s28, $0x1;
	[dreg:$0x2] =	wrdreg s2  }
0xa9: {  	[dreg:$0x3] =	wrdreg s4  }
0xaa: {  	[dreg:$0x4] =	wrdreg $0xC0  }
0xab: {  	_ =	task [dreg:s6], $0x5FFFF  }
0xac: {  	[dreg:$0x1] =	wrdreg $0xFFFFFFFF  }
0xad: {  	[dreg:$0x0] =	wrdreg $0x60  }
0xae: {  	[dreg:$0x2] =	wrdreg s24  }
0xaf: {  	[dreg:$0x3] =	wrdreg $0x9  }
0xb0: {  	_ =	task.clear_ibuf [dreg:s6], $0x4FFFF;
	_ =	strace $0x90000046  }
0xb1: {  	s29 =	simm.s32 $0x9;
	_ =	strace $0x80000048  }
0xb2: {  	_ =	swait.ge [sflag:s29], $0x1  }
0xb3: {  	[sflag:s29] =	ssyncadd.s32 $0xFFFFFFFF  }
0xb4: {  	_ =	strace $0x90000048  }
0xb5: {  	_ =	sfence  }
0xb6: {  	s30 =	sld [smem:$0x0];
	_ =	sdelay $0x2  }
0xb7: {  	s31 =	sshll.u32 s1, $0xD;
	s1 =	sshrl.u32 s1, $0x2  }
0xb8: {  	s3 =	sand.u32 $0x4000, s31;
	s1 =	sadd.s32 s1, s30  }
0xb9: {  	s0 =	sor.u32 s3, s0;
	s1 =	sshll.u32 s1, $0x11  }
0xba: {  	s0 =	sor.u32 s1, s0  }
0xbb: {  	s0 =	sadd.s32 $0x8F2B, s0  }
0xbc: {  	[sflag:s0] =	ssyncadd.remote.s32 $0x1  }
0xbd: {  	_ =	sfence.sel $0xFFFF  }
0xbe: {  	[dreg:$0x0] =	wrdreg $0xFFFFFFFF;
	(pc) =	sbr.abs _section_cstart, $3  }
0xbf: {  	[dreg:$0x1] =	wrdreg $0xFFFFFFFF  }
0xc0: {  	_ =	task.clear_ibuf [dreg:s6], $0x2FFFF;
	_ =	strace $0x9FFFFFFF  }
0xc1: {  	(tm) =	ssettm $0x7FFFFFFF  }
tec
execute0_lowered:
.L_overlay_start_1:
0x0: {  	(tag) =	ssettag $0x1  }
0x1: {  	s5 =	rddreg [dreg:$0x0]  }
0x2: {  	s0 =	rddreg [dreg:$0x1];
	s3 =	srdreg.scid  }
0x3: {  	s1 =	stileid.u32;
	s2 =	simm.s32 $0x0;
	s12 =	simm.s32 $0x7D  }
0x4: {  	s13 =	simm.s32 $0x5000;
	s14 =	simm.s32 $0x6F40;
	s15 =	simm.s32 $0x8E80  }
0x5: {  	s16 =	simm.s32 $0xADC0;
	s17 =	simm.s32 $0xCD00;
	s18 =	simm.s32 $0xEC40  }
0x6: {  	s19 =	simm.s32 $0x10B80;
	s20 =	simm.s32 $0x12AC0;
	s21 =	simm.s32 $0x1  }
0x7: {  	s22 =	simm.s32 $0x0;
	s6 =	sand.u32 $0x1, s3;
	s30 =	sshll.u32 s1, $0x1  }
0x8: {  	[smem:$0x7FF] =	sst s2;
	s3 =	sadd.s32 $0x2A400, s5;
	s8 =	smul.u32 $0x27100, s1  }
0x9: {  	s4 =	sor.u32 s6, s30;
	s9 =	ssub.s32 $0x2, s6;
	s11 =	smul.u32 $0x13880, s6  }
0xa: {  	_ =	strace $0x80000047;
	s7 =	smul.u32 $0x500, s4;
	s10 =	sshrl.u32 s9, $0x1  }
0xb: {  	s4 =	sadd.s32 $0x3DE00, s5;
	s8 =	sadd.s32 s8, s5;
	s9 =	ssub.s32 s9, s10  }
0xc: {  	s31 =	sadd.s32 s11, s8;
	s10 =	simm.s32 $0x2;
	s7 =	sadd.s32 s7, s5  }
0xd: {  	s11 =	simm.s32 $0x2800;
	s8 =	sadd.s32 $0x2C2800, s31;
	s5 =	sadd.s32 $0x20400, s7  }
0xe: {  	s6 =	sadd.s32 $0x16400, s7;
	s7 =	smax.u32 s9, $0x1;
	s9 =	sadd.s32 $0x51800, s31  }
.LBB2_1:
0xf: {  	[tilespmem:s2], [sflag:$0x2] =	stream.linear.gather [hbm4b:s5+s2], $0x2800, $0x38;
	[tilespmem:$0x14A00] =	vst v63  }
0x10: {  	_ =	swait.ge [sflag:s10], $0x2800  }
0x11: {  	[sflag:s10] =	ssyncset.done $0x0  }
0x12: {  	[sflag:s10] =	ssyncadd.s32 $0xFFFFD800  }
0x13: {  	[tilespmem:s11], [sflag:$0x2] =	stream.linear.gather [hbm4b:s6+s2], $0x2800, $0x38;
	[tilespmem:$0x14A00] =	vst v63  }
0x14: {  	_ =	swait.ge [sflag:s10], $0x2800  }
0x15: {  	[sflag:s10] =	ssyncset.done $0x0  }
0x16: {  	s23 =	simm.s32 $0x0;
	[sflag:s10] =	ssyncadd.s32 $0xFFFFD800  }
0x17: {  	[tilespmem:s13], [sflag:$0x1] =	stream.indirect.gather [hbm4b:s3+s12], $0x40, s23, s12, $0xb8;
	[tilespmem:$0x14A00] =	vst v63  }
0x18: {  	s28 =	simm.s32 $0x80  }
0x19: {  	[tilespmem:s14], [sflag:$0x1] =	stream.indirect.gather [hbm4b:s3+s12], $0x40, s28, s12, $0xb8;
	[tilespmem:$0x14A00] =	vst v63  }
0x1a: {  	s30 =	simm.s32 $0x100  }
0x1b: {  	[tilespmem:s15], [sflag:$0x1] =	stream.indirect.gather [hbm4b:s3+s12], $0x40, s30, s12, $0xb8;
	[tilespmem:$0x14A00] =	vst v63  }
0x1c: {  	s31 =	simm.s32 $0x180  }
0x1d: {  	[tilespmem:s16], [sflag:$0x1] =	stream.indirect.gather [hbm4b:s3+s12], $0x40, s31, s12, $0xb8;
	[tilespmem:$0x14A00] =	vst v63  }
0x1e: {  	s24 =	simm.s32 $0x200  }
0x1f: {  	[tilespmem:s17], [sflag:$0x1] =	stream.indirect.gather [hbm4b:s3+s12], $0x40, s24, s12, $0xb8;
	[tilespmem:$0x14A00] =	vst v63  }
0x20: {  	s25 =	simm.s32 $0x280  }
0x21: {  	[tilespmem:s18], [sflag:$0x1] =	stream.indirect.gather [hbm4b:s3+s12], $0x40, s25, s12, $0xb8;
	[tilespmem:$0x14A00] =	vst v63  }
0x22: {  	s26 =	simm.s32 $0x300  }
0x23: {  	[tilespmem:s19], [sflag:$0x1] =	stream.indirect.gather [hbm4b:s3+s12], $0x40, s26, s12, $0xb8;
	[tilespmem:$0x14A00] =	vst v63  }
0x24: {  	s28 =	simm.s32 $0x380  }
0x25: {  	[tilespmem:s20], [sflag:$0x1] =	stream.indirect.gather [hbm4b:s3+s12], $0x40, s28, s12, $0xb8;
	[tilespmem:$0x14A00] =	vst v63  }
0x26: {  	_ =	swait.ge [sflag:s21], $0x1F40  }
0x27: {  	[sflag:s21] =	ssyncset.done $0x0  }
0x28: {  	[sflag:s21] =	ssyncadd.s32 $0xFFFFE0C0  }
0x29: {  	_ =	swait.ge [sflag:s21], $0x1F40  }
0x2a: {  	[sflag:s21] =	ssyncset.done $0x0  }
0x2b: {  	[sflag:s21] =	ssyncadd.s32 $0xFFFFE0C0  }
0x2c: {  	_ =	swait.ge [sflag:s21], $0x1F40  }
0x2d: {  	[sflag:s21] =	ssyncset.done $0x0  }
0x2e: {  	[sflag:s21] =	ssyncadd.s32 $0xFFFFE0C0  }
0x2f: {  	_ =	swait.ge [sflag:s21], $0x1F40  }
0x30: {  	[sflag:s21] =	ssyncset.done $0x0  }
0x31: {  	[sflag:s21] =	ssyncadd.s32 $0xFFFFE0C0  }
0x32: {  	_ =	swait.ge [sflag:s21], $0x1F40  }
0x33: {  	[sflag:s21] =	ssyncset.done $0x0  }
0x34: {  	[sflag:s21] =	ssyncadd.s32 $0xFFFFE0C0  }
0x35: {  	_ =	swait.ge [sflag:s21], $0x1F40  }
0x36: {  	[sflag:s21] =	ssyncset.done $0x0  }
0x37: {  	[sflag:s21] =	ssyncadd.s32 $0xFFFFE0C0  }
0x38: {  	_ =	swait.ge [sflag:s21], $0x1F40  }
0x39: {  	[sflag:s21] =	ssyncset.done $0x0  }
0x3a: {  	[sflag:s21] =	ssyncadd.s32 $0xFFFFE0C0  }
0x3b: {  	_ =	swait.ge [sflag:s21], $0x1F40  }
0x3c: {  	[sflag:s21] =	ssyncset.done $0x0  }
0x3d: {  	[sflag:s21] =	ssyncadd.s32 $0xFFFFE0C0  }
0x3e: {  	[hbm4b:s9+s2] =	stream.linear.scatter [tilespmem:s13], [sflag:$0x2], $0xFA00, $0x38;
	[tilespmem:$0x14A00] =	vst v63  }
0x3f: {  	_ =	swait.ge [sflag:s10], $0xFA00  }
0x40: {  	[sflag:s10] =	ssyncset.done $0x0  }
0x41: {  	s30 =	simm.s32 $0x2800;
	[sflag:s10] =	ssyncadd.s32 $0xFFFF0600  }
0x42: {  	[tilespmem:s13], [sflag:$0x1] =	stream.indirect.gather [hbm4b:s4+s12], $0x40, s30, s12, $0xb8;
	[tilespmem:$0x14A00] =	vst v63  }
0x43: {  	s31 =	simm.s32 $0x2880  }
0x44: {  	[tilespmem:s14], [sflag:$0x1] =	stream.indirect.gather [hbm4b:s4+s12], $0x40, s31, s12, $0xb8;
	[tilespmem:$0x14A00] =	vst v63  }
0x45: {  	s24 =	simm.s32 $0x2900  }
0x46: {  	[tilespmem:s15], [sflag:$0x1] =	stream.indirect.gather [hbm4b:s4+s12], $0x40, s24, s12, $0xb8;
	[tilespmem:$0x14A00] =	vst v63  }
0x47: {  	s25 =	simm.s32 $0x2980  }
0x48: {  	[tilespmem:s16], [sflag:$0x1] =	stream.indirect.gather [hbm4b:s4+s12], $0x40, s25, s12, $0xb8;
	[tilespmem:$0x14A00] =	vst v63  }
0x49: {  	s26 =	simm.s32 $0x2A00  }
0x4a: {  	[tilespmem:s17], [sflag:$0x1] =	stream.indirect.gather [hbm4b:s4+s12], $0x40, s26, s12, $0xb8;
	[tilespmem:$0x14A00] =	vst v63  }
0x4b: {  	s28 =	simm.s32 $0x2A80  }
0x4c: {  	[tilespmem:s18], [sflag:$0x1] =	stream.indirect.gather [hbm4b:s4+s12], $0x40, s28, s12, $0xb8;
	[tilespmem:$0x14A00] =	vst v63  }
0x4d: {  	s30 =	simm.s32 $0x2B00  }
0x4e: {  	[tilespmem:s19], [sflag:$0x1] =	stream.indirect.gather [hbm4b:s4+s12], $0x40, s30, s12, $0xb8;
	[tilespmem:$0x14A00] =	vst v63  }
0x4f: {  	s31 =	simm.s32 $0x2B80  }
0x50: {  	[tilespmem:s20], [sflag:$0x1] =	stream.indirect.gather [hbm4b:s4+s12], $0x40, s31, s12, $0xb8;
	[tilespmem:$0x14A00] =	vst v63  }
0x51: {  	_ =	swait.ge [sflag:s21], $0x1F40  }
0x52: {  	[sflag:s21] =	ssyncset.done $0x0  }
0x53: {  	[sflag:s21] =	ssyncadd.s32 $0xFFFFE0C0  }
0x54: {  	_ =	swait.ge [sflag:s21], $0x1F40  }
0x55: {  	[sflag:s21] =	ssyncset.done $0x0  }
0x56: {  	[sflag:s21] =	ssyncadd.s32 $0xFFFFE0C0  }
0x57: {  	_ =	swait.ge [sflag:s21], $0x1F40  }
0x58: {  	[sflag:s21] =	ssyncset.done $0x0  }
0x59: {  	[sflag:s21] =	ssyncadd.s32 $0xFFFFE0C0  }
0x5a: {  	_ =	swait.ge [sflag:s21], $0x1F40  }
0x5b: {  	[sflag:s21] =	ssyncset.done $0x0  }
0x5c: {  	[sflag:s21] =	ssyncadd.s32 $0xFFFFE0C0  }
0x5d: {  	_ =	swait.ge [sflag:s21], $0x1F40  }
0x5e: {  	[sflag:s21] =	ssyncset.done $0x0  }
0x5f: {  	[sflag:s21] =	ssyncadd.s32 $0xFFFFE0C0  }
0x60: {  	_ =	swait.ge [sflag:s21], $0x1F40  }
0x61: {  	[sflag:s21] =	ssyncset.done $0x0  }
0x62: {  	[sflag:s21] =	ssyncadd.s32 $0xFFFFE0C0  }
0x63: {  	_ =	swait.ge [sflag:s21], $0x1F40  }
0x64: {  	[sflag:s21] =	ssyncset.done $0x0  }
0x65: {  	[sflag:s21] =	ssyncadd.s32 $0xFFFFE0C0  }
0x66: {  	_ =	swait.ge [sflag:s21], $0x1F40  }
0x67: {  	[sflag:s21] =	ssyncset.done $0x0  }
0x68: {  	[sflag:s21] =	ssyncadd.s32 $0xFFFFE0C0  }
0x69: {  	[hbm4b:s8+s2] =	stream.linear.scatter [tilespmem:s13], [sflag:$0x2], $0xFA00, $0x38;
	[tilespmem:$0x14A00] =	vst v63  }
0x6a: {  	s29 =	simm.s32 $0x2000;
	s23 =	sadd.s32 $0x1F40, s8;
	_ =	swait.ge [sflag:s10], $0xFA00  }
0x6b: {  	s24 =	sadd.s32 $0x1F40, s9;
	s25 =	simm.s32 $0x1000;
	[sflag:s10] =	ssyncset.done $0x0  }
.LBB2_2:
0x6c: {  	s28 =	sshra.s32 s25, $0x2  }
0x6d: {  	[sflag:s10] =	ssyncadd.s32 $0xFFFF0600;
	s25 =	smov.u32 s29;
	s26 =	sadd.s32 $0x1000, s29  }
0x6e: {  	[tilespmem:s13], [sflag:$0x1] =	stream.indirect.gather [hbm4b:s3+s12], $0x40, s28, s12, $0xb8;
	[tilespmem:$0x14A00] =	vst v63  }
0x6f: {  	p0 =	sne.s32 s29, $0x9000;
	s29 =	sadd.s32 $0x80, s28  }
0x70: {  	[tilespmem:s14], [sflag:$0x1] =	stream.indirect.gather [hbm4b:s3+s12], $0x40, s29, s12, $0xb8;
	[tilespmem:$0x14A00] =	vst v63  }
0x71: {  	s29 =	sadd.s32 $0x100, s28  }
0x72: {  	[tilespmem:s15], [sflag:$0x1] =	stream.indirect.gather [hbm4b:s3+s12], $0x40, s29, s12, $0xb8;
	[tilespmem:$0x14A00] =	vst v63  }
0x73: {  	s29 =	sadd.s32 $0x180, s28  }
0x74: {  	[tilespmem:s16], [sflag:$0x1] =	stream.indirect.gather [hbm4b:s3+s12], $0x40, s29, s12, $0xb8;
	[tilespmem:$0x14A00] =	vst v63  }
0x75: {  	s29 =	sadd.s32 $0x200, s28  }
0x76: {  	[tilespmem:s17], [sflag:$0x1] =	stream.indirect.gather [hbm4b:s3+s12], $0x40, s29, s12, $0xb8;
	[tilespmem:$0x14A00] =	vst v63  }
0x77: {  	s29 =	sadd.s32 $0x280, s28  }
0x78: {  	[tilespmem:s18], [sflag:$0x1] =	stream.indirect.gather [hbm4b:s3+s12], $0x40, s29, s12, $0xb8;
	[tilespmem:$0x14A00] =	vst v63  }
0x79: {  	s29 =	sadd.s32 $0x300, s28  }
0x7a: {  	[tilespmem:s19], [sflag:$0x1] =	stream.indirect.gather [hbm4b:s3+s12], $0x40, s29, s12, $0xb8;
	[tilespmem:$0x14A00] =	vst v63  }
0x7b: {  	s29 =	sadd.s32 $0x380, s28  }
0x7c: {  	[tilespmem:s20], [sflag:$0x1] =	stream.indirect.gather [hbm4b:s3+s12], $0x40, s29, s12, $0xb8;
	[tilespmem:$0x14A00] =	vst v63  }
0x7d: {  	_ =	swait.ge [sflag:s21], $0x1F40  }
0x7e: {  	[sflag:s21] =	ssyncset.done $0x0  }
0x7f: {  	[sflag:s21] =	ssyncadd.s32 $0xFFFFE0C0  }
0x80: {  	_ =	swait.ge [sflag:s21], $0x1F40  }
0x81: {  	[sflag:s21] =	ssyncset.done $0x0  }
0x82: {  	[sflag:s21] =	ssyncadd.s32 $0xFFFFE0C0  }
0x83: {  	_ =	swait.ge [sflag:s21], $0x1F40  }
0x84: {  	[sflag:s21] =	ssyncset.done $0x0  }
0x85: {  	[sflag:s21] =	ssyncadd.s32 $0xFFFFE0C0  }
0x86: {  	_ =	swait.ge [sflag:s21], $0x1F40  }
0x87: {  	[sflag:s21] =	ssyncset.done $0x0  }
0x88: {  	[sflag:s21] =	ssyncadd.s32 $0xFFFFE0C0  }
0x89: {  	_ =	swait.ge [sflag:s21], $0x1F40  }
0x8a: {  	[sflag:s21] =	ssyncset.done $0x0  }
0x8b: {  	[sflag:s21] =	ssyncadd.s32 $0xFFFFE0C0  }
0x8c: {  	_ =	swait.ge [sflag:s21], $0x1F40  }
0x8d: {  	[sflag:s21] =	ssyncset.done $0x0  }
0x8e: {  	[sflag:s21] =	ssyncadd.s32 $0xFFFFE0C0  }
0x8f: {  	_ =	swait.ge [sflag:s21], $0x1F40  }
0x90: {  	[sflag:s21] =	ssyncset.done $0x0  }
0x91: {  	[sflag:s21] =	ssyncadd.s32 $0xFFFFE0C0  }
0x92: {  	_ =	swait.ge [sflag:s21], $0x1F40  }
0x93: {  	[sflag:s21] =	ssyncset.done $0x0  }
0x94: {  	[sflag:s21] =	ssyncadd.s32 $0xFFFFE0C0  }
0x95: {  	[hbm4b:s24+s2] =	stream.linear.scatter [tilespmem:s13], [sflag:$0x2], $0xFA00, $0x38;
	[tilespmem:$0x14A00] =	vst v63  }
0x96: {  	_ =	swait.ge [sflag:s10], $0xFA00  }
0x97: {  	[sflag:s10] =	ssyncset.done $0x0  }
0x98: {  	s29 =	sadd.s32 $0x2800, s28;
	[sflag:s10] =	ssyncadd.s32 $0xFFFF0600  }
0x99: {  	[tilespmem:s13], [sflag:$0x1] =	stream.indirect.gather [hbm4b:s4+s12], $0x40, s29, s12, $0xb8;
	[tilespmem:$0x14A00] =	vst v63  }
0x9a: {  	s29 =	sadd.s32 $0x2880, s28  }
0x9b: {  	[tilespmem:s14], [sflag:$0x1] =	stream.indirect.gather [hbm4b:s4+s12], $0x40, s29, s12, $0xb8;
	[tilespmem:$0x14A00] =	vst v63  }
0x9c: {  	s29 =	sadd.s32 $0x2900, s28  }
0x9d: {  	[tilespmem:s15], [sflag:$0x1] =	stream.indirect.gather [hbm4b:s4+s12], $0x40, s29, s12, $0xb8;
	[tilespmem:$0x14A00] =	vst v63  }
0x9e: {  	s29 =	sadd.s32 $0x2980, s28  }
0x9f: {  	[tilespmem:s16], [sflag:$0x1] =	stream.indirect.gather [hbm4b:s4+s12], $0x40, s29, s12, $0xb8;
	[tilespmem:$0x14A00] =	vst v63  }
0xa0: {  	s29 =	sadd.s32 $0x2A00, s28  }
0xa1: {  	[tilespmem:s17], [sflag:$0x1] =	stream.indirect.gather [hbm4b:s4+s12], $0x40, s29, s12, $0xb8;
	[tilespmem:$0x14A00] =	vst v63  }
0xa2: {  	s29 =	sadd.s32 $0x2A80, s28  }
0xa3: {  	[tilespmem:s18], [sflag:$0x1] =	stream.indirect.gather [hbm4b:s4+s12], $0x40, s29, s12, $0xb8;
	[tilespmem:$0x14A00] =	vst v63  }
0xa4: {  	s29 =	sadd.s32 $0x2B00, s28  }
0xa5: {  	[tilespmem:s19], [sflag:$0x1] =	stream.indirect.gather [hbm4b:s4+s12], $0x40, s29, s12, $0xb8;
	[tilespmem:$0x14A00] =	vst v63  }
0xa6: {  	s28 =	sadd.s32 $0x2B80, s28  }
0xa7: {  	[tilespmem:s20], [sflag:$0x1] =	stream.indirect.gather [hbm4b:s4+s12], $0x40, s28, s12, $0xb8;
	[tilespmem:$0x14A00] =	vst v63  }
0xa8: {  	_ =	swait.ge [sflag:s21], $0x1F40  }
0xa9: {  	[sflag:s21] =	ssyncset.done $0x0  }
0xaa: {  	[sflag:s21] =	ssyncadd.s32 $0xFFFFE0C0  }
0xab: {  	_ =	swait.ge [sflag:s21], $0x1F40  }
0xac: {  	[sflag:s21] =	ssyncset.done $0x0  }
0xad: {  	[sflag:s21] =	ssyncadd.s32 $0xFFFFE0C0  }
0xae: {  	_ =	swait.ge [sflag:s21], $0x1F40  }
0xaf: {  	[sflag:s21] =	ssyncset.done $0x0  }
0xb0: {  	[sflag:s21] =	ssyncadd.s32 $0xFFFFE0C0  }
0xb1: {  	_ =	swait.ge [sflag:s21], $0x1F40  }
0xb2: {  	[sflag:s21] =	ssyncset.done $0x0  }
0xb3: {  	[sflag:s21] =	ssyncadd.s32 $0xFFFFE0C0  }
0xb4: {  	_ =	swait.ge [sflag:s21], $0x1F40  }
0xb5: {  	[sflag:s21] =	ssyncset.done $0x0  }
0xb6: {  	[sflag:s21] =	ssyncadd.s32 $0xFFFFE0C0  }
0xb7: {  	_ =	swait.ge [sflag:s21], $0x1F40  }
0xb8: {  	[sflag:s21] =	ssyncset.done $0x0  }
0xb9: {  	[sflag:s21] =	ssyncadd.s32 $0xFFFFE0C0  }
0xba: {  	_ =	swait.ge [sflag:s21], $0x1F40  }
0xbb: {  	[sflag:s21] =	ssyncset.done $0x0  }
0xbc: {  	[sflag:s21] =	ssyncadd.s32 $0xFFFFE0C0  }
0xbd: {  	_ =	swait.ge [sflag:s21], $0x1F40  }
.Ltmp0:
0xbe: {  	[sflag:s21] =	ssyncset.done $0x0;
	(pc) =	sbr.rel @p0 .LBB2_2-.Ltmp0, $4  }
0xbf: {  	[sflag:s21] =	ssyncadd.s32 $0xFFFFE0C0  }
0xc0: {  	[hbm4b:s23+s2] =	stream.linear.scatter [tilespmem:s13], [sflag:$0x2], $0xFA00, $0x38;
	[tilespmem:$0x14A00] =	vst v63  }
0xc1: {  	s24 =	sadd.s32 $0x1F40, s24;
	_ =	swait.ge [sflag:s10], $0xFA00  }
0xc2: {  	s29 =	smov.u32 s26;
	s23 =	sadd.s32 $0x1F40, s23;
	[sflag:s10] =	ssyncset.done $0x0  }
0xc3: {  	s25 =	sshra.s32 s25, $0x2;
	[sflag:s10] =	ssyncadd.s32 $0xFFFF0600  }
0xc4: {  	[tilespmem:s13], [sflag:$0x1] =	stream.indirect.gather [hbm4b:s3+s12], $0x40, s25, s12, $0xb8;
	[tilespmem:$0x14A00] =	vst v63  }
0xc5: {  	s26 =	sadd.s32 $0x80, s25  }
0xc6: {  	[tilespmem:s14], [sflag:$0x1] =	stream.indirect.gather [hbm4b:s3+s12], $0x40, s26, s12, $0xb8;
	[tilespmem:$0x14A00] =	vst v63  }
0xc7: {  	s31 =	sadd.s32 $0x100, s25  }
0xc8: {  	[tilespmem:s15], [sflag:$0x1] =	stream.indirect.gather [hbm4b:s3+s12], $0x40, s31, s12, $0xb8;
	[tilespmem:$0x14A00] =	vst v63  }
0xc9: {  	s28 =	sadd.s32 $0x180, s25  }
0xca: {  	[tilespmem:s16], [sflag:$0x1] =	stream.indirect.gather [hbm4b:s3+s12], $0x40, s28, s12, $0xb8;
	[tilespmem:$0x14A00] =	vst v63  }
0xcb: {  	s29 =	sadd.s32 $0x200, s25  }
0xcc: {  	[tilespmem:s17], [sflag:$0x1] =	stream.indirect.gather [hbm4b:s3+s12], $0x40, s29, s12, $0xb8;
	[tilespmem:$0x14A00] =	vst v63  }
0xcd: {  	s30 =	sadd.s32 $0x280, s25  }
0xce: {  	[tilespmem:s18], [sflag:$0x1] =	stream.indirect.gather [hbm4b:s3+s12], $0x40, s30, s12, $0xb8;
	[tilespmem:$0x14A00] =	vst v63  }
0xcf: {  	s31 =	sadd.s32 $0x300, s25  }
0xd0: {  	[tilespmem:s19], [sflag:$0x1] =	stream.indirect.gather [hbm4b:s3+s12], $0x40, s31, s12, $0xb8;
	[tilespmem:$0x14A00] =	vst v63  }
0xd1: {  	s28 =	sadd.s32 $0x380, s25  }
0xd2: {  	[tilespmem:s20], [sflag:$0x1] =	stream.indirect.gather [hbm4b:s3+s12], $0x40, s28, s12, $0xb8;
	[tilespmem:$0x14A00] =	vst v63  }
0xd3: {  	_ =	swait.ge [sflag:s21], $0x1F40  }
0xd4: {  	[sflag:s21] =	ssyncset.done $0x0  }
0xd5: {  	[sflag:s21] =	ssyncadd.s32 $0xFFFFE0C0  }
0xd6: {  	_ =	swait.ge [sflag:s21], $0x1F40  }
0xd7: {  	[sflag:s21] =	ssyncset.done $0x0  }
0xd8: {  	[sflag:s21] =	ssyncadd.s32 $0xFFFFE0C0  }
0xd9: {  	_ =	swait.ge [sflag:s21], $0x1F40  }
0xda: {  	[sflag:s21] =	ssyncset.done $0x0  }
0xdb: {  	[sflag:s21] =	ssyncadd.s32 $0xFFFFE0C0  }
0xdc: {  	_ =	swait.ge [sflag:s21], $0x1F40  }
0xdd: {  	[sflag:s21] =	ssyncset.done $0x0  }
0xde: {  	[sflag:s21] =	ssyncadd.s32 $0xFFFFE0C0  }
0xdf: {  	_ =	swait.ge [sflag:s21], $0x1F40  }
0xe0: {  	[sflag:s21] =	ssyncset.done $0x0  }
0xe1: {  	[sflag:s21] =	ssyncadd.s32 $0xFFFFE0C0  }
0xe2: {  	_ =	swait.ge [sflag:s21], $0x1F40  }
0xe3: {  	[sflag:s21] =	ssyncset.done $0x0  }
0xe4: {  	[sflag:s21] =	ssyncadd.s32 $0xFFFFE0C0  }
0xe5: {  	_ =	swait.ge [sflag:s21], $0x1F40  }
0xe6: {  	[sflag:s21] =	ssyncset.done $0x0  }
0xe7: {  	[sflag:s21] =	ssyncadd.s32 $0xFFFFE0C0  }
0xe8: {  	_ =	swait.ge [sflag:s21], $0x1F40  }
0xe9: {  	[sflag:s21] =	ssyncset.done $0x0  }
0xea: {  	[sflag:s21] =	ssyncadd.s32 $0xFFFFE0C0  }
0xeb: {  	[hbm4b:s24+s2] =	stream.linear.scatter [tilespmem:s13], [sflag:$0x2], $0xFA00, $0x38;
	[tilespmem:$0x14A00] =	vst v63  }
0xec: {  	_ =	swait.ge [sflag:s10], $0xFA00  }
0xed: {  	[sflag:s10] =	ssyncset.done $0x0  }
0xee: {  	s29 =	sadd.s32 $0x2800, s25;
	[sflag:s10] =	ssyncadd.s32 $0xFFFF0600  }
0xef: {  	[tilespmem:s13], [sflag:$0x1] =	stream.indirect.gather [hbm4b:s4+s12], $0x40, s29, s12, $0xb8;
	[tilespmem:$0x14A00] =	vst v63  }
0xf0: {  	s30 =	sadd.s32 $0x2880, s25  }
0xf1: {  	[tilespmem:s14], [sflag:$0x1] =	stream.indirect.gather [hbm4b:s4+s12], $0x40, s30, s12, $0xb8;
	[tilespmem:$0x14A00] =	vst v63  }
0xf2: {  	s31 =	sadd.s32 $0x2900, s25  }
0xf3: {  	[tilespmem:s15], [sflag:$0x1] =	stream.indirect.gather [hbm4b:s4+s12], $0x40, s31, s12, $0xb8;
	[tilespmem:$0x14A00] =	vst v63  }
0xf4: {  	s26 =	sadd.s32 $0x2980, s25  }
0xf5: {  	[tilespmem:s16], [sflag:$0x1] =	stream.indirect.gather [hbm4b:s4+s12], $0x40, s26, s12, $0xb8;
	[tilespmem:$0x14A00] =	vst v63  }
0xf6: {  	s28 =	sadd.s32 $0x2A00, s25  }
0xf7: {  	[tilespmem:s17], [sflag:$0x1] =	stream.indirect.gather [hbm4b:s4+s12], $0x40, s28, s12, $0xb8;
	[tilespmem:$0x14A00] =	vst v63  }
0xf8: {  	s29 =	sadd.s32 $0x2A80, s25  }
0xf9: {  	[tilespmem:s18], [sflag:$0x1] =	stream.indirect.gather [hbm4b:s4+s12], $0x40, s29, s12, $0xb8;
	[tilespmem:$0x14A00] =	vst v63  }
0xfa: {  	s30 =	sadd.s32 $0x2B00, s25  }
0xfb: {  	[tilespmem:s19], [sflag:$0x1] =	stream.indirect.gather [hbm4b:s4+s12], $0x40, s30, s12, $0xb8;
	[tilespmem:$0x14A00] =	vst v63  }
0xfc: {  	s31 =	sadd.s32 $0x2B80, s25  }
0xfd: {  	[tilespmem:s20], [sflag:$0x1] =	stream.indirect.gather [hbm4b:s4+s12], $0x40, s31, s12, $0xb8;
	[tilespmem:$0x14A00] =	vst v63  }
0xfe: {  	_ =	swait.ge [sflag:s21], $0x1F40  }
0xff: {  	[sflag:s21] =	ssyncset.done $0x0  }
0x100: {  	[sflag:s21] =	ssyncadd.s32 $0xFFFFE0C0  }
0x101: {  	_ =	swait.ge [sflag:s21], $0x1F40  }
0x102: {  	[sflag:s21] =	ssyncset.done $0x0  }
0x103: {  	[sflag:s21] =	ssyncadd.s32 $0xFFFFE0C0  }
0x104: {  	_ =	swait.ge [sflag:s21], $0x1F40  }
0x105: {  	[sflag:s21] =	ssyncset.done $0x0  }
0x106: {  	[sflag:s21] =	ssyncadd.s32 $0xFFFFE0C0  }
0x107: {  	_ =	swait.ge [sflag:s21], $0x1F40  }
0x108: {  	[sflag:s21] =	ssyncset.done $0x0  }
0x109: {  	[sflag:s21] =	ssyncadd.s32 $0xFFFFE0C0  }
0x10a: {  	_ =	swait.ge [sflag:s21], $0x1F40  }
0x10b: {  	[sflag:s21] =	ssyncset.done $0x0  }
0x10c: {  	[sflag:s21] =	ssyncadd.s32 $0xFFFFE0C0  }
0x10d: {  	_ =	swait.ge [sflag:s21], $0x1F40  }
0x10e: {  	[sflag:s21] =	ssyncset.done $0x0  }
0x10f: {  	[sflag:s21] =	ssyncadd.s32 $0xFFFFE0C0  }
0x110: {  	_ =	swait.ge [sflag:s21], $0x1F40  }
0x111: {  	[sflag:s21] =	ssyncset.done $0x0  }
0x112: {  	[sflag:s21] =	ssyncadd.s32 $0xFFFFE0C0  }
0x113: {  	s22 =	sadd.s32 $0x1, s22;
	_ =	swait.ge [sflag:s21], $0x1F40  }
0x114: {  	p0 =	sne.s32 s22, s7;
	[sflag:s21] =	ssyncset.done $0x0  }
.Ltmp1:
0x115: {  	[sflag:s21] =	ssyncadd.s32 $0xFFFFE0C0;
	(pc) =	sbr.rel @p0 .LBB2_1-.Ltmp1, $4  }
0x116: {  	[hbm4b:s23+s2] =	stream.linear.scatter [tilespmem:s13], [sflag:$0x2], $0xFA00, $0x38;
	[tilespmem:$0x14A00] =	vst v63  }
0x117: {  	_ =	swait.ge [sflag:s10], $0xFA00  }
0x118: {  	[sflag:s10] =	ssyncset.done $0x0  }
0x119: {  	[sflag:s10] =	ssyncadd.s32 $0xFFFF0600  }
0x11a: {  	_ =	sfence.sel $0x180000  }
0x11b: {  	[bflag:$0x0] =	sbarrier.arrive $0xFFFF  }
0x11c: {  	p0 =	sne.s32 s1, $0x0;
	_ =	strace $0x90000047  }
0x11d: {  	s0 =	sadd.s32 @!p0 $0x100000, s0;
	[bflag:$0x2] =	sbarrier.arrive $0xFFFF  }
0x11e: {  	[sflag:s0] =	ssyncadd.tile.s32 @!p0 $0x1;
	_ =	shalt  }
.Lfunc_end2:
_tile_overlayer_lowered:
.L_overlay_start_2:
0x11f: {  	(tag) =	ssettag $0x2  }
0x120: {  	s0 =	rddreg [dreg:$0x0];
	s2 =	stileid.u32  }
0x121: {  	s1 =	rddreg [dreg:$0x1];
	p0 =	sne.s32 s2, $0x0  }
0x122: {  	s3 =	rddreg [dreg:$0x2];
	[bflag:$0x3] =	sbarrier.arrive $0xFFFF;
	s2 =	simm.s32 @!p0 $0x1C02  }
0x123: {  	[timem:s3], [sflag:s2] =	dma.local @!p0 [hbm:s0], s1  }
0x124: {  	s0 =	simm.s32 @!p0 $0x2  }
0x125: {  	_ =	swait.ge @!p0 [sflag:s0], s1  }
0x126: {  	s1 =	ssub.s32 @!p0 $0x0, s1;
	[sflag:s0] =	ssyncset.done @!p0 $0x0  }
0x127: {  	[sflag:s0] =	ssyncadd.s32 @!p0 s1  }
0x128: {  	[bflag:$0x3] =	sbarrier.arrive $0xFFFF  }
0x129: {  	_ =	shalt  }

// kernel: kernel.17.cloned.1.call-start
scs
__scs_entry_jumppad:
0x0: {  	(pc) =	sbr.rel $0x88, $3  }
0x1: {  	(tag) =	ssettag $0x0;
	lr =	simm.s32 $0x1  }
0x2: {  	[smem:$0x3F79] =	sst lr;
	_ =	strace $0xD0000000  }
0x3: {  	_ = 	snop  }
0x4: {  	_ = 	snop  }
0x5: {  	_ = 	snop  }
0x6: {  	_ = 	snop  }
0x7: {  	_ = 	snop  }
__scs_overlays_trampoline_lowered:
0x8: {  	[smem:$0x3F88] =	sst s0  }
0x9: {  	[smem:$0x3F89] =	sst s1  }
0xa: {  	[smem:$0x3F8A] =	sst s2  }
0xb: {  	[smem:$0x3F8B] =	sst s3  }
0xc: {  	[smem:$0x3F8C] =	sst s4  }
0xd: {  	[smem:$0x3F8D] =	sst s5  }
0xe: {  	[smem:$0x3F8E] =	sst s6  }
0xf: {  	[smem:$0x3F8F] =	sst s7  }
0x10: {  	[smem:$0x3F90] =	sst s8  }
0x11: {  	[smem:$0x3F91] =	sst s9;
	s0 =	simm.s32 @!p0 $0x0  }
0x12: {  	s1 =	sld [smem:$0x3F77];
	s0 =	simm.s32 @p0 $0x1  }
0x13: {  	[smem:$0x3F92] =	sst s0;
	s0 =	simm.s32 @!p1 $0x0  }
0x14: {  	s2 =	sld [smem:$0x3F76];
	s0 =	simm.s32 @p1 $0x1  }
0x15: {  	[smem:$0x3F93] =	sst s0;
	s0 =	simm.s32 @!p2 $0x0  }
0x16: {  	s3 =	sld [smem:$0x3FDB];
	s0 =	simm.s32 @p2 $0x1  }
0x17: {  	s4 =	simm.s32 $0x1BF5;
	[smem:$0x3F95] =	sst s0  }
0x18: {  	s0 =	sld [smem:$0x3F78];
	_ =	swait.ge [sflag:s4], $0x0  }
0x19: {  	s7 =	sld [smem:$0x3F79]  }
0x1a: {  	s8 =	sadd.s32 $0xFFFFE003, lr  }
0x1b: {  	s9 =	sadd.s32 $0xFFFFFEF7, lr;
	s5 =	simm.s32 $0xFFFFFFFF;
	p2 =	slt.u32 s8, $0xFFFFF086  }
0x1c: {  	p1 =	slt.u32 s9, $0xF7A;
	s5 =	simm.s32 @!p2 $0x0  }
0x1d: {  	s5 =	simm.s32 @p1 $0x1;
	p0 =	seq.s32 s7, s2  }
0x1e: {  	s7 =	smul.u32 @!p0 $0xF7A, s2;
	p2 =	seq.s32 @!p0 s5, $0x0  }
0x1f: {  	s9 =	smul.u32 $0xF7A, s1;
	s8 =	simm.s32 @!p0 $0x1BF5;
	p2 =	por !p2, p0  }
0x20: {  	[sflag:s8] =	ssyncset.s32 @!p0 $0xFFFFF086;
	s6 =	sadd.s32 @!p0 s3, s7;
	s7 =	simm.s32 @!p0 $0x108  }
0x21: {  	s3 =	sadd.s32 s3, s9;
	s6 =	sadd.s32 @!p0 $0x88, s6;
	s7 =	simm.s32 @p2 $0x1082  }
0x22: {  	[simem:s7], [sflag:s8] =	dma.local @!p0 [hbm:s6], $0xF7A  }
0x23: {  	s9 =	sor.u32 $0xD0000000, s2;
	s6 =	simm.s32 $0x108;
	_ =	swait.ge @!p0 [sflag:s8], $0x0  }
0x24: {  	s3 =	sadd.s32 $0x88, s3;
	s6 =	simm.s32 @!p1 $0x1082;
	[sflag:s4] =	ssyncset.s32 $0xFFFFF086  }
0x25: {  	[simem:s6], [sflag:s4] =	dma.local [hbm:s3], $0xF7A  }
0x26: {  	[smem:$0x3F79] =	sst s1;
	(tag) =	ssettag s2;
	_ =	strace s9  }
0x27: {  	s1 =	sld [smem:$0x3F89]  }
0x28: {  	s2 =	sld [smem:$0x3F8A]  }
0x29: {  	s4 =	sld [smem:$0x3F8C]  }
0x2a: {  	p0 =	seq.s32 s5, $0x0;
	s5 =	sld [smem:$0x3F8D]  }
0x2b: {  	s6 =	sld [smem:$0x3F8E]  }
0x2c: {  	s7 =	sld [smem:$0x3F8F]  }
0x2d: {  	s3 =	simm.s32 $0x108;
	s8 =	sld [smem:$0x3F90]  }
0x2e: {  	s3 =	simm.s32 @!p0 $0x1082;
	s9 =	sld [smem:$0x3F91]  }
0x2f: {  	lr =	sadd.s32 s0, s3;
	s0 =	sld [smem:$0x3F88]  }
0x30: {  	s3 =	sld [smem:$0x3F8B]  }
0x31: {  	[smem:$0x3F94] =	sst s10  }
0x32: {  	s10 =	sld [smem:$0x3F92];
	_ =	sdelay $0x3  }
0x33: {  	p0 =	seq.s32 s10, $0x1;
	s10 =	sld [smem:$0x3F94];
	_ =	sdelay $0x3  }
0x34: {  	[smem:$0x3F94] =	sst s10  }
0x35: {  	s10 =	sld [smem:$0x3F93];
	_ =	sdelay $0x3  }
0x36: {  	p1 =	seq.s32 s10, $0x1;
	s10 =	sld [smem:$0x3F94];
	_ =	sdelay $0x3  }
0x37: {  	[smem:$0x3F94] =	sst s10  }
0x38: {  	s10 =	sld [smem:$0x3F95]  }
0x39: {  	_ = 	snop;
	(pc) =	sbr.ind lr, $3  }
0x3a: {  	_ = 	snop  }
0x3b: {  	_ = 	snop  }
0x3c: {  	p2 =	seq.s32 s10, $0x1;
	s10 =	sld [smem:$0x3F94]  }
0x3d: {  	_ =	shalt  }
0x3e: {  	_ =	shalt  }
0x3f: {  	_ =	shalt  }
0x40: {  	_ =	shalt  }
0x41: {  	_ =	shalt  }
0x42: {  	_ =	shalt  }
0x43: {  	_ =	shalt  }
0x44: {  	_ =	shalt  }
0x45: {  	_ =	shalt  }
0x46: {  	_ =	shalt  }
0x47: {  	_ =	shalt  }
0x48: {  	_ =	shalt  }
0x49: {  	_ =	shalt  }
0x4a: {  	_ =	shalt  }
0x4b: {  	_ =	shalt  }
0x4c: {  	_ =	shalt  }
0x4d: {  	_ =	shalt  }
0x4e: {  	_ =	shalt  }
0x4f: {  	_ =	shalt  }
0x50: {  	_ =	shalt  }
0x51: {  	_ =	shalt  }
0x52: {  	_ =	shalt  }
0x53: {  	_ =	shalt  }
0x54: {  	_ =	shalt  }
0x55: {  	_ =	shalt  }
0x56: {  	_ =	shalt  }
0x57: {  	_ =	shalt  }
0x58: {  	_ =	shalt  }
0x59: {  	_ =	shalt  }
0x5a: {  	_ =	shalt  }
0x5b: {  	_ =	shalt  }
0x5c: {  	_ =	shalt  }
0x5d: {  	_ =	shalt  }
0x5e: {  	_ =	shalt  }
0x5f: {  	_ =	shalt  }
0x60: {  	_ =	shalt  }
0x61: {  	_ =	shalt  }
0x62: {  	_ =	shalt  }
0x63: {  	_ =	shalt  }
0x64: {  	_ =	shalt  }
0x65: {  	_ =	shalt  }
0x66: {  	_ =	shalt  }
0x67: {  	_ =	shalt  }
0x68: {  	_ =	shalt  }
0x69: {  	_ =	shalt  }
0x6a: {  	_ =	shalt  }
0x6b: {  	_ =	shalt  }
0x6c: {  	_ =	shalt  }
0x6d: {  	_ =	shalt  }
0x6e: {  	_ =	shalt  }
0x6f: {  	_ =	shalt  }
0x70: {  	_ =	shalt  }
0x71: {  	_ =	shalt  }
0x72: {  	_ =	shalt  }
0x73: {  	_ =	shalt  }
0x74: {  	_ =	shalt  }
0x75: {  	_ =	shalt  }
0x76: {  	_ =	shalt  }
0x77: {  	_ =	shalt  }
0x78: {  	_ =	shalt  }
0x79: {  	_ =	shalt  }
0x7a: {  	_ =	shalt  }
0x7b: {  	_ =	shalt  }
0x7c: {  	_ =	shalt  }
0x7d: {  	_ =	shalt  }
0x7e: {  	_ =	shalt  }
0x7f: {  	_ =	shalt  }
0x80: {  	_ =	shalt  }
0x81: {  	_ =	shalt  }
0x82: {  	_ =	shalt  }
0x83: {  	_ =	shalt  }
0x84: {  	_ =	shalt  }
0x85: {  	_ =	shalt  }
0x86: {  	_ =	shalt  }
0x87: {  	_ =	shalt  }
.Lfunc_end0:
.L_simem_size_0:
called_computation.1_lowered:
.L_overlay_start_0:
0x88: {  	s2 =	sld [smem:$0x3FD9]  }
0x89: {  	s3 =	sld [smem:$0x3FFE];
	_ =	sdelay $0x1  }
0x8a: {  	s1 =	srdreg.scid  }
0x8b: {  	s0 =	sand.u32 $0x1, s1  }
0x8c: {  	s16 =	sshll.u32 s0, $0xA;
	s2 =	sadd.s32 s3, s2  }
0x8d: {  	s2 =	sadd.s32 s2, s16  }
0x8e: {  	[smem:$0x3FA0] =	sst s2  }
0x8f: {  	_ = 	snop  }
0x90: {  	(tm) =	ssettm $0x1  }
0x91: {  	s17 =	sld [smem:$0x3FFB];
	_ =	sdelay $0x3  }
0x92: {  	_ =	strace s17  }
0x93: {  	s2 =	sld [smem:$0x3FFC];
	_ =	sdelay $0x3  }
0x94: {  	_ =	strace s2  }
0x95: {  	s2 =	sld [smem:$0x3FFD];
	_ =	sdelay $0x3  }
0x96: {  	_ =	strace s2  }
0x97: {  	_ =	strace $0x8FFFFFFF  }
0x98: {  	s18 =	sld [smem:$0x3FDB];
	_ =	sdelay $0x1  }
0x99: {  	s19 =	simm.s32 $_scs_section_size  }
0x9a: {  	s4 =	simm.s32 $_size__tile_overlayer_lowered;
	s5 =	simm.s32 $_tile_overlayer_lowered  }
0x9b: {  	s22 =	simm.s32 $0x1BFF;
	s21 =	sshll.u32 s5, $0x1;
	s2 =	sadd.s32 s19, s18  }
0x9c: {  	s6 =	simm.s32 $0x0;
	s20 =	sshll.u32 s4, $0x1;
	s4 =	sadd.s32 s21, s2  }
0x9d: {  	[timem:s6], [sflag:s22] =	dma.local [hbm:s4], s20  }
0x9e: {  	_ =	swait.ge [sflag:s22], s20  }
0x9f: {  	s3 =	ssub.s32 $0x0, s20;
	[sflag:s22] =	ssyncset.done $0x0  }
0xa0: {  	[sflag:s22] =	ssyncadd.s32 s3;
	_ =	sdelay $0x1  }
0xa1: {  	s23 =	simm.s32 $0x1B8B  }
0xa2: {  	_ =	swait.ge [sflag:s23], $0x1  }
0xa3: {  	[sflag:s23] =	ssyncset.done $0x0  }
0xa4: {  	s25 =	simm.s32 $0x1B8E;
	s24 =	sld [smem:$0x3FFE];
	[sflag:s23] =	ssyncadd.s32 $0xFFFFFFFF  }
0xa5: {  	s26 =	simm.s32 $execute0_lowered;
	[smem:$0x3FD2] =	sst s25  }
0xa6: {  	s4 =	sshll.u32 s26, $0x1;
	_ =	strace $0x80000049;
	[dreg:$0x1] =	wrdreg $0xFFFFFFFF  }
0xa7: {  	s28 =	simm.s32 $_size_execute0_lowered;
	s2 =	sadd.s32 s2, s4;
	[dreg:$0x0] =	wrdreg $0x0  }
0xa8: {  	s4 =	sshll.u32 s28, $0x1;
	[dreg:$0x2] =	wrdreg s2  }
0xa9: {  	[dreg:$0x3] =	wrdreg s4  }
0xaa: {  	[dreg:$0x4] =	wrdreg $0xC0  }
0xab: {  	_ =	task [dreg:s6], $0x5FFFF  }
0xac: {  	[dreg:$0x1] =	wrdreg $0xFFFFFFFF  }
0xad: {  	[dreg:$0x0] =	wrdreg $0x60  }
0xae: {  	[dreg:$0x2] =	wrdreg s24  }
0xaf: {  	[dreg:$0x3] =	wrdreg $0x66800  }
0xb0: {  	[dreg:$0x4] =	wrdreg $0x9  }
0xb1: {  	_ =	task.clear_ibuf [dreg:s6], $0x5FFFF;
	_ =	strace $0x90000049  }
0xb2: {  	s29 =	simm.s32 $0x9;
	_ =	strace $0x8000004B  }
0xb3: {  	_ =	swait.ge [sflag:s29], $0x1  }
0xb4: {  	[sflag:s29] =	ssyncadd.s32 $0xFFFFFFFF  }
0xb5: {  	_ =	strace $0x9000004B  }
0xb6: {  	_ =	sfence  }
0xb7: {  	s30 =	sld [smem:$0x0];
	_ =	sdelay $0x2  }
0xb8: {  	s31 =	sshll.u32 s1, $0xD;
	s1 =	sshrl.u32 s1, $0x2  }
0xb9: {  	s3 =	sand.u32 $0x4000, s31;
	s1 =	sadd.s32 s1, s30  }
0xba: {  	s0 =	sor.u32 s3, s0;
	s1 =	sshll.u32 s1, $0x11  }
0xbb: {  	s0 =	sor.u32 s1, s0  }
0xbc: {  	s0 =	sadd.s32 $0x8F2B, s0  }
0xbd: {  	[sflag:s0] =	ssyncadd.remote.s32 $0x1  }
0xbe: {  	_ =	sfence.sel $0xFFFF  }
0xbf: {  	[dreg:$0x0] =	wrdreg $0xFFFFFFFF;
	(pc) =	sbr.abs _section_cstart, $3  }
0xc0: {  	[dreg:$0x1] =	wrdreg $0xFFFFFFFF  }
0xc1: {  	_ =	task.clear_ibuf [dreg:s6], $0x2FFFF;
	_ =	strace $0x9FFFFFFF  }
0xc2: {  	(tm) =	ssettm $0x7FFFFFFF  }
0xc3: {  	_ =	shalt  }
tec
execute0_lowered:
.L_overlay_start_1:
0x0: {  	(tag) =	ssettag $0x1  }
0x1: {  	s20 =	stileid.u32;
	s5 =	rddreg [dreg:$0x0]  }
0x2: {  	s0 =	srdreg.scid;
	s2 =	rddreg [dreg:$0x1]  }
0x3: {  	s3 =	simm.s32 $0x0;
	s28 =	simm.s32 $0x2800;
	s4 =	smul.u32 $0x9C40, s20  }
0x4: {  	s29 =	simm.s32 $0x7D;
	s30 =	simm.s32 $0x2FD0;
	s18 =	smul.u32 $0x3E80, s20  }
0x5: {  	s31 =	simm.s32 $0x37A0;
	s0 =	sand.u32 $0x1, s0;
	s9 =	smul.u32 $0xFA00, s20  }
0x6: {  	s1 =	sshll.u32 s20, $0x1;
	[smem:$0x7FF] =	sst s3;
	s8 =	smul.u32 $0x27100, s0  }
0x7: {  	s1 =	sor.u32 s0, s1;
	s21 =	ssub.s32 $0x2, s0;
	s0 =	smul.u32 $0x4E20, s0  }
0x8: {  	s10 =	sadd.s32 $0xC6800, s5;
	p0 =	sgt.u32 s20, $0x9;
	s6 =	smul.u32 $0x500, s1  }
0x9: {  	_ =	strace $0x8000004A;
	[dreg:$0x3] =	wrdreg s10;
	s7 =	smul.u32 $0x2710, s1  }
0xa: {  	s4 =	sadd.s32 s4, s5;
	s1 =	smul.u32 $0x3E8, s1;
	s11 =	sshrl.u32 s21, $0x1  }
0xb: {  	s9 =	sshrl.u32 s9, $0x2;
	s8 =	sadd.s32 s18, s8;
	s22 =	ssub.s32 s21, s11  }
0xc: {  	s19 =	sadd.s32 s9, s2;
	s0 =	sadd.s32 s0, s4;
	s4 =	sshll.u32 @!p0 s20, $0x6  }
0xd: {  	s6 =	sadd.s32 s6, s5;
	s7 =	sshrl.u32 s7, $0x3;
	s8 =	sshrl.u32 s8, $0x3  }
0xe: {  	s1 =	sshrl.u32 s1, $0x3;
	s20 =	sor.u32 @!p0 $0x1C01, s4;
	s21 =	sshrl.u32 @!p0 s19, $0x3  }
0xf: {  	s4 =	simm.s32 $0x5EB0;
	s7 =	sadd.s32 s7, s5;
	s8 =	sadd.s32 s8, s5  }
0x10: {  	s1 =	sadd.s32 s1, s5;
	s6 =	sadd.s32 $0x16400, s6;
	s5 =	simm.s32 $0x0  }
0x11: {  	[dreg:$0x4] =	wrdreg s6;
	s23 =	sadd.s32 $0xC600, s7;
	s24 =	sadd.s32 $0xC7000, s1  }
0x12: {  	s25 =	sadd.s32 $0xC7FA0, s1;
	s26 =	sadd.s32 $0xC8F40, s1;
	s10 =	sadd.s32 $0xC9EE0, s1  }
0x13: {  	s11 =	sadd.s32 $0xCAE80, s1;
	s12 =	sadd.s32 $0xCBE20, s1;
	s13 =	sadd.s32 $0xCCDC0, s1  }
0x14: {  	s14 =	sadd.s32 $0xCDD60, s1;
	s15 =	sadd.s32 $0xCED00, s1;
	s16 =	sadd.s32 $0xCFCA0, s1  }
0x15: {  	s17 =	sadd.s32 $0xD0E00, s8;
	s1 =	sadd.s32 s18, s2;
	[dreg:$0x5] =	wrdreg s23  }
0x16: {  	s18 =	smax.u32 s22, $0x1;
	s7 =	sadd.s32 $0x2A400, s0;
	[dreg:$0x6] =	wrdreg s24  }
0x17: {  	s22 =	simm.s32 $0x1;
	s0 =	simm.s32 $0x4740;
	[dreg:$0x7] =	wrdreg s25  }
0x18: {  	[dreg:$0x8] =	wrdreg s26;
	s24 =	simm.s32 $0xB4A0;
	s25 =	sshrl.u32 @!p0 s1, $0x3  }
0x19: {  	v0 =	vimm.f32 $0.0e+00;
	v1 =	vimm.f32 $1.000000000e+00;
	s1 =	simm.s32 $0x3F70;
	s23 =	simm.s32 $0x4F10;
	s26 =	simm.s32 $0x56E0  }
.LBB2_1:
0x1a: {  	s6 =	rddreg [dreg:$0x3]  }
0x1b: {  	[spmem:s21], [sflag:s20] =	dma.local @!p0 [hbm:s6], $0x7D0  }
0x1c: {  	s6 =	simm.s32 @!p0 $0x1  }
0x1d: {  	_ =	swait.ge @!p0 [sflag:s6], $0x7D0  }
0x1e: {  	[sflag:s6] =	ssyncset.done @!p0 $0x0  }
0x1f: {  	[sflag:s6] =	ssyncadd.s32 @!p0 $0xFFFFF830  }
0x20: {  	[bflag:$0x0] =	sbarrier.arrive $0xFFFF  }
0x21: {  	s9 =	rddreg [dreg:$0x4]  }
0x22: {  	[tilespmem:s3], [sflag:$0x1] =	stream.linear.gather [hbm4b:s9+s3], $0x2800, $0x38;
	[tilespmem:$0xDBB0] =	vst v63  }
0x23: {  	_ =	swait.ge [sflag:s22], $0x2800  }
0x24: {  	[sflag:s22] =	ssyncset.done $0x0  }
0x25: {  	s8 =	simm.s32 $0x8D90;
	s19 =	rddreg [dreg:$0x5];
	[sflag:s22] =	ssyncadd.s32 $0xFFFFD800  }
0x26: {  	[tilespmem:s8], [sflag:$0x1] =	stream.linear.gather [hbm4b:s19+s3], $0x2710, $0x38;
	[tilespmem:$0xDBB0] =	vst v63  }
0x27: {  	_ =	swait.ge [sflag:s22], $0x2710  }
0x28: {  	[sflag:s22] =	ssyncset.done $0x0  }
0x29: {  	s6 =	simm.s32 $0x0;
	[sflag:s22] =	ssyncadd.s32 $0xFFFFD8F0  }
.LBB2_2:
0x2a: {  	p1 =	sne.s32 s6, $0x9C00  }
.Ltmp0:
0x2b: {  	_ = 	snop;
	(pc) =	sbr.rel @p1 .LBB2_2-.Ltmp0, $3  }
0x2c: {  	_ =	sdelay $0x1  }
0x2d: {  	s8 =	sshra.s32 s6, $0x2  }
0x2e: {  	s6 =	sadd.s32 $0x40, s6;
	[tilespmem:s8+$0xB4A0] =	vst v0  }
0x2f: {  	s8 =	simm.s32 $0x0;
	s6 =	simm.s32 $0x40  }
.LBB2_4:
0x30: {  	p1 =	sne.s32 s6, $0x9C00;
	v2 =	vld [tilespmem:s8+$0x8D90];
	_ =	sdelay $0x3  }
.Ltmp1:
0x31: {  	(pc) =	sbr.rel @p1 .LBB2_4-.Ltmp1, $2  }
0x32: {  	_ =	sdelay $0x2  }
0x33: {  	s8 =	sshra.s32 s6, $0x2;
	s6 =	sadd.s32 $0x40, s6;
	[tilespmem:v2+s24+$0x0] =	vst.idx.add.f32.msk $0xffff, v1  }
0x34: {  	v2 =	vld [tilespmem:s8+$0x8D90];
	_ =	sdelay $0x7  }
0x35: {  	s6 =	simm.s32 $0x0;
	s9 =	rddreg [dreg:$0x6];
	[tilespmem:v2+s24+$0x0] =	vst.idx.add.f32.msk $0xffff, v1  }
0x36: {  	[hbm4b:s9+s6] =	stream.linear.scatter [tilespmem:s24], [sflag:$0x1], $0x3E8, $0x38;
	[tilespmem:$0xDBB0] =	vst v63  }
0x37: {  	_ =	swait.ge [sflag:s22], $0x3E8  }
0x38: {  	[sflag:s22] =	ssyncset.done $0x0  }
0x39: {  	s9 =	simm.s32 $0xB888;
	s19 =	rddreg [dreg:$0x7];
	[sflag:s22] =	ssyncadd.s32 $0xFFFFFC18  }
0x3a: {  	[hbm4b:s19+s6] =	stream.linear.scatter [tilespmem:s9], [sflag:$0x1], $0x3E8, $0x38;
	[tilespmem:$0xDBB0] =	vst v63  }
0x3b: {  	_ =	swait.ge [sflag:s22], $0x3E8  }
0x3c: {  	[sflag:s22] =	ssyncset.done $0x0  }
0x3d: {  	s19 =	simm.s32 $0xBC70;
	s9 =	rddreg [dreg:$0x8];
	[sflag:s22] =	ssyncadd.s32 $0xFFFFFC18  }
0x3e: {  	[hbm4b:s9+s6] =	stream.linear.scatter [tilespmem:s19], [sflag:$0x1], $0x3E8, $0x38;
	[tilespmem:$0xDBB0] =	vst v63  }
0x3f: {  	_ =	swait.ge [sflag:s22], $0x3E8  }
0x40: {  	[sflag:s22] =	ssyncset.done $0x0  }
0x41: {  	s19 =	simm.s32 $0xC058;
	[sflag:s22] =	ssyncadd.s32 $0xFFFFFC18  }
0x42: {  	[hbm4b:s10+s6] =	stream.linear.scatter [tilespmem:s19], [sflag:$0x1], $0x3E8, $0x38;
	[tilespmem:$0xDBB0] =	vst v63  }
0x43: {  	_ =	swait.ge [sflag:s22], $0x3E8  }
0x44: {  	[sflag:s22] =	ssyncset.done $0x0  }
0x45: {  	s9 =	simm.s32 $0xC440;
	[sflag:s22] =	ssyncadd.s32 $0xFFFFFC18  }
0x46: {  	[hbm4b:s11+s6] =	stream.linear.scatter [tilespmem:s9], [sflag:$0x1], $0x3E8, $0x38;
	[tilespmem:$0xDBB0] =	vst v63  }
0x47: {  	_ =	swait.ge [sflag:s22], $0x3E8  }
0x48: {  	[sflag:s22] =	ssyncset.done $0x0  }
0x49: {  	s19 =	simm.s32 $0xC828;
	[sflag:s22] =	ssyncadd.s32 $0xFFFFFC18  }
0x4a: {  	[hbm4b:s12+s6] =	stream.linear.scatter [tilespmem:s19], [sflag:$0x1], $0x3E8, $0x38;
	[tilespmem:$0xDBB0] =	vst v63  }
0x4b: {  	_ =	swait.ge [sflag:s22], $0x3E8  }
0x4c: {  	[sflag:s22] =	ssyncset.done $0x0  }
0x4d: {  	s9 =	simm.s32 $0xCC10;
	[sflag:s22] =	ssyncadd.s32 $0xFFFFFC18  }
0x4e: {  	[hbm4b:s13+s6] =	stream.linear.scatter [tilespmem:s9], [sflag:$0x1], $0x3E8, $0x38;
	[tilespmem:$0xDBB0] =	vst v63  }
0x4f: {  	_ =	swait.ge [sflag:s22], $0x3E8  }
0x50: {  	[sflag:s22] =	ssyncset.done $0x0  }
0x51: {  	s19 =	simm.s32 $0xCFF8;
	[sflag:s22] =	ssyncadd.s32 $0xFFFFFC18  }
0x52: {  	[hbm4b:s14+s6] =	stream.linear.scatter [tilespmem:s19], [sflag:$0x1], $0x3E8, $0x38;
	[tilespmem:$0xDBB0] =	vst v63  }
0x53: {  	_ =	swait.ge [sflag:s22], $0x3E8  }
0x54: {  	[sflag:s22] =	ssyncset.done $0x0  }
0x55: {  	s9 =	simm.s32 $0xD3E0;
	[sflag:s22] =	ssyncadd.s32 $0xFFFFFC18  }
0x56: {  	[hbm4b:s15+s6] =	stream.linear.scatter [tilespmem:s9], [sflag:$0x1], $0x3E8, $0x38;
	[tilespmem:$0xDBB0] =	vst v63  }
0x57: {  	_ =	swait.ge [sflag:s22], $0x3E8  }
0x58: {  	[sflag:s22] =	ssyncset.done $0x0  }
0x59: {  	s19 =	simm.s32 $0xD7C8;
	[sflag:s22] =	ssyncadd.s32 $0xFFFFFC18  }
0x5a: {  	[hbm4b:s16+s6] =	stream.linear.scatter [tilespmem:s19], [sflag:$0x1], $0x3E8, $0x38;
	[tilespmem:$0xDBB0] =	vst v63  }
0x5b: {  	_ =	swait.ge [sflag:s22], $0x3E8  }
0x5c: {  	[sflag:s22] =	ssyncset.done $0x0  }
0x5d: {  	[sflag:s22] =	ssyncadd.s32 $0xFFFFFC18  }
0x5e: {  	[tilespmem:s28], [sflag:$0x1] =	stream.linear.gather [hbm4b:s7+s3], $0x3E80, $0x38;
	[tilespmem:$0xDBB0] =	vst v63  }
0x5f: {  	_ =	swait.ge [sflag:s22], $0x3E80  }
0x60: {  	[sflag:s22] =	ssyncset.done $0x0  }
0x61: {  	s9 =	simm.s32 $0x0;
	[sflag:s22] =	ssyncadd.s32 $0xFFFFC180  }
0x62: {  	[spmem:s2] =	stream.indirect.scatter.add.f32 [tilespmem:s28], [sflag:$0x1], $0x10, s9, s29, $0xb8;
	[tilespmem:$0xDBB0] =	vst v63  }
0x63: {  	_ =	swait.ge [sflag:s22], $0x7D0  }
0x64: {  	[sflag:s22] =	ssyncset.done $0x0  }
0x65: {  	s19 =	simm.s32 $0x80;
	[sflag:s22] =	ssyncadd.s32 $0xFFFFF830  }
0x66: {  	[spmem:s2] =	stream.indirect.scatter.add.f32 [tilespmem:s30], [sflag:$0x1], $0x10, s19, s29, $0xb8;
	[tilespmem:$0xDBB0] =	vst v63  }
0x67: {  	_ =	swait.ge [sflag:s22], $0x7D0  }
0x68: {  	[sflag:s22] =	ssyncset.done $0x0  }
0x69: {  	s8 =	simm.s32 $0x100;
	[sflag:s22] =	ssyncadd.s32 $0xFFFFF830  }
0x6a: {  	[spmem:s2] =	stream.indirect.scatter.add.f32 [tilespmem:s31], [sflag:$0x1], $0x10, s8, s29, $0xb8;
	[tilespmem:$0xDBB0] =	vst v63  }
0x6b: {  	_ =	swait.ge [sflag:s22], $0x7D0  }
0x6c: {  	[sflag:s22] =	ssyncset.done $0x0  }
0x6d: {  	s9 =	simm.s32 $0x180;
	[sflag:s22] =	ssyncadd.s32 $0xFFFFF830  }
0x6e: {  	[spmem:s2] =	stream.indirect.scatter.add.f32 [tilespmem:s1], [sflag:$0x1], $0x10, s9, s29, $0xb8;
	[tilespmem:$0xDBB0] =	vst v63  }
0x6f: {  	_ =	swait.ge [sflag:s22], $0x7D0  }
0x70: {  	[sflag:s22] =	ssyncset.done $0x0  }
0x71: {  	s19 =	simm.s32 $0x200;
	[sflag:s22] =	ssyncadd.s32 $0xFFFFF830  }
0x72: {  	[spmem:s2] =	stream.indirect.scatter.add.f32 [tilespmem:s0], [sflag:$0x1], $0x10, s19, s29, $0xb8;
	[tilespmem:$0xDBB0] =	vst v63  }
0x73: {  	_ =	swait.ge [sflag:s22], $0x7D0  }
0x74: {  	[sflag:s22] =	ssyncset.done $0x0  }
0x75: {  	s8 =	simm.s32 $0x280;
	[sflag:s22] =	ssyncadd.s32 $0xFFFFF830  }
0x76: {  	[spmem:s2] =	stream.indirect.scatter.add.f32 [tilespmem:s23], [sflag:$0x1], $0x10, s8, s29, $0xb8;
	[tilespmem:$0xDBB0] =	vst v63  }
0x77: {  	_ =	swait.ge [sflag:s22], $0x7D0  }
0x78: {  	[sflag:s22] =	ssyncset.done $0x0  }
0x79: {  	s9 =	simm.s32 $0x300;
	[sflag:s22] =	ssyncadd.s32 $0xFFFFF830  }
0x7a: {  	[spmem:s2] =	stream.indirect.scatter.add.f32 [tilespmem:s26], [sflag:$0x1], $0x10, s9, s29, $0xb8;
	[tilespmem:$0xDBB0] =	vst v63  }
0x7b: {  	_ =	swait.ge [sflag:s22], $0x7D0  }
0x7c: {  	[sflag:s22] =	ssyncset.done $0x0  }
0x7d: {  	s19 =	simm.s32 $0x380;
	[sflag:s22] =	ssyncadd.s32 $0xFFFFF830  }
0x7e: {  	[spmem:s2] =	stream.indirect.scatter.add.f32 [tilespmem:s4], [sflag:$0x1], $0x10, s19, s29, $0xb8;
	[tilespmem:$0xDBB0] =	vst v63  }
0x7f: {  	_ =	swait.ge [sflag:s22], $0x7D0  }
0x80: {  	s6 =	simm.s32 $0x1000;
	s19 =	smov.u32 s7;
	[sflag:s22] =	ssyncset.done $0x0  }
.LBB2_6:
0x81: {  	p1 =	sne.s32 s6, $0x9000;
	[sflag:s22] =	ssyncadd.s32 $0xFFFFF830;
	s19 =	sadd.s32 $0x7D0, s19  }
0x82: {  	[tilespmem:s28], [sflag:$0x1] =	stream.linear.gather [hbm4b:s19+s3], $0x3E80, $0x38;
	[tilespmem:$0xDBB0] =	vst v63  }
0x83: {  	s8 =	smov.u32 s6;
	s6 =	sadd.s32 $0x1000, s6;
	_ =	swait.ge [sflag:s22], $0x3E80  }
0x84: {  	[sflag:s22] =	ssyncset.done $0x0  }
0x85: {  	s8 =	sshra.s32 s8, $0x2;
	[sflag:s22] =	ssyncadd.s32 $0xFFFFC180  }
0x86: {  	[spmem:s2] =	stream.indirect.scatter.add.f32 [tilespmem:s28], [sflag:$0x1], $0x10, s8, s29, $0xb8;
	[tilespmem:$0xDBB0] =	vst v63  }
0x87: {  	_ =	swait.ge [sflag:s22], $0x7D0  }
0x88: {  	[sflag:s22] =	ssyncset.done $0x0  }
0x89: {  	s9 =	sadd.s32 $0x80, s8;
	[sflag:s22] =	ssyncadd.s32 $0xFFFFF830  }
0x8a: {  	[spmem:s2] =	stream.indirect.scatter.add.f32 [tilespmem:s30], [sflag:$0x1], $0x10, s9, s29, $0xb8;
	[tilespmem:$0xDBB0] =	vst v63  }
0x8b: {  	_ =	swait.ge [sflag:s22], $0x7D0  }
0x8c: {  	[sflag:s22] =	ssyncset.done $0x0  }
0x8d: {  	s9 =	sadd.s32 $0x100, s8;
	[sflag:s22] =	ssyncadd.s32 $0xFFFFF830  }
0x8e: {  	[spmem:s2] =	stream.indirect.scatter.add.f32 [tilespmem:s31], [sflag:$0x1], $0x10, s9, s29, $0xb8;
	[tilespmem:$0xDBB0] =	vst v63  }
0x8f: {  	_ =	swait.ge [sflag:s22], $0x7D0  }
0x90: {  	[sflag:s22] =	ssyncset.done $0x0  }
0x91: {  	s9 =	sadd.s32 $0x180, s8;
	[sflag:s22] =	ssyncadd.s32 $0xFFFFF830  }
0x92: {  	[spmem:s2] =	stream.indirect.scatter.add.f32 [tilespmem:s1], [sflag:$0x1], $0x10, s9, s29, $0xb8;
	[tilespmem:$0xDBB0] =	vst v63  }
0x93: {  	_ =	swait.ge [sflag:s22], $0x7D0  }
0x94: {  	[sflag:s22] =	ssyncset.done $0x0  }
0x95: {  	s9 =	sadd.s32 $0x200, s8;
	[sflag:s22] =	ssyncadd.s32 $0xFFFFF830  }
0x96: {  	[spmem:s2] =	stream.indirect.scatter.add.f32 [tilespmem:s0], [sflag:$0x1], $0x10, s9, s29, $0xb8;
	[tilespmem:$0xDBB0] =	vst v63  }
0x97: {  	_ =	swait.ge [sflag:s22], $0x7D0  }
0x98: {  	[sflag:s22] =	ssyncset.done $0x0  }
0x99: {  	s9 =	sadd.s32 $0x280, s8;
	[sflag:s22] =	ssyncadd.s32 $0xFFFFF830  }
0x9a: {  	[spmem:s2] =	stream.indirect.scatter.add.f32 [tilespmem:s23], [sflag:$0x1], $0x10, s9, s29, $0xb8;
	[tilespmem:$0xDBB0] =	vst v63  }
0x9b: {  	_ =	swait.ge [sflag:s22], $0x7D0  }
0x9c: {  	[sflag:s22] =	ssyncset.done $0x0  }
0x9d: {  	s9 =	sadd.s32 $0x300, s8;
	[sflag:s22] =	ssyncadd.s32 $0xFFFFF830  }
0x9e: {  	[spmem:s2] =	stream.indirect.scatter.add.f32 [tilespmem:s26], [sflag:$0x1], $0x10, s9, s29, $0xb8;
	[tilespmem:$0xDBB0] =	vst v63  }
0x9f: {  	_ =	swait.ge [sflag:s22], $0x7D0  }
.Ltmp2:
0xa0: {  	[sflag:s22] =	ssyncset.done $0x0;
	(pc) =	sbr.rel @p1 .LBB2_6-.Ltmp2, $4  }
0xa1: {  	s8 =	sadd.s32 $0x380, s8;
	[sflag:s22] =	ssyncadd.s32 $0xFFFFF830  }
0xa2: {  	[spmem:s2] =	stream.indirect.scatter.add.f32 [tilespmem:s4], [sflag:$0x1], $0x10, s8, s29, $0xb8;
	[tilespmem:$0xDBB0] =	vst v63  }
0xa3: {  	_ =	swait.ge [sflag:s22], $0x7D0  }
0xa4: {  	[sflag:s22] =	ssyncset.done $0x0  }
0xa5: {  	s5 =	sadd.s32 $0x1, s5  }
0xa6: {  	[sflag:s22] =	ssyncadd.s32 $0xFFFFF830;
	p1 =	sne.s32 s5, s18  }
.Ltmp3:
0xa7: {  	s6 =	simm.s32 @!p0 $0x1;
	[bflag:$0x0] =	sbarrier.arrive $0xFFFF;
	(pc) =	sbr.rel @p1 .LBB2_1-.Ltmp3, $4  }
0xa8: {  	[hbm:s17], [sflag:s20] =	dma.local @!p0 [spmem:s25], $0x7D0  }
0xa9: {  	_ =	swait.ge @!p0 [sflag:s6], $0x7D0  }
0xaa: {  	[sflag:s6] =	ssyncset.done @!p0 $0x0  }
0xab: {  	[sflag:s6] =	ssyncadd.s32 @!p0 $0xFFFFF830  }
0xac: {  	_ =	sfence.sel $0x180000  }
0xad: {  	[bflag:$0x0] =	sbarrier.arrive $0xFFFF  }
0xae: {  	_ =	strace $0x9000004A  }
0xaf: {  	s0 =	stileid.u32;
	[bflag:$0x2] =	sbarrier.arrive $0xFFFF  }
0xb0: {  	p0 =	sne.s32 s0, $0x0;
	s0 =	rddreg [dreg:$0x2]  }
0xb1: {  	s0 =	sadd.s32 @!p0 $0x100000, s0  }
0xb2: {  	[sflag:s0] =	ssyncadd.tile.s32 @!p0 $0x1;
	_ =	shalt  }
.Lfunc_end2:
_tile_overlayer_lowered:
.L_overlay_start_2:
0xb3: {  	(tag) =	ssettag $0x2  }
0xb4: {  	s0 =	rddreg [dreg:$0x0];
	s2 =	stileid.u32  }
0xb5: {  	s1 =	rddreg [dreg:$0x1];
	p0 =	sne.s32 s2, $0x0  }
0xb6: {  	s3 =	rddreg [dreg:$0x2];
	[bflag:$0x3] =	sbarrier.arrive $0xFFFF;
	s2 =	simm.s32 @!p0 $0x1C01  }
0xb7: {  	[timem:s3], [sflag:s2] =	dma.local @!p0 [hbm:s0], s1  }
0xb8: {  	s0 =	simm.s32 @!p0 $0x1  }
0xb9: {  	_ =	swait.ge @!p0 [sflag:s0], s1  }
0xba: {  	s1 =	ssub.s32 @!p0 $0x0, s1;
	[sflag:s0] =	ssyncset.done @!p0 $0x0  }
0xbb: {  	[sflag:s0] =	ssyncadd.s32 @!p0 s1  }
0xbc: {  	[bflag:$0x3] =	sbarrier.arrive $0xFFFF  }
0xbd: {  	_ =	shalt  }

// kernel: kernel.20.cloned.1.call-start
scs
__scs_entry_jumppad:
0x0: {  	(pc) =	sbr.rel $0x88, $3  }
0x1: {  	(tag) =	ssettag $0x0;
	lr =	simm.s32 $0x1  }
0x2: {  	[smem:$0x3F79] =	sst lr;
	_ =	strace $0xD0000000  }
0x3: {  	_ = 	snop  }
0x4: {  	_ = 	snop  }
0x5: {  	_ = 	snop  }
0x6: {  	_ = 	snop  }
0x7: {  	_ = 	snop  }
__scs_overlays_trampoline_lowered:
0x8: {  	[smem:$0x3F88] =	sst s0  }
0x9: {  	[smem:$0x3F89] =	sst s1  }
0xa: {  	[smem:$0x3F8A] =	sst s2  }
0xb: {  	[smem:$0x3F8B] =	sst s3  }
0xc: {  	[smem:$0x3F8C] =	sst s4  }
0xd: {  	[smem:$0x3F8D] =	sst s5  }
0xe: {  	[smem:$0x3F8E] =	sst s6  }
0xf: {  	[smem:$0x3F8F] =	sst s7  }
0x10: {  	[smem:$0x3F90] =	sst s8  }
0x11: {  	[smem:$0x3F91] =	sst s9;
	s0 =	simm.s32 @!p0 $0x0  }
0x12: {  	s1 =	sld [smem:$0x3F77];
	s0 =	simm.s32 @p0 $0x1  }
0x13: {  	[smem:$0x3F92] =	sst s0;
	s0 =	simm.s32 @!p1 $0x0  }
0x14: {  	s2 =	sld [smem:$0x3F76];
	s0 =	simm.s32 @p1 $0x1  }
0x15: {  	[smem:$0x3F93] =	sst s0;
	s0 =	simm.s32 @!p2 $0x0  }
0x16: {  	s3 =	sld [smem:$0x3FDB];
	s0 =	simm.s32 @p2 $0x1  }
0x17: {  	s4 =	simm.s32 $0x1BF5;
	[smem:$0x3F95] =	sst s0  }
0x18: {  	s0 =	sld [smem:$0x3F78];
	_ =	swait.ge [sflag:s4], $0x0  }
0x19: {  	s7 =	sld [smem:$0x3F79]  }
0x1a: {  	s8 =	sadd.s32 $0xFFFFE003, lr  }
0x1b: {  	s9 =	sadd.s32 $0xFFFFFEF7, lr;
	s5 =	simm.s32 $0xFFFFFFFF;
	p2 =	slt.u32 s8, $0xFFFFF086  }
0x1c: {  	p1 =	slt.u32 s9, $0xF7A;
	s5 =	simm.s32 @!p2 $0x0  }
0x1d: {  	s5 =	simm.s32 @p1 $0x1;
	p0 =	seq.s32 s7, s2  }
0x1e: {  	s7 =	smul.u32 @!p0 $0xF7A, s2;
	p2 =	seq.s32 @!p0 s5, $0x0  }
0x1f: {  	s9 =	smul.u32 $0xF7A, s1;
	s8 =	simm.s32 @!p0 $0x1BF5;
	p2 =	por !p2, p0  }
0x20: {  	[sflag:s8] =	ssyncset.s32 @!p0 $0xFFFFF086;
	s6 =	sadd.s32 @!p0 s3, s7;
	s7 =	simm.s32 @!p0 $0x108  }
0x21: {  	s3 =	sadd.s32 s3, s9;
	s6 =	sadd.s32 @!p0 $0x88, s6;
	s7 =	simm.s32 @p2 $0x1082  }
0x22: {  	[simem:s7], [sflag:s8] =	dma.local @!p0 [hbm:s6], $0xF7A  }
0x23: {  	s9 =	sor.u32 $0xD0000000, s2;
	s6 =	simm.s32 $0x108;
	_ =	swait.ge @!p0 [sflag:s8], $0x0  }
0x24: {  	s3 =	sadd.s32 $0x88, s3;
	s6 =	simm.s32 @!p1 $0x1082;
	[sflag:s4] =	ssyncset.s32 $0xFFFFF086  }
0x25: {  	[simem:s6], [sflag:s4] =	dma.local [hbm:s3], $0xF7A  }
0x26: {  	[smem:$0x3F79] =	sst s1;
	(tag) =	ssettag s2;
	_ =	strace s9  }
0x27: {  	s1 =	sld [smem:$0x3F89]  }
0x28: {  	s2 =	sld [smem:$0x3F8A]  }
0x29: {  	s4 =	sld [smem:$0x3F8C]  }
0x2a: {  	p0 =	seq.s32 s5, $0x0;
	s5 =	sld [smem:$0x3F8D]  }
0x2b: {  	s6 =	sld [smem:$0x3F8E]  }
0x2c: {  	s7 =	sld [smem:$0x3F8F]  }
0x2d: {  	s3 =	simm.s32 $0x108;
	s8 =	sld [smem:$0x3F90]  }
0x2e: {  	s3 =	simm.s32 @!p0 $0x1082;
	s9 =	sld [smem:$0x3F91]  }
0x2f: {  	lr =	sadd.s32 s0, s3;
	s0 =	sld [smem:$0x3F88]  }
0x30: {  	s3 =	sld [smem:$0x3F8B]  }
0x31: {  	[smem:$0x3F94] =	sst s10  }
0x32: {  	s10 =	sld [smem:$0x3F92];
	_ =	sdelay $0x3  }
0x33: {  	p0 =	seq.s32 s10, $0x1;
	s10 =	sld [smem:$0x3F94];
	_ =	sdelay $0x3  }
0x34: {  	[smem:$0x3F94] =	sst s10  }
0x35: {  	s10 =	sld [smem:$0x3F93];
	_ =	sdelay $0x3  }
0x36: {  	p1 =	seq.s32 s10, $0x1;
	s10 =	sld [smem:$0x3F94];
	_ =	sdelay $0x3  }
0x37: {  	[smem:$0x3F94] =	sst s10  }
0x38: {  	s10 =	sld [smem:$0x3F95]  }
0x39: {  	_ = 	snop;
	(pc) =	sbr.ind lr, $3  }
0x3a: {  	_ = 	snop  }
0x3b: {  	_ = 	snop  }
0x3c: {  	p2 =	seq.s32 s10, $0x1;
	s10 =	sld [smem:$0x3F94]  }
0x3d: {  	_ =	shalt  }
0x3e: {  	_ =	shalt  }
0x3f: {  	_ =	shalt  }
0x40: {  	_ =	shalt  }
0x41: {  	_ =	shalt  }
0x42: {  	_ =	shalt  }
0x43: {  	_ =	shalt  }
0x44: {  	_ =	shalt  }
0x45: {  	_ =	shalt  }
0x46: {  	_ =	shalt  }
0x47: {  	_ =	shalt  }
0x48: {  	_ =	shalt  }
0x49: {  	_ =	shalt  }
0x4a: {  	_ =	shalt  }
0x4b: {  	_ =	shalt  }
0x4c: {  	_ =	shalt  }
0x4d: {  	_ =	shalt  }
0x4e: {  	_ =	shalt  }
0x4f: {  	_ =	shalt  }
0x50: {  	_ =	shalt  }
0x51: {  	_ =	shalt  }
0x52: {  	_ =	shalt  }
0x53: {  	_ =	shalt  }
0x54: {  	_ =	shalt  }
0x55: {  	_ =	shalt  }
0x56: {  	_ =	shalt  }
0x57: {  	_ =	shalt  }
0x58: {  	_ =	shalt  }
0x59: {  	_ =	shalt  }
0x5a: {  	_ =	shalt  }
0x5b: {  	_ =	shalt  }
0x5c: {  	_ =	shalt  }
0x5d: {  	_ =	shalt  }
0x5e: {  	_ =	shalt  }
0x5f: {  	_ =	shalt  }
0x60: {  	_ =	shalt  }
0x61: {  	_ =	shalt  }
0x62: {  	_ =	shalt  }
0x63: {  	_ =	shalt  }
0x64: {  	_ =	shalt  }
0x65: {  	_ =	shalt  }
0x66: {  	_ =	shalt  }
0x67: {  	_ =	shalt  }
0x68: {  	_ =	shalt  }
0x69: {  	_ =	shalt  }
0x6a: {  	_ =	shalt  }
0x6b: {  	_ =	shalt  }
0x6c: {  	_ =	shalt  }
0x6d: {  	_ =	shalt  }
0x6e: {  	_ =	shalt  }
0x6f: {  	_ =	shalt  }
0x70: {  	_ =	shalt  }
0x71: {  	_ =	shalt  }
0x72: {  	_ =	shalt  }
0x73: {  	_ =	shalt  }
0x74: {  	_ =	shalt  }
0x75: {  	_ =	shalt  }
0x76: {  	_ =	shalt  }
0x77: {  	_ =	shalt  }
0x78: {  	_ =	shalt  }
0x79: {  	_ =	shalt  }
0x7a: {  	_ =	shalt  }
0x7b: {  	_ =	shalt  }
0x7c: {  	_ =	shalt  }
0x7d: {  	_ =	shalt  }
0x7e: {  	_ =	shalt  }
0x7f: {  	_ =	shalt  }
0x80: {  	_ =	shalt  }
0x81: {  	_ =	shalt  }
0x82: {  	_ =	shalt  }
0x83: {  	_ =	shalt  }
0x84: {  	_ =	shalt  }
0x85: {  	_ =	shalt  }
0x86: {  	_ =	shalt  }
0x87: {  	_ =	shalt  }
.Lfunc_end0:
.L_simem_size_0:
called_computation.2_lowered:
.L_overlay_start_0:
0x88: {  	s2 =	sld [smem:$0x3FD9]  }
0x89: {  	s3 =	sld [smem:$0x3FFE];
	_ =	sdelay $0x1  }
0x8a: {  	s1 =	srdreg.scid  }
0x8b: {  	s0 =	sand.u32 $0x1, s1  }
0x8c: {  	s16 =	sshll.u32 s0, $0xA;
	s2 =	sadd.s32 s3, s2  }
0x8d: {  	s2 =	sadd.s32 s2, s16  }
0x8e: {  	[smem:$0x3FA0] =	sst s2  }
0x8f: {  	_ = 	snop  }
0x90: {  	(tm) =	ssettm $0x1  }
0x91: {  	s17 =	sld [smem:$0x3FFB];
	_ =	sdelay $0x3  }
0x92: {  	_ =	strace s17  }
0x93: {  	s2 =	sld [smem:$0x3FFC];
	_ =	sdelay $0x3  }
0x94: {  	_ =	strace s2  }
0x95: {  	s2 =	sld [smem:$0x3FFD];
	_ =	sdelay $0x3  }
0x96: {  	_ =	strace s2  }
0x97: {  	_ =	strace $0x8FFFFFFF  }
0x98: {  	s18 =	sld [smem:$0x3FDB];
	_ =	sdelay $0x1  }
0x99: {  	s19 =	simm.s32 $_scs_section_size  }
0x9a: {  	s4 =	simm.s32 $_size__tile_overlayer_lowered;
	s5 =	simm.s32 $_tile_overlayer_lowered  }
0x9b: {  	s22 =	simm.s32 $0x1BFF;
	s21 =	sshll.u32 s5, $0x1;
	s2 =	sadd.s32 s19, s18  }
0x9c: {  	s6 =	simm.s32 $0x0;
	s20 =	sshll.u32 s4, $0x1;
	s4 =	sadd.s32 s21, s2  }
0x9d: {  	[timem:s6], [sflag:s22] =	dma.local [hbm:s4], s20  }
0x9e: {  	_ =	swait.ge [sflag:s22], s20  }
0x9f: {  	s3 =	ssub.s32 $0x0, s20;
	[sflag:s22] =	ssyncset.done $0x0  }
0xa0: {  	[sflag:s22] =	ssyncadd.s32 s3;
	_ =	sdelay $0x1  }
0xa1: {  	s23 =	simm.s32 $0x1B8B  }
0xa2: {  	_ =	swait.ge [sflag:s23], $0x1  }
0xa3: {  	[sflag:s23] =	ssyncset.done $0x0  }
0xa4: {  	s25 =	simm.s32 $0x1B8E;
	s24 =	sld [smem:$0x3FFE];
	[sflag:s23] =	ssyncadd.s32 $0xFFFFFFFF  }
0xa5: {  	s26 =	simm.s32 $execute0_lowered;
	[smem:$0x3FD2] =	sst s25  }
0xa6: {  	s4 =	sshll.u32 s26, $0x1;
	_ =	strace $0x8000004C;
	[dreg:$0x1] =	wrdreg $0xFFFFFFFF  }
0xa7: {  	s28 =	simm.s32 $_size_execute0_lowered;
	s2 =	sadd.s32 s2, s4;
	[dreg:$0x0] =	wrdreg $0x0  }
0xa8: {  	s4 =	sshll.u32 s28, $0x1;
	[dreg:$0x2] =	wrdreg s2  }
0xa9: {  	[dreg:$0x3] =	wrdreg s4  }
0xaa: {  	[dreg:$0x4] =	wrdreg $0xC0  }
0xab: {  	_ =	task [dreg:s6], $0x5FFFF  }
0xac: {  	[dreg:$0x1] =	wrdreg $0xFFFFFFFF  }
0xad: {  	[dreg:$0x0] =	wrdreg $0x60  }
0xae: {  	[dreg:$0x2] =	wrdreg s24  }
0xaf: {  	[dreg:$0x3] =	wrdreg $0x9  }
0xb0: {  	_ =	task.clear_ibuf [dreg:s6], $0x4FFFF;
	_ =	strace $0x9000004C  }
0xb1: {  	s29 =	simm.s32 $0x9;
	_ =	strace $0x8000004E  }
0xb2: {  	_ =	swait.ge [sflag:s29], $0x1  }
0xb3: {  	[sflag:s29] =	ssyncadd.s32 $0xFFFFFFFF  }
0xb4: {  	_ =	strace $0x9000004E  }
0xb5: {  	_ =	sfence  }
0xb6: {  	s30 =	sld [smem:$0x0];
	_ =	sdelay $0x2  }
0xb7: {  	s31 =	sshll.u32 s1, $0xD;
	s1 =	sshrl.u32 s1, $0x2  }
0xb8: {  	s3 =	sand.u32 $0x4000, s31;
	s1 =	sadd.s32 s1, s30  }
0xb9: {  	s0 =	sor.u32 s3, s0;
	s1 =	sshll.u32 s1, $0x11  }
0xba: {  	s0 =	sor.u32 s1, s0  }
0xbb: {  	s0 =	sadd.s32 $0x8F2B, s0  }
0xbc: {  	[sflag:s0] =	ssyncadd.remote.s32 $0x1  }
0xbd: {  	_ =	sfence.sel $0xFFFF  }
0xbe: {  	[dreg:$0x0] =	wrdreg $0xFFFFFFFF;
	(pc) =	sbr.abs _section_cstart, $3  }
0xbf: {  	[dreg:$0x1] =	wrdreg $0xFFFFFFFF  }
0xc0: {  	_ =	task.clear_ibuf [dreg:s6], $0x2FFFF;
	_ =	strace $0x9FFFFFFF  }
0xc1: {  	(tm) =	ssettm $0x7FFFFFFF  }
tec
execute0_lowered:
.L_overlay_start_1:
0x0: {  	(tag) =	ssettag $0x1  }
0x1: {  	s5 =	rddreg [dreg:$0x0]  }
0x2: {  	s0 =	rddreg [dreg:$0x1];
	s3 =	srdreg.scid  }
0x3: {  	s1 =	stileid.u32;
	s2 =	simm.s32 $0x0;
	s12 =	simm.s32 $0x7D  }
0x4: {  	s13 =	simm.s32 $0x5000;
	s14 =	simm.s32 $0x6F40;
	s15 =	simm.s32 $0x8E80  }
0x5: {  	s16 =	simm.s32 $0xADC0;
	s17 =	simm.s32 $0xCD00;
	s18 =	simm.s32 $0xEC40  }
0x6: {  	s19 =	simm.s32 $0x10B80;
	s20 =	simm.s32 $0x12AC0;
	s21 =	simm.s32 $0x1  }
0x7: {  	s22 =	simm.s32 $0x0;
	s6 =	sand.u32 $0x1, s3;
	s30 =	sshll.u32 s1, $0x1  }
0x8: {  	[smem:$0x7FF] =	sst s2;
	s3 =	sadd.s32 $0xC7000, s5;
	s8 =	smul.u32 $0x27100, s1  }
0x9: {  	s4 =	sor.u32 s6, s30;
	s9 =	ssub.s32 $0x2, s6;
	s11 =	smul.u32 $0x13880, s6  }
0xa: {  	_ =	strace $0x8000004D;
	s7 =	smul.u32 $0x500, s4;
	s10 =	sshrl.u32 s9, $0x1  }
0xb: {  	s4 =	sadd.s32 $0x5B600, s5;
	s8 =	sadd.s32 s8, s5;
	s9 =	ssub.s32 s9, s10  }
0xc: {  	s31 =	sadd.s32 s11, s8;
	s10 =	simm.s32 $0x2;
	s7 =	sadd.s32 s7, s5  }
0xd: {  	s11 =	simm.s32 $0x2800;
	s8 =	sadd.s32 $0x34C000, s31;
	s5 =	sadd.s32 $0x20400, s7  }
0xe: {  	s6 =	sadd.s32 $0x16400, s7;
	s7 =	smax.u32 s9, $0x1;
	s9 =	sadd.s32 $0xDB000, s31  }
.LBB2_1:
0xf: {  	[tilespmem:s2], [sflag:$0x2] =	stream.linear.gather [hbm4b:s5+s2], $0x2800, $0x38;
	[tilespmem:$0x14A00] =	vst v63  }
0x10: {  	_ =	swait.ge [sflag:s10], $0x2800  }
0x11: {  	[sflag:s10] =	ssyncset.done $0x0  }
0x12: {  	[sflag:s10] =	ssyncadd.s32 $0xFFFFD800  }
0x13: {  	[tilespmem:s11], [sflag:$0x2] =	stream.linear.gather [hbm4b:s6+s2], $0x2800, $0x38;
	[tilespmem:$0x14A00] =	vst v63  }
0x14: {  	_ =	swait.ge [sflag:s10], $0x2800  }
0x15: {  	[sflag:s10] =	ssyncset.done $0x0  }
0x16: {  	s23 =	simm.s32 $0x0;
	[sflag:s10] =	ssyncadd.s32 $0xFFFFD800  }
0x17: {  	[tilespmem:s13], [sflag:$0x1] =	stream.indirect.gather [hbm4b:s3+s12], $0x40, s23, s12, $0xb8;
	[tilespmem:$0x14A00] =	vst v63  }
0x18: {  	s28 =	simm.s32 $0x80  }
0x19: {  	[tilespmem:s14], [sflag:$0x1] =	stream.indirect.gather [hbm4b:s3+s12], $0x40, s28, s12, $0xb8;
	[tilespmem:$0x14A00] =	vst v63  }
0x1a: {  	s30 =	simm.s32 $0x100  }
0x1b: {  	[tilespmem:s15], [sflag:$0x1] =	stream.indirect.gather [hbm4b:s3+s12], $0x40, s30, s12, $0xb8;
	[tilespmem:$0x14A00] =	vst v63  }
0x1c: {  	s31 =	simm.s32 $0x180  }
0x1d: {  	[tilespmem:s16], [sflag:$0x1] =	stream.indirect.gather [hbm4b:s3+s12], $0x40, s31, s12, $0xb8;
	[tilespmem:$0x14A00] =	vst v63  }
0x1e: {  	s24 =	simm.s32 $0x200  }
0x1f: {  	[tilespmem:s17], [sflag:$0x1] =	stream.indirect.gather [hbm4b:s3+s12], $0x40, s24, s12, $0xb8;
	[tilespmem:$0x14A00] =	vst v63  }
0x20: {  	s25 =	simm.s32 $0x280  }
0x21: {  	[tilespmem:s18], [sflag:$0x1] =	stream.indirect.gather [hbm4b:s3+s12], $0x40, s25, s12, $0xb8;
	[tilespmem:$0x14A00] =	vst v63  }
0x22: {  	s26 =	simm.s32 $0x300  }
0x23: {  	[tilespmem:s19], [sflag:$0x1] =	stream.indirect.gather [hbm4b:s3+s12], $0x40, s26, s12, $0xb8;
	[tilespmem:$0x14A00] =	vst v63  }
0x24: {  	s28 =	simm.s32 $0x380  }
0x25: {  	[tilespmem:s20], [sflag:$0x1] =	stream.indirect.gather [hbm4b:s3+s12], $0x40, s28, s12, $0xb8;
	[tilespmem:$0x14A00] =	vst v63  }
0x26: {  	_ =	swait.ge [sflag:s21], $0x1F40  }
0x27: {  	[sflag:s21] =	ssyncset.done $0x0  }
0x28: {  	[sflag:s21] =	ssyncadd.s32 $0xFFFFE0C0  }
0x29: {  	_ =	swait.ge [sflag:s21], $0x1F40  }
0x2a: {  	[sflag:s21] =	ssyncset.done $0x0  }
0x2b: {  	[sflag:s21] =	ssyncadd.s32 $0xFFFFE0C0  }
0x2c: {  	_ =	swait.ge [sflag:s21], $0x1F40  }
0x2d: {  	[sflag:s21] =	ssyncset.done $0x0  }
0x2e: {  	[sflag:s21] =	ssyncadd.s32 $0xFFFFE0C0  }
0x2f: {  	_ =	swait.ge [sflag:s21], $0x1F40  }
0x30: {  	[sflag:s21] =	ssyncset.done $0x0  }
0x31: {  	[sflag:s21] =	ssyncadd.s32 $0xFFFFE0C0  }
0x32: {  	_ =	swait.ge [sflag:s21], $0x1F40  }
0x33: {  	[sflag:s21] =	ssyncset.done $0x0  }
0x34: {  	[sflag:s21] =	ssyncadd.s32 $0xFFFFE0C0  }
0x35: {  	_ =	swait.ge [sflag:s21], $0x1F40  }
0x36: {  	[sflag:s21] =	ssyncset.done $0x0  }
0x37: {  	[sflag:s21] =	ssyncadd.s32 $0xFFFFE0C0  }
0x38: {  	_ =	swait.ge [sflag:s21], $0x1F40  }
0x39: {  	[sflag:s21] =	ssyncset.done $0x0  }
0x3a: {  	[sflag:s21] =	ssyncadd.s32 $0xFFFFE0C0  }
0x3b: {  	_ =	swait.ge [sflag:s21], $0x1F40  }
0x3c: {  	[sflag:s21] =	ssyncset.done $0x0  }
0x3d: {  	[sflag:s21] =	ssyncadd.s32 $0xFFFFE0C0  }
0x3e: {  	[hbm4b:s9+s2] =	stream.linear.scatter [tilespmem:s13], [sflag:$0x2], $0xFA00, $0x38;
	[tilespmem:$0x14A00] =	vst v63  }
0x3f: {  	_ =	swait.ge [sflag:s10], $0xFA00  }
0x40: {  	[sflag:s10] =	ssyncset.done $0x0  }
0x41: {  	s30 =	simm.s32 $0x2800;
	[sflag:s10] =	ssyncadd.s32 $0xFFFF0600  }
0x42: {  	[tilespmem:s13], [sflag:$0x1] =	stream.indirect.gather [hbm4b:s4+s12], $0x40, s30, s12, $0xb8;
	[tilespmem:$0x14A00] =	vst v63  }
0x43: {  	s31 =	simm.s32 $0x2880  }
0x44: {  	[tilespmem:s14], [sflag:$0x1] =	stream.indirect.gather [hbm4b:s4+s12], $0x40, s31, s12, $0xb8;
	[tilespmem:$0x14A00] =	vst v63  }
0x45: {  	s24 =	simm.s32 $0x2900  }
0x46: {  	[tilespmem:s15], [sflag:$0x1] =	stream.indirect.gather [hbm4b:s4+s12], $0x40, s24, s12, $0xb8;
	[tilespmem:$0x14A00] =	vst v63  }
0x47: {  	s25 =	simm.s32 $0x2980  }
0x48: {  	[tilespmem:s16], [sflag:$0x1] =	stream.indirect.gather [hbm4b:s4+s12], $0x40, s25, s12, $0xb8;
	[tilespmem:$0x14A00] =	vst v63  }
0x49: {  	s26 =	simm.s32 $0x2A00  }
0x4a: {  	[tilespmem:s17], [sflag:$0x1] =	stream.indirect.gather [hbm4b:s4+s12], $0x40, s26, s12, $0xb8;
	[tilespmem:$0x14A00] =	vst v63  }
0x4b: {  	s28 =	simm.s32 $0x2A80  }
0x4c: {  	[tilespmem:s18], [sflag:$0x1] =	stream.indirect.gather [hbm4b:s4+s12], $0x40, s28, s12, $0xb8;
	[tilespmem:$0x14A00] =	vst v63  }
0x4d: {  	s30 =	simm.s32 $0x2B00  }
0x4e: {  	[tilespmem:s19], [sflag:$0x1] =	stream.indirect.gather [hbm4b:s4+s12], $0x40, s30, s12, $0xb8;
	[tilespmem:$0x14A00] =	vst v63  }
0x4f: {  	s31 =	simm.s32 $0x2B80  }
0x50: {  	[tilespmem:s20], [sflag:$0x1] =	stream.indirect.gather [hbm4b:s4+s12], $0x40, s31, s12, $0xb8;
	[tilespmem:$0x14A00] =	vst v63  }
0x51: {  	_ =	swait.ge [sflag:s21], $0x1F40  }
0x52: {  	[sflag:s21] =	ssyncset.done $0x0  }
0x53: {  	[sflag:s21] =	ssyncadd.s32 $0xFFFFE0C0  }
0x54: {  	_ =	swait.ge [sflag:s21], $0x1F40  }
0x55: {  	[sflag:s21] =	ssyncset.done $0x0  }
0x56: {  	[sflag:s21] =	ssyncadd.s32 $0xFFFFE0C0  }
0x57: {  	_ =	swait.ge [sflag:s21], $0x1F40  }
0x58: {  	[sflag:s21] =	ssyncset.done $0x0  }
0x59: {  	[sflag:s21] =	ssyncadd.s32 $0xFFFFE0C0  }
0x5a: {  	_ =	swait.ge [sflag:s21], $0x1F40  }
0x5b: {  	[sflag:s21] =	ssyncset.done $0x0  }
0x5c: {  	[sflag:s21] =	ssyncadd.s32 $0xFFFFE0C0  }
0x5d: {  	_ =	swait.ge [sflag:s21], $0x1F40  }
0x5e: {  	[sflag:s21] =	ssyncset.done $0x0  }
0x5f: {  	[sflag:s21] =	ssyncadd.s32 $0xFFFFE0C0  }
0x60: {  	_ =	swait.ge [sflag:s21], $0x1F40  }
0x61: {  	[sflag:s21] =	ssyncset.done $0x0  }
0x62: {  	[sflag:s21] =	ssyncadd.s32 $0xFFFFE0C0  }
0x63: {  	_ =	swait.ge [sflag:s21], $0x1F40  }
0x64: {  	[sflag:s21] =	ssyncset.done $0x0  }
0x65: {  	[sflag:s21] =	ssyncadd.s32 $0xFFFFE0C0  }
0x66: {  	_ =	swait.ge [sflag:s21], $0x1F40  }
0x67: {  	[sflag:s21] =	ssyncset.done $0x0  }
0x68: {  	[sflag:s21] =	ssyncadd.s32 $0xFFFFE0C0  }
0x69: {  	[hbm4b:s8+s2] =	stream.linear.scatter [tilespmem:s13], [sflag:$0x2], $0xFA00, $0x38;
	[tilespmem:$0x14A00] =	vst v63  }
0x6a: {  	s29 =	simm.s32 $0x2000;
	s23 =	sadd.s32 $0x1F40, s8;
	_ =	swait.ge [sflag:s10], $0xFA00  }
0x6b: {  	s24 =	sadd.s32 $0x1F40, s9;
	s25 =	simm.s32 $0x1000;
	[sflag:s10] =	ssyncset.done $0x0  }
.LBB2_2:
0x6c: {  	s28 =	sshra.s32 s25, $0x2  }
0x6d: {  	[sflag:s10] =	ssyncadd.s32 $0xFFFF0600;
	s25 =	smov.u32 s29;
	s26 =	sadd.s32 $0x1000, s29  }
0x6e: {  	[tilespmem:s13], [sflag:$0x1] =	stream.indirect.gather [hbm4b:s3+s12], $0x40, s28, s12, $0xb8;
	[tilespmem:$0x14A00] =	vst v63  }
0x6f: {  	p0 =	sne.s32 s29, $0x9000;
	s29 =	sadd.s32 $0x80, s28  }
0x70: {  	[tilespmem:s14], [sflag:$0x1] =	stream.indirect.gather [hbm4b:s3+s12], $0x40, s29, s12, $0xb8;
	[tilespmem:$0x14A00] =	vst v63  }
0x71: {  	s29 =	sadd.s32 $0x100, s28  }
0x72: {  	[tilespmem:s15], [sflag:$0x1] =	stream.indirect.gather [hbm4b:s3+s12], $0x40, s29, s12, $0xb8;
	[tilespmem:$0x14A00] =	vst v63  }
0x73: {  	s29 =	sadd.s32 $0x180, s28  }
0x74: {  	[tilespmem:s16], [sflag:$0x1] =	stream.indirect.gather [hbm4b:s3+s12], $0x40, s29, s12, $0xb8;
	[tilespmem:$0x14A00] =	vst v63  }
0x75: {  	s29 =	sadd.s32 $0x200, s28  }
0x76: {  	[tilespmem:s17], [sflag:$0x1] =	stream.indirect.gather [hbm4b:s3+s12], $0x40, s29, s12, $0xb8;
	[tilespmem:$0x14A00] =	vst v63  }
0x77: {  	s29 =	sadd.s32 $0x280, s28  }
0x78: {  	[tilespmem:s18], [sflag:$0x1] =	stream.indirect.gather [hbm4b:s3+s12], $0x40, s29, s12, $0xb8;
	[tilespmem:$0x14A00] =	vst v63  }
0x79: {  	s29 =	sadd.s32 $0x300, s28  }
0x7a: {  	[tilespmem:s19], [sflag:$0x1] =	stream.indirect.gather [hbm4b:s3+s12], $0x40, s29, s12, $0xb8;
	[tilespmem:$0x14A00] =	vst v63  }
0x7b: {  	s29 =	sadd.s32 $0x380, s28  }
0x7c: {  	[tilespmem:s20], [sflag:$0x1] =	stream.indirect.gather [hbm4b:s3+s12], $0x40, s29, s12, $0xb8;
	[tilespmem:$0x14A00] =	vst v63  }
0x7d: {  	_ =	swait.ge [sflag:s21], $0x1F40  }
0x7e: {  	[sflag:s21] =	ssyncset.done $0x0  }
0x7f: {  	[sflag:s21] =	ssyncadd.s32 $0xFFFFE0C0  }
0x80: {  	_ =	swait.ge [sflag:s21], $0x1F40  }
0x81: {  	[sflag:s21] =	ssyncset.done $0x0  }
0x82: {  	[sflag:s21] =	ssyncadd.s32 $0xFFFFE0C0  }
0x83: {  	_ =	swait.ge [sflag:s21], $0x1F40  }
0x84: {  	[sflag:s21] =	ssyncset.done $0x0  }
0x85: {  	[sflag:s21] =	ssyncadd.s32 $0xFFFFE0C0  }
0x86: {  	_ =	swait.ge [sflag:s21], $0x1F40  }
0x87: {  	[sflag:s21] =	ssyncset.done $0x0  }
0x88: {  	[sflag:s21] =	ssyncadd.s32 $0xFFFFE0C0  }
0x89: {  	_ =	swait.ge [sflag:s21], $0x1F40  }
0x8a: {  	[sflag:s21] =	ssyncset.done $0x0  }
0x8b: {  	[sflag:s21] =	ssyncadd.s32 $0xFFFFE0C0  }
0x8c: {  	_ =	swait.ge [sflag:s21], $0x1F40  }
0x8d: {  	[sflag:s21] =	ssyncset.done $0x0  }
0x8e: {  	[sflag:s21] =	ssyncadd.s32 $0xFFFFE0C0  }
0x8f: {  	_ =	swait.ge [sflag:s21], $0x1F40  }
0x90: {  	[sflag:s21] =	ssyncset.done $0x0  }
0x91: {  	[sflag:s21] =	ssyncadd.s32 $0xFFFFE0C0  }
0x92: {  	_ =	swait.ge [sflag:s21], $0x1F40  }
0x93: {  	[sflag:s21] =	ssyncset.done $0x0  }
0x94: {  	[sflag:s21] =	ssyncadd.s32 $0xFFFFE0C0  }
0x95: {  	[hbm4b:s24+s2] =	stream.linear.scatter [tilespmem:s13], [sflag:$0x2], $0xFA00, $0x38;
	[tilespmem:$0x14A00] =	vst v63  }
0x96: {  	_ =	swait.ge [sflag:s10], $0xFA00  }
0x97: {  	[sflag:s10] =	ssyncset.done $0x0  }
0x98: {  	s29 =	sadd.s32 $0x2800, s28;
	[sflag:s10] =	ssyncadd.s32 $0xFFFF0600  }
0x99: {  	[tilespmem:s13], [sflag:$0x1] =	stream.indirect.gather [hbm4b:s4+s12], $0x40, s29, s12, $0xb8;
	[tilespmem:$0x14A00] =	vst v63  }
0x9a: {  	s29 =	sadd.s32 $0x2880, s28  }
0x9b: {  	[tilespmem:s14], [sflag:$0x1] =	stream.indirect.gather [hbm4b:s4+s12], $0x40, s29, s12, $0xb8;
	[tilespmem:$0x14A00] =	vst v63  }
0x9c: {  	s29 =	sadd.s32 $0x2900, s28  }
0x9d: {  	[tilespmem:s15], [sflag:$0x1] =	stream.indirect.gather [hbm4b:s4+s12], $0x40, s29, s12, $0xb8;
	[tilespmem:$0x14A00] =	vst v63  }
0x9e: {  	s29 =	sadd.s32 $0x2980, s28  }
0x9f: {  	[tilespmem:s16], [sflag:$0x1] =	stream.indirect.gather [hbm4b:s4+s12], $0x40, s29, s12, $0xb8;
	[tilespmem:$0x14A00] =	vst v63  }
0xa0: {  	s29 =	sadd.s32 $0x2A00, s28  }
0xa1: {  	[tilespmem:s17], [sflag:$0x1] =	stream.indirect.gather [hbm4b:s4+s12], $0x40, s29, s12, $0xb8;
	[tilespmem:$0x14A00] =	vst v63  }
0xa2: {  	s29 =	sadd.s32 $0x2A80, s28  }
0xa3: {  	[tilespmem:s18], [sflag:$0x1] =	stream.indirect.gather [hbm4b:s4+s12], $0x40, s29, s12, $0xb8;
	[tilespmem:$0x14A00] =	vst v63  }
0xa4: {  	s29 =	sadd.s32 $0x2B00, s28  }
0xa5: {  	[tilespmem:s19], [sflag:$0x1] =	stream.indirect.gather [hbm4b:s4+s12], $0x40, s29, s12, $0xb8;
	[tilespmem:$0x14A00] =	vst v63  }
0xa6: {  	s28 =	sadd.s32 $0x2B80, s28  }
0xa7: {  	[tilespmem:s20], [sflag:$0x1] =	stream.indirect.gather [hbm4b:s4+s12], $0x40, s28, s12, $0xb8;
	[tilespmem:$0x14A00] =	vst v63  }
0xa8: {  	_ =	swait.ge [sflag:s21], $0x1F40  }
0xa9: {  	[sflag:s21] =	ssyncset.done $0x0  }
0xaa: {  	[sflag:s21] =	ssyncadd.s32 $0xFFFFE0C0  }
0xab: {  	_ =	swait.ge [sflag:s21], $0x1F40  }
0xac: {  	[sflag:s21] =	ssyncset.done $0x0  }
0xad: {  	[sflag:s21] =	ssyncadd.s32 $0xFFFFE0C0  }
0xae: {  	_ =	swait.ge [sflag:s21], $0x1F40  }
0xaf: {  	[sflag:s21] =	ssyncset.done $0x0  }
0xb0: {  	[sflag:s21] =	ssyncadd.s32 $0xFFFFE0C0  }
0xb1: {  	_ =	swait.ge [sflag:s21], $0x1F40  }
0xb2: {  	[sflag:s21] =	ssyncset.done $0x0  }
0xb3: {  	[sflag:s21] =	ssyncadd.s32 $0xFFFFE0C0  }
0xb4: {  	_ =	swait.ge [sflag:s21], $0x1F40  }
0xb5: {  	[sflag:s21] =	ssyncset.done $0x0  }
0xb6: {  	[sflag:s21] =	ssyncadd.s32 $0xFFFFE0C0  }
0xb7: {  	_ =	swait.ge [sflag:s21], $0x1F40  }
0xb8: {  	[sflag:s21] =	ssyncset.done $0x0  }
0xb9: {  	[sflag:s21] =	ssyncadd.s32 $0xFFFFE0C0  }
0xba: {  	_ =	swait.ge [sflag:s21], $0x1F40  }
0xbb: {  	[sflag:s21] =	ssyncset.done $0x0  }
0xbc: {  	[sflag:s21] =	ssyncadd.s32 $0xFFFFE0C0  }
0xbd: {  	_ =	swait.ge [sflag:s21], $0x1F40  }
.Ltmp0:
0xbe: {  	[sflag:s21] =	ssyncset.done $0x0;
	(pc) =	sbr.rel @p0 .LBB2_2-.Ltmp0, $4  }
0xbf: {  	[sflag:s21] =	ssyncadd.s32 $0xFFFFE0C0  }
0xc0: {  	[hbm4b:s23+s2] =	stream.linear.scatter [tilespmem:s13], [sflag:$0x2], $0xFA00, $0x38;
	[tilespmem:$0x14A00] =	vst v63  }
0xc1: {  	s24 =	sadd.s32 $0x1F40, s24;
	_ =	swait.ge [sflag:s10], $0xFA00  }
0xc2: {  	s29 =	smov.u32 s26;
	s23 =	sadd.s32 $0x1F40, s23;
	[sflag:s10] =	ssyncset.done $0x0  }
0xc3: {  	s25 =	sshra.s32 s25, $0x2;
	[sflag:s10] =	ssyncadd.s32 $0xFFFF0600  }
0xc4: {  	[tilespmem:s13], [sflag:$0x1] =	stream.indirect.gather [hbm4b:s3+s12], $0x40, s25, s12, $0xb8;
	[tilespmem:$0x14A00] =	vst v63  }
0xc5: {  	s26 =	sadd.s32 $0x80, s25  }
0xc6: {  	[tilespmem:s14], [sflag:$0x1] =	stream.indirect.gather [hbm4b:s3+s12], $0x40, s26, s12, $0xb8;
	[tilespmem:$0x14A00] =	vst v63  }
0xc7: {  	s31 =	sadd.s32 $0x100, s25  }
0xc8: {  	[tilespmem:s15], [sflag:$0x1] =	stream.indirect.gather [hbm4b:s3+s12], $0x40, s31, s12, $0xb8;
	[tilespmem:$0x14A00] =	vst v63  }
0xc9: {  	s28 =	sadd.s32 $0x180, s25  }
0xca: {  	[tilespmem:s16], [sflag:$0x1] =	stream.indirect.gather [hbm4b:s3+s12], $0x40, s28, s12, $0xb8;
	[tilespmem:$0x14A00] =	vst v63  }
0xcb: {  	s29 =	sadd.s32 $0x200, s25  }
0xcc: {  	[tilespmem:s17], [sflag:$0x1] =	stream.indirect.gather [hbm4b:s3+s12], $0x40, s29, s12, $0xb8;
	[tilespmem:$0x14A00] =	vst v63  }
0xcd: {  	s30 =	sadd.s32 $0x280, s25  }
0xce: {  	[tilespmem:s18], [sflag:$0x1] =	stream.indirect.gather [hbm4b:s3+s12], $0x40, s30, s12, $0xb8;
	[tilespmem:$0x14A00] =	vst v63  }
0xcf: {  	s31 =	sadd.s32 $0x300, s25  }
0xd0: {  	[tilespmem:s19], [sflag:$0x1] =	stream.indirect.gather [hbm4b:s3+s12], $0x40, s31, s12, $0xb8;
	[tilespmem:$0x14A00] =	vst v63  }
0xd1: {  	s28 =	sadd.s32 $0x380, s25  }
0xd2: {  	[tilespmem:s20], [sflag:$0x1] =	stream.indirect.gather [hbm4b:s3+s12], $0x40, s28, s12, $0xb8;
	[tilespmem:$0x14A00] =	vst v63  }
0xd3: {  	_ =	swait.ge [sflag:s21], $0x1F40  }
0xd4: {  	[sflag:s21] =	ssyncset.done $0x0  }
0xd5: {  	[sflag:s21] =	ssyncadd.s32 $0xFFFFE0C0  }
0xd6: {  	_ =	swait.ge [sflag:s21], $0x1F40  }
0xd7: {  	[sflag:s21] =	ssyncset.done $0x0  }
0xd8: {  	[sflag:s21] =	ssyncadd.s32 $0xFFFFE0C0  }
0xd9: {  	_ =	swait.ge [sflag:s21], $0x1F40  }
0xda: {  	[sflag:s21] =	ssyncset.done $0x0  }
0xdb: {  	[sflag:s21] =	ssyncadd.s32 $0xFFFFE0C0  }
0xdc: {  	_ =	swait.ge [sflag:s21], $0x1F40  }
0xdd: {  	[sflag:s21] =	ssyncset.done $0x0  }
0xde: {  	[sflag:s21] =	ssyncadd.s32 $0xFFFFE0C0  }
0xdf: {  	_ =	swait.ge [sflag:s21], $0x1F40  }
0xe0: {  	[sflag:s21] =	ssyncset.done $0x0  }
0xe1: {  	[sflag:s21] =	ssyncadd.s32 $0xFFFFE0C0  }
0xe2: {  	_ =	swait.ge [sflag:s21], $0x1F40  }
0xe3: {  	[sflag:s21] =	ssyncset.done $0x0  }
0xe4: {  	[sflag:s21] =	ssyncadd.s32 $0xFFFFE0C0  }
0xe5: {  	_ =	swait.ge [sflag:s21], $0x1F40  }
0xe6: {  	[sflag:s21] =	ssyncset.done $0x0  }
0xe7: {  	[sflag:s21] =	ssyncadd.s32 $0xFFFFE0C0  }
0xe8: {  	_ =	swait.ge [sflag:s21], $0x1F40  }
0xe9: {  	[sflag:s21] =	ssyncset.done $0x0  }
0xea: {  	[sflag:s21] =	ssyncadd.s32 $0xFFFFE0C0  }
0xeb: {  	[hbm4b:s24+s2] =	stream.linear.scatter [tilespmem:s13], [sflag:$0x2], $0xFA00, $0x38;
	[tilespmem:$0x14A00] =	vst v63  }
0xec: {  	_ =	swait.ge [sflag:s10], $0xFA00  }
0xed: {  	[sflag:s10] =	ssyncset.done $0x0  }
0xee: {  	s29 =	sadd.s32 $0x2800, s25;
	[sflag:s10] =	ssyncadd.s32 $0xFFFF0600  }
0xef: {  	[tilespmem:s13], [sflag:$0x1] =	stream.indirect.gather [hbm4b:s4+s12], $0x40, s29, s12, $0xb8;
	[tilespmem:$0x14A00] =	vst v63  }
0xf0: {  	s30 =	sadd.s32 $0x2880, s25  }
0xf1: {  	[tilespmem:s14], [sflag:$0x1] =	stream.indirect.gather [hbm4b:s4+s12], $0x40, s30, s12, $0xb8;
	[tilespmem:$0x14A00] =	vst v63  }
0xf2: {  	s31 =	sadd.s32 $0x2900, s25  }
0xf3: {  	[tilespmem:s15], [sflag:$0x1] =	stream.indirect.gather [hbm4b:s4+s12], $0x40, s31, s12, $0xb8;
	[tilespmem:$0x14A00] =	vst v63  }
0xf4: {  	s26 =	sadd.s32 $0x2980, s25  }
0xf5: {  	[tilespmem:s16], [sflag:$0x1] =	stream.indirect.gather [hbm4b:s4+s12], $0x40, s26, s12, $0xb8;
	[tilespmem:$0x14A00] =	vst v63  }
0xf6: {  	s28 =	sadd.s32 $0x2A00, s25  }
0xf7: {  	[tilespmem:s17], [sflag:$0x1] =	stream.indirect.gather [hbm4b:s4+s12], $0x40, s28, s12, $0xb8;
	[tilespmem:$0x14A00] =	vst v63  }
0xf8: {  	s29 =	sadd.s32 $0x2A80, s25  }
0xf9: {  	[tilespmem:s18], [sflag:$0x1] =	stream.indirect.gather [hbm4b:s4+s12], $0x40, s29, s12, $0xb8;
	[tilespmem:$0x14A00] =	vst v63  }
0xfa: {  	s30 =	sadd.s32 $0x2B00, s25  }
0xfb: {  	[tilespmem:s19], [sflag:$0x1] =	stream.indirect.gather [hbm4b:s4+s12], $0x40, s30, s12, $0xb8;
	[tilespmem:$0x14A00] =	vst v63  }
0xfc: {  	s31 =	sadd.s32 $0x2B80, s25  }
0xfd: {  	[tilespmem:s20], [sflag:$0x1] =	stream.indirect.gather [hbm4b:s4+s12], $0x40, s31, s12, $0xb8;
	[tilespmem:$0x14A00] =	vst v63  }
0xfe: {  	_ =	swait.ge [sflag:s21], $0x1F40  }
0xff: {  	[sflag:s21] =	ssyncset.done $0x0  }
0x100: {  	[sflag:s21] =	ssyncadd.s32 $0xFFFFE0C0  }
0x101: {  	_ =	swait.ge [sflag:s21], $0x1F40  }
0x102: {  	[sflag:s21] =	ssyncset.done $0x0  }
0x103: {  	[sflag:s21] =	ssyncadd.s32 $0xFFFFE0C0  }
0x104: {  	_ =	swait.ge [sflag:s21], $0x1F40  }
0x105: {  	[sflag:s21] =	ssyncset.done $0x0  }
0x106: {  	[sflag:s21] =	ssyncadd.s32 $0xFFFFE0C0  }
0x107: {  	_ =	swait.ge [sflag:s21], $0x1F40  }
0x108: {  	[sflag:s21] =	ssyncset.done $0x0  }
0x109: {  	[sflag:s21] =	ssyncadd.s32 $0xFFFFE0C0  }
0x10a: {  	_ =	swait.ge [sflag:s21], $0x1F40  }
0x10b: {  	[sflag:s21] =	ssyncset.done $0x0  }
0x10c: {  	[sflag:s21] =	ssyncadd.s32 $0xFFFFE0C0  }
0x10d: {  	_ =	swait.ge [sflag:s21], $0x1F40  }
0x10e: {  	[sflag:s21] =	ssyncset.done $0x0  }
0x10f: {  	[sflag:s21] =	ssyncadd.s32 $0xFFFFE0C0  }
0x110: {  	_ =	swait.ge [sflag:s21], $0x1F40  }
0x111: {  	[sflag:s21] =	ssyncset.done $0x0  }
0x112: {  	[sflag:s21] =	ssyncadd.s32 $0xFFFFE0C0  }
0x113: {  	s22 =	sadd.s32 $0x1, s22;
	_ =	swait.ge [sflag:s21], $0x1F40  }
0x114: {  	p0 =	sne.s32 s22, s7;
	[sflag:s21] =	ssyncset.done $0x0  }
.Ltmp1:
0x115: {  	[sflag:s21] =	ssyncadd.s32 $0xFFFFE0C0;
	(pc) =	sbr.rel @p0 .LBB2_1-.Ltmp1, $4  }
0x116: {  	[hbm4b:s23+s2] =	stream.linear.scatter [tilespmem:s13], [sflag:$0x2], $0xFA00, $0x38;
	[tilespmem:$0x14A00] =	vst v63  }
0x117: {  	_ =	swait.ge [sflag:s10], $0xFA00  }
0x118: {  	[sflag:s10] =	ssyncset.done $0x0  }
0x119: {  	[sflag:s10] =	ssyncadd.s32 $0xFFFF0600  }
0x11a: {  	_ =	sfence.sel $0x180000  }
0x11b: {  	[bflag:$0x0] =	sbarrier.arrive $0xFFFF  }
0x11c: {  	p0 =	sne.s32 s1, $0x0;
	_ =	strace $0x9000004D  }
0x11d: {  	s0 =	sadd.s32 @!p0 $0x100000, s0;
	[bflag:$0x2] =	sbarrier.arrive $0xFFFF  }
0x11e: {  	[sflag:s0] =	ssyncadd.tile.s32 @!p0 $0x1;
	_ =	shalt  }
.Lfunc_end2:
_tile_overlayer_lowered:
.L_overlay_start_2:
0x11f: {  	(tag) =	ssettag $0x2  }
0x120: {  	s0 =	rddreg [dreg:$0x0];
	s2 =	stileid.u32  }
0x121: {  	s1 =	rddreg [dreg:$0x1];
	p0 =	sne.s32 s2, $0x0  }
0x122: {  	s3 =	rddreg [dreg:$0x2];
	[bflag:$0x3] =	sbarrier.arrive $0xFFFF;
	s2 =	simm.s32 @!p0 $0x1C02  }
0x123: {  	[timem:s3], [sflag:s2] =	dma.local @!p0 [hbm:s0], s1  }
0x124: {  	s0 =	simm.s32 @!p0 $0x2  }
0x125: {  	_ =	swait.ge @!p0 [sflag:s0], s1  }
0x126: {  	s1 =	ssub.s32 @!p0 $0x0, s1;
	[sflag:s0] =	ssyncset.done @!p0 $0x0  }
0x127: {  	[sflag:s0] =	ssyncadd.s32 @!p0 s1  }
0x128: {  	[bflag:$0x3] =	sbarrier.arrive $0xFFFF  }
0x129: {  	_ =	shalt  }

// kernel: kernel.23.cloned.1.call-start
scs
__scs_entry_jumppad:
0x0: {  	(pc) =	sbr.rel $0x88, $3  }
0x1: {  	(tag) =	ssettag $0x0;
	lr =	simm.s32 $0x1  }
0x2: {  	[smem:$0x3F79] =	sst lr;
	_ =	strace $0xD0000000  }
0x3: {  	_ = 	snop  }
0x4: {  	_ = 	snop  }
0x5: {  	_ = 	snop  }
0x6: {  	_ = 	snop  }
0x7: {  	_ = 	snop  }
__scs_overlays_trampoline_lowered:
0x8: {  	[smem:$0x3F88] =	sst s0  }
0x9: {  	[smem:$0x3F89] =	sst s1  }
0xa: {  	[smem:$0x3F8A] =	sst s2  }
0xb: {  	[smem:$0x3F8B] =	sst s3  }
0xc: {  	[smem:$0x3F8C] =	sst s4  }
0xd: {  	[smem:$0x3F8D] =	sst s5  }
0xe: {  	[smem:$0x3F8E] =	sst s6  }
0xf: {  	[smem:$0x3F8F] =	sst s7  }
0x10: {  	[smem:$0x3F90] =	sst s8  }
0x11: {  	[smem:$0x3F91] =	sst s9;
	s0 =	simm.s32 @!p0 $0x0  }
0x12: {  	s1 =	sld [smem:$0x3F77];
	s0 =	simm.s32 @p0 $0x1  }
0x13: {  	[smem:$0x3F92] =	sst s0;
	s0 =	simm.s32 @!p1 $0x0  }
0x14: {  	s2 =	sld [smem:$0x3F76];
	s0 =	simm.s32 @p1 $0x1  }
0x15: {  	[smem:$0x3F93] =	sst s0;
	s0 =	simm.s32 @!p2 $0x0  }
0x16: {  	s3 =	sld [smem:$0x3FDB];
	s0 =	simm.s32 @p2 $0x1  }
0x17: {  	s4 =	simm.s32 $0x1BF5;
	[smem:$0x3F95] =	sst s0  }
0x18: {  	s0 =	sld [smem:$0x3F78];
	_ =	swait.ge [sflag:s4], $0x0  }
0x19: {  	s7 =	sld [smem:$0x3F79]  }
0x1a: {  	s8 =	sadd.s32 $0xFFFFE003, lr  }
0x1b: {  	s9 =	sadd.s32 $0xFFFFFEF7, lr;
	s5 =	simm.s32 $0xFFFFFFFF;
	p2 =	slt.u32 s8, $0xFFFFF086  }
0x1c: {  	p1 =	slt.u32 s9, $0xF7A;
	s5 =	simm.s32 @!p2 $0x0  }
0x1d: {  	s5 =	simm.s32 @p1 $0x1;
	p0 =	seq.s32 s7, s2  }
0x1e: {  	s7 =	smul.u32 @!p0 $0xF7A, s2;
	p2 =	seq.s32 @!p0 s5, $0x0  }
0x1f: {  	s9 =	smul.u32 $0xF7A, s1;
	s8 =	simm.s32 @!p0 $0x1BF5;
	p2 =	por !p2, p0  }
0x20: {  	[sflag:s8] =	ssyncset.s32 @!p0 $0xFFFFF086;
	s6 =	sadd.s32 @!p0 s3, s7;
	s7 =	simm.s32 @!p0 $0x108  }
0x21: {  	s3 =	sadd.s32 s3, s9;
	s6 =	sadd.s32 @!p0 $0x88, s6;
	s7 =	simm.s32 @p2 $0x1082  }
0x22: {  	[simem:s7], [sflag:s8] =	dma.local @!p0 [hbm:s6], $0xF7A  }
0x23: {  	s9 =	sor.u32 $0xD0000000, s2;
	s6 =	simm.s32 $0x108;
	_ =	swait.ge @!p0 [sflag:s8], $0x0  }
0x24: {  	s3 =	sadd.s32 $0x88, s3;
	s6 =	simm.s32 @!p1 $0x1082;
	[sflag:s4] =	ssyncset.s32 $0xFFFFF086  }
0x25: {  	[simem:s6], [sflag:s4] =	dma.local [hbm:s3], $0xF7A  }
0x26: {  	[smem:$0x3F79] =	sst s1;
	(tag) =	ssettag s2;
	_ =	strace s9  }
0x27: {  	s1 =	sld [smem:$0x3F89]  }
0x28: {  	s2 =	sld [smem:$0x3F8A]  }
0x29: {  	s4 =	sld [smem:$0x3F8C]  }
0x2a: {  	p0 =	seq.s32 s5, $0x0;
	s5 =	sld [smem:$0x3F8D]  }
0x2b: {  	s6 =	sld [smem:$0x3F8E]  }
0x2c: {  	s7 =	sld [smem:$0x3F8F]  }
0x2d: {  	s3 =	simm.s32 $0x108;
	s8 =	sld [smem:$0x3F90]  }
0x2e: {  	s3 =	simm.s32 @!p0 $0x1082;
	s9 =	sld [smem:$0x3F91]  }
0x2f: {  	lr =	sadd.s32 s0, s3;
	s0 =	sld [smem:$0x3F88]  }
0x30: {  	s3 =	sld [smem:$0x3F8B]  }
0x31: {  	[smem:$0x3F94] =	sst s10  }
0x32: {  	s10 =	sld [smem:$0x3F92];
	_ =	sdelay $0x3  }
0x33: {  	p0 =	seq.s32 s10, $0x1;
	s10 =	sld [smem:$0x3F94];
	_ =	sdelay $0x3  }
0x34: {  	[smem:$0x3F94] =	sst s10  }
0x35: {  	s10 =	sld [smem:$0x3F93];
	_ =	sdelay $0x3  }
0x36: {  	p1 =	seq.s32 s10, $0x1;
	s10 =	sld [smem:$0x3F94];
	_ =	sdelay $0x3  }
0x37: {  	[smem:$0x3F94] =	sst s10  }
0x38: {  	s10 =	sld [smem:$0x3F95]  }
0x39: {  	_ = 	snop;
	(pc) =	sbr.ind lr, $3  }
0x3a: {  	_ = 	snop  }
0x3b: {  	_ = 	snop  }
0x3c: {  	p2 =	seq.s32 s10, $0x1;
	s10 =	sld [smem:$0x3F94]  }
0x3d: {  	_ =	shalt  }
0x3e: {  	_ =	shalt  }
0x3f: {  	_ =	shalt  }
0x40: {  	_ =	shalt  }
0x41: {  	_ =	shalt  }
0x42: {  	_ =	shalt  }
0x43: {  	_ =	shalt  }
0x44: {  	_ =	shalt  }
0x45: {  	_ =	shalt  }
0x46: {  	_ =	shalt  }
0x47: {  	_ =	shalt  }
0x48: {  	_ =	shalt  }
0x49: {  	_ =	shalt  }
0x4a: {  	_ =	shalt  }
0x4b: {  	_ =	shalt  }
0x4c: {  	_ =	shalt  }
0x4d: {  	_ =	shalt  }
0x4e: {  	_ =	shalt  }
0x4f: {  	_ =	shalt  }
0x50: {  	_ =	shalt  }
0x51: {  	_ =	shalt  }
0x52: {  	_ =	shalt  }
0x53: {  	_ =	shalt  }
0x54: {  	_ =	shalt  }
0x55: {  	_ =	shalt  }
0x56: {  	_ =	shalt  }
0x57: {  	_ =	shalt  }
0x58: {  	_ =	shalt  }
0x59: {  	_ =	shalt  }
0x5a: {  	_ =	shalt  }
0x5b: {  	_ =	shalt  }
0x5c: {  	_ =	shalt  }
0x5d: {  	_ =	shalt  }
0x5e: {  	_ =	shalt  }
0x5f: {  	_ =	shalt  }
0x60: {  	_ =	shalt  }
0x61: {  	_ =	shalt  }
0x62: {  	_ =	shalt  }
0x63: {  	_ =	shalt  }
0x64: {  	_ =	shalt  }
0x65: {  	_ =	shalt  }
0x66: {  	_ =	shalt  }
0x67: {  	_ =	shalt  }
0x68: {  	_ =	shalt  }
0x69: {  	_ =	shalt  }
0x6a: {  	_ =	shalt  }
0x6b: {  	_ =	shalt  }
0x6c: {  	_ =	shalt  }
0x6d: {  	_ =	shalt  }
0x6e: {  	_ =	shalt  }
0x6f: {  	_ =	shalt  }
0x70: {  	_ =	shalt  }
0x71: {  	_ =	shalt  }
0x72: {  	_ =	shalt  }
0x73: {  	_ =	shalt  }
0x74: {  	_ =	shalt  }
0x75: {  	_ =	shalt  }
0x76: {  	_ =	shalt  }
0x77: {  	_ =	shalt  }
0x78: {  	_ =	shalt  }
0x79: {  	_ =	shalt  }
0x7a: {  	_ =	shalt  }
0x7b: {  	_ =	shalt  }
0x7c: {  	_ =	shalt  }
0x7d: {  	_ =	shalt  }
0x7e: {  	_ =	shalt  }
0x7f: {  	_ =	shalt  }
0x80: {  	_ =	shalt  }
0x81: {  	_ =	shalt  }
0x82: {  	_ =	shalt  }
0x83: {  	_ =	shalt  }
0x84: {  	_ =	shalt  }
0x85: {  	_ =	shalt  }
0x86: {  	_ =	shalt  }
0x87: {  	_ =	shalt  }
.Lfunc_end0:
.L_simem_size_0:
called_computation.3_lowered:
.L_overlay_start_0:
0x88: {  	s2 =	sld [smem:$0x3FD9]  }
0x89: {  	s3 =	sld [smem:$0x3FFE];
	_ =	sdelay $0x1  }
0x8a: {  	s1 =	srdreg.scid  }
0x8b: {  	s0 =	sand.u32 $0x1, s1  }
0x8c: {  	s16 =	sshll.u32 s0, $0xA;
	s2 =	sadd.s32 s3, s2  }
0x8d: {  	s2 =	sadd.s32 s2, s16  }
0x8e: {  	[smem:$0x3FA0] =	sst s2  }
0x8f: {  	_ = 	snop  }
0x90: {  	(tm) =	ssettm $0x1  }
0x91: {  	s17 =	sld [smem:$0x3FFB];
	_ =	sdelay $0x3  }
0x92: {  	_ =	strace s17  }
0x93: {  	s2 =	sld [smem:$0x3FFC];
	_ =	sdelay $0x3  }
0x94: {  	_ =	strace s2  }
0x95: {  	s2 =	sld [smem:$0x3FFD];
	_ =	sdelay $0x3  }
0x96: {  	_ =	strace s2  }
0x97: {  	_ =	strace $0x8FFFFFFF  }
0x98: {  	s18 =	sld [smem:$0x3FDB];
	_ =	sdelay $0x1  }
0x99: {  	s19 =	simm.s32 $_scs_section_size  }
0x9a: {  	s4 =	simm.s32 $_size__tile_overlayer_lowered;
	s5 =	simm.s32 $_tile_overlayer_lowered  }
0x9b: {  	s22 =	simm.s32 $0x1BFF;
	s21 =	sshll.u32 s5, $0x1;
	s2 =	sadd.s32 s19, s18  }
0x9c: {  	s6 =	simm.s32 $0x0;
	s20 =	sshll.u32 s4, $0x1;
	s4 =	sadd.s32 s21, s2  }
0x9d: {  	[timem:s6], [sflag:s22] =	dma.local [hbm:s4], s20  }
0x9e: {  	_ =	swait.ge [sflag:s22], s20  }
0x9f: {  	s3 =	ssub.s32 $0x0, s20;
	[sflag:s22] =	ssyncset.done $0x0  }
0xa0: {  	[sflag:s22] =	ssyncadd.s32 s3;
	_ =	sdelay $0x1  }
0xa1: {  	s23 =	simm.s32 $0x1B8B  }
0xa2: {  	_ =	swait.ge [sflag:s23], $0x1  }
0xa3: {  	[sflag:s23] =	ssyncset.done $0x0  }
0xa4: {  	s25 =	simm.s32 $0x1B8E;
	s24 =	sld [smem:$0x3FFE];
	[sflag:s23] =	ssyncadd.s32 $0xFFFFFFFF  }
0xa5: {  	s26 =	simm.s32 $execute0_lowered;
	[smem:$0x3FD2] =	sst s25  }
0xa6: {  	s4 =	sshll.u32 s26, $0x1;
	_ =	strace $0x8000004F;
	[dreg:$0x1] =	wrdreg $0xFFFFFFFF  }
0xa7: {  	s28 =	simm.s32 $_size_execute0_lowered;
	s2 =	sadd.s32 s2, s4;
	[dreg:$0x0] =	wrdreg $0x0  }
0xa8: {  	s4 =	sshll.u32 s28, $0x1;
	[dreg:$0x2] =	wrdreg s2  }
0xa9: {  	[dreg:$0x3] =	wrdreg s4  }
0xaa: {  	[dreg:$0x4] =	wrdreg $0xC0  }
0xab: {  	_ =	task [dreg:s6], $0x5FFFF  }
0xac: {  	[dreg:$0x1] =	wrdreg $0xFFFFFFFF  }
0xad: {  	[dreg:$0x0] =	wrdreg $0x60  }
0xae: {  	[dreg:$0x2] =	wrdreg s24  }
0xaf: {  	[dreg:$0x3] =	wrdreg $0x66800  }
0xb0: {  	[dreg:$0x4] =	wrdreg $0x9  }
0xb1: {  	_ =	task.clear_ibuf [dreg:s6], $0x5FFFF;
	_ =	strace $0x9000004F  }
0xb2: {  	s29 =	simm.s32 $0x9;
	_ =	strace $0x80000051  }
0xb3: {  	_ =	swait.ge [sflag:s29], $0x1  }
0xb4: {  	[sflag:s29] =	ssyncadd.s32 $0xFFFFFFFF  }
0xb5: {  	_ =	strace $0x90000051  }
0xb6: {  	_ =	sfence  }
0xb7: {  	s30 =	sld [smem:$0x0];
	_ =	sdelay $0x2  }
0xb8: {  	s31 =	sshll.u32 s1, $0xD;
	s1 =	sshrl.u32 s1, $0x2  }
0xb9: {  	s3 =	sand.u32 $0x4000, s31;
	s1 =	sadd.s32 s1, s30  }
0xba: {  	s0 =	sor.u32 s3, s0;
	s1 =	sshll.u32 s1, $0x11  }
0xbb: {  	s0 =	sor.u32 s1, s0  }
0xbc: {  	s0 =	sadd.s32 $0x8F2B, s0  }
0xbd: {  	[sflag:s0] =	ssyncadd.remote.s32 $0x1  }
0xbe: {  	_ =	sfence.sel $0xFFFF  }
0xbf: {  	[dreg:$0x0] =	wrdreg $0xFFFFFFFF;
	(pc) =	sbr.abs _section_cstart, $3  }
0xc0: {  	[dreg:$0x1] =	wrdreg $0xFFFFFFFF  }
0xc1: {  	_ =	task.clear_ibuf [dreg:s6], $0x2FFFF;
	_ =	strace $0x9FFFFFFF  }
0xc2: {  	(tm) =	ssettm $0x7FFFFFFF  }
0xc3: {  	_ =	shalt  }
tec
execute0_lowered:
.L_overlay_start_1:
0x0: {  	(tag) =	ssettag $0x1  }
0x1: {  	s0 =	stileid.u32;
	s5 =	rddreg [dreg:$0x0]  }
0x2: {  	s1 =	srdreg.scid;
	s2 =	rddreg [dreg:$0x1];
	s3 =	simm.s32 $0x0  }
0x3: {  	s14 =	simm.s32 $0x2FD0;
	s15 =	simm.s32 $0x37A0;
	s16 =	simm.s32 $0x3F70  }
0x4: {  	s17 =	simm.s32 $0x4740;
	s18 =	simm.s32 $0x4F10;
	s4 =	smul.u32 $0x9C40, s0  }
0x5: {  	s19 =	simm.s32 $0x56E0;
	s20 =	simm.s32 $0x5EB0;
	s9 =	smul.u32 $0x3E80, s0  }
0x6: {  	s22 =	simm.s32 $0x0;
	s6 =	sand.u32 $0x1, s1;
	s12 =	smul.u32 $0xFA00, s0  }
0x7: {  	s28 =	sshll.u32 s0, $0x1;
	[smem:$0x7FF] =	sst s3;
	s8 =	smul.u32 $0x27100, s6  }
0x8: {  	p0 =	sgt.u32 s0, $0x9;
	s1 =	sor.u32 s6, s28;
	s30 =	smul.u32 $0x4E20, s6  }
0x9: {  	s11 =	ssub.s32 $0x2, s6;
	s7 =	smul.u32 $0x500, s1;
	s1 =	rddreg [dreg:$0x2]  }
0xa: {  	_ =	strace $0x80000050;
	s10 =	sadd.s32 s4, s5;
	s4 =	sadd.s32 $0xC6800, s5  }
0xb: {  	s13 =	sshrl.u32 s11, $0x1;
	s29 =	sshrl.u32 s12, $0x2;
	s21 =	sadd.s32 s9, s2  }
0xc: {  	s8 =	sadd.s32 s9, s8;
	s11 =	ssub.s32 s11, s13;
	s12 =	sadd.s32 s29, s2  }
0xd: {  	s31 =	sadd.s32 s30, s10;
	s9 =	sshll.u32 @!p0 s0, $0x6;
	s13 =	simm.s32 $0x7D  }
0xe: {  	s21 =	sshrl.u32 @!p0 s21, $0x3;
	s7 =	sadd.s32 s7, s5;
	s8 =	sshrl.u32 s8, $0x3  }
0xf: {  	s9 =	sor.u32 @!p0 $0x1C01, s9;
	s10 =	sshrl.u32 @!p0 s12, $0x3;
	s12 =	simm.s32 $0x2800  }
0x10: {  	s8 =	sadd.s32 s8, s5;
	s5 =	sadd.s32 $0x16400, s7;
	s7 =	smax.u32 s11, $0x1  }
0x11: {  	s11 =	simm.s32 $0x1;
	s6 =	sadd.s32 $0xC600, s8;
	s8 =	sadd.s32 $0xDB000, s31  }
.LBB2_1:
0x12: {  	[spmem:s10], [sflag:s9] =	dma.local @!p0 [hbm:s4], $0x7D0  }
0x13: {  	s23 =	simm.s32 @!p0 $0x1  }
0x14: {  	_ =	swait.ge @!p0 [sflag:s23], $0x7D0  }
0x15: {  	[sflag:s23] =	ssyncset.done @!p0 $0x0  }
0x16: {  	[sflag:s23] =	ssyncadd.s32 @!p0 $0xFFFFF830  }
0x17: {  	[bflag:$0x0] =	sbarrier.arrive $0xFFFF  }
0x18: {  	[tilespmem:s3], [sflag:$0x1] =	stream.linear.gather [hbm4b:s5+s3], $0x2800, $0x38;
	[tilespmem:$0x8D90] =	vst v63  }
0x19: {  	_ =	swait.ge [sflag:s11], $0x2800  }
0x1a: {  	[sflag:s11] =	ssyncset.done $0x0  }
0x1b: {  	[sflag:s11] =	ssyncadd.s32 $0xFFFFD800  }
0x1c: {  	[tilespmem:s12], [sflag:$0x1] =	stream.linear.gather [hbm4b:s8+s3], $0x3E80, $0x38;
	[tilespmem:$0x8D90] =	vst v63  }
0x1d: {  	_ =	swait.ge [sflag:s11], $0x3E80  }
0x1e: {  	[sflag:s11] =	ssyncset.done $0x0  }
0x1f: {  	s31 =	simm.s32 $0x0;
	[sflag:s11] =	ssyncadd.s32 $0xFFFFC180  }
0x20: {  	[spmem:s2] =	stream.indirect.scatter.add.f32 [tilespmem:s12], [sflag:$0x1], $0x10, s31, s13, $0xb8;
	[tilespmem:$0x8D90] =	vst v63  }
0x21: {  	_ =	swait.ge [sflag:s11], $0x7D0  }
0x22: {  	[sflag:s11] =	ssyncset.done $0x0  }
0x23: {  	s24 =	simm.s32 $0x80;
	[sflag:s11] =	ssyncadd.s32 $0xFFFFF830  }
0x24: {  	[spmem:s2] =	stream.indirect.scatter.add.f32 [tilespmem:s14], [sflag:$0x1], $0x10, s24, s13, $0xb8;
	[tilespmem:$0x8D90] =	vst v63  }
0x25: {  	_ =	swait.ge [sflag:s11], $0x7D0  }
0x26: {  	[sflag:s11] =	ssyncset.done $0x0  }
0x27: {  	s25 =	simm.s32 $0x100;
	[sflag:s11] =	ssyncadd.s32 $0xFFFFF830  }
0x28: {  	[spmem:s2] =	stream.indirect.scatter.add.f32 [tilespmem:s15], [sflag:$0x1], $0x10, s25, s13, $0xb8;
	[tilespmem:$0x8D90] =	vst v63  }
0x29: {  	_ =	swait.ge [sflag:s11], $0x7D0  }
0x2a: {  	[sflag:s11] =	ssyncset.done $0x0  }
0x2b: {  	s26 =	simm.s32 $0x180;
	[sflag:s11] =	ssyncadd.s32 $0xFFFFF830  }
0x2c: {  	[spmem:s2] =	stream.indirect.scatter.add.f32 [tilespmem:s16], [sflag:$0x1], $0x10, s26, s13, $0xb8;
	[tilespmem:$0x8D90] =	vst v63  }
0x2d: {  	_ =	swait.ge [sflag:s11], $0x7D0  }
0x2e: {  	[sflag:s11] =	ssyncset.done $0x0  }
0x2f: {  	s28 =	simm.s32 $0x200;
	[sflag:s11] =	ssyncadd.s32 $0xFFFFF830  }
0x30: {  	[spmem:s2] =	stream.indirect.scatter.add.f32 [tilespmem:s17], [sflag:$0x1], $0x10, s28, s13, $0xb8;
	[tilespmem:$0x8D90] =	vst v63  }
0x31: {  	_ =	swait.ge [sflag:s11], $0x7D0  }
0x32: {  	[sflag:s11] =	ssyncset.done $0x0  }
0x33: {  	s29 =	simm.s32 $0x280;
	[sflag:s11] =	ssyncadd.s32 $0xFFFFF830  }
0x34: {  	[spmem:s2] =	stream.indirect.scatter.add.f32 [tilespmem:s18], [sflag:$0x1], $0x10, s29, s13, $0xb8;
	[tilespmem:$0x8D90] =	vst v63  }
0x35: {  	_ =	swait.ge [sflag:s11], $0x7D0  }
0x36: {  	[sflag:s11] =	ssyncset.done $0x0  }
0x37: {  	s30 =	simm.s32 $0x300;
	[sflag:s11] =	ssyncadd.s32 $0xFFFFF830  }
0x38: {  	[spmem:s2] =	stream.indirect.scatter.add.f32 [tilespmem:s19], [sflag:$0x1], $0x10, s30, s13, $0xb8;
	[tilespmem:$0x8D90] =	vst v63  }
0x39: {  	_ =	swait.ge [sflag:s11], $0x7D0  }
0x3a: {  	[sflag:s11] =	ssyncset.done $0x0  }
0x3b: {  	s31 =	simm.s32 $0x380;
	[sflag:s11] =	ssyncadd.s32 $0xFFFFF830  }
0x3c: {  	[spmem:s2] =	stream.indirect.scatter.add.f32 [tilespmem:s20], [sflag:$0x1], $0x10, s31, s13, $0xb8;
	[tilespmem:$0x8D90] =	vst v63  }
0x3d: {  	_ =	swait.ge [sflag:s11], $0x7D0  }
0x3e: {  	s23 =	simm.s32 $0x1000;
	s24 =	smov.u32 s8;
	[sflag:s11] =	ssyncset.done $0x0  }
.LBB2_2:
0x3f: {  	p1 =	sne.s32 s23, $0x9000;
	[sflag:s11] =	ssyncadd.s32 $0xFFFFF830;
	s24 =	sadd.s32 $0x7D0, s24  }
0x40: {  	[tilespmem:s12], [sflag:$0x1] =	stream.linear.gather [hbm4b:s24+s3], $0x3E80, $0x38;
	[tilespmem:$0x8D90] =	vst v63  }
0x41: {  	s25 =	smov.u32 s23;
	s23 =	sadd.s32 $0x1000, s23;
	_ =	swait.ge [sflag:s11], $0x3E80  }
0x42: {  	[sflag:s11] =	ssyncset.done $0x0  }
0x43: {  	s25 =	sshra.s32 s25, $0x2;
	[sflag:s11] =	ssyncadd.s32 $0xFFFFC180  }
0x44: {  	[spmem:s2] =	stream.indirect.scatter.add.f32 [tilespmem:s12], [sflag:$0x1], $0x10, s25, s13, $0xb8;
	[tilespmem:$0x8D90] =	vst v63  }
0x45: {  	_ =	swait.ge [sflag:s11], $0x7D0  }
0x46: {  	[sflag:s11] =	ssyncset.done $0x0  }
0x47: {  	s26 =	sadd.s32 $0x80, s25;
	[sflag:s11] =	ssyncadd.s32 $0xFFFFF830  }
0x48: {  	[spmem:s2] =	stream.indirect.scatter.add.f32 [tilespmem:s14], [sflag:$0x1], $0x10, s26, s13, $0xb8;
	[tilespmem:$0x8D90] =	vst v63  }
0x49: {  	_ =	swait.ge [sflag:s11], $0x7D0  }
0x4a: {  	[sflag:s11] =	ssyncset.done $0x0  }
0x4b: {  	s26 =	sadd.s32 $0x100, s25;
	[sflag:s11] =	ssyncadd.s32 $0xFFFFF830  }
0x4c: {  	[spmem:s2] =	stream.indirect.scatter.add.f32 [tilespmem:s15], [sflag:$0x1], $0x10, s26, s13, $0xb8;
	[tilespmem:$0x8D90] =	vst v63  }
0x4d: {  	_ =	swait.ge [sflag:s11], $0x7D0  }
0x4e: {  	[sflag:s11] =	ssyncset.done $0x0  }
0x4f: {  	s26 =	sadd.s32 $0x180, s25;
	[sflag:s11] =	ssyncadd.s32 $0xFFFFF830  }
0x50: {  	[spmem:s2] =	stream.indirect.scatter.add.f32 [tilespmem:s16], [sflag:$0x1], $0x10, s26, s13, $0xb8;
	[tilespmem:$0x8D90] =	vst v63  }
0x51: {  	_ =	swait.ge [sflag:s11], $0x7D0  }
0x52: {  	[sflag:s11] =	ssyncset.done $0x0  }
0x53: {  	s26 =	sadd.s32 $0x200, s25;
	[sflag:s11] =	ssyncadd.s32 $0xFFFFF830  }
0x54: {  	[spmem:s2] =	stream.indirect.scatter.add.f32 [tilespmem:s17], [sflag:$0x1], $0x10, s26, s13, $0xb8;
	[tilespmem:$0x8D90] =	vst v63  }
0x55: {  	_ =	swait.ge [sflag:s11], $0x7D0  }
0x56: {  	[sflag:s11] =	ssyncset.done $0x0  }
0x57: {  	s26 =	sadd.s32 $0x280, s25;
	[sflag:s11] =	ssyncadd.s32 $0xFFFFF830  }
0x58: {  	[spmem:s2] =	stream.indirect.scatter.add.f32 [tilespmem:s18], [sflag:$0x1], $0x10, s26, s13, $0xb8;
	[tilespmem:$0x8D90] =	vst v63  }
0x59: {  	_ =	swait.ge [sflag:s11], $0x7D0  }
0x5a: {  	[sflag:s11] =	ssyncset.done $0x0  }
0x5b: {  	s26 =	sadd.s32 $0x300, s25;
	[sflag:s11] =	ssyncadd.s32 $0xFFFFF830  }
0x5c: {  	[spmem:s2] =	stream.indirect.scatter.add.f32 [tilespmem:s19], [sflag:$0x1], $0x10, s26, s13, $0xb8;
	[tilespmem:$0x8D90] =	vst v63  }
0x5d: {  	_ =	swait.ge [sflag:s11], $0x7D0  }
.Ltmp0:
0x5e: {  	[sflag:s11] =	ssyncset.done $0x0;
	(pc) =	sbr.rel @p1 .LBB2_2-.Ltmp0, $4  }
0x5f: {  	s25 =	sadd.s32 $0x380, s25;
	[sflag:s11] =	ssyncadd.s32 $0xFFFFF830  }
0x60: {  	[spmem:s2] =	stream.indirect.scatter.add.f32 [tilespmem:s20], [sflag:$0x1], $0x10, s25, s13, $0xb8;
	[tilespmem:$0x8D90] =	vst v63  }
0x61: {  	_ =	swait.ge [sflag:s11], $0x7D0  }
0x62: {  	[sflag:s11] =	ssyncset.done $0x0  }
0x63: {  	s22 =	sadd.s32 $0x1, s22  }
0x64: {  	[sflag:s11] =	ssyncadd.s32 $0xFFFFF830;
	p1 =	sne.s32 s22, s7  }
.Ltmp1:
0x65: {  	s23 =	simm.s32 @!p0 $0x1;
	[bflag:$0x0] =	sbarrier.arrive $0xFFFF;
	(pc) =	sbr.rel @p1 .LBB2_1-.Ltmp1, $4  }
0x66: {  	[hbm:s6], [sflag:s9] =	dma.local @!p0 [spmem:s21], $0x7D0  }
0x67: {  	_ =	swait.ge @!p0 [sflag:s23], $0x7D0  }
0x68: {  	[sflag:s23] =	ssyncset.done @!p0 $0x0  }
0x69: {  	[sflag:s23] =	ssyncadd.s32 @!p0 $0xFFFFF830  }
0x6a: {  	_ =	sfence.sel $0x180000  }
0x6b: {  	[bflag:$0x0] =	sbarrier.arrive $0xFFFF  }
0x6c: {  	p0 =	sne.s32 s0, $0x0;
	_ =	strace $0x90000050  }
0x6d: {  	s0 =	sadd.s32 @!p0 $0x100000, s1;
	[bflag:$0x2] =	sbarrier.arrive $0xFFFF  }
0x6e: {  	[sflag:s0] =	ssyncadd.tile.s32 @!p0 $0x1;
	_ =	shalt  }
.Lfunc_end2:
_tile_overlayer_lowered:
.L_overlay_start_2:
0x6f: {  	(tag) =	ssettag $0x2  }
0x70: {  	s0 =	rddreg [dreg:$0x0];
	s2 =	stileid.u32  }
0x71: {  	s1 =	rddreg [dreg:$0x1];
	p0 =	sne.s32 s2, $0x0  }
0x72: {  	s3 =	rddreg [dreg:$0x2];
	[bflag:$0x3] =	sbarrier.arrive $0xFFFF;
	s2 =	simm.s32 @!p0 $0x1C01  }
0x73: {  	[timem:s3], [sflag:s2] =	dma.local @!p0 [hbm:s0], s1  }
0x74: {  	s0 =	simm.s32 @!p0 $0x1  }
0x75: {  	_ =	swait.ge @!p0 [sflag:s0], s1  }
0x76: {  	s1 =	ssub.s32 @!p0 $0x0, s1;
	[sflag:s0] =	ssyncset.done @!p0 $0x0  }
0x77: {  	[sflag:s0] =	ssyncadd.s32 @!p0 s1  }
0x78: {  	[bflag:$0x3] =	sbarrier.arrive $0xFFFF  }
0x79: {  	_ =	shalt  }

</sc_bundles>
